<compile_context>
chip_gen: v7x
topology: tpu7x:2x2x1
jax: 0.10.2.dev20260603
libtpu: 0.0.44.dev20260713+nightly
codegen_flags: <defaults>
</compile_context>

<pallas_src>
import functools

import jax
import jax.numpy as jnp
from jax import lax
from jax.experimental import pallas as pl
from jax.experimental.pallas import tpu as pltpu
from jax.experimental.pallas import tpu_sc as plsc

N_ENT = 10000
N_REL = 200
D = 128
E = 320000
B = 1024
NUM_FILT = 32
KER = 7
FLAT = 3200

NC = 2
NS = 16
NW = NC * NS
GRP = 64
NG = 162
EPT = NG * GRP
E_PAD = NW * EPT
N_ACC = 10112

_mesh = functools.partial(plsc.VectorSubcoreMesh,
                          core_axis_name="c", subcore_axis_name="s")


def _edge_body(std_hbm, emb_hbm, rel_hbm, z2_hbm, z1_hbm,
               agg_out, deg_out,
               std0, std1, std2, emb0, emb1, rex0, rex1, ones_v,
               agg_sh, deg_sh, sem_e0, sem_e1, sem_r0, sem_r1,
               sem_s0, sem_s1, sem_d0, sem_d1, sem_i0, sem_i1, sem_i2):
    c = lax.axis_index("c")
    s = lax.axis_index("s")
    wid = s * NC + c
    std_bufs = (std0, std1, std2)
    emb_bufs = (emb0, emb1)
    rex_bufs = (rex0, rex1)
    sem_e = (sem_e0, sem_e1)
    sem_r = (sem_r0, sem_r1)
    sem_s = (sem_s0, sem_s1)
    sem_d = (sem_d0, sem_d1)
    sem_i = (sem_i0, sem_i1, sem_i2)

    rpt = N_ACC // NS
    pltpu.sync_copy(z2_hbm.at[pl.ds(s * rpt, rpt)], agg_sh.at[pl.ds(s * rpt, rpt)])

    @pl.when(s == 0)
    def _():
        pltpu.sync_copy(z1_hbm, deg_sh)

    for t in range(GRP // 16):
        ones_v[pl.ds(16 * t, 16)] = jnp.ones((16,), jnp.float32)

    plsc.subcore_barrier()

    def fire_idx(g, b3):
        pltpu.async_copy(std_hbm.at[wid, g], std_bufs[b3], sem_i[b3])

    def wait_idx(g, b3):
        pltpu.make_async_copy(std_hbm.at[wid, g], std_bufs[b3],
                              sem_i[b3]).wait()

    def fire_gather(g, b2, b3):
        pltpu.async_copy(emb_hbm.at[std_bufs[b3].at[0]], emb_bufs[b2],
                         sem_e[b2])
        pltpu.async_copy(rel_hbm.at[std_bufs[b3].at[1]], rex_bufs[b2],
                         sem_r[b2])

    def wait_gather(g, b2, b3):
        pltpu.make_async_copy(emb_hbm.at[std_bufs[b3].at[0]], emb_bufs[b2],
                              sem_e[b2]).wait()
        pltpu.make_async_copy(rel_hbm.at[std_bufs[b3].at[1]], rex_bufs[b2],
                              sem_r[b2]).wait()

    def fire_scatter(g, b2, b3):
        pltpu.async_copy(emb_bufs[b2], agg_sh.at[std_bufs[b3].at[2]],
                         sem_s[b2], add=True)
        pltpu.async_copy(ones_v, deg_sh.at[std_bufs[b3].at[2]],
                         sem_d[b2], add=True)

    def wait_scatter(g, b2, b3):
        pltpu.make_async_copy(emb_bufs[b2], agg_sh.at[std_bufs[b3].at[2]],
                              sem_s[b2]).wait()
        pltpu.make_async_copy(ones_v, deg_sh.at[std_bufs[b3].at[2]],
                              sem_d[b2]).wait()

    def mul(b2):
        def mul_body(e, _):
            for d8 in range(D // 16):
                sl = pl.ds(d8 * 16, 16)
                emb_bufs[b2][e, sl] = emb_bufs[b2][e, sl] * rex_bufs[b2][e, sl]
            return 0

        lax.fori_loop(0, GRP, mul_body, 0, unroll=4)

    fire_idx(0, 0)
    fire_idx(1, 1)
    wait_idx(0, 0)
    fire_gather(0, 0, 0)

    def outer(k, carry):
        for u in range(6):
            g = 6 * k + u
            b2 = u % 2
            b3 = u % 3
            @pl.when(g >= 1)
            def _():
                wait_scatter(g - 1, 1 - b2, (u + 2) % 3)

            @pl.when(g + 2 < NG)
            def _():
                fire_idx(g + 2, (u + 2) % 3)

            @pl.when(g + 1 < NG)
            def _():
                wait_idx(g + 1, (u + 1) % 3)
                fire_gather(g + 1, 1 - b2, (u + 1) % 3)

            wait_gather(g, b2, b3)
            mul(b2)
            fire_scatter(g, b2, b3)
        return 0

    lax.fori_loop(0, NG // 6, outer, 0)
    wait_scatter(NG - 1, (NG - 1) % 2, (NG - 1) % 3)

    plsc.subcore_barrier()

    rpt2 = N_ACC // NS
    pltpu.sync_copy(agg_sh.at[pl.ds(s * rpt2, rpt2)],
                    agg_out.at[c, pl.ds(s * rpt2, rpt2)])

    @pl.when(s == 0)
    def _():
        pltpu.sync_copy(deg_sh, deg_out.at[c])


_edge_sc = functools.partial(
    pl.kernel,
    out_type=[jax.ShapeDtypeStruct((NC, N_ACC, D), jnp.float32),
              jax.ShapeDtypeStruct((NC, N_ACC), jnp.float32)],
    mesh=_mesh(),
    scratch_types=[
        pltpu.VMEM((3, GRP), jnp.int32),
        pltpu.VMEM((3, GRP), jnp.int32),
        pltpu.VMEM((3, GRP), jnp.int32),
        pltpu.VMEM((GRP, D), jnp.float32),
        pltpu.VMEM((GRP, D), jnp.float32),
        pltpu.VMEM((GRP, D), jnp.float32),
        pltpu.VMEM((GRP, D), jnp.float32),
        pltpu.VMEM((GRP,), jnp.float32),
        pltpu.VMEM_SHARED((N_ACC, D), jnp.float32),
        pltpu.VMEM_SHARED((N_ACC,), jnp.float32),
        pltpu.SemaphoreType.DMA,
        pltpu.SemaphoreType.DMA,
        pltpu.SemaphoreType.DMA,
        pltpu.SemaphoreType.DMA,
        pltpu.SemaphoreType.DMA,
        pltpu.SemaphoreType.DMA,
        pltpu.SemaphoreType.DMA,
        pltpu.SemaphoreType.DMA,
        pltpu.SemaphoreType.DMA,
        pltpu.SemaphoreType.DMA,
        pltpu.SemaphoreType.DMA,
    ],
)(_edge_body)


def _xr_body(agg_ref, deg_ref, wc_ref, ir_ref, wr_ref, x_ref, r_ref):
    d = deg_ref[pl.ds(0, N_ENT), :]
    ds = d[:, 0:1] + d[:, 1:2]
    inv = 1.0 / jnp.maximum(ds, 1.0)
    a0 = agg_ref[0, pl.ds(0, N_ENT), :]
    a1 = agg_ref[1, pl.ds(0, N_ENT), :]
    a = (a0 + a1) * inv
    x = jnp.tanh(jax.lax.dot_general(a, wc_ref[...], (((1,), (0,)), ((), ())),
                                     preferred_element_type=jnp.float32))
    x_ref[...] = x
    r_ref[...] = jax.lax.dot_general(ir_ref[...], wr_ref[...],
                                     (((1,), (0,)), ((), ())),
                                     preferred_element_type=jnp.float32)


def _xr(agg2, deg_t, W_conv, init_rel, W_rel):
    return pl.pallas_call(
        _xr_body,
        out_shape=[jax.ShapeDtypeStruct((N_ENT, D), jnp.float32),
                   jax.ShapeDtypeStruct((N_REL, D), jnp.float32)],
    )(agg2, deg_t, W_conv, init_rel, W_rel)


_BPW = B // NW


def _gather_body(sub_hbm, rel_hbm, x_hbm, r_hbm, sube_out, rele_out,
                 i1, i2, b1, b2, s1, s2):
    wid = lax.axis_index("s") * NC + lax.axis_index("c")
    base = wid * _BPW
    pltpu.sync_copy(sub_hbm.at[pl.ds(base, _BPW)], i1)
    pltpu.sync_copy(rel_hbm.at[pl.ds(base, _BPW)], i2)
    c1 = pltpu.async_copy(x_hbm.at[i1], b1, s1)
    c2 = pltpu.async_copy(r_hbm.at[i2], b2, s2)
    c1.wait()
    c2.wait()
    pltpu.sync_copy(b1, sube_out.at[pl.ds(base, _BPW)])
    pltpu.sync_copy(b2, rele_out.at[pl.ds(base, _BPW)])


_gather_sc = functools.partial(
    pl.kernel,
    out_type=[jax.ShapeDtypeStruct((B, D), jnp.float32),
              jax.ShapeDtypeStruct((B, D), jnp.float32)],
    mesh=_mesh(),
    scratch_types=[
        pltpu.VMEM((_BPW,), jnp.int32),
        pltpu.VMEM((_BPW,), jnp.int32),
        pltpu.VMEM((_BPW, D), jnp.float32),
        pltpu.VMEM((_BPW, D), jnp.float32),
        pltpu.SemaphoreType.DMA,
        pltpu.SemaphoreType.DMA,
    ],
)(_gather_body)


def _head_body(img_ref, wcol_ref, fcw_ref, fcb_ref, h_ref):
    img = img_ref[...]
    n1 = float(B * 2 * D)
    m = jnp.sum(img) / n1
    cen = img - m
    v = jnp.sum(cen * cen) / n1
    imgn = cen / jnp.sqrt(v + 1e-5)
    hp = jax.lax.dot_general(imgn, wcol_ref[...], (((1,), (0,)), ((), ())),
                             preferred_element_type=jnp.float32)
    colf = lax.broadcasted_iota(jnp.int32, (FLAT, NUM_FILT), 0) // 100
    fil = lax.broadcasted_iota(jnp.int32, (FLAT, NUM_FILT), 1)
    G = (colf == fil).astype(jnp.float32)
    ones_b = jnp.ones((1, B), jnp.float32)
    s1 = jax.lax.dot_general(ones_b, hp, (((1,), (0,)), ((), ())),
                             preferred_element_type=jnp.float32)
    s2 = jax.lax.dot_general(ones_b, hp * hp, (((1,), (0,)), ((), ())),
                             preferred_element_type=jnp.float32)
    cnt = float(B * 100)
    gs1 = jax.lax.dot_general(s1, G, (((1,), (0,)), ((), ())),
                              preferred_element_type=jnp.float32) / cnt
    gs2 = jax.lax.dot_general(s2, G, (((1,), (0,)), ((), ())),
                              preferred_element_type=jnp.float32) / cnt
    vf = gs2 - gs1 * gs1
    invf = 1.0 / jnp.sqrt(vf + 1e-5)
    mean_col = jax.lax.dot_general(gs1, G, (((1,), (1,)), ((), ())),
                                   preferred_element_type=jnp.float32)
    inv_col = jax.lax.dot_general(invf, G, (((1,), (1,)), ((), ())),
                                  preferred_element_type=jnp.float32)
    h2 = jnp.maximum((hp - mean_col) * inv_col, 0.0)
    h3 = jax.lax.dot_general(h2, fcw_ref[...], (((1,), (0,)), ((), ())),
                             preferred_element_type=jnp.float32)
    h3 = h3 + fcb_ref[...]
    m3 = jax.lax.dot_general(ones_b, h3, (((1,), (0,)), ((), ())),
                             preferred_element_type=jnp.float32) / float(B)
    c3 = h3 - m3
    v3 = jax.lax.dot_general(ones_b, c3 * c3, (((1,), (0,)), ((), ())),
                             preferred_element_type=jnp.float32) / float(B)
    h_ref[...] = jnp.maximum(c3 / jnp.sqrt(v3 + 1e-5), 0.0)


def _head(img, W_col, fc_W, fc_b2):
    return pl.pallas_call(
        _head_body,
        out_shape=jax.ShapeDtypeStruct((B, D), jnp.float32),
    )(img, W_col, fc_W, fc_b2)


TILE_B = 256


def _score_body(h_ref, x_ref, bias_ref, out_ref):
    sc = jax.lax.dot_general(h_ref[...], x_ref[...], (((1,), (1,)), ((), ())),
                             preferred_element_type=jnp.float32)
    out_ref[...] = jax.nn.sigmoid(sc + bias_ref[...])


def _score(h, x, bias_row):
    grid = (B // TILE_B,)
    return pl.pallas_call(
        _score_body,
        grid=grid,
        in_specs=[
            pl.BlockSpec((TILE_B, D), lambda i: (i, 0)),
            pl.BlockSpec((N_ENT, D), lambda i: (0, 0)),
            pl.BlockSpec((1, N_ENT), lambda i: (0, 0)),
        ],
        out_specs=pl.BlockSpec((TILE_B, N_ENT), lambda i: (i, 0)),
        out_shape=jax.ShapeDtypeStruct((B, N_ENT), jnp.float32),
    )(h, x, bias_row)


def _build_wcol(conv_kernel):
    K0 = conv_kernel[:, 0]
    o = jnp.arange(10)
    k = jnp.arange(KER)
    i = jnp.arange(16)
    A = (o[:, None, None] + k[None, :, None] == i[None, None, :]
         ).astype(jnp.float32)
    W = jnp.einsum('aki,blj,fkl->ijfab', A, A, K0)
    return W.reshape(2 * D, FLAT)


def kernel(sub, rel, edge_index, edge_type, init_embed, init_rel,
           W_conv, W_rel, conv_kernel, fc_W, fc_b, ent_bias):
    src = edge_index[0].astype(jnp.int32)
    dst = edge_index[1].astype(jnp.int32)
    et = edge_type.astype(jnp.int32)
    npad = E_PAD - E
    src_p = jnp.concatenate([src, jnp.zeros((npad,), jnp.int32)]
                            ).reshape(NW, NG, 1, GRP)
    et_p = jnp.concatenate([et, jnp.zeros((npad,), jnp.int32)]
                           ).reshape(NW, NG, 1, GRP)
    dst_p = jnp.concatenate([dst, jnp.full((npad,), N_ENT, jnp.int32)]
                            ).reshape(NW, NG, 1, GRP)
    std_p = jnp.concatenate([src_p, et_p, dst_p], axis=2)
    z2 = jnp.zeros((N_ACC, D), jnp.float32)
    z1 = jnp.zeros((N_ACC,), jnp.float32)

    agg2, deg2 = _edge_sc(std_p, init_embed, init_rel, z2, z1)

    deg_t = deg2.T
    x, r = _xr(agg2, deg_t, W_conv, init_rel, W_rel)

    sub_e, rel_e = _gather_sc(sub.astype(jnp.int32), rel.astype(jnp.int32),
                              x, r)

    img = jnp.stack([sub_e, rel_e], axis=-1).reshape(B, 2 * D)
    W_col = _build_wcol(conv_kernel)

    h = _head(img, W_col, fc_W, fc_b.reshape(1, D))
    return _score(h, x, ent_bias.reshape(1, N_ENT))

# --- scband reference (transcript-rebuilt; emitter-appended) ---
"""Pipeline reference for scband-rhkh-conv-e-62998580297956 (READ-ONLY COPY).

The authoritative reference and input builder live on the scoring server;
editing this copy changes nothing except your own understanding.
"""

import jax, jax.numpy as jnp
import numpy as np

N_ENT = 10000
N_REL = 200
D = 128
E = 320000
B = 1024
K_W = 8
K_H = 16
NUM_FILT = 32
KER = 7
FLAT = ((2 * K_W) - KER + 1) * (K_H - KER + 1) * NUM_FILT  # 10*10*32 = 3200


def _bn(x, axes):
    # BatchNorm in training mode with gamma=1, beta=0 (fresh params)
    m = x.mean(axis=axes, keepdims=True)
    v = x.var(axis=axes, keepdims=True)
    return (x - m) / jnp.sqrt(v + 1e-5)


def setup_inputs(seed: int = 0) -> dict:
    key = jax.random.key(seed)
    ks = jax.random.split(key, 12)
    return {
        "sub": jax.random.randint(ks[0], (B,), 0, N_ENT),
        "rel": jax.random.randint(ks[1], (B,), 0, N_REL),
        "edge_index": jax.random.randint(ks[2], (2, E), 0, N_ENT),
        "edge_type": jax.random.randint(ks[3], (E,), 0, N_REL),
        "init_embed": jax.random.normal(ks[4], (N_ENT, D), dtype=jnp.float32) * 0.1,
        "init_rel": jax.random.normal(ks[5], (N_REL, D), dtype=jnp.float32) * 0.1,
        "W_conv": jax.random.normal(ks[6], (D, D), dtype=jnp.float32) / np.sqrt(D),
        "W_rel": jax.random.normal(ks[7], (D, D), dtype=jnp.float32) / np.sqrt(D),
        "conv_kernel": jax.random.normal(ks[8], (NUM_FILT, 1, KER, KER), dtype=jnp.float32) * 0.05,
        "fc_W": jax.random.normal(ks[9], (FLAT, D), dtype=jnp.float32) / np.sqrt(FLAT),
        "fc_b": jnp.zeros((D,), dtype=jnp.float32),
        "ent_bias": jnp.zeros((N_ENT,), dtype=jnp.float32),
    }


def reference(sub, rel, edge_index, edge_type, init_embed, init_rel,
              W_conv, W_rel, conv_kernel, fc_W, fc_b, ent_bias):
    # --- relational GCN layer (stands in for sheafRHNNConv, 1 layer: gcn_layer=1) ---
    src = edge_index[0]
    dst = edge_index[1]
    # composition message: gather node embed by src, gather rel embed by edge_type
    msg = init_embed[src] * init_rel[edge_type]            # [E, D] gather-heavy
    agg = jax.ops.segment_sum(msg, dst, num_segments=N_ENT)  # scatter-add
    deg = jax.ops.segment_sum(jnp.ones((E,), dtype=msg.dtype), dst, num_segments=N_ENT)
    agg = agg / jnp.maximum(deg, 1.0)[:, None]
    x = jnp.tanh(agg @ W_conv)                             # [N_ENT, D]
    r = init_rel @ W_rel                                   # [N_REL, D]
    # dropout layers act as identity at inference
    # --- ConvE scoring head ---
    sub_e = x[sub]                                         # [B, D]
    rel_e = r[rel]                                         # [B, D]
    stack = jnp.concatenate([sub_e[:, None, :], rel_e[:, None, :]], axis=1)  # [B,2,D]
    stack = jnp.transpose(stack, (0, 2, 1)).reshape(B, 1, 2 * K_W, K_H)      # [B,1,16,16]
    stack = _bn(stack, (0, 2, 3))
    h = jax.lax.conv_general_dilated(stack, conv_kernel, (1, 1), 'VALID',
                                     dimension_numbers=('NCHW', 'OIHW', 'NCHW'))  # [B,32,10,10]
    h = _bn(h, (0, 2, 3))
    h = jax.nn.relu(h)
    h = h.reshape(B, -1)                                   # [B, FLAT]
    h = h @ fc_W + fc_b                                    # [B, D]
    h = _bn(h, (0,))
    h = jax.nn.relu(h)
    score = h @ x.T + ent_bias[None, :]                    # [B, N_ENT]
    return jax.nn.sigmoid(score)

if __name__ == "__main__":
    import jax
    _d = setup_inputs()
    print(jax.jit(kernel)(*tuple(_d.values())))

</pallas_src>

<mosaic_0001>
#map = affine_map<(d0, d1) -> (0, 0, 0, 0)>
#map1 = affine_map<(d0, d1) -> (0, 0)>
#map2 = affine_map<(d0, d1) -> (0)>
#map3 = affine_map<(d0, d1) -> (0, 0, 0)>
module attributes {stable_mosaic.version = 14 : i64} {
  func.func @_edge_body(%arg0: i32, %arg1: i32, %arg2: memref<32x162x3x64xi32, #tpu.memory_space<hbm>>, %arg3: memref<10000x128xf32, #tpu.memory_space<hbm>>, %arg4: memref<200x128xf32, #tpu.memory_space<hbm>>, %arg5: memref<10112x128xf32, #tpu.memory_space<hbm>>, %arg6: memref<10112xf32, #tpu.memory_space<hbm>>, %arg7: memref<2x10112x128xf32, #tpu.memory_space<hbm>>, %arg8: memref<2x10112xf32, #tpu.memory_space<hbm>>, %arg9: memref<3x64xi32, #tpu.memory_space<vmem>>, %arg10: memref<3x64xi32, #tpu.memory_space<vmem>>, %arg11: memref<3x64xi32, #tpu.memory_space<vmem>>, %arg12: memref<64x128xf32, #tpu.memory_space<vmem>>, %arg13: memref<64x128xf32, #tpu.memory_space<vmem>>, %arg14: memref<64x128xf32, #tpu.memory_space<vmem>>, %arg15: memref<64x128xf32, #tpu.memory_space<vmem>>, %arg16: memref<64xf32, #tpu.memory_space<vmem>>, %arg17: memref<10112x128xf32, #tpu.memory_space<vmem_shared>>, %arg18: memref<10112xf32, #tpu.memory_space<vmem_shared>>, %arg19: memref<!tpu.dma_semaphore, #tpu.memory_space<semaphore_mem>>, %arg20: memref<!tpu.dma_semaphore, #tpu.memory_space<semaphore_mem>>, %arg21: memref<!tpu.dma_semaphore, #tpu.memory_space<semaphore_mem>>, %arg22: memref<!tpu.dma_semaphore, #tpu.memory_space<semaphore_mem>>, %arg23: memref<!tpu.dma_semaphore, #tpu.memory_space<semaphore_mem>>, %arg24: memref<!tpu.dma_semaphore, #tpu.memory_space<semaphore_mem>>, %arg25: memref<!tpu.dma_semaphore, #tpu.memory_space<semaphore_mem>>, %arg26: memref<!tpu.dma_semaphore, #tpu.memory_space<semaphore_mem>>, %arg27: memref<!tpu.dma_semaphore, #tpu.memory_space<semaphore_mem>>, %arg28: memref<!tpu.dma_semaphore, #tpu.memory_space<semaphore_mem>>, %arg29: memref<!tpu.dma_semaphore, #tpu.memory_space<semaphore_mem>>) attributes {dimension_semantics = [#tpu.dimension_semantics<core_parallel>, #tpu.dimension_semantics<subcore_parallel>], iteration_bounds = array<i64: 2, 16>, scalar_prefetch = 0 : i64, scratch_operands = 21 : i64, tpu.core_type = #tpu.core_type<sc_vector_subcore>, window_params = [{transform_indices = #map}, {transform_indices = #map1}, {transform_indices = #map1}, {transform_indices = #map1}, {transform_indices = #map2}, {transform_indices = #map3}, {transform_indices = #map1}]} {
    %mul3A = arith.constant 2 : i32
    %mul3A_0 = arith.muli %arg1, %mul3A : i32
    %add3A = arith.addi %mul3A_0, %arg0 : i32
    %mul3A_1 = arith.constant 632 : i32
    %mul3A_2 = arith.muli %arg1, %mul3A_1 : i32
    %mul3A_3 = arith.constant 632 : i32
    %mul3A_4 = arith.muli %arg1, %mul3A_3 : i32
    "tpu.region"() ({
      %run_scoped3A = tpu.sem_alloc : memref<!tpu.dma_semaphore, #tpu.memory_space<semaphore_mem>>
      %dma_start3A_97 = arith.constant 0 : i32
      %dma_start3A_98 = tpu.memref_slice %arg17[%mul3A_4, %dma_start3A_97] : memref<10112x128xf32, #tpu.memory_space<vmem_shared>> -> memref<632x128xf32, #tpu.memory_space<vmem_shared>>
      %dma_start3A_99 = arith.constant 0 : i32
      %dma_start3A_100 = tpu.memref_slice %arg5[%mul3A_2, %dma_start3A_99] : memref<10112x128xf32, #tpu.memory_space<hbm>> -> memref<632x128xf32, #tpu.memory_space<hbm>>
      tpu.enqueue_dma source(%dma_start3A_100 : memref<632x128xf32, #tpu.memory_space<hbm>>) target(%dma_start3A_98 : memref<632x128xf32, #tpu.memory_space<vmem_shared>>) target_semaphore(%run_scoped3A : memref<!tpu.dma_semaphore, #tpu.memory_space<semaphore_mem>>)
      %dma_wait3A_101 = arith.constant 0 : i32
      %dma_wait3A_102 = tpu.memref_slice %arg17[%mul3A_4, %dma_wait3A_101] : memref<10112x128xf32, #tpu.memory_space<vmem_shared>> -> memref<632x128xf32, #tpu.memory_space<vmem_shared>>
      %dma_wait3A_103 = arith.constant 0 : i32
      %dma_wait3A_104 = tpu.memref_slice %arg5[%mul3A_2, %dma_wait3A_103] : memref<10112x128xf32, #tpu.memory_space<hbm>> -> memref<632x128xf32, #tpu.memory_space<hbm>>
      tpu.wait_dma2 semaphore(%run_scoped3A : memref<!tpu.dma_semaphore, #tpu.memory_space<semaphore_mem>>) src(%dma_wait3A_104 : memref<632x128xf32, #tpu.memory_space<hbm>>) dst(%dma_wait3A_102 : memref<632x128xf32, #tpu.memory_space<vmem_shared>>)
      tpu.yield
    }) : () -> ()
    %eq3A = arith.constant 0 : i32
    %eq3A_5 = arith.cmpi eq, %arg1, %eq3A : i32
    %convert_element_type3A = arith.extui %eq3A_5 : i1 to i32
    %cond3A = arith.constant 0 : i32
    %cond3A_6 = arith.cmpi ne, %convert_element_type3A, %cond3A : i32
    scf.if %cond3A_6 {
      "tpu.region"() ({
        %run_scoped3A = tpu.sem_alloc : memref<!tpu.dma_semaphore, #tpu.memory_space<semaphore_mem>>
        tpu.enqueue_dma source(%arg6 : memref<10112xf32, #tpu.memory_space<hbm>>) target(%arg18 : memref<10112xf32, #tpu.memory_space<vmem_shared>>) target_semaphore(%run_scoped3A : memref<!tpu.dma_semaphore, #tpu.memory_space<semaphore_mem>>)
        tpu.wait_dma2 semaphore(%run_scoped3A : memref<!tpu.dma_semaphore, #tpu.memory_space<semaphore_mem>>) src(%arg6 : memref<10112xf32, #tpu.memory_space<hbm>>) dst(%arg18 : memref<10112xf32, #tpu.memory_space<vmem_shared>>)
        tpu.yield
      }) : () -> ()
    } else {
    }
    %broadcast_in_dim3A = arith.constant 1.000000e+00 : f32
    %broadcast_in_dim3A_7 = vector.broadcast %broadcast_in_dim3A : f32 to vector<16xf32>
    %swap3A = arith.constant 0 : index
    %swap3A_8 = tpu.vector_load %arg16[%swap3A] {strides = array<i32>} : memref<64xf32, #tpu.memory_space<vmem>>, vector<16xf32>,
    %swap3A_9 = vector.shape_cast %swap3A_8 : vector<16xf32> to vector<16xf32>
    %swap3A_10 = vector.shape_cast %broadcast_in_dim3A_7 : vector<16xf32> to vector<16xf32>
    tpu.vector_store %arg16[%swap3A], %swap3A_10 {strides = array<i32>} : memref<64xf32, #tpu.memory_space<vmem>>, vector<16xf32>,
    %broadcast_in_dim3A_11 = arith.constant 1.000000e+00 : f32
    %broadcast_in_dim3A_12 = vector.broadcast %broadcast_in_dim3A_11 : f32 to vector<16xf32>
    %swap3A_13 = arith.constant 16 : index
    %swap3A_14 = tpu.vector_load %arg16[%swap3A_13] {strides = array<i32>} : memref<64xf32, #tpu.memory_space<vmem>>, vector<16xf32>,
    %swap3A_15 = vector.shape_cast %swap3A_14 : vector<16xf32> to vector<16xf32>
    %swap3A_16 = vector.shape_cast %broadcast_in_dim3A_12 : vector<16xf32> to vector<16xf32>
    tpu.vector_store %arg16[%swap3A_13], %swap3A_16 {strides = array<i32>} : memref<64xf32, #tpu.memory_space<vmem>>, vector<16xf32>,
    %broadcast_in_dim3A_17 = arith.constant 1.000000e+00 : f32
    %broadcast_in_dim3A_18 = vector.broadcast %broadcast_in_dim3A_17 : f32 to vector<16xf32>
    %swap3A_19 = arith.constant 32 : index
    %swap3A_20 = tpu.vector_load %arg16[%swap3A_19] {strides = array<i32>} : memref<64xf32, #tpu.memory_space<vmem>>, vector<16xf32>,
    %swap3A_21 = vector.shape_cast %swap3A_20 : vector<16xf32> to vector<16xf32>
    %swap3A_22 = vector.shape_cast %broadcast_in_dim3A_18 : vector<16xf32> to vector<16xf32>
    tpu.vector_store %arg16[%swap3A_19], %swap3A_22 {strides = array<i32>} : memref<64xf32, #tpu.memory_space<vmem>>, vector<16xf32>,
    %broadcast_in_dim3A_23 = arith.constant 1.000000e+00 : f32
    %broadcast_in_dim3A_24 = vector.broadcast %broadcast_in_dim3A_23 : f32 to vector<16xf32>
    %swap3A_25 = arith.constant 48 : index
    %swap3A_26 = tpu.vector_load %arg16[%swap3A_25] {strides = array<i32>} : memref<64xf32, #tpu.memory_space<vmem>>, vector<16xf32>,
    %swap3A_27 = vector.shape_cast %swap3A_26 : vector<16xf32> to vector<16xf32>
    %swap3A_28 = vector.shape_cast %broadcast_in_dim3A_24 : vector<16xf32> to vector<16xf32>
    tpu.vector_store %arg16[%swap3A_25], %swap3A_28 {strides = array<i32>} : memref<64xf32, #tpu.memory_space<vmem>>, vector<16xf32>,
    %barrier3A = arith.constant 0 : index
    tpu.barrier barrier_id(%barrier3A)
    %dma_start3A = arith.constant 0 : i32
    %dma_start3A_29 = arith.constant 0 : i32
    %dma_start3A_30 = arith.constant 0 : i32
    %dma_start3A_31 = tpu.memref_slice %arg2[%add3A, %dma_start3A, %dma_start3A_29, %dma_start3A_30] : memref<32x162x3x64xi32, #tpu.memory_space<hbm>> -> memref<1x1x3x64xi32, #tpu.memory_space<hbm>>
    %dma_start3A_32 = tpu.memref_squeeze %dma_start3A_31 : memref<1x1x3x64xi32, #tpu.memory_space<hbm>> -> memref<3x64xi32, #tpu.memory_space<hbm>>
    %dma_start3A_33 = arith.constant 0 : i32
    %dma_start3A_34 = arith.constant 0 : i32
    %dma_start3A_35 = tpu.memref_slice %arg2[%add3A, %dma_start3A, %dma_start3A_33, %dma_start3A_34] : memref<32x162x3x64xi32, #tpu.memory_space<hbm>> -> memref<1x1x3x64xi32, #tpu.memory_space<hbm>>
    %dma_start3A_36 = tpu.memref_squeeze %dma_start3A_35 : memref<1x1x3x64xi32, #tpu.memory_space<hbm>> -> memref<3x64xi32, #tpu.memory_space<hbm>>
    tpu.enqueue_dma source(%dma_start3A_36 : memref<3x64xi32, #tpu.memory_space<hbm>>) target(%arg9 : memref<3x64xi32, #tpu.memory_space<vmem>>) target_semaphore(%arg27 : memref<!tpu.dma_semaphore, #tpu.memory_space<semaphore_mem>>)
    %dma_start3A_37 = arith.constant 1 : i32
    %dma_start3A_38 = arith.constant 0 : i32
    %dma_start3A_39 = arith.constant 0 : i32
    %dma_start3A_40 = tpu.memref_slice %arg2[%add3A, %dma_start3A_37, %dma_start3A_38, %dma_start3A_39] : memref<32x162x3x64xi32, #tpu.memory_space<hbm>> -> memref<1x1x3x64xi32, #tpu.memory_space<hbm>>
    %dma_start3A_41 = tpu.memref_squeeze %dma_start3A_40 : memref<1x1x3x64xi32, #tpu.memory_space<hbm>> -> memref<3x64xi32, #tpu.memory_space<hbm>>
    %dma_start3A_42 = arith.constant 0 : i32
    %dma_start3A_43 = arith.constant 0 : i32
    %dma_start3A_44 = tpu.memref_slice %arg2[%add3A, %dma_start3A_37, %dma_start3A_42, %dma_start3A_43] : memref<32x162x3x64xi32, #tpu.memory_space<hbm>> -> memref<1x1x3x64xi32, #tpu.memory_space<hbm>>
    %dma_start3A_45 = tpu.memref_squeeze %dma_start3A_44 : memref<1x1x3x64xi32, #tpu.memory_space<hbm>> -> memref<3x64xi32, #tpu.memory_space<hbm>>
    tpu.enqueue_dma source(%dma_start3A_45 : memref<3x64xi32, #tpu.memory_space<hbm>>) target(%arg10 : memref<3x64xi32, #tpu.memory_space<vmem>>) target_semaphore(%arg28 : memref<!tpu.dma_semaphore, #tpu.memory_space<semaphore_mem>>)
    %dma_wait3A = arith.constant 0 : i32
    %dma_wait3A_46 = arith.constant 0 : i32
    %dma_wait3A_47 = arith.constant 0 : i32
    %dma_wait3A_48 = tpu.memref_slice %arg2[%add3A, %dma_wait3A, %dma_wait3A_46, %dma_wait3A_47] : memref<32x162x3x64xi32, #tpu.memory_space<hbm>> -> memref<1x1x3x64xi32, #tpu.memory_space<hbm>>
    %dma_wait3A_49 = tpu.memref_squeeze %dma_wait3A_48 : memref<1x1x3x64xi32, #tpu.memory_space<hbm>> -> memref<3x64xi32, #tpu.memory_space<hbm>>
    %dma_wait3A_50 = arith.constant 0 : i32
    %dma_wait3A_51 = arith.constant 0 : i32
    %dma_wait3A_52 = tpu.memref_slice %arg2[%add3A, %dma_wait3A, %dma_wait3A_50, %dma_wait3A_51] : memref<32x162x3x64xi32, #tpu.memory_space<hbm>> -> memref<1x1x3x64xi32, #tpu.memory_space<hbm>>
    %dma_wait3A_53 = tpu.memref_squeeze %dma_wait3A_52 : memref<1x1x3x64xi32, #tpu.memory_space<hbm>> -> memref<3x64xi32, #tpu.memory_space<hbm>>
    tpu.wait_dma2 semaphore(%arg27 : memref<!tpu.dma_semaphore, #tpu.memory_space<semaphore_mem>>) src(%dma_wait3A_53 : memref<3x64xi32, #tpu.memory_space<hbm>>) dst(%arg9 : memref<3x64xi32, #tpu.memory_space<vmem>>)
    %dma_start3A_54 = arith.constant 0 : i32
    %dma_start3A_55 = arith.constant 0 : i32
    %dma_start3A_56 = tpu.memref_slice %arg9[%dma_start3A_54, %dma_start3A_55] : memref<3x64xi32, #tpu.memory_space<vmem>> -> memref<1x64xi32, #tpu.memory_space<vmem>>
    %dma_start3A_57 = tpu.memref_squeeze %dma_start3A_56 : memref<1x64xi32, #tpu.memory_space<vmem>> -> memref<64xi32, #tpu.memory_space<vmem>>
    %dma_start3A_58 = arith.constant 0 : i32
    %dma_start3A_59 = arith.constant 0 : i32
    %dma_start3A_60 = tpu.memref_slice %arg3[%dma_start3A_58, %dma_start3A_59] : memref<10000x128xf32, #tpu.memory_space<hbm>> -> memref<10000x128xf32, #tpu.memory_space<hbm>>
    tpu.enqueue_indirect_dma source(%dma_start3A_60 : memref<10000x128xf32, #tpu.memory_space<hbm>>) target(%arg12 : memref<64x128xf32, #tpu.memory_space<vmem>>) offsets(%dma_start3A_57 : memref<64xi32, #tpu.memory_space<vmem>>) semaphore(%arg19 : memref<!tpu.dma_semaphore, #tpu.memory_space<semaphore_mem>>)
    %dma_start3A_61 = arith.constant 1 : i32
    %dma_start3A_62 = arith.constant 0 : i32
    %dma_start3A_63 = tpu.memref_slice %arg9[%dma_start3A_61, %dma_start3A_62] : memref<3x64xi32, #tpu.memory_space<vmem>> -> memref<1x64xi32, #tpu.memory_space<vmem>>
    %dma_start3A_64 = tpu.memref_squeeze %dma_start3A_63 : memref<1x64xi32, #tpu.memory_space<vmem>> -> memref<64xi32, #tpu.memory_space<vmem>>
    %dma_start3A_65 = arith.constant 0 : i32
    %dma_start3A_66 = arith.constant 0 : i32
    %dma_start3A_67 = tpu.memref_slice %arg4[%dma_start3A_65, %dma_start3A_66] : memref<200x128xf32, #tpu.memory_space<hbm>> -> memref<200x128xf32, #tpu.memory_space<hbm>>
    tpu.enqueue_indirect_dma source(%dma_start3A_67 : memref<200x128xf32, #tpu.memory_space<hbm>>) target(%arg14 : memref<64x128xf32, #tpu.memory_space<vmem>>) offsets(%dma_start3A_64 : memref<64xi32, #tpu.memory_space<vmem>>) semaphore(%arg21 : memref<!tpu.dma_semaphore, #tpu.memory_space<semaphore_mem>>)
    %scan3A = arith.constant 0 : i32
    %scan3A_68 = arith.constant 0 : i32
    %scan3A_69 = arith.constant 27 : i32
    %scan3A_70 = arith.addi %scan3A_68, %scan3A_69 : i32
    %scan3A_71 = arith.constant 1 : i32
    %scan3A_72 = scf.for %scan3A_97 = %scan3A_68 to %scan3A_70 step %scan3A_71 iter_args(%scan3A_98 = %scan3A) -> (i32)  : i32 {
      %mul3A_99 = arith.constant 6 : i32
      %mul3A_100 = arith.muli %mul3A_99, %scan3A_97 : i32
      %add3A_101 = arith.constant 0 : i32
      %add3A_102 = arith.addi %mul3A_100, %add3A_101 : i32
      %ge3A = arith.constant 1 : i32
      %ge3A_103 = arith.cmpi sge, %add3A_102, %ge3A : i32
      %convert_element_type3A_104 = arith.extui %ge3A_103 : i1 to i32
      %cond3A_105 = arith.constant 0 : i32
      %cond3A_106 = arith.cmpi ne, %convert_element_type3A_104, %cond3A_105 : i32
      scf.if %cond3A_106 {
        %sub3A = arith.constant 1 : i32
        %sub3A_440 = arith.subi %add3A_102, %sub3A : i32
        %dma_wait3A_441 = arith.constant 2 : i32
        %dma_wait3A_442 = arith.constant 0 : i32
        %dma_wait3A_443 = tpu.memref_slice %arg11[%dma_wait3A_441, %dma_wait3A_442] : memref<3x64xi32, #tpu.memory_space<vmem>> -> memref<1x64xi32, #tpu.memory_space<vmem>>
        %dma_wait3A_444 = tpu.memref_squeeze %dma_wait3A_443 : memref<1x64xi32, #tpu.memory_space<vmem>> -> memref<64xi32, #tpu.memory_space<vmem>>
        %dma_wait3A_445 = arith.constant 0 : i32
        %dma_wait3A_446 = arith.constant 0 : i32
        %dma_wait3A_447 = tpu.memref_slice %arg17[%dma_wait3A_445, %dma_wait3A_446] : memref<10112x128xf32, #tpu.memory_space<vmem_shared>> -> memref<10112x128xf32, #tpu.memory_space<vmem_shared>>
        tpu.wait_indirect_dma semaphore(%arg24 : memref<!tpu.dma_semaphore, #tpu.memory_space<semaphore_mem>>) src(%arg13 : memref<64x128xf32, #tpu.memory_space<vmem>>) dst(%dma_wait3A_447 : memref<10112x128xf32, #tpu.memory_space<vmem_shared>>)
        %dma_wait3A_448 = arith.constant 2 : i32
        %dma_wait3A_449 = arith.constant 0 : i32
        %dma_wait3A_450 = tpu.memref_slice %arg11[%dma_wait3A_448, %dma_wait3A_449] : memref<3x64xi32, #tpu.memory_space<vmem>> -> memref<1x64xi32, #tpu.memory_space<vmem>>
        %dma_wait3A_451 = tpu.memref_squeeze %dma_wait3A_450 : memref<1x64xi32, #tpu.memory_space<vmem>> -> memref<64xi32, #tpu.memory_space<vmem>>
        %dma_wait3A_452 = arith.constant 0 : i32
        %dma_wait3A_453 = tpu.memref_slice %arg18[%dma_wait3A_452] : memref<10112xf32, #tpu.memory_space<vmem_shared>> -> memref<10112xf32, #tpu.memory_space<vmem_shared>>
        tpu.wait_indirect_dma semaphore(%arg26 : memref<!tpu.dma_semaphore, #tpu.memory_space<semaphore_mem>>) src(%arg16 : memref<64xf32, #tpu.memory_space<vmem>>) dst(%dma_wait3A_453 : memref<10112xf32, #tpu.memory_space<vmem_shared>>)
      } else {
      }
      %add3A_107 = arith.constant 2 : i32
      %add3A_108 = arith.addi %add3A_102, %add3A_107 : i32
      %lt3A = arith.constant 162 : i32
      %lt3A_109 = arith.cmpi slt, %add3A_108, %lt3A : i32
      %convert_element_type3A_110 = arith.extui %lt3A_109 : i1 to i32
      %cond3A_111 = arith.constant 0 : i32
      %cond3A_112 = arith.cmpi ne, %convert_element_type3A_110, %cond3A_111 : i32
      scf.if %cond3A_112 {
        %add3A_440 = arith.constant 2 : i32
        %add3A_441 = arith.addi %add3A_102, %add3A_440 : i32
        %dma_start3A_442 = arith.constant 0 : i32
        %dma_start3A_443 = arith.constant 0 : i32
        %dma_start3A_444 = tpu.memref_slice %arg2[%add3A, %add3A_441, %dma_start3A_442, %dma_start3A_443] : memref<32x162x3x64xi32, #tpu.memory_space<hbm>> -> memref<1x1x3x64xi32, #tpu.memory_space<hbm>>
        %dma_start3A_445 = tpu.memref_squeeze %dma_start3A_444 : memref<1x1x3x64xi32, #tpu.memory_space<hbm>> -> memref<3x64xi32, #tpu.memory_space<hbm>>
        %dma_start3A_446 = arith.constant 0 : i32
        %dma_start3A_447 = arith.constant 0 : i32
        %dma_start3A_448 = tpu.memref_slice %arg2[%add3A, %add3A_441, %dma_start3A_446, %dma_start3A_447] : memref<32x162x3x64xi32, #tpu.memory_space<hbm>> -> memref<1x1x3x64xi32, #tpu.memory_space<hbm>>
        %dma_start3A_449 = tpu.memref_squeeze %dma_start3A_448 : memref<1x1x3x64xi32, #tpu.memory_space<hbm>> -> memref<3x64xi32, #tpu.memory_space<hbm>>
        tpu.enqueue_dma source(%dma_start3A_449 : memref<3x64xi32, #tpu.memory_space<hbm>>) target(%arg11 : memref<3x64xi32, #tpu.memory_space<vmem>>) target_semaphore(%arg29 : memref<!tpu.dma_semaphore, #tpu.memory_space<semaphore_mem>>)
      } else {
      }
      %add3A_113 = arith.constant 1 : i32
      %add3A_114 = arith.addi %add3A_102, %add3A_113 : i32
      %lt3A_115 = arith.constant 162 : i32
      %lt3A_116 = arith.cmpi slt, %add3A_114, %lt3A_115 : i32
      %convert_element_type3A_117 = arith.extui %lt3A_116 : i1 to i32
      %cond3A_118 = arith.constant 0 : i32
      %cond3A_119 = arith.cmpi ne, %convert_element_type3A_117, %cond3A_118 : i32
      scf.if %cond3A_119 {
        %add3A_440 = arith.constant 1 : i32
        %add3A_441 = arith.addi %add3A_102, %add3A_440 : i32
        %dma_wait3A_442 = arith.constant 0 : i32
        %dma_wait3A_443 = arith.constant 0 : i32
        %dma_wait3A_444 = tpu.memref_slice %arg2[%add3A, %add3A_441, %dma_wait3A_442, %dma_wait3A_443] : memref<32x162x3x64xi32, #tpu.memory_space<hbm>> -> memref<1x1x3x64xi32, #tpu.memory_space<hbm>>
        %dma_wait3A_445 = tpu.memref_squeeze %dma_wait3A_444 : memref<1x1x3x64xi32, #tpu.memory_space<hbm>> -> memref<3x64xi32, #tpu.memory_space<hbm>>
        %dma_wait3A_446 = arith.constant 0 : i32
        %dma_wait3A_447 = arith.constant 0 : i32
        %dma_wait3A_448 = tpu.memref_slice %arg2[%add3A, %add3A_441, %dma_wait3A_446, %dma_wait3A_447] : memref<32x162x3x64xi32, #tpu.memory_space<hbm>> -> memref<1x1x3x64xi32, #tpu.memory_space<hbm>>
        %dma_wait3A_449 = tpu.memref_squeeze %dma_wait3A_448 : memref<1x1x3x64xi32, #tpu.memory_space<hbm>> -> memref<3x64xi32, #tpu.memory_space<hbm>>
        tpu.wait_dma2 semaphore(%arg28 : memref<!tpu.dma_semaphore, #tpu.memory_space<semaphore_mem>>) src(%dma_wait3A_449 : memref<3x64xi32, #tpu.memory_space<hbm>>) dst(%arg10 : memref<3x64xi32, #tpu.memory_space<vmem>>)
        %add3A_450 = arith.constant 1 : i32
        %add3A_451 = arith.addi %add3A_102, %add3A_450 : i32
        %dma_start3A_452 = arith.constant 0 : i32
        %dma_start3A_453 = arith.constant 0 : i32
        %dma_start3A_454 = tpu.memref_slice %arg10[%dma_start3A_452, %dma_start3A_453] : memref<3x64xi32, #tpu.memory_space<vmem>> -> memref<1x64xi32, #tpu.memory_space<vmem>>
        %dma_start3A_455 = tpu.memref_squeeze %dma_start3A_454 : memref<1x64xi32, #tpu.memory_space<vmem>> -> memref<64xi32, #tpu.memory_space<vmem>>
        %dma_start3A_456 = arith.constant 0 : i32
        %dma_start3A_457 = arith.constant 0 : i32
        %dma_start3A_458 = tpu.memref_slice %arg3[%dma_start3A_456, %dma_start3A_457] : memref<10000x128xf32, #tpu.memory_space<hbm>> -> memref<10000x128xf32, #tpu.memory_space<hbm>>
        tpu.enqueue_indirect_dma source(%dma_start3A_458 : memref<10000x128xf32, #tpu.memory_space<hbm>>) target(%arg13 : memref<64x128xf32, #tpu.memory_space<vmem>>) offsets(%dma_start3A_455 : memref<64xi32, #tpu.memory_space<vmem>>) semaphore(%arg20 : memref<!tpu.dma_semaphore, #tpu.memory_space<semaphore_mem>>)
        %dma_start3A_459 = arith.constant 1 : i32
        %dma_start3A_460 = arith.constant 0 : i32
        %dma_start3A_461 = tpu.memref_slice %arg10[%dma_start3A_459, %dma_start3A_460] : memref<3x64xi32, #tpu.memory_space<vmem>> -> memref<1x64xi32, #tpu.memory_space<vmem>>
        %dma_start3A_462 = tpu.memref_squeeze %dma_start3A_461 : memref<1x64xi32, #tpu.memory_space<vmem>> -> memref<64xi32, #tpu.memory_space<vmem>>
        %dma_start3A_463 = arith.constant 0 : i32
        %dma_start3A_464 = arith.constant 0 : i32
        %dma_start3A_465 = tpu.memref_slice %arg4[%dma_start3A_463, %dma_start3A_464] : memref<200x128xf32, #tpu.memory_space<hbm>> -> memref<200x128xf32, #tpu.memory_space<hbm>>
        tpu.enqueue_indirect_dma source(%dma_start3A_465 : memref<200x128xf32, #tpu.memory_space<hbm>>) target(%arg15 : memref<64x128xf32, #tpu.memory_space<vmem>>) offsets(%dma_start3A_462 : memref<64xi32, #tpu.memory_space<vmem>>) semaphore(%arg22 : memref<!tpu.dma_semaphore, #tpu.memory_space<semaphore_mem>>)
      } else {
      }
      %dma_wait3A_120 = arith.constant 0 : i32
      %dma_wait3A_121 = arith.constant 0 : i32
      %dma_wait3A_122 = tpu.memref_slice %arg9[%dma_wait3A_120, %dma_wait3A_121] : memref<3x64xi32, #tpu.memory_space<vmem>> -> memref<1x64xi32, #tpu.memory_space<vmem>>
      %dma_wait3A_123 = tpu.memref_squeeze %dma_wait3A_122 : memref<1x64xi32, #tpu.memory_space<vmem>> -> memref<64xi32, #tpu.memory_space<vmem>>
      %dma_wait3A_124 = arith.constant 0 : i32
      %dma_wait3A_125 = arith.constant 0 : i32
      %dma_wait3A_126 = tpu.memref_slice %arg3[%dma_wait3A_124, %dma_wait3A_125] : memref<10000x128xf32, #tpu.memory_space<hbm>> -> memref<10000x128xf32, #tpu.memory_space<hbm>>
      tpu.wait_indirect_dma semaphore(%arg19 : memref<!tpu.dma_semaphore, #tpu.memory_space<semaphore_mem>>) src(%dma_wait3A_126 : memref<10000x128xf32, #tpu.memory_space<hbm>>) dst(%arg12 : memref<64x128xf32, #tpu.memory_space<vmem>>)
      %dma_wait3A_127 = arith.constant 1 : i32
      %dma_wait3A_128 = arith.constant 0 : i32
      %dma_wait3A_129 = tpu.memref_slice %arg9[%dma_wait3A_127, %dma_wait3A_128] : memref<3x64xi32, #tpu.memory_space<vmem>> -> memref<1x64xi32, #tpu.memory_space<vmem>>
      %dma_wait3A_130 = tpu.memref_squeeze %dma_wait3A_129 : memref<1x64xi32, #tpu.memory_space<vmem>> -> memref<64xi32, #tpu.memory_space<vmem>>
      %dma_wait3A_131 = arith.constant 0 : i32
      %dma_wait3A_132 = arith.constant 0 : i32
      %dma_wait3A_133 = tpu.memref_slice %arg4[%dma_wait3A_131, %dma_wait3A_132] : memref<200x128xf32, #tpu.memory_space<hbm>> -> memref<200x128xf32, #tpu.memory_space<hbm>>
      tpu.wait_indirect_dma semaphore(%arg21 : memref<!tpu.dma_semaphore, #tpu.memory_space<semaphore_mem>>) src(%dma_wait3A_133 : memref<200x128xf32, #tpu.memory_space<hbm>>) dst(%arg14 : memref<64x128xf32, #tpu.memory_space<vmem>>)
      %scan3A_134 = arith.constant 0 : i32
      %scan3A_135 = arith.constant 0 : i32
      %scan3A_136 = arith.constant 64 : i32
      %scan3A_137 = arith.addi %scan3A_135, %scan3A_136 : i32
      %scan3A_138 = arith.constant 4 : i32
      %scan3A_139 = scf.for %scan3A_440 = %scan3A_135 to %scan3A_137 step %scan3A_138 iter_args(%scan3A_441 = %scan3A_134) -> (i32)  : i32 {
        %get3A = arith.index_cast %scan3A_440 : i32 to index
        %get3A_442 = arith.constant 0 : index
        %get3A_443 = tpu.vector_load %arg12[%get3A, %get3A_442] {strides = array<i32>} : memref<64x128xf32, #tpu.memory_space<vmem>>, vector<1x16xf32>,
        %get3A_444 = vector.shape_cast %get3A_443 : vector<1x16xf32> to vector<16xf32>
        %get3A_445 = arith.index_cast %scan3A_440 : i32 to index
        %get3A_446 = arith.constant 0 : index
        %get3A_447 = tpu.vector_load %arg14[%get3A_445, %get3A_446] {strides = array<i32>} : memref<64x128xf32, #tpu.memory_space<vmem>>, vector<1x16xf32>,
        %get3A_448 = vector.shape_cast %get3A_447 : vector<1x16xf32> to vector<16xf32>
        %mul3A_449 = arith.mulf %get3A_444, %get3A_448 : vector<16xf32>
        %swap3A_450 = arith.index_cast %scan3A_440 : i32 to index
        %swap3A_451 = arith.constant 0 : index
        %swap3A_452 = tpu.vector_load %arg12[%swap3A_450, %swap3A_451] {strides = array<i32>} : memref<64x128xf32, #tpu.memory_space<vmem>>, vector<1x16xf32>,
        %swap3A_453 = vector.shape_cast %swap3A_452 : vector<1x16xf32> to vector<16xf32>
        %swap3A_454 = vector.shape_cast %mul3A_449 : vector<16xf32> to vector<1x16xf32>
        tpu.vector_store %arg12[%swap3A_450, %swap3A_451], %swap3A_454 {strides = array<i32>} : memref<64x128xf32, #tpu.memory_space<vmem>>, vector<1x16xf32>,
        %get3A_455 = arith.index_cast %scan3A_440 : i32 to index
        %get3A_456 = arith.constant 16 : index
        %get3A_457 = tpu.vector_load %arg12[%get3A_455, %get3A_456] {strides = array<i32>} : memref<64x128xf32, #tpu.memory_space<vmem>>, vector<1x16xf32>,
        %get3A_458 = vector.shape_cast %get3A_457 : vector<1x16xf32> to vector<16xf32>
        %get3A_459 = arith.index_cast %scan3A_440 : i32 to index
        %get3A_460 = arith.constant 16 : index
        %get3A_461 = tpu.vector_load %arg14[%get3A_459, %get3A_460] {strides = array<i32>} : memref<64x128xf32, #tpu.memory_space<vmem>>, vector<1x16xf32>,
        %get3A_462 = vector.shape_cast %get3A_461 : vector<1x16xf32> to vector<16xf32>
        %mul3A_463 = arith.mulf %get3A_458, %get3A_462 : vector<16xf32>
        %swap3A_464 = arith.index_cast %scan3A_440 : i32 to index
        %swap3A_465 = arith.constant 16 : index
        %swap3A_466 = tpu.vector_load %arg12[%swap3A_464, %swap3A_465] {strides = array<i32>} : memref<64x128xf32, #tpu.memory_space<vmem>>, vector<1x16xf32>,
        %swap3A_467 = vector.shape_cast %swap3A_466 : vector<1x16xf32> to vector<16xf32>
        %swap3A_468 = vector.shape_cast %mul3A_463 : vector<16xf32> to vector<1x16xf32>
        tpu.vector_store %arg12[%swap3A_464, %swap3A_465], %swap3A_468 {strides = array<i32>} : memref<64x128xf32, #tpu.memory_space<vmem>>, vector<1x16xf32>,
        %get3A_469 = arith.index_cast %scan3A_440 : i32 to index
        %get3A_470 = arith.constant 32 : index
        %get3A_471 = tpu.vector_load %arg12[%get3A_469, %get3A_470] {strides = array<i32>} : memref<64x128xf32, #tpu.memory_space<vmem>>, vector<1x16xf32>,
        %get3A_472 = vector.shape_cast %get3A_471 : vector<1x16xf32> to vector<16xf32>
        %get3A_473 = arith.index_cast %scan3A_440 : i32 to index
        %get3A_474 = arith.constant 32 : index
        %get3A_475 = tpu.vector_load %arg14[%get3A_473, %get3A_474] {strides = array<i32>} : memref<64x128xf32, #tpu.memory_space<vmem>>, vector<1x16xf32>,
        %get3A_476 = vector.shape_cast %get3A_475 : vector<1x16xf32> to vector<16xf32>
        %mul3A_477 = arith.mulf %get3A_472, %get3A_476 : vector<16xf32>
        %swap3A_478 = arith.index_cast %scan3A_440 : i32 to index
        %swap3A_479 = arith.constant 32 : index
        %swap3A_480 = tpu.vector_load %arg12[%swap3A_478, %swap3A_479] {strides = array<i32>} : memref<64x128xf32, #tpu.memory_space<vmem>>, vector<1x16xf32>,
        %swap3A_481 = vector.shape_cast %swap3A_480 : vector<1x16xf32> to vector<16xf32>
        %swap3A_482 = vector.shape_cast %mul3A_477 : vector<16xf32> to vector<1x16xf32>
        tpu.vector_store %arg12[%swap3A_478, %swap3A_479], %swap3A_482 {strides = array<i32>} : memref<64x128xf32, #tpu.memory_space<vmem>>, vector<1x16xf32>,
        %get3A_483 = arith.index_cast %scan3A_440 : i32 to index
        %get3A_484 = arith.constant 48 : index
        %get3A_485 = tpu.vector_load %arg12[%get3A_483, %get3A_484] {strides = array<i32>} : memref<64x128xf32, #tpu.memory_space<vmem>>, vector<1x16xf32>,
        %get3A_486 = vector.shape_cast %get3A_485 : vector<1x16xf32> to vector<16xf32>
        %get3A_487 = arith.index_cast %scan3A_440 : i32 to index
        %get3A_488 = arith.constant 48 : index
        %get3A_489 = tpu.vector_load %arg14[%get3A_487, %get3A_488] {strides = array<i32>} : memref<64x128xf32, #tpu.memory_space<vmem>>, vector<1x16xf32>,
        %get3A_490 = vector.shape_cast %get3A_489 : vector<1x16xf32> to vector<16xf32>
        %mul3A_491 = arith.mulf %get3A_486, %get3A_490 : vector<16xf32>
        %swap3A_492 = arith.index_cast %scan3A_440 : i32 to index
        %swap3A_493 = arith.constant 48 : index
        %swap3A_494 = tpu.vector_load %arg12[%swap3A_492, %swap3A_493] {strides = array<i32>} : memref<64x128xf32, #tpu.memory_space<vmem>>, vector<1x16xf32>,
        %swap3A_495 = vector.shape_cast %swap3A_494 : vector<1x16xf32> to vector<16xf32>
        %swap3A_496 = vector.shape_cast %mul3A_491 : vector<16xf32> to vector<1x16xf32>
        tpu.vector_store %arg12[%swap3A_492, %swap3A_493], %swap3A_496 {strides = array<i32>} : memref<64x128xf32, #tpu.memory_space<vmem>>, vector<1x16xf32>,
        %get3A_497 = arith.index_cast %scan3A_440 : i32 to index
        %get3A_498 = arith.constant 64 : index
        %get3A_499 = tpu.vector_load %arg12[%get3A_497, %get3A_498] {strides = array<i32>} : memref<64x128xf32, #tpu.memory_space<vmem>>, vector<1x16xf32>,
        %get3A_500 = vector.shape_cast %get3A_499 : vector<1x16xf32> to vector<16xf32>
        %get3A_501 = arith.index_cast %scan3A_440 : i32 to index
        %get3A_502 = arith.constant 64 : index
        %get3A_503 = tpu.vector_load %arg14[%get3A_501, %get3A_502] {strides = array<i32>} : memref<64x128xf32, #tpu.memory_space<vmem>>, vector<1x16xf32>,
        %get3A_504 = vector.shape_cast %get3A_503 : vector<1x16xf32> to vector<16xf32>
        %mul3A_505 = arith.mulf %get3A_500, %get3A_504 : vector<16xf32>
        %swap3A_506 = arith.index_cast %scan3A_440 : i32 to index
        %swap3A_507 = arith.constant 64 : index
        %swap3A_508 = tpu.vector_load %arg12[%swap3A_506, %swap3A_507] {strides = array<i32>} : memref<64x128xf32, #tpu.memory_space<vmem>>, vector<1x16xf32>,
        %swap3A_509 = vector.shape_cast %swap3A_508 : vector<1x16xf32> to vector<16xf32>
        %swap3A_510 = vector.shape_cast %mul3A_505 : vector<16xf32> to vector<1x16xf32>
        tpu.vector_store %arg12[%swap3A_506, %swap3A_507], %swap3A_510 {strides = array<i32>} : memref<64x128xf32, #tpu.memory_space<vmem>>, vector<1x16xf32>,
        %get3A_511 = arith.index_cast %scan3A_440 : i32 to index
        %get3A_512 = arith.constant 80 : index
        %get3A_513 = tpu.vector_load %arg12[%get3A_511, %get3A_512] {strides = array<i32>} : memref<64x128xf32, #tpu.memory_space<vmem>>, vector<1x16xf32>,
        %get3A_514 = vector.shape_cast %get3A_513 : vector<1x16xf32> to vector<16xf32>
        %get3A_515 = arith.index_cast %scan3A_440 : i32 to index
        %get3A_516 = arith.constant 80 : index
        %get3A_517 = tpu.vector_load %arg14[%get3A_515, %get3A_516] {strides = array<i32>} : memref<64x128xf32, #tpu.memory_space<vmem>>, vector<1x16xf32>,
        %get3A_518 = vector.shape_cast %get3A_517 : vector<1x16xf32> to vector<16xf32>
        %mul3A_519 = arith.mulf %get3A_514, %get3A_518 : vector<16xf32>
        %swap3A_520 = arith.index_cast %scan3A_440 : i32 to index
        %swap3A_521 = arith.constant 80 : index
        %swap3A_522 = tpu.vector_load %arg12[%swap3A_520, %swap3A_521] {strides = array<i32>} : memref<64x128xf32, #tpu.memory_space<vmem>>, vector<1x16xf32>,
        %swap3A_523 = vector.shape_cast %swap3A_522 : vector<1x16xf32> to vector<16xf32>
        %swap3A_524 = vector.shape_cast %mul3A_519 : vector<16xf32> to vector<1x16xf32>
        tpu.vector_store %arg12[%swap3A_520, %swap3A_521], %swap3A_524 {strides = array<i32>} : memref<64x128xf32, #tpu.memory_space<vmem>>, vector<1x16xf32>,
        %get3A_525 = arith.index_cast %scan3A_440 : i32 to index
        %get3A_526 = arith.constant 96 : index
        %get3A_527 = tpu.vector_load %arg12[%get3A_525, %get3A_526] {strides = array<i32>} : memref<64x128xf32, #tpu.memory_space<vmem>>, vector<1x16xf32>,
        %get3A_528 = vector.shape_cast %get3A_527 : vector<1x16xf32> to vector<16xf32>
        %get3A_529 = arith.index_cast %scan3A_440 : i32 to index
        %get3A_530 = arith.constant 96 : index
        %get3A_531 = tpu.vector_load %arg14[%get3A_529, %get3A_530] {strides = array<i32>} : memref<64x128xf32, #tpu.memory_space<vmem>>, vector<1x16xf32>,
        %get3A_532 = vector.shape_cast %get3A_531 : vector<1x16xf32> to vector<16xf32>
        %mul3A_533 = arith.mulf %get3A_528, %get3A_532 : vector<16xf32>
        %swap3A_534 = arith.index_cast %scan3A_440 : i32 to index
        %swap3A_535 = arith.constant 96 : index
        %swap3A_536 = tpu.vector_load %arg12[%swap3A_534, %swap3A_535] {strides = array<i32>} : memref<64x128xf32, #tpu.memory_space<vmem>>, vector<1x16xf32>,
        %swap3A_537 = vector.shape_cast %swap3A_536 : vector<1x16xf32> to vector<16xf32>
        %swap3A_538 = vector.shape_cast %mul3A_533 : vector<16xf32> to vector<1x16xf32>
        tpu.vector_store %arg12[%swap3A_534, %swap3A_535], %swap3A_538 {strides = array<i32>} : memref<64x128xf32, #tpu.memory_space<vmem>>, vector<1x16xf32>,
        %get3A_539 = arith.index_cast %scan3A_440 : i32 to index
        %get3A_540 = arith.constant 112 : index
        %get3A_541 = tpu.vector_load %arg12[%get3A_539, %get3A_540] {strides = array<i32>} : memref<64x128xf32, #tpu.memory_space<vmem>>, vector<1x16xf32>,
        %get3A_542 = vector.shape_cast %get3A_541 : vector<1x16xf32> to vector<16xf32>
        %get3A_543 = arith.index_cast %scan3A_440 : i32 to index
        %get3A_544 = arith.constant 112 : index
        %get3A_545 = tpu.vector_load %arg14[%get3A_543, %get3A_544] {strides = array<i32>} : memref<64x128xf32, #tpu.memory_space<vmem>>, vector<1x16xf32>,
        %get3A_546 = vector.shape_cast %get3A_545 : vector<1x16xf32> to vector<16xf32>
        %mul3A_547 = arith.mulf %get3A_542, %get3A_546 : vector<16xf32>
        %swap3A_548 = arith.index_cast %scan3A_440 : i32 to index
        %swap3A_549 = arith.constant 112 : index
        %swap3A_550 = tpu.vector_load %arg12[%swap3A_548, %swap3A_549] {strides = array<i32>} : memref<64x128xf32, #tpu.memory_space<vmem>>, vector<1x16xf32>,
        %swap3A_551 = vector.shape_cast %swap3A_550 : vector<1x16xf32> to vector<16xf32>
        %swap3A_552 = vector.shape_cast %mul3A_547 : vector<16xf32> to vector<1x16xf32>
        tpu.vector_store %arg12[%swap3A_548, %swap3A_549], %swap3A_552 {strides = array<i32>} : memref<64x128xf32, #tpu.memory_space<vmem>>, vector<1x16xf32>,
        %scan3A_553 = arith.constant 0 : i32
        %scan3A_554 = arith.constant 1 : i32
        %scan3A_555 = arith.addi %scan3A_440, %scan3A_554 : i32
        %get3A_556 = arith.index_cast %scan3A_555 : i32 to index
        %get3A_557 = arith.constant 0 : index
        %get3A_558 = tpu.vector_load %arg12[%get3A_556, %get3A_557] {strides = array<i32>} : memref<64x128xf32, #tpu.memory_space<vmem>>, vector<1x16xf32>,
        %get3A_559 = vector.shape_cast %get3A_558 : vector<1x16xf32> to vector<16xf32>
        %get3A_560 = arith.index_cast %scan3A_555 : i32 to index
        %get3A_561 = arith.constant 0 : index
        %get3A_562 = tpu.vector_load %arg14[%get3A_560, %get3A_561] {strides = array<i32>} : memref<64x128xf32, #tpu.memory_space<vmem>>, vector<1x16xf32>,
        %get3A_563 = vector.shape_cast %get3A_562 : vector<1x16xf32> to vector<16xf32>
        %mul3A_564 = arith.mulf %get3A_559, %get3A_563 : vector<16xf32>
        %swap3A_565 = arith.index_cast %scan3A_555 : i32 to index
        %swap3A_566 = arith.constant 0 : index
        %swap3A_567 = tpu.vector_load %arg12[%swap3A_565, %swap3A_566] {strides = array<i32>} : memref<64x128xf32, #tpu.memory_space<vmem>>, vector<1x16xf32>,
        %swap3A_568 = vector.shape_cast %swap3A_567 : vector<1x16xf32> to vector<16xf32>
        %swap3A_569 = vector.shape_cast %mul3A_564 : vector<16xf32> to vector<1x16xf32>
        tpu.vector_store %arg12[%swap3A_565, %swap3A_566], %swap3A_569 {strides = array<i32>} : memref<64x128xf32, #tpu.memory_space<vmem>>, vector<1x16xf32>,
        %get3A_570 = arith.index_cast %scan3A_555 : i32 to index
        %get3A_571 = arith.constant 16 : index
        %get3A_572 = tpu.vector_load %arg12[%get3A_570, %get3A_571] {strides = array<i32>} : memref<64x128xf32, #tpu.memory_space<vmem>>, vector<1x16xf32>,
        %get3A_573 = vector.shape_cast %get3A_572 : vector<1x16xf32> to vector<16xf32>
        %get3A_574 = arith.index_cast %scan3A_555 : i32 to index
        %get3A_575 = arith.constant 16 : index
        %get3A_576 = tpu.vector_load %arg14[%get3A_574, %get3A_575] {strides = array<i32>} : memref<64x128xf32, #tpu.memory_space<vmem>>, vector<1x16xf32>,
        %get3A_577 = vector.shape_cast %get3A_576 : vector<1x16xf32> to vector<16xf32>
        %mul3A_578 = arith.mulf %get3A_573, %get3A_577 : vector<16xf32>
        %swap3A_579 = arith.index_cast %scan3A_555 : i32 to index
        %swap3A_580 = arith.constant 16 : index
        %swap3A_581 = tpu.vector_load %arg12[%swap3A_579, %swap3A_580] {strides = array<i32>} : memref<64x128xf32, #tpu.memory_space<vmem>>, vector<1x16xf32>,
        %swap3A_582 = vector.shape_cast %swap3A_581 : vector<1x16xf32> to vector<16xf32>
        %swap3A_583 = vector.shape_cast %mul3A_578 : vector<16xf32> to vector<1x16xf32>
        tpu.vector_store %arg12[%swap3A_579, %swap3A_580], %swap3A_583 {strides = array<i32>} : memref<64x128xf32, #tpu.memory_space<vmem>>, vector<1x16xf32>,
        %get3A_584 = arith.index_cast %scan3A_555 : i32 to index
        %get3A_585 = arith.constant 32 : index
        %get3A_586 = tpu.vector_load %arg12[%get3A_584, %get3A_585] {strides = array<i32>} : memref<64x128xf32, #tpu.memory_space<vmem>>, vector<1x16xf32>,
        %get3A_587 = vector.shape_cast %get3A_586 : vector<1x16xf32> to vector<16xf32>
        %get3A_588 = arith.index_cast %scan3A_555 : i32 to index
        %get3A_589 = arith.constant 32 : index
        %get3A_590 = tpu.vector_load %arg14[%get3A_588, %get3A_589] {strides = array<i32>} : memref<64x128xf32, #tpu.memory_space<vmem>>, vector<1x16xf32>,
        %get3A_591 = vector.shape_cast %get3A_590 : vector<1x16xf32> to vector<16xf32>
        %mul3A_592 = arith.mulf %get3A_587, %get3A_591 : vector<16xf32>
        %swap3A_593 = arith.index_cast %scan3A_555 : i32 to index
        %swap3A_594 = arith.constant 32 : index
        %swap3A_595 = tpu.vector_load %arg12[%swap3A_593, %swap3A_594] {strides = array<i32>} : memref<64x128xf32, #tpu.memory_space<vmem>>, vector<1x16xf32>,
        %swap3A_596 = vector.shape_cast %swap3A_595 : vector<1x16xf32> to vector<16xf32>
        %swap3A_597 = vector.shape_cast %mul3A_592 : vector<16xf32> to vector<1x16xf32>
        tpu.vector_store %arg12[%swap3A_593, %swap3A_594], %swap3A_597 {strides = array<i32>} : memref<64x128xf32, #tpu.memory_space<vmem>>, vector<1x16xf32>,
        %get3A_598 = arith.index_cast %scan3A_555 : i32 to index
        %get3A_599 = arith.constant 48 : index
        %get3A_600 = tpu.vector_load %arg12[%get3A_598, %get3A_599] {strides = array<i32>} : memref<64x128xf32, #tpu.memory_space<vmem>>, vector<1x16xf32>,
        %get3A_601 = vector.shape_cast %get3A_600 : vector<1x16xf32> to vector<16xf32>
        %get3A_602 = arith.index_cast %scan3A_555 : i32 to index
        %get3A_603 = arith.constant 48 : index
        %get3A_604 = tpu.vector_load %arg14[%get3A_602, %get3A_603] {strides = array<i32>} : memref<64x128xf32, #tpu.memory_space<vmem>>, vector<1x16xf32>,
        %get3A_605 = vector.shape_cast %get3A_604 : vector<1x16xf32> to vector<16xf32>
        %mul3A_606 = arith.mulf %get3A_601, %get3A_605 : vector<16xf32>
        %swap3A_607 = arith.index_cast %scan3A_555 : i32 to index
        %swap3A_608 = arith.constant 48 : index
        %swap3A_609 = tpu.vector_load %arg12[%swap3A_607, %swap3A_608] {strides = array<i32>} : memref<64x128xf32, #tpu.memory_space<vmem>>, vector<1x16xf32>,
        %swap3A_610 = vector.shape_cast %swap3A_609 : vector<1x16xf32> to vector<16xf32>
        %swap3A_611 = vector.shape_cast %mul3A_606 : vector<16xf32> to vector<1x16xf32>
        tpu.vector_store %arg12[%swap3A_607, %swap3A_608], %swap3A_611 {strides = array<i32>} : memref<64x128xf32, #tpu.memory_space<vmem>>, vector<1x16xf32>,
        %get3A_612 = arith.index_cast %scan3A_555 : i32 to index
        %get3A_613 = arith.constant 64 : index
        %get3A_614 = tpu.vector_load %arg12[%get3A_612, %get3A_613] {strides = array<i32>} : memref<64x128xf32, #tpu.memory_space<vmem>>, vector<1x16xf32>,
        %get3A_615 = vector.shape_cast %get3A_614 : vector<1x16xf32> to vector<16xf32>
        %get3A_616 = arith.index_cast %scan3A_555 : i32 to index
        %get3A_617 = arith.constant 64 : index
        %get3A_618 = tpu.vector_load %arg14[%get3A_616, %get3A_617] {strides = array<i32>} : memref<64x128xf32, #tpu.memory_space<vmem>>, vector<1x16xf32>,
        %get3A_619 = vector.shape_cast %get3A_618 : vector<1x16xf32> to vector<16xf32>
        %mul3A_620 = arith.mulf %get3A_615, %get3A_619 : vector<16xf32>
        %swap3A_621 = arith.index_cast %scan3A_555 : i32 to index
        %swap3A_622 = arith.constant 64 : index
        %swap3A_623 = tpu.vector_load %arg12[%swap3A_621, %swap3A_622] {strides = array<i32>} : memref<64x128xf32, #tpu.memory_space<vmem>>, vector<1x16xf32>,
        %swap3A_624 = vector.shape_cast %swap3A_623 : vector<1x16xf32> to vector<16xf32>
        %swap3A_625 = vector.shape_cast %mul3A_620 : vector<16xf32> to vector<1x16xf32>
        tpu.vector_store %arg12[%swap3A_621, %swap3A_622], %swap3A_625 {strides = array<i32>} : memref<64x128xf32, #tpu.memory_space<vmem>>, vector<1x16xf32>,
        %get3A_626 = arith.index_cast %scan3A_555 : i32 to index
        %get3A_627 = arith.constant 80 : index
        %get3A_628 = tpu.vector_load %arg12[%get3A_626, %get3A_627] {strides = array<i32>} : memref<64x128xf32, #tpu.memory_space<vmem>>, vector<1x16xf32>,
        %get3A_629 = vector.shape_cast %get3A_628 : vector<1x16xf32> to vector<16xf32>
        %get3A_630 = arith.index_cast %scan3A_555 : i32 to index
        %get3A_631 = arith.constant 80 : index
        %get3A_632 = tpu.vector_load %arg14[%get3A_630, %get3A_631] {strides = array<i32>} : memref<64x128xf32, #tpu.memory_space<vmem>>, vector<1x16xf32>,
        %get3A_633 = vector.shape_cast %get3A_632 : vector<1x16xf32> to vector<16xf32>
        %mul3A_634 = arith.mulf %get3A_629, %get3A_633 : vector<16xf32>
        %swap3A_635 = arith.index_cast %scan3A_555 : i32 to index
        %swap3A_636 = arith.constant 80 : index
        %swap3A_637 = tpu.vector_load %arg12[%swap3A_635, %swap3A_636] {strides = array<i32>} : memref<64x128xf32, #tpu.memory_space<vmem>>, vector<1x16xf32>,
        %swap3A_638 = vector.shape_cast %swap3A_637 : vector<1x16xf32> to vector<16xf32>
        %swap3A_639 = vector.shape_cast %mul3A_634 : vector<16xf32> to vector<1x16xf32>
        tpu.vector_store %arg12[%swap3A_635, %swap3A_636], %swap3A_639 {strides = array<i32>} : memref<64x128xf32, #tpu.memory_space<vmem>>, vector<1x16xf32>,
        %get3A_640 = arith.index_cast %scan3A_555 : i32 to index
        %get3A_641 = arith.constant 96 : index
        %get3A_642 = tpu.vector_load %arg12[%get3A_640, %get3A_641] {strides = array<i32>} : memref<64x128xf32, #tpu.memory_space<vmem>>, vector<1x16xf32>,
        %get3A_643 = vector.shape_cast %get3A_642 : vector<1x16xf32> to vector<16xf32>
        %get3A_644 = arith.index_cast %scan3A_555 : i32 to index
        %get3A_645 = arith.constant 96 : index
        %get3A_646 = tpu.vector_load %arg14[%get3A_644, %get3A_645] {strides = array<i32>} : memref<64x128xf32, #tpu.memory_space<vmem>>, vector<1x16xf32>,
        %get3A_647 = vector.shape_cast %get3A_646 : vector<1x16xf32> to vector<16xf32>
        %mul3A_648 = arith.mulf %get3A_643, %get3A_647 : vector<16xf32>
        %swap3A_649 = arith.index_cast %scan3A_555 : i32 to index
        %swap3A_650 = arith.constant 96 : index
        %swap3A_651 = tpu.vector_load %arg12[%swap3A_649, %swap3A_650] {strides = array<i32>} : memref<64x128xf32, #tpu.memory_space<vmem>>, vector<1x16xf32>,
        %swap3A_652 = vector.shape_cast %swap3A_651 : vector<1x16xf32> to vector<16xf32>
        %swap3A_653 = vector.shape_cast %mul3A_648 : vector<16xf32> to vector<1x16xf32>
        tpu.vector_store %arg12[%swap3A_649, %swap3A_650], %swap3A_653 {strides = array<i32>} : memref<64x128xf32, #tpu.memory_space<vmem>>, vector<1x16xf32>,
        %get3A_654 = arith.index_cast %scan3A_555 : i32 to index
        %get3A_655 = arith.constant 112 : index
        %get3A_656 = tpu.vector_load %arg12[%get3A_654, %get3A_655] {strides = array<i32>} : memref<64x128xf32, #tpu.memory_space<vmem>>, vector<1x16xf32>,
        %get3A_657 = vector.shape_cast %get3A_656 : vector<1x16xf32> to vector<16xf32>
        %get3A_658 = arith.index_cast %scan3A_555 : i32 to index
        %get3A_659 = arith.constant 112 : index
        %get3A_660 = tpu.vector_load %arg14[%get3A_658, %get3A_659] {strides = array<i32>} : memref<64x128xf32, #tpu.memory_space<vmem>>, vector<1x16xf32>,
        %get3A_661 = vector.shape_cast %get3A_660 : vector<1x16xf32> to vector<16xf32>
        %mul3A_662 = arith.mulf %get3A_657, %get3A_661 : vector<16xf32>
        %swap3A_663 = arith.index_cast %scan3A_555 : i32 to index
        %swap3A_664 = arith.constant 112 : index
        %swap3A_665 = tpu.vector_load %arg12[%swap3A_663, %swap3A_664] {strides = array<i32>} : memref<64x128xf32, #tpu.memory_space<vmem>>, vector<1x16xf32>,
        %swap3A_666 = vector.shape_cast %swap3A_665 : vector<1x16xf32> to vector<16xf32>
        %swap3A_667 = vector.shape_cast %mul3A_662 : vector<16xf32> to vector<1x16xf32>
        tpu.vector_store %arg12[%swap3A_663, %swap3A_664], %swap3A_667 {strides = array<i32>} : memref<64x128xf32, #tpu.memory_space<vmem>>, vector<1x16xf32>,
        %scan3A_668 = arith.constant 0 : i32
        %scan3A_669 = arith.constant 2 : i32
        %scan3A_670 = arith.addi %scan3A_440, %scan3A_669 : i32
        %get3A_671 = arith.index_cast %scan3A_670 : i32 to index
        %get3A_672 = arith.constant 0 : index
        %get3A_673 = tpu.vector_load %arg12[%get3A_671, %get3A_672] {strides = array<i32>} : memref<64x128xf32, #tpu.memory_space<vmem>>, vector<1x16xf32>,
        %get3A_674 = vector.shape_cast %get3A_673 : vector<1x16xf32> to vector<16xf32>
        %get3A_675 = arith.index_cast %scan3A_670 : i32 to index
        %get3A_676 = arith.constant 0 : index
        %get3A_677 = tpu.vector_load %arg14[%get3A_675, %get3A_676] {strides = array<i32>} : memref<64x128xf32, #tpu.memory_space<vmem>>, vector<1x16xf32>,
        %get3A_678 = vector.shape_cast %get3A_677 : vector<1x16xf32> to vector<16xf32>
        %mul3A_679 = arith.mulf %get3A_674, %get3A_678 : vector<16xf32>
        %swap3A_680 = arith.index_cast %scan3A_670 : i32 to index
        %swap3A_681 = arith.constant 0 : index
        %swap3A_682 = tpu.vector_load %arg12[%swap3A_680, %swap3A_681] {strides = array<i32>} : memref<64x128xf32, #tpu.memory_space<vmem>>, vector<1x16xf32>,
        %swap3A_683 = vector.shape_cast %swap3A_682 : vector<1x16xf32> to vector<16xf32>
        %swap3A_684 = vector.shape_cast %mul3A_679 : vector<16xf32> to vector<1x16xf32>
        tpu.vector_store %arg12[%swap3A_680, %swap3A_681], %swap3A_684 {strides = array<i32>} : memref<64x128xf32, #tpu.memory_space<vmem>>, vector<1x16xf32>,
        %get3A_685 = arith.index_cast %scan3A_670 : i32 to index
        %get3A_686 = arith.constant 16 : index
        %get3A_687 = tpu.vector_load %arg12[%get3A_685, %get3A_686] {strides = array<i32>} : memref<64x128xf32, #tpu.memory_space<vmem>>, vector<1x16xf32>,
        %get3A_688 = vector.shape_cast %get3A_687 : vector<1x16xf32> to vector<16xf32>
        %get3A_689 = arith.index_cast %scan3A_670 : i32 to index
        %get3A_690 = arith.constant 16 : index
        %get3A_691 = tpu.vector_load %arg14[%get3A_689, %get3A_690] {strides = array<i32>} : memref<64x128xf32, #tpu.memory_space<vmem>>, vector<1x16xf32>,
        %get3A_692 = vector.shape_cast %get3A_691 : vector<1x16xf32> to vector<16xf32>
        %mul3A_693 = arith.mulf %get3A_688, %get3A_692 : vector<16xf32>
        %swap3A_694 = arith.index_cast %scan3A_670 : i32 to index
        %swap3A_695 = arith.constant 16 : index
        %swap3A_696 = tpu.vector_load %arg12[%swap3A_694, %swap3A_695] {strides = array<i32>} : memref<64x128xf32, #tpu.memory_space<vmem>>, vector<1x16xf32>,
        %swap3A_697 = vector.shape_cast %swap3A_696 : vector<1x16xf32> to vector<16xf32>
        %swap3A_698 = vector.shape_cast %mul3A_693 : vector<16xf32> to vector<1x16xf32>
        tpu.vector_store %arg12[%swap3A_694, %swap3A_695], %swap3A_698 {strides = array<i32>} : memref<64x128xf32, #tpu.memory_space<vmem>>, vector<1x16xf32>,
        %get3A_699 = arith.index_cast %scan3A_670 : i32 to index
        %get3A_700 = arith.constant 32 : index
        %get3A_701 = tpu.vector_load %arg12[%get3A_699, %get3A_700] {strides = array<i32>} : memref<64x128xf32, #tpu.memory_space<vmem>>, vector<1x16xf32>,
        %get3A_702 = vector.shape_cast %get3A_701 : vector<1x16xf32> to vector<16xf32>
        %get3A_703 = arith.index_cast %scan3A_670 : i32 to index
        %get3A_704 = arith.constant 32 : index
        %get3A_705 = tpu.vector_load %arg14[%get3A_703, %get3A_704] {strides = array<i32>} : memref<64x128xf32, #tpu.memory_space<vmem>>, vector<1x16xf32>,
        %get3A_706 = vector.shape_cast %get3A_705 : vector<1x16xf32> to vector<16xf32>
        %mul3A_707 = arith.mulf %get3A_702, %get3A_706 : vector<16xf32>
        %swap3A_708 = arith.index_cast %scan3A_670 : i32 to index
        %swap3A_709 = arith.constant 32 : index
        %swap3A_710 = tpu.vector_load %arg12[%swap3A_708, %swap3A_709] {strides = array<i32>} : memref<64x128xf32, #tpu.memory_space<vmem>>, vector<1x16xf32>,
        %swap3A_711 = vector.shape_cast %swap3A_710 : vector<1x16xf32> to vector<16xf32>
        %swap3A_712 = vector.shape_cast %mul3A_707 : vector<16xf32> to vector<1x16xf32>
        tpu.vector_store %arg12[%swap3A_708, %swap3A_709], %swap3A_712 {strides = array<i32>} : memref<64x128xf32, #tpu.memory_space<vmem>>, vector<1x16xf32>,
        %get3A_713 = arith.index_cast %scan3A_670 : i32 to index
        %get3A_714 = arith.constant 48 : index
        %get3A_715 = tpu.vector_load %arg12[%get3A_713, %get3A_714] {strides = array<i32>} : memref<64x128xf32, #tpu.memory_space<vmem>>, vector<1x16xf32>,
        %get3A_716 = vector.shape_cast %get3A_715 : vector<1x16xf32> to vector<16xf32>
        %get3A_717 = arith.index_cast %scan3A_670 : i32 to index
        %get3A_718 = arith.constant 48 : index
        %get3A_719 = tpu.vector_load %arg14[%get3A_717, %get3A_718] {strides = array<i32>} : memref<64x128xf32, #tpu.memory_space<vmem>>, vector<1x16xf32>,
        %get3A_720 = vector.shape_cast %get3A_719 : vector<1x16xf32> to vector<16xf32>
        %mul3A_721 = arith.mulf %get3A_716, %get3A_720 : vector<16xf32>
        %swap3A_722 = arith.index_cast %scan3A_670 : i32 to index
        %swap3A_723 = arith.constant 48 : index
        %swap3A_724 = tpu.vector_load %arg12[%swap3A_722, %swap3A_723] {strides = array<i32>} : memref<64x128xf32, #tpu.memory_space<vmem>>, vector<1x16xf32>,
        %swap3A_725 = vector.shape_cast %swap3A_724 : vector<1x16xf32> to vector<16xf32>
        %swap3A_726 = vector.shape_cast %mul3A_721 : vector<16xf32> to vector<1x16xf32>
        tpu.vector_store %arg12[%swap3A_722, %swap3A_723], %swap3A_726 {strides = array<i32>} : memref<64x128xf32, #tpu.memory_space<vmem>>, vector<1x16xf32>,
        %get3A_727 = arith.index_cast %scan3A_670 : i32 to index
        %get3A_728 = arith.constant 64 : index
        %get3A_729 = tpu.vector_load %arg12[%get3A_727, %get3A_728] {strides = array<i32>} : memref<64x128xf32, #tpu.memory_space<vmem>>, vector<1x16xf32>,
        %get3A_730 = vector.shape_cast %get3A_729 : vector<1x16xf32> to vector<16xf32>
        %get3A_731 = arith.index_cast %scan3A_670 : i32 to index
        %get3A_732 = arith.constant 64 : index
        %get3A_733 = tpu.vector_load %arg14[%get3A_731, %get3A_732] {strides = array<i32>} : memref<64x128xf32, #tpu.memory_space<vmem>>, vector<1x16xf32>,
        %get3A_734 = vector.shape_cast %get3A_733 : vector<1x16xf32> to vector<16xf32>
        %mul3A_735 = arith.mulf %get3A_730, %get3A_734 : vector<16xf32>
        %swap3A_736 = arith.index_cast %scan3A_670 : i32 to index
        %swap3A_737 = arith.constant 64 : index
        %swap3A_738 = tpu.vector_load %arg12[%swap3A_736, %swap3A_737] {strides = array<i32>} : memref<64x128xf32, #tpu.memory_space<vmem>>, vector<1x16xf32>,
        %swap3A_739 = vector.shape_cast %swap3A_738 : vector<1x16xf32> to vector<16xf32>
        %swap3A_740 = vector.shape_cast %mul3A_735 : vector<16xf32> to vector<1x16xf32>
        tpu.vector_store %arg12[%swap3A_736, %swap3A_737], %swap3A_740 {strides = array<i32>} : memref<64x128xf32, #tpu.memory_space<vmem>>, vector<1x16xf32>,
        %get3A_741 = arith.index_cast %scan3A_670 : i32 to index
        %get3A_742 = arith.constant 80 : index
        %get3A_743 = tpu.vector_load %arg12[%get3A_741, %get3A_742] {strides = array<i32>} : memref<64x128xf32, #tpu.memory_space<vmem>>, vector<1x16xf32>,
        %get3A_744 = vector.shape_cast %get3A_743 : vector<1x16xf32> to vector<16xf32>
        %get3A_745 = arith.index_cast %scan3A_670 : i32 to index
        %get3A_746 = arith.constant 80 : index
        %get3A_747 = tpu.vector_load %arg14[%get3A_745, %get3A_746] {strides = array<i32>} : memref<64x128xf32, #tpu.memory_space<vmem>>, vector<1x16xf32>,
        %get3A_748 = vector.shape_cast %get3A_747 : vector<1x16xf32> to vector<16xf32>
        %mul3A_749 = arith.mulf %get3A_744, %get3A_748 : vector<16xf32>
        %swap3A_750 = arith.index_cast %scan3A_670 : i32 to index
        %swap3A_751 = arith.constant 80 : index
        %swap3A_752 = tpu.vector_load %arg12[%swap3A_750, %swap3A_751] {strides = array<i32>} : memref<64x128xf32, #tpu.memory_space<vmem>>, vector<1x16xf32>,
        %swap3A_753 = vector.shape_cast %swap3A_752 : vector<1x16xf32> to vector<16xf32>
        %swap3A_754 = vector.shape_cast %mul3A_749 : vector<16xf32> to vector<1x16xf32>
        tpu.vector_store %arg12[%swap3A_750, %swap3A_751], %swap3A_754 {strides = array<i32>} : memref<64x128xf32, #tpu.memory_space<vmem>>, vector<1x16xf32>,
        %get3A_755 = arith.index_cast %scan3A_670 : i32 to index
        %get3A_756 = arith.constant 96 : index
        %get3A_757 = tpu.vector_load %arg12[%get3A_755, %get3A_756] {strides = array<i32>} : memref<64x128xf32, #tpu.memory_space<vmem>>, vector<1x16xf32>,
        %get3A_758 = vector.shape_cast %get3A_757 : vector<1x16xf32> to vector<16xf32>
        %get3A_759 = arith.index_cast %scan3A_670 : i32 to index
        %get3A_760 = arith.constant 96 : index
        %get3A_761 = tpu.vector_load %arg14[%get3A_759, %get3A_760] {strides = array<i32>} : memref<64x128xf32, #tpu.memory_space<vmem>>, vector<1x16xf32>,
        %get3A_762 = vector.shape_cast %get3A_761 : vector<1x16xf32> to vector<16xf32>
        %mul3A_763 = arith.mulf %get3A_758, %get3A_762 : vector<16xf32>
        %swap3A_764 = arith.index_cast %scan3A_670 : i32 to index
        %swap3A_765 = arith.constant 96 : index
        %swap3A_766 = tpu.vector_load %arg12[%swap3A_764, %swap3A_765] {strides = array<i32>} : memref<64x128xf32, #tpu.memory_space<vmem>>, vector<1x16xf32>,
        %swap3A_767 = vector.shape_cast %swap3A_766 : vector<1x16xf32> to vector<16xf32>
        %swap3A_768 = vector.shape_cast %mul3A_763 : vector<16xf32> to vector<1x16xf32>
        tpu.vector_store %arg12[%swap3A_764, %swap3A_765], %swap3A_768 {strides = array<i32>} : memref<64x128xf32, #tpu.memory_space<vmem>>, vector<1x16xf32>,
        %get3A_769 = arith.index_cast %scan3A_670 : i32 to index
        %get3A_770 = arith.constant 112 : index
        %get3A_771 = tpu.vector_load %arg12[%get3A_769, %get3A_770] {strides = array<i32>} : memref<64x128xf32, #tpu.memory_space<vmem>>, vector<1x16xf32>,
        %get3A_772 = vector.shape_cast %get3A_771 : vector<1x16xf32> to vector<16xf32>
        %get3A_773 = arith.index_cast %scan3A_670 : i32 to index
        %get3A_774 = arith.constant 112 : index
        %get3A_775 = tpu.vector_load %arg14[%get3A_773, %get3A_774] {strides = array<i32>} : memref<64x128xf32, #tpu.memory_space<vmem>>, vector<1x16xf32>,
        %get3A_776 = vector.shape_cast %get3A_775 : vector<1x16xf32> to vector<16xf32>
        %mul3A_777 = arith.mulf %get3A_772, %get3A_776 : vector<16xf32>
        %swap3A_778 = arith.index_cast %scan3A_670 : i32 to index
        %swap3A_779 = arith.constant 112 : index
        %swap3A_780 = tpu.vector_load %arg12[%swap3A_778, %swap3A_779] {strides = array<i32>} : memref<64x128xf32, #tpu.memory_space<vmem>>, vector<1x16xf32>,
        %swap3A_781 = vector.shape_cast %swap3A_780 : vector<1x16xf32> to vector<16xf32>
        %swap3A_782 = vector.shape_cast %mul3A_777 : vector<16xf32> to vector<1x16xf32>
        tpu.vector_store %arg12[%swap3A_778, %swap3A_779], %swap3A_782 {strides = array<i32>} : memref<64x128xf32, #tpu.memory_space<vmem>>, vector<1x16xf32>,
        %scan3A_783 = arith.constant 0 : i32
        %scan3A_784 = arith.constant 3 : i32
        %scan3A_785 = arith.addi %scan3A_440, %scan3A_784 : i32
        %get3A_786 = arith.index_cast %scan3A_785 : i32 to index
        %get3A_787 = arith.constant 0 : index
        %get3A_788 = tpu.vector_load %arg12[%get3A_786, %get3A_787] {strides = array<i32>} : memref<64x128xf32, #tpu.memory_space<vmem>>, vector<1x16xf32>,
        %get3A_789 = vector.shape_cast %get3A_788 : vector<1x16xf32> to vector<16xf32>
        %get3A_790 = arith.index_cast %scan3A_785 : i32 to index
        %get3A_791 = arith.constant 0 : index
        %get3A_792 = tpu.vector_load %arg14[%get3A_790, %get3A_791] {strides = array<i32>} : memref<64x128xf32, #tpu.memory_space<vmem>>, vector<1x16xf32>,
        %get3A_793 = vector.shape_cast %get3A_792 : vector<1x16xf32> to vector<16xf32>
        %mul3A_794 = arith.mulf %get3A_789, %get3A_793 : vector<16xf32>
        %swap3A_795 = arith.index_cast %scan3A_785 : i32 to index
        %swap3A_796 = arith.constant 0 : index
        %swap3A_797 = tpu.vector_load %arg12[%swap3A_795, %swap3A_796] {strides = array<i32>} : memref<64x128xf32, #tpu.memory_space<vmem>>, vector<1x16xf32>,
        %swap3A_798 = vector.shape_cast %swap3A_797 : vector<1x16xf32> to vector<16xf32>
        %swap3A_799 = vector.shape_cast %mul3A_794 : vector<16xf32> to vector<1x16xf32>
        tpu.vector_store %arg12[%swap3A_795, %swap3A_796], %swap3A_799 {strides = array<i32>} : memref<64x128xf32, #tpu.memory_space<vmem>>, vector<1x16xf32>,
        %get3A_800 = arith.index_cast %scan3A_785 : i32 to index
        %get3A_801 = arith.constant 16 : index
        %get3A_802 = tpu.vector_load %arg12[%get3A_800, %get3A_801] {strides = array<i32>} : memref<64x128xf32, #tpu.memory_space<vmem>>, vector<1x16xf32>,
        %get3A_803 = vector.shape_cast %get3A_802 : vector<1x16xf32> to vector<16xf32>
        %get3A_804 = arith.index_cast %scan3A_785 : i32 to index
        %get3A_805 = arith.constant 16 : index
        %get3A_806 = tpu.vector_load %arg14[%get3A_804, %get3A_805] {strides = array<i32>} : memref<64x128xf32, #tpu.memory_space<vmem>>, vector<1x16xf32>,
        %get3A_807 = vector.shape_cast %get3A_806 : vector<1x16xf32> to vector<16xf32>
        %mul3A_808 = arith.mulf %get3A_803, %get3A_807 : vector<16xf32>
        %swap3A_809 = arith.index_cast %scan3A_785 : i32 to index
        %swap3A_810 = arith.constant 16 : index
        %swap3A_811 = tpu.vector_load %arg12[%swap3A_809, %swap3A_810] {strides = array<i32>} : memref<64x128xf32, #tpu.memory_space<vmem>>, vector<1x16xf32>,
        %swap3A_812 = vector.shape_cast %swap3A_811 : vector<1x16xf32> to vector<16xf32>
        %swap3A_813 = vector.shape_cast %mul3A_808 : vector<16xf32> to vector<1x16xf32>
        tpu.vector_store %arg12[%swap3A_809, %swap3A_810], %swap3A_813 {strides = array<i32>} : memref<64x128xf32, #tpu.memory_space<vmem>>, vector<1x16xf32>,
        %get3A_814 = arith.index_cast %scan3A_785 : i32 to index
        %get3A_815 = arith.constant 32 : index
        %get3A_816 = tpu.vector_load %arg12[%get3A_814, %get3A_815] {strides = array<i32>} : memref<64x128xf32, #tpu.memory_space<vmem>>, vector<1x16xf32>,
        %get3A_817 = vector.shape_cast %get3A_816 : vector<1x16xf32> to vector<16xf32>
        %get3A_818 = arith.index_cast %scan3A_785 : i32 to index
        %get3A_819 = arith.constant 32 : index
        %get3A_820 = tpu.vector_load %arg14[%get3A_818, %get3A_819] {strides = array<i32>} : memref<64x128xf32, #tpu.memory_space<vmem>>, vector<1x16xf32>,
        %get3A_821 = vector.shape_cast %get3A_820 : vector<1x16xf32> to vector<16xf32>
        %mul3A_822 = arith.mulf %get3A_817, %get3A_821 : vector<16xf32>
        %swap3A_823 = arith.index_cast %scan3A_785 : i32 to index
        %swap3A_824 = arith.constant 32 : index
        %swap3A_825 = tpu.vector_load %arg12[%swap3A_823, %swap3A_824] {strides = array<i32>} : memref<64x128xf32, #tpu.memory_space<vmem>>, vector<1x16xf32>,
        %swap3A_826 = vector.shape_cast %swap3A_825 : vector<1x16xf32> to vector<16xf32>
        %swap3A_827 = vector.shape_cast %mul3A_822 : vector<16xf32> to vector<1x16xf32>
        tpu.vector_store %arg12[%swap3A_823, %swap3A_824], %swap3A_827 {strides = array<i32>} : memref<64x128xf32, #tpu.memory_space<vmem>>, vector<1x16xf32>,
        %get3A_828 = arith.index_cast %scan3A_785 : i32 to index
        %get3A_829 = arith.constant 48 : index
        %get3A_830 = tpu.vector_load %arg12[%get3A_828, %get3A_829] {strides = array<i32>} : memref<64x128xf32, #tpu.memory_space<vmem>>, vector<1x16xf32>,
        %get3A_831 = vector.shape_cast %get3A_830 : vector<1x16xf32> to vector<16xf32>
        %get3A_832 = arith.index_cast %scan3A_785 : i32 to index
        %get3A_833 = arith.constant 48 : index
        %get3A_834 = tpu.vector_load %arg14[%get3A_832, %get3A_833] {strides = array<i32>} : memref<64x128xf32, #tpu.memory_space<vmem>>, vector<1x16xf32>,
        %get3A_835 = vector.shape_cast %get3A_834 : vector<1x16xf32> to vector<16xf32>
        %mul3A_836 = arith.mulf %get3A_831, %get3A_835 : vector<16xf32>
        %swap3A_837 = arith.index_cast %scan3A_785 : i32 to index
        %swap3A_838 = arith.constant 48 : index
        %swap3A_839 = tpu.vector_load %arg12[%swap3A_837, %swap3A_838] {strides = array<i32>} : memref<64x128xf32, #tpu.memory_space<vmem>>, vector<1x16xf32>,
        %swap3A_840 = vector.shape_cast %swap3A_839 : vector<1x16xf32> to vector<16xf32>
        %swap3A_841 = vector.shape_cast %mul3A_836 : vector<16xf32> to vector<1x16xf32>
        tpu.vector_store %arg12[%swap3A_837, %swap3A_838], %swap3A_841 {strides = array<i32>} : memref<64x128xf32, #tpu.memory_space<vmem>>, vector<1x16xf32>,
        %get3A_842 = arith.index_cast %scan3A_785 : i32 to index
        %get3A_843 = arith.constant 64 : index
        %get3A_844 = tpu.vector_load %arg12[%get3A_842, %get3A_843] {strides = array<i32>} : memref<64x128xf32, #tpu.memory_space<vmem>>, vector<1x16xf32>,
        %get3A_845 = vector.shape_cast %get3A_844 : vector<1x16xf32> to vector<16xf32>
        %get3A_846 = arith.index_cast %scan3A_785 : i32 to index
        %get3A_847 = arith.constant 64 : index
        %get3A_848 = tpu.vector_load %arg14[%get3A_846, %get3A_847] {strides = array<i32>} : memref<64x128xf32, #tpu.memory_space<vmem>>, vector<1x16xf32>,
        %get3A_849 = vector.shape_cast %get3A_848 : vector<1x16xf32> to vector<16xf32>
        %mul3A_850 = arith.mulf %get3A_845, %get3A_849 : vector<16xf32>
        %swap3A_851 = arith.index_cast %scan3A_785 : i32 to index
        %swap3A_852 = arith.constant 64 : index
        %swap3A_853 = tpu.vector_load %arg12[%swap3A_851, %swap3A_852] {strides = array<i32>} : memref<64x128xf32, #tpu.memory_space<vmem>>, vector<1x16xf32>,
        %swap3A_854 = vector.shape_cast %swap3A_853 : vector<1x16xf32> to vector<16xf32>
        %swap3A_855 = vector.shape_cast %mul3A_850 : vector<16xf32> to vector<1x16xf32>
        tpu.vector_store %arg12[%swap3A_851, %swap3A_852], %swap3A_855 {strides = array<i32>} : memref<64x128xf32, #tpu.memory_space<vmem>>, vector<1x16xf32>,
        %get3A_856 = arith.index_cast %scan3A_785 : i32 to index
        %get3A_857 = arith.constant 80 : index
        %get3A_858 = tpu.vector_load %arg12[%get3A_856, %get3A_857] {strides = array<i32>} : memref<64x128xf32, #tpu.memory_space<vmem>>, vector<1x16xf32>,
        %get3A_859 = vector.shape_cast %get3A_858 : vector<1x16xf32> to vector<16xf32>
        %get3A_860 = arith.index_cast %scan3A_785 : i32 to index
        %get3A_861 = arith.constant 80 : index
        %get3A_862 = tpu.vector_load %arg14[%get3A_860, %get3A_861] {strides = array<i32>} : memref<64x128xf32, #tpu.memory_space<vmem>>, vector<1x16xf32>,
        %get3A_863 = vector.shape_cast %get3A_862 : vector<1x16xf32> to vector<16xf32>
        %mul3A_864 = arith.mulf %get3A_859, %get3A_863 : vector<16xf32>
        %swap3A_865 = arith.index_cast %scan3A_785 : i32 to index
        %swap3A_866 = arith.constant 80 : index
        %swap3A_867 = tpu.vector_load %arg12[%swap3A_865, %swap3A_866] {strides = array<i32>} : memref<64x128xf32, #tpu.memory_space<vmem>>, vector<1x16xf32>,
        %swap3A_868 = vector.shape_cast %swap3A_867 : vector<1x16xf32> to vector<16xf32>
        %swap3A_869 = vector.shape_cast %mul3A_864 : vector<16xf32> to vector<1x16xf32>
        tpu.vector_store %arg12[%swap3A_865, %swap3A_866], %swap3A_869 {strides = array<i32>} : memref<64x128xf32, #tpu.memory_space<vmem>>, vector<1x16xf32>,
        %get3A_870 = arith.index_cast %scan3A_785 : i32 to index
        %get3A_871 = arith.constant 96 : index
        %get3A_872 = tpu.vector_load %arg12[%get3A_870, %get3A_871] {strides = array<i32>} : memref<64x128xf32, #tpu.memory_space<vmem>>, vector<1x16xf32>,
        %get3A_873 = vector.shape_cast %get3A_872 : vector<1x16xf32> to vector<16xf32>
        %get3A_874 = arith.index_cast %scan3A_785 : i32 to index
        %get3A_875 = arith.constant 96 : index
        %get3A_876 = tpu.vector_load %arg14[%get3A_874, %get3A_875] {strides = array<i32>} : memref<64x128xf32, #tpu.memory_space<vmem>>, vector<1x16xf32>,
        %get3A_877 = vector.shape_cast %get3A_876 : vector<1x16xf32> to vector<16xf32>
        %mul3A_878 = arith.mulf %get3A_873, %get3A_877 : vector<16xf32>
        %swap3A_879 = arith.index_cast %scan3A_785 : i32 to index
        %swap3A_880 = arith.constant 96 : index
        %swap3A_881 = tpu.vector_load %arg12[%swap3A_879, %swap3A_880] {strides = array<i32>} : memref<64x128xf32, #tpu.memory_space<vmem>>, vector<1x16xf32>,
        %swap3A_882 = vector.shape_cast %swap3A_881 : vector<1x16xf32> to vector<16xf32>
        %swap3A_883 = vector.shape_cast %mul3A_878 : vector<16xf32> to vector<1x16xf32>
        tpu.vector_store %arg12[%swap3A_879, %swap3A_880], %swap3A_883 {strides = array<i32>} : memref<64x128xf32, #tpu.memory_space<vmem>>, vector<1x16xf32>,
        %get3A_884 = arith.index_cast %scan3A_785 : i32 to index
        %get3A_885 = arith.constant 112 : index
        %get3A_886 = tpu.vector_load %arg12[%get3A_884, %get3A_885] {strides = array<i32>} : memref<64x128xf32, #tpu.memory_space<vmem>>, vector<1x16xf32>,
        %get3A_887 = vector.shape_cast %get3A_886 : vector<1x16xf32> to vector<16xf32>
        %get3A_888 = arith.index_cast %scan3A_785 : i32 to index
        %get3A_889 = arith.constant 112 : index
        %get3A_890 = tpu.vector_load %arg14[%get3A_888, %get3A_889] {strides = array<i32>} : memref<64x128xf32, #tpu.memory_space<vmem>>, vector<1x16xf32>,
        %get3A_891 = vector.shape_cast %get3A_890 : vector<1x16xf32> to vector<16xf32>
        %mul3A_892 = arith.mulf %get3A_887, %get3A_891 : vector<16xf32>
        %swap3A_893 = arith.index_cast %scan3A_785 : i32 to index
        %swap3A_894 = arith.constant 112 : index
        %swap3A_895 = tpu.vector_load %arg12[%swap3A_893, %swap3A_894] {strides = array<i32>} : memref<64x128xf32, #tpu.memory_space<vmem>>, vector<1x16xf32>,
        %swap3A_896 = vector.shape_cast %swap3A_895 : vector<1x16xf32> to vector<16xf32>
        %swap3A_897 = vector.shape_cast %mul3A_892 : vector<16xf32> to vector<1x16xf32>
        tpu.vector_store %arg12[%swap3A_893, %swap3A_894], %swap3A_897 {strides = array<i32>} : memref<64x128xf32, #tpu.memory_space<vmem>>, vector<1x16xf32>,
        %scan3A_898 = arith.constant 0 : i32
        scf.yield %scan3A_898 : i32
      }
      %scan3A_140 = arith.constant 64 : i32
      %dma_start3A_141 = arith.constant 2 : i32
      %dma_start3A_142 = arith.constant 0 : i32
      %dma_start3A_143 = tpu.memref_slice %arg9[%dma_start3A_141, %dma_start3A_142] : memref<3x64xi32, #tpu.memory_space<vmem>> -> memref<1x64xi32, #tpu.memory_space<vmem>>
      %dma_start3A_144 = tpu.memref_squeeze %dma_start3A_143 : memref<1x64xi32, #tpu.memory_space<vmem>> -> memref<64xi32, #tpu.memory_space<vmem>>
      %dma_start3A_145 = arith.constant 0 : i32
      %dma_start3A_146 = arith.constant 0 : i32
      %dma_start3A_147 = tpu.memref_slice %arg17[%dma_start3A_145, %dma_start3A_146] : memref<10112x128xf32, #tpu.memory_space<vmem_shared>> -> memref<10112x128xf32, #tpu.memory_space<vmem_shared>>
      tpu.enqueue_indirect_dma source(%arg12 : memref<64x128xf32, #tpu.memory_space<vmem>>) target(%dma_start3A_147 : memref<10112x128xf32, #tpu.memory_space<vmem_shared>>) offsets(%dma_start3A_144 : memref<64xi32, #tpu.memory_space<vmem>>) semaphore(%arg23 : memref<!tpu.dma_semaphore, #tpu.memory_space<semaphore_mem>>) {add = true}
      %dma_start3A_148 = arith.constant 2 : i32
      %dma_start3A_149 = arith.constant 0 : i32
      %dma_start3A_150 = tpu.memref_slice %arg9[%dma_start3A_148, %dma_start3A_149] : memref<3x64xi32, #tpu.memory_space<vmem>> -> memref<1x64xi32, #tpu.memory_space<vmem>>
      %dma_start3A_151 = tpu.memref_squeeze %dma_start3A_150 : memref<1x64xi32, #tpu.memory_space<vmem>> -> memref<64xi32, #tpu.memory_space<vmem>>
      %dma_start3A_152 = arith.constant 0 : i32
      %dma_start3A_153 = tpu.memref_slice %arg18[%dma_start3A_152] : memref<10112xf32, #tpu.memory_space<vmem_shared>> -> memref<10112xf32, #tpu.memory_space<vmem_shared>>
      tpu.enqueue_indirect_dma source(%arg16 : memref<64xf32, #tpu.memory_space<vmem>>) target(%dma_start3A_153 : memref<10112xf32, #tpu.memory_space<vmem_shared>>) offsets(%dma_start3A_151 : memref<64xi32, #tpu.memory_space<vmem>>) semaphore(%arg25 : memref<!tpu.dma_semaphore, #tpu.memory_space<semaphore_mem>>) {add = true}
      %mul3A_154 = arith.constant 6 : i32
      %mul3A_155 = arith.muli %mul3A_154, %scan3A_97 : i32
      %add3A_156 = arith.constant 1 : i32
      %add3A_157 = arith.addi %mul3A_155, %add3A_156 : i32
      %ge3A_158 = arith.constant 1 : i32
      %ge3A_159 = arith.cmpi sge, %add3A_157, %ge3A_158 : i32
      %convert_element_type3A_160 = arith.extui %ge3A_159 : i1 to i32
      %cond3A_161 = arith.constant 0 : i32
      %cond3A_162 = arith.cmpi ne, %convert_element_type3A_160, %cond3A_161 : i32
      scf.if %cond3A_162 {
        %sub3A = arith.constant 1 : i32
        %sub3A_440 = arith.subi %add3A_157, %sub3A : i32
        %dma_wait3A_441 = arith.constant 2 : i32
        %dma_wait3A_442 = arith.constant 0 : i32
        %dma_wait3A_443 = tpu.memref_slice %arg9[%dma_wait3A_441, %dma_wait3A_442] : memref<3x64xi32, #tpu.memory_space<vmem>> -> memref<1x64xi32, #tpu.memory_space<vmem>>
        %dma_wait3A_444 = tpu.memref_squeeze %dma_wait3A_443 : memref<1x64xi32, #tpu.memory_space<vmem>> -> memref<64xi32, #tpu.memory_space<vmem>>
        %dma_wait3A_445 = arith.constant 0 : i32
        %dma_wait3A_446 = arith.constant 0 : i32
        %dma_wait3A_447 = tpu.memref_slice %arg17[%dma_wait3A_445, %dma_wait3A_446] : memref<10112x128xf32, #tpu.memory_space<vmem_shared>> -> memref<10112x128xf32, #tpu.memory_space<vmem_shared>>
        tpu.wait_indirect_dma semaphore(%arg23 : memref<!tpu.dma_semaphore, #tpu.memory_space<semaphore_mem>>) src(%arg12 : memref<64x128xf32, #tpu.memory_space<vmem>>) dst(%dma_wait3A_447 : memref<10112x128xf32, #tpu.memory_space<vmem_shared>>)
        %dma_wait3A_448 = arith.constant 2 : i32
        %dma_wait3A_449 = arith.constant 0 : i32
        %dma_wait3A_450 = tpu.memref_slice %arg9[%dma_wait3A_448, %dma_wait3A_449] : memref<3x64xi32, #tpu.memory_space<vmem>> -> memref<1x64xi32, #tpu.memory_space<vmem>>
        %dma_wait3A_451 = tpu.memref_squeeze %dma_wait3A_450 : memref<1x64xi32, #tpu.memory_space<vmem>> -> memref<64xi32, #tpu.memory_space<vmem>>
        %dma_wait3A_452 = arith.constant 0 : i32
        %dma_wait3A_453 = tpu.memref_slice %arg18[%dma_wait3A_452] : memref<10112xf32, #tpu.memory_space<vmem_shared>> -> memref<10112xf32, #tpu.memory_space<vmem_shared>>
        tpu.wait_indirect_dma semaphore(%arg25 : memref<!tpu.dma_semaphore, #tpu.memory_space<semaphore_mem>>) src(%arg16 : memref<64xf32, #tpu.memory_space<vmem>>) dst(%dma_wait3A_453 : memref<10112xf32, #tpu.memory_space<vmem_shared>>)
      } else {
      }
      %add3A_163 = arith.constant 2 : i32
      %add3A_164 = arith.addi %add3A_157, %add3A_163 : i32
      %lt3A_165 = arith.constant 162 : i32
      %lt3A_166 = arith.cmpi slt, %add3A_164, %lt3A_165 : i32
      %convert_element_type3A_167 = arith.extui %lt3A_166 : i1 to i32
      %cond3A_168 = arith.constant 0 : i32
      %cond3A_169 = arith.cmpi ne, %convert_element_type3A_167, %cond3A_168 : i32
      scf.if %cond3A_169 {
        %add3A_440 = arith.constant 2 : i32
        %add3A_441 = arith.addi %add3A_157, %add3A_440 : i32
        %dma_start3A_442 = arith.constant 0 : i32
        %dma_start3A_443 = arith.constant 0 : i32
        %dma_start3A_444 = tpu.memref_slice %arg2[%add3A, %add3A_441, %dma_start3A_442, %dma_start3A_443] : memref<32x162x3x64xi32, #tpu.memory_space<hbm>> -> memref<1x1x3x64xi32, #tpu.memory_space<hbm>>
        %dma_start3A_445 = tpu.memref_squeeze %dma_start3A_444 : memref<1x1x3x64xi32, #tpu.memory_space<hbm>> -> memref<3x64xi32, #tpu.memory_space<hbm>>
        %dma_start3A_446 = arith.constant 0 : i32
        %dma_start3A_447 = arith.constant 0 : i32
        %dma_start3A_448 = tpu.memref_slice %arg2[%add3A, %add3A_441, %dma_start3A_446, %dma_start3A_447] : memref<32x162x3x64xi32, #tpu.memory_space<hbm>> -> memref<1x1x3x64xi32, #tpu.memory_space<hbm>>
        %dma_start3A_449 = tpu.memref_squeeze %dma_start3A_448 : memref<1x1x3x64xi32, #tpu.memory_space<hbm>> -> memref<3x64xi32, #tpu.memory_space<hbm>>
        tpu.enqueue_dma source(%dma_start3A_449 : memref<3x64xi32, #tpu.memory_space<hbm>>) target(%arg9 : memref<3x64xi32, #tpu.memory_space<vmem>>) target_semaphore(%arg27 : memref<!tpu.dma_semaphore, #tpu.memory_space<semaphore_mem>>)
      } else {
      }
      %add3A_170 = arith.constant 1 : i32
      %add3A_171 = arith.addi %add3A_157, %add3A_170 : i32
      %lt3A_172 = arith.constant 162 : i32
      %lt3A_173 = arith.cmpi slt, %add3A_171, %lt3A_172 : i32
      %convert_element_type3A_174 = arith.extui %lt3A_173 : i1 to i32
      %cond3A_175 = arith.constant 0 : i32
      %cond3A_176 = arith.cmpi ne, %convert_element_type3A_174, %cond3A_175 : i32
      scf.if %cond3A_176 {
        %add3A_440 = arith.constant 1 : i32
        %add3A_441 = arith.addi %add3A_157, %add3A_440 : i32
        %dma_wait3A_442 = arith.constant 0 : i32
        %dma_wait3A_443 = arith.constant 0 : i32
        %dma_wait3A_444 = tpu.memref_slice %arg2[%add3A, %add3A_441, %dma_wait3A_442, %dma_wait3A_443] : memref<32x162x3x64xi32, #tpu.memory_space<hbm>> -> memref<1x1x3x64xi32, #tpu.memory_space<hbm>>
        %dma_wait3A_445 = tpu.memref_squeeze %dma_wait3A_444 : memref<1x1x3x64xi32, #tpu.memory_space<hbm>> -> memref<3x64xi32, #tpu.memory_space<hbm>>
        %dma_wait3A_446 = arith.constant 0 : i32
        %dma_wait3A_447 = arith.constant 0 : i32
        %dma_wait3A_448 = tpu.memref_slice %arg2[%add3A, %add3A_441, %dma_wait3A_446, %dma_wait3A_447] : memref<32x162x3x64xi32, #tpu.memory_space<hbm>> -> memref<1x1x3x64xi32, #tpu.memory_space<hbm>>
        %dma_wait3A_449 = tpu.memref_squeeze %dma_wait3A_448 : memref<1x1x3x64xi32, #tpu.memory_space<hbm>> -> memref<3x64xi32, #tpu.memory_space<hbm>>
        tpu.wait_dma2 semaphore(%arg29 : memref<!tpu.dma_semaphore, #tpu.memory_space<semaphore_mem>>) src(%dma_wait3A_449 : memref<3x64xi32, #tpu.memory_space<hbm>>) dst(%arg11 : memref<3x64xi32, #tpu.memory_space<vmem>>)
        %add3A_450 = arith.constant 1 : i32
        %add3A_451 = arith.addi %add3A_157, %add3A_450 : i32
        %dma_start3A_452 = arith.constant 0 : i32
        %dma_start3A_453 = arith.constant 0 : i32
        %dma_start3A_454 = tpu.memref_slice %arg11[%dma_start3A_452, %dma_start3A_453] : memref<3x64xi32, #tpu.memory_space<vmem>> -> memref<1x64xi32, #tpu.memory_space<vmem>>
        %dma_start3A_455 = tpu.memref_squeeze %dma_start3A_454 : memref<1x64xi32, #tpu.memory_space<vmem>> -> memref<64xi32, #tpu.memory_space<vmem>>
        %dma_start3A_456 = arith.constant 0 : i32
        %dma_start3A_457 = arith.constant 0 : i32
        %dma_start3A_458 = tpu.memref_slice %arg3[%dma_start3A_456, %dma_start3A_457] : memref<10000x128xf32, #tpu.memory_space<hbm>> -> memref<10000x128xf32, #tpu.memory_space<hbm>>
        tpu.enqueue_indirect_dma source(%dma_start3A_458 : memref<10000x128xf32, #tpu.memory_space<hbm>>) target(%arg12 : memref<64x128xf32, #tpu.memory_space<vmem>>) offsets(%dma_start3A_455 : memref<64xi32, #tpu.memory_space<vmem>>) semaphore(%arg19 : memref<!tpu.dma_semaphore, #tpu.memory_space<semaphore_mem>>)
        %dma_start3A_459 = arith.constant 1 : i32
        %dma_start3A_460 = arith.constant 0 : i32
        %dma_start3A_461 = tpu.memref_slice %arg11[%dma_start3A_459, %dma_start3A_460] : memref<3x64xi32, #tpu.memory_space<vmem>> -> memref<1x64xi32, #tpu.memory_space<vmem>>
        %dma_start3A_462 = tpu.memref_squeeze %dma_start3A_461 : memref<1x64xi32, #tpu.memory_space<vmem>> -> memref<64xi32, #tpu.memory_space<vmem>>
        %dma_start3A_463 = arith.constant 0 : i32
        %dma_start3A_464 = arith.constant 0 : i32
        %dma_start3A_465 = tpu.memref_slice %arg4[%dma_start3A_463, %dma_start3A_464] : memref<200x128xf32, #tpu.memory_space<hbm>> -> memref<200x128xf32, #tpu.memory_space<hbm>>
        tpu.enqueue_indirect_dma source(%dma_start3A_465 : memref<200x128xf32, #tpu.memory_space<hbm>>) target(%arg14 : memref<64x128xf32, #tpu.memory_space<vmem>>) offsets(%dma_start3A_462 : memref<64xi32, #tpu.memory_space<vmem>>) semaphore(%arg21 : memref<!tpu.dma_semaphore, #tpu.memory_space<semaphore_mem>>)
      } else {
      }
      %dma_wait3A_177 = arith.constant 0 : i32
      %dma_wait3A_178 = arith.constant 0 : i32
      %dma_wait3A_179 = tpu.memref_slice %arg10[%dma_wait3A_177, %dma_wait3A_178] : memref<3x64xi32, #tpu.memory_space<vmem>> -> memref<1x64xi32, #tpu.memory_space<vmem>>
      %dma_wait3A_180 = tpu.memref_squeeze %dma_wait3A_179 : memref<1x64xi32, #tpu.memory_space<vmem>> -> memref<64xi32, #tpu.memory_space<vmem>>
      %dma_wait3A_181 = arith.constant 0 : i32
      %dma_wait3A_182 = arith.constant 0 : i32
      %dma_wait3A_183 = tpu.memref_slice %arg3[%dma_wait3A_181, %dma_wait3A_182] : memref<10000x128xf32, #tpu.memory_space<hbm>> -> memref<10000x128xf32, #tpu.memory_space<hbm>>
      tpu.wait_indirect_dma semaphore(%arg20 : memref<!tpu.dma_semaphore, #tpu.memory_space<semaphore_mem>>) src(%dma_wait3A_183 : memref<10000x128xf32, #tpu.memory_space<hbm>>) dst(%arg13 : memref<64x128xf32, #tpu.memory_space<vmem>>)
      %dma_wait3A_184 = arith.constant 1 : i32
      %dma_wait3A_185 = arith.constant 0 : i32
      %dma_wait3A_186 = tpu.memref_slice %arg10[%dma_wait3A_184, %dma_wait3A_185] : memref<3x64xi32, #tpu.memory_space<vmem>> -> memref<1x64xi32, #tpu.memory_space<vmem>>
      %dma_wait3A_187 = tpu.memref_squeeze %dma_wait3A_186 : memref<1x64xi32, #tpu.memory_space<vmem>> -> memref<64xi32, #tpu.memory_space<vmem>>
      %dma_wait3A_188 = arith.constant 0 : i32
      %dma_wait3A_189 = arith.constant 0 : i32
      %dma_wait3A_190 = tpu.memref_slice %arg4[%dma_wait3A_188, %dma_wait3A_189] : memref<200x128xf32, #tpu.memory_space<hbm>> -> memref<200x128xf32, #tpu.memory_space<hbm>>
      tpu.wait_indirect_dma semaphore(%arg22 : memref<!tpu.dma_semaphore, #tpu.memory_space<semaphore_mem>>) src(%dma_wait3A_190 : memref<200x128xf32, #tpu.memory_space<hbm>>) dst(%arg15 : memref<64x128xf32, #tpu.memory_space<vmem>>)
      %scan3A_191 = arith.constant 0 : i32
      %scan3A_192 = arith.constant 0 : i32
      %scan3A_193 = arith.constant 64 : i32
      %scan3A_194 = arith.addi %scan3A_192, %scan3A_193 : i32
      %scan3A_195 = arith.constant 4 : i32
      %scan3A_196 = scf.for %scan3A_440 = %scan3A_192 to %scan3A_194 step %scan3A_195 iter_args(%scan3A_441 = %scan3A_191) -> (i32)  : i32 {
        %get3A = arith.index_cast %scan3A_440 : i32 to index
        %get3A_442 = arith.constant 0 : index
        %get3A_443 = tpu.vector_load %arg13[%get3A, %get3A_442] {strides = array<i32>} : memref<64x128xf32, #tpu.memory_space<vmem>>, vector<1x16xf32>,
        %get3A_444 = vector.shape_cast %get3A_443 : vector<1x16xf32> to vector<16xf32>
        %get3A_445 = arith.index_cast %scan3A_440 : i32 to index
        %get3A_446 = arith.constant 0 : index
        %get3A_447 = tpu.vector_load %arg15[%get3A_445, %get3A_446] {strides = array<i32>} : memref<64x128xf32, #tpu.memory_space<vmem>>, vector<1x16xf32>,
        %get3A_448 = vector.shape_cast %get3A_447 : vector<1x16xf32> to vector<16xf32>
        %mul3A_449 = arith.mulf %get3A_444, %get3A_448 : vector<16xf32>
        %swap3A_450 = arith.index_cast %scan3A_440 : i32 to index
        %swap3A_451 = arith.constant 0 : index
        %swap3A_452 = tpu.vector_load %arg13[%swap3A_450, %swap3A_451] {strides = array<i32>} : memref<64x128xf32, #tpu.memory_space<vmem>>, vector<1x16xf32>,
        %swap3A_453 = vector.shape_cast %swap3A_452 : vector<1x16xf32> to vector<16xf32>
        %swap3A_454 = vector.shape_cast %mul3A_449 : vector<16xf32> to vector<1x16xf32>
        tpu.vector_store %arg13[%swap3A_450, %swap3A_451], %swap3A_454 {strides = array<i32>} : memref<64x128xf32, #tpu.memory_space<vmem>>, vector<1x16xf32>,
        %get3A_455 = arith.index_cast %scan3A_440 : i32 to index
        %get3A_456 = arith.constant 16 : index
        %get3A_457 = tpu.vector_load %arg13[%get3A_455, %get3A_456] {strides = array<i32>} : memref<64x128xf32, #tpu.memory_space<vmem>>, vector<1x16xf32>,
        %get3A_458 = vector.shape_cast %get3A_457 : vector<1x16xf32> to vector<16xf32>
        %get3A_459 = arith.index_cast %scan3A_440 : i32 to index
        %get3A_460 = arith.constant 16 : index
        %get3A_461 = tpu.vector_load %arg15[%get3A_459, %get3A_460] {strides = array<i32>} : memref<64x128xf32, #tpu.memory_space<vmem>>, vector<1x16xf32>,
        %get3A_462 = vector.shape_cast %get3A_461 : vector<1x16xf32> to vector<16xf32>
        %mul3A_463 = arith.mulf %get3A_458, %get3A_462 : vector<16xf32>
        %swap3A_464 = arith.index_cast %scan3A_440 : i32 to index
        %swap3A_465 = arith.constant 16 : index
        %swap3A_466 = tpu.vector_load %arg13[%swap3A_464, %swap3A_465] {strides = array<i32>} : memref<64x128xf32, #tpu.memory_space<vmem>>, vector<1x16xf32>,
        %swap3A_467 = vector.shape_cast %swap3A_466 : vector<1x16xf32> to vector<16xf32>
        %swap3A_468 = vector.shape_cast %mul3A_463 : vector<16xf32> to vector<1x16xf32>
        tpu.vector_store %arg13[%swap3A_464, %swap3A_465], %swap3A_468 {strides = array<i32>} : memref<64x128xf32, #tpu.memory_space<vmem>>, vector<1x16xf32>,
        %get3A_469 = arith.index_cast %scan3A_440 : i32 to index
        %get3A_470 = arith.constant 32 : index
        %get3A_471 = tpu.vector_load %arg13[%get3A_469, %get3A_470] {strides = array<i32>} : memref<64x128xf32, #tpu.memory_space<vmem>>, vector<1x16xf32>,
        %get3A_472 = vector.shape_cast %get3A_471 : vector<1x16xf32> to vector<16xf32>
        %get3A_473 = arith.index_cast %scan3A_440 : i32 to index
        %get3A_474 = arith.constant 32 : index
        %get3A_475 = tpu.vector_load %arg15[%get3A_473, %get3A_474] {strides = array<i32>} : memref<64x128xf32, #tpu.memory_space<vmem>>, vector<1x16xf32>,
        %get3A_476 = vector.shape_cast %get3A_475 : vector<1x16xf32> to vector<16xf32>
        %mul3A_477 = arith.mulf %get3A_472, %get3A_476 : vector<16xf32>
        %swap3A_478 = arith.index_cast %scan3A_440 : i32 to index
        %swap3A_479 = arith.constant 32 : index
        %swap3A_480 = tpu.vector_load %arg13[%swap3A_478, %swap3A_479] {strides = array<i32>} : memref<64x128xf32, #tpu.memory_space<vmem>>, vector<1x16xf32>,
        %swap3A_481 = vector.shape_cast %swap3A_480 : vector<1x16xf32> to vector<16xf32>
        %swap3A_482 = vector.shape_cast %mul3A_477 : vector<16xf32> to vector<1x16xf32>
        tpu.vector_store %arg13[%swap3A_478, %swap3A_479], %swap3A_482 {strides = array<i32>} : memref<64x128xf32, #tpu.memory_space<vmem>>, vector<1x16xf32>,
        %get3A_483 = arith.index_cast %scan3A_440 : i32 to index
        %get3A_484 = arith.constant 48 : index
        %get3A_485 = tpu.vector_load %arg13[%get3A_483, %get3A_484] {strides = array<i32>} : memref<64x128xf32, #tpu.memory_space<vmem>>, vector<1x16xf32>,
        %get3A_486 = vector.shape_cast %get3A_485 : vector<1x16xf32> to vector<16xf32>
        %get3A_487 = arith.index_cast %scan3A_440 : i32 to index
        %get3A_488 = arith.constant 48 : index
        %get3A_489 = tpu.vector_load %arg15[%get3A_487, %get3A_488] {strides = array<i32>} : memref<64x128xf32, #tpu.memory_space<vmem>>, vector<1x16xf32>,
        %get3A_490 = vector.shape_cast %get3A_489 : vector<1x16xf32> to vector<16xf32>
        %mul3A_491 = arith.mulf %get3A_486, %get3A_490 : vector<16xf32>
        %swap3A_492 = arith.index_cast %scan3A_440 : i32 to index
        %swap3A_493 = arith.constant 48 : index
        %swap3A_494 = tpu.vector_load %arg13[%swap3A_492, %swap3A_493] {strides = array<i32>} : memref<64x128xf32, #tpu.memory_space<vmem>>, vector<1x16xf32>,
        %swap3A_495 = vector.shape_cast %swap3A_494 : vector<1x16xf32> to vector<16xf32>
        %swap3A_496 = vector.shape_cast %mul3A_491 : vector<16xf32> to vector<1x16xf32>
        tpu.vector_store %arg13[%swap3A_492, %swap3A_493], %swap3A_496 {strides = array<i32>} : memref<64x128xf32, #tpu.memory_space<vmem>>, vector<1x16xf32>,
        %get3A_497 = arith.index_cast %scan3A_440 : i32 to index
        %get3A_498 = arith.constant 64 : index
        %get3A_499 = tpu.vector_load %arg13[%get3A_497, %get3A_498] {strides = array<i32>} : memref<64x128xf32, #tpu.memory_space<vmem>>, vector<1x16xf32>,
        %get3A_500 = vector.shape_cast %get3A_499 : vector<1x16xf32> to vector<16xf32>
        %get3A_501 = arith.index_cast %scan3A_440 : i32 to index
        %get3A_502 = arith.constant 64 : index
        %get3A_503 = tpu.vector_load %arg15[%get3A_501, %get3A_502] {strides = array<i32>} : memref<64x128xf32, #tpu.memory_space<vmem>>, vector<1x16xf32>,
        %get3A_504 = vector.shape_cast %get3A_503 : vector<1x16xf32> to vector<16xf32>
        %mul3A_505 = arith.mulf %get3A_500, %get3A_504 : vector<16xf32>
        %swap3A_506 = arith.index_cast %scan3A_440 : i32 to index
        %swap3A_507 = arith.constant 64 : index
        %swap3A_508 = tpu.vector_load %arg13[%swap3A_506, %swap3A_507] {strides = array<i32>} : memref<64x128xf32, #tpu.memory_space<vmem>>, vector<1x16xf32>,
        %swap3A_509 = vector.shape_cast %swap3A_508 : vector<1x16xf32> to vector<16xf32>
        %swap3A_510 = vector.shape_cast %mul3A_505 : vector<16xf32> to vector<1x16xf32>
        tpu.vector_store %arg13[%swap3A_506, %swap3A_507], %swap3A_510 {strides = array<i32>} : memref<64x128xf32, #tpu.memory_space<vmem>>, vector<1x16xf32>,
        %get3A_511 = arith.index_cast %scan3A_440 : i32 to index
        %get3A_512 = arith.constant 80 : index
        %get3A_513 = tpu.vector_load %arg13[%get3A_511, %get3A_512] {strides = array<i32>} : memref<64x128xf32, #tpu.memory_space<vmem>>, vector<1x16xf32>,
        %get3A_514 = vector.shape_cast %get3A_513 : vector<1x16xf32> to vector<16xf32>
        %get3A_515 = arith.index_cast %scan3A_440 : i32 to index
        %get3A_516 = arith.constant 80 : index
        %get3A_517 = tpu.vector_load %arg15[%get3A_515, %get3A_516] {strides = array<i32>} : memref<64x128xf32, #tpu.memory_space<vmem>>, vector<1x16xf32>,
        %get3A_518 = vector.shape_cast %get3A_517 : vector<1x16xf32> to vector<16xf32>
        %mul3A_519 = arith.mulf %get3A_514, %get3A_518 : vector<16xf32>
        %swap3A_520 = arith.index_cast %scan3A_440 : i32 to index
        %swap3A_521 = arith.constant 80 : index
        %swap3A_522 = tpu.vector_load %arg13[%swap3A_520, %swap3A_521] {strides = array<i32>} : memref<64x128xf32, #tpu.memory_space<vmem>>, vector<1x16xf32>,
        %swap3A_523 = vector.shape_cast %swap3A_522 : vector<1x16xf32> to vector<16xf32>
        %swap3A_524 = vector.shape_cast %mul3A_519 : vector<16xf32> to vector<1x16xf32>
        tpu.vector_store %arg13[%swap3A_520, %swap3A_521], %swap3A_524 {strides = array<i32>} : memref<64x128xf32, #tpu.memory_space<vmem>>, vector<1x16xf32>,
        %get3A_525 = arith.index_cast %scan3A_440 : i32 to index
        %get3A_526 = arith.constant 96 : index
        %get3A_527 = tpu.vector_load %arg13[%get3A_525, %get3A_526] {strides = array<i32>} : memref<64x128xf32, #tpu.memory_space<vmem>>, vector<1x16xf32>,
        %get3A_528 = vector.shape_cast %get3A_527 : vector<1x16xf32> to vector<16xf32>
        %get3A_529 = arith.index_cast %scan3A_440 : i32 to index
        %get3A_530 = arith.constant 96 : index
        %get3A_531 = tpu.vector_load %arg15[%get3A_529, %get3A_530] {strides = array<i32>} : memref<64x128xf32, #tpu.memory_space<vmem>>, vector<1x16xf32>,
        %get3A_532 = vector.shape_cast %get3A_531 : vector<1x16xf32> to vector<16xf32>
        %mul3A_533 = arith.mulf %get3A_528, %get3A_532 : vector<16xf32>
        %swap3A_534 = arith.index_cast %scan3A_440 : i32 to index
        %swap3A_535 = arith.constant 96 : index
        %swap3A_536 = tpu.vector_load %arg13[%swap3A_534, %swap3A_535] {strides = array<i32>} : memref<64x128xf32, #tpu.memory_space<vmem>>, vector<1x16xf32>,
        %swap3A_537 = vector.shape_cast %swap3A_536 : vector<1x16xf32> to vector<16xf32>
        %swap3A_538 = vector.shape_cast %mul3A_533 : vector<16xf32> to vector<1x16xf32>
        tpu.vector_store %arg13[%swap3A_534, %swap3A_535], %swap3A_538 {strides = array<i32>} : memref<64x128xf32, #tpu.memory_space<vmem>>, vector<1x16xf32>,
        %get3A_539 = arith.index_cast %scan3A_440 : i32 to index
        %get3A_540 = arith.constant 112 : index
        %get3A_541 = tpu.vector_load %arg13[%get3A_539, %get3A_540] {strides = array<i32>} : memref<64x128xf32, #tpu.memory_space<vmem>>, vector<1x16xf32>,
        %get3A_542 = vector.shape_cast %get3A_541 : vector<1x16xf32> to vector<16xf32>
        %get3A_543 = arith.index_cast %scan3A_440 : i32 to index
        %get3A_544 = arith.constant 112 : index
        %get3A_545 = tpu.vector_load %arg15[%get3A_543, %get3A_544] {strides = array<i32>} : memref<64x128xf32, #tpu.memory_space<vmem>>, vector<1x16xf32>,
        %get3A_546 = vector.shape_cast %get3A_545 : vector<1x16xf32> to vector<16xf32>
        %mul3A_547 = arith.mulf %get3A_542, %get3A_546 : vector<16xf32>
        %swap3A_548 = arith.index_cast %scan3A_440 : i32 to index
        %swap3A_549 = arith.constant 112 : index
        %swap3A_550 = tpu.vector_load %arg13[%swap3A_548, %swap3A_549] {strides = array<i32>} : memref<64x128xf32, #tpu.memory_space<vmem>>, vector<1x16xf32>,
        %swap3A_551 = vector.shape_cast %swap3A_550 : vector<1x16xf32> to vector<16xf32>
        %swap3A_552 = vector.shape_cast %mul3A_547 : vector<16xf32> to vector<1x16xf32>
        tpu.vector_store %arg13[%swap3A_548, %swap3A_549], %swap3A_552 {strides = array<i32>} : memref<64x128xf32, #tpu.memory_space<vmem>>, vector<1x16xf32>,
        %scan3A_553 = arith.constant 0 : i32
        %scan3A_554 = arith.constant 1 : i32
        %scan3A_555 = arith.addi %scan3A_440, %scan3A_554 : i32
        %get3A_556 = arith.index_cast %scan3A_555 : i32 to index
        %get3A_557 = arith.constant 0 : index
        %get3A_558 = tpu.vector_load %arg13[%get3A_556, %get3A_557] {strides = array<i32>} : memref<64x128xf32, #tpu.memory_space<vmem>>, vector<1x16xf32>,
        %get3A_559 = vector.shape_cast %get3A_558 : vector<1x16xf32> to vector<16xf32>
        %get3A_560 = arith.index_cast %scan3A_555 : i32 to index
        %get3A_561 = arith.constant 0 : index
        %get3A_562 = tpu.vector_load %arg15[%get3A_560, %get3A_561] {strides = array<i32>} : memref<64x128xf32, #tpu.memory_space<vmem>>, vector<1x16xf32>,
        %get3A_563 = vector.shape_cast %get3A_562 : vector<1x16xf32> to vector<16xf32>
        %mul3A_564 = arith.mulf %get3A_559, %get3A_563 : vector<16xf32>
        %swap3A_565 = arith.index_cast %scan3A_555 : i32 to index
        %swap3A_566 = arith.constant 0 : index
        %swap3A_567 = tpu.vector_load %arg13[%swap3A_565, %swap3A_566] {strides = array<i32>} : memref<64x128xf32, #tpu.memory_space<vmem>>, vector<1x16xf32>,
        %swap3A_568 = vector.shape_cast %swap3A_567 : vector<1x16xf32> to vector<16xf32>
        %swap3A_569 = vector.shape_cast %mul3A_564 : vector<16xf32> to vector<1x16xf32>
        tpu.vector_store %arg13[%swap3A_565, %swap3A_566], %swap3A_569 {strides = array<i32>} : memref<64x128xf32, #tpu.memory_space<vmem>>, vector<1x16xf32>,
        %get3A_570 = arith.index_cast %scan3A_555 : i32 to index
        %get3A_571 = arith.constant 16 : index
        %get3A_572 = tpu.vector_load %arg13[%get3A_570, %get3A_571] {strides = array<i32>} : memref<64x128xf32, #tpu.memory_space<vmem>>, vector<1x16xf32>,
        %get3A_573 = vector.shape_cast %get3A_572 : vector<1x16xf32> to vector<16xf32>
        %get3A_574 = arith.index_cast %scan3A_555 : i32 to index
        %get3A_575 = arith.constant 16 : index
        %get3A_576 = tpu.vector_load %arg15[%get3A_574, %get3A_575] {strides = array<i32>} : memref<64x128xf32, #tpu.memory_space<vmem>>, vector<1x16xf32>,
        %get3A_577 = vector.shape_cast %get3A_576 : vector<1x16xf32> to vector<16xf32>
        %mul3A_578 = arith.mulf %get3A_573, %get3A_577 : vector<16xf32>
        %swap3A_579 = arith.index_cast %scan3A_555 : i32 to index
        %swap3A_580 = arith.constant 16 : index
        %swap3A_581 = tpu.vector_load %arg13[%swap3A_579, %swap3A_580] {strides = array<i32>} : memref<64x128xf32, #tpu.memory_space<vmem>>, vector<1x16xf32>,
        %swap3A_582 = vector.shape_cast %swap3A_581 : vector<1x16xf32> to vector<16xf32>
        %swap3A_583 = vector.shape_cast %mul3A_578 : vector<16xf32> to vector<1x16xf32>
        tpu.vector_store %arg13[%swap3A_579, %swap3A_580], %swap3A_583 {strides = array<i32>} : memref<64x128xf32, #tpu.memory_space<vmem>>, vector<1x16xf32>,
        %get3A_584 = arith.index_cast %scan3A_555 : i32 to index
        %get3A_585 = arith.constant 32 : index
        %get3A_586 = tpu.vector_load %arg13[%get3A_584, %get3A_585] {strides = array<i32>} : memref<64x128xf32, #tpu.memory_space<vmem>>, vector<1x16xf32>,
        %get3A_587 = vector.shape_cast %get3A_586 : vector<1x16xf32> to vector<16xf32>
        %get3A_588 = arith.index_cast %scan3A_555 : i32 to index
        %get3A_589 = arith.constant 32 : index
        %get3A_590 = tpu.vector_load %arg15[%get3A_588, %get3A_589] {strides = array<i32>} : memref<64x128xf32, #tpu.memory_space<vmem>>, vector<1x16xf32>,
        %get3A_591 = vector.shape_cast %get3A_590 : vector<1x16xf32> to vector<16xf32>
        %mul3A_592 = arith.mulf %get3A_587, %get3A_591 : vector<16xf32>
        %swap3A_593 = arith.index_cast %scan3A_555 : i32 to index
        %swap3A_594 = arith.constant 32 : index
        %swap3A_595 = tpu.vector_load %arg13[%swap3A_593, %swap3A_594] {strides = array<i32>} : memref<64x128xf32, #tpu.memory_space<vmem>>, vector<1x16xf32>,
        %swap3A_596 = vector.shape_cast %swap3A_595 : vector<1x16xf32> to vector<16xf32>
        %swap3A_597 = vector.shape_cast %mul3A_592 : vector<16xf32> to vector<1x16xf32>
        tpu.vector_store %arg13[%swap3A_593, %swap3A_594], %swap3A_597 {strides = array<i32>} : memref<64x128xf32, #tpu.memory_space<vmem>>, vector<1x16xf32>,
        %get3A_598 = arith.index_cast %scan3A_555 : i32 to index
        %get3A_599 = arith.constant 48 : index
        %get3A_600 = tpu.vector_load %arg13[%get3A_598, %get3A_599] {strides = array<i32>} : memref<64x128xf32, #tpu.memory_space<vmem>>, vector<1x16xf32>,
        %get3A_601 = vector.shape_cast %get3A_600 : vector<1x16xf32> to vector<16xf32>
        %get3A_602 = arith.index_cast %scan3A_555 : i32 to index
        %get3A_603 = arith.constant 48 : index
        %get3A_604 = tpu.vector_load %arg15[%get3A_602, %get3A_603] {strides = array<i32>} : memref<64x128xf32, #tpu.memory_space<vmem>>, vector<1x16xf32>,
        %get3A_605 = vector.shape_cast %get3A_604 : vector<1x16xf32> to vector<16xf32>
        %mul3A_606 = arith.mulf %get3A_601, %get3A_605 : vector<16xf32>
        %swap3A_607 = arith.index_cast %scan3A_555 : i32 to index
        %swap3A_608 = arith.constant 48 : index
        %swap3A_609 = tpu.vector_load %arg13[%swap3A_607, %swap3A_608] {strides = array<i32>} : memref<64x128xf32, #tpu.memory_space<vmem>>, vector<1x16xf32>,
        %swap3A_610 = vector.shape_cast %swap3A_609 : vector<1x16xf32> to vector<16xf32>
        %swap3A_611 = vector.shape_cast %mul3A_606 : vector<16xf32> to vector<1x16xf32>
        tpu.vector_store %arg13[%swap3A_607, %swap3A_608], %swap3A_611 {strides = array<i32>} : memref<64x128xf32, #tpu.memory_space<vmem>>, vector<1x16xf32>,
        %get3A_612 = arith.index_cast %scan3A_555 : i32 to index
        %get3A_613 = arith.constant 64 : index
        %get3A_614 = tpu.vector_load %arg13[%get3A_612, %get3A_613] {strides = array<i32>} : memref<64x128xf32, #tpu.memory_space<vmem>>, vector<1x16xf32>,
        %get3A_615 = vector.shape_cast %get3A_614 : vector<1x16xf32> to vector<16xf32>
        %get3A_616 = arith.index_cast %scan3A_555 : i32 to index
        %get3A_617 = arith.constant 64 : index
        %get3A_618 = tpu.vector_load %arg15[%get3A_616, %get3A_617] {strides = array<i32>} : memref<64x128xf32, #tpu.memory_space<vmem>>, vector<1x16xf32>,
        %get3A_619 = vector.shape_cast %get3A_618 : vector<1x16xf32> to vector<16xf32>
        %mul3A_620 = arith.mulf %get3A_615, %get3A_619 : vector<16xf32>
        %swap3A_621 = arith.index_cast %scan3A_555 : i32 to index
        %swap3A_622 = arith.constant 64 : index
        %swap3A_623 = tpu.vector_load %arg13[%swap3A_621, %swap3A_622] {strides = array<i32>} : memref<64x128xf32, #tpu.memory_space<vmem>>, vector<1x16xf32>,
        %swap3A_624 = vector.shape_cast %swap3A_623 : vector<1x16xf32> to vector<16xf32>
        %swap3A_625 = vector.shape_cast %mul3A_620 : vector<16xf32> to vector<1x16xf32>
        tpu.vector_store %arg13[%swap3A_621, %swap3A_622], %swap3A_625 {strides = array<i32>} : memref<64x128xf32, #tpu.memory_space<vmem>>, vector<1x16xf32>,
        %get3A_626 = arith.index_cast %scan3A_555 : i32 to index
        %get3A_627 = arith.constant 80 : index
        %get3A_628 = tpu.vector_load %arg13[%get3A_626, %get3A_627] {strides = array<i32>} : memref<64x128xf32, #tpu.memory_space<vmem>>, vector<1x16xf32>,
        %get3A_629 = vector.shape_cast %get3A_628 : vector<1x16xf32> to vector<16xf32>
        %get3A_630 = arith.index_cast %scan3A_555 : i32 to index
        %get3A_631 = arith.constant 80 : index
        %get3A_632 = tpu.vector_load %arg15[%get3A_630, %get3A_631] {strides = array<i32>} : memref<64x128xf32, #tpu.memory_space<vmem>>, vector<1x16xf32>,
        %get3A_633 = vector.shape_cast %get3A_632 : vector<1x16xf32> to vector<16xf32>
        %mul3A_634 = arith.mulf %get3A_629, %get3A_633 : vector<16xf32>
        %swap3A_635 = arith.index_cast %scan3A_555 : i32 to index
        %swap3A_636 = arith.constant 80 : index
        %swap3A_637 = tpu.vector_load %arg13[%swap3A_635, %swap3A_636] {strides = array<i32>} : memref<64x128xf32, #tpu.memory_space<vmem>>, vector<1x16xf32>,
        %swap3A_638 = vector.shape_cast %swap3A_637 : vector<1x16xf32> to vector<16xf32>
        %swap3A_639 = vector.shape_cast %mul3A_634 : vector<16xf32> to vector<1x16xf32>
        tpu.vector_store %arg13[%swap3A_635, %swap3A_636], %swap3A_639 {strides = array<i32>} : memref<64x128xf32, #tpu.memory_space<vmem>>, vector<1x16xf32>,
        %get3A_640 = arith.index_cast %scan3A_555 : i32 to index
        %get3A_641 = arith.constant 96 : index
        %get3A_642 = tpu.vector_load %arg13[%get3A_640, %get3A_641] {strides = array<i32>} : memref<64x128xf32, #tpu.memory_space<vmem>>, vector<1x16xf32>,
        %get3A_643 = vector.shape_cast %get3A_642 : vector<1x16xf32> to vector<16xf32>
        %get3A_644 = arith.index_cast %scan3A_555 : i32 to index
        %get3A_645 = arith.constant 96 : index
        %get3A_646 = tpu.vector_load %arg15[%get3A_644, %get3A_645] {strides = array<i32>} : memref<64x128xf32, #tpu.memory_space<vmem>>, vector<1x16xf32>,
        %get3A_647 = vector.shape_cast %get3A_646 : vector<1x16xf32> to vector<16xf32>
        %mul3A_648 = arith.mulf %get3A_643, %get3A_647 : vector<16xf32>
        %swap3A_649 = arith.index_cast %scan3A_555 : i32 to index
        %swap3A_650 = arith.constant 96 : index
        %swap3A_651 = tpu.vector_load %arg13[%swap3A_649, %swap3A_650] {strides = array<i32>} : memref<64x128xf32, #tpu.memory_space<vmem>>, vector<1x16xf32>,
        %swap3A_652 = vector.shape_cast %swap3A_651 : vector<1x16xf32> to vector<16xf32>
        %swap3A_653 = vector.shape_cast %mul3A_648 : vector<16xf32> to vector<1x16xf32>
        tpu.vector_store %arg13[%swap3A_649, %swap3A_650], %swap3A_653 {strides = array<i32>} : memref<64x128xf32, #tpu.memory_space<vmem>>, vector<1x16xf32>,
        %get3A_654 = arith.index_cast %scan3A_555 : i32 to index
        %get3A_655 = arith.constant 112 : index
        %get3A_656 = tpu.vector_load %arg13[%get3A_654, %get3A_655] {strides = array<i32>} : memref<64x128xf32, #tpu.memory_space<vmem>>, vector<1x16xf32>,
        %get3A_657 = vector.shape_cast %get3A_656 : vector<1x16xf32> to vector<16xf32>
        %get3A_658 = arith.index_cast %scan3A_555 : i32 to index
        %get3A_659 = arith.constant 112 : index
        %get3A_660 = tpu.vector_load %arg15[%get3A_658, %get3A_659] {strides = array<i32>} : memref<64x128xf32, #tpu.memory_space<vmem>>, vector<1x16xf32>,
        %get3A_661 = vector.shape_cast %get3A_660 : vector<1x16xf32> to vector<16xf32>
        %mul3A_662 = arith.mulf %get3A_657, %get3A_661 : vector<16xf32>
        %swap3A_663 = arith.index_cast %scan3A_555 : i32 to index
        %swap3A_664 = arith.constant 112 : index
        %swap3A_665 = tpu.vector_load %arg13[%swap3A_663, %swap3A_664] {strides = array<i32>} : memref<64x128xf32, #tpu.memory_space<vmem>>, vector<1x16xf32>,
        %swap3A_666 = vector.shape_cast %swap3A_665 : vector<1x16xf32> to vector<16xf32>
        %swap3A_667 = vector.shape_cast %mul3A_662 : vector<16xf32> to vector<1x16xf32>
        tpu.vector_store %arg13[%swap3A_663, %swap3A_664], %swap3A_667 {strides = array<i32>} : memref<64x128xf32, #tpu.memory_space<vmem>>, vector<1x16xf32>,
        %scan3A_668 = arith.constant 0 : i32
        %scan3A_669 = arith.constant 2 : i32
        %scan3A_670 = arith.addi %scan3A_440, %scan3A_669 : i32
        %get3A_671 = arith.index_cast %scan3A_670 : i32 to index
        %get3A_672 = arith.constant 0 : index
        %get3A_673 = tpu.vector_load %arg13[%get3A_671, %get3A_672] {strides = array<i32>} : memref<64x128xf32, #tpu.memory_space<vmem>>, vector<1x16xf32>,
        %get3A_674 = vector.shape_cast %get3A_673 : vector<1x16xf32> to vector<16xf32>
        %get3A_675 = arith.index_cast %scan3A_670 : i32 to index
        %get3A_676 = arith.constant 0 : index
        %get3A_677 = tpu.vector_load %arg15[%get3A_675, %get3A_676] {strides = array<i32>} : memref<64x128xf32, #tpu.memory_space<vmem>>, vector<1x16xf32>,
        %get3A_678 = vector.shape_cast %get3A_677 : vector<1x16xf32> to vector<16xf32>
        %mul3A_679 = arith.mulf %get3A_674, %get3A_678 : vector<16xf32>
        %swap3A_680 = arith.index_cast %scan3A_670 : i32 to index
        %swap3A_681 = arith.constant 0 : index
        %swap3A_682 = tpu.vector_load %arg13[%swap3A_680, %swap3A_681] {strides = array<i32>} : memref<64x128xf32, #tpu.memory_space<vmem>>, vector<1x16xf32>,
        %swap3A_683 = vector.shape_cast %swap3A_682 : vector<1x16xf32> to vector<16xf32>
        %swap3A_684 = vector.shape_cast %mul3A_679 : vector<16xf32> to vector<1x16xf32>
        tpu.vector_store %arg13[%swap3A_680, %swap3A_681], %swap3A_684 {strides = array<i32>} : memref<64x128xf32, #tpu.memory_space<vmem>>, vector<1x16xf32>,
        %get3A_685 = arith.index_cast %scan3A_670 : i32 to index
        %get3A_686 = arith.constant 16 : index
        %get3A_687 = tpu.vector_load %arg13[%get3A_685, %get3A_686] {strides = array<i32>} : memref<64x128xf32, #tpu.memory_space<vmem>>, vector<1x16xf32>,
        %get3A_688 = vector.shape_cast %get3A_687 : vector<1x16xf32> to vector<16xf32>
        %get3A_689 = arith.index_cast %scan3A_670 : i32 to index
        %get3A_690 = arith.constant 16 : index
        %get3A_691 = tpu.vector_load %arg15[%get3A_689, %get3A_690] {strides = array<i32>} : memref<64x128xf32, #tpu.memory_space<vmem>>, vector<1x16xf32>,
        %get3A_692 = vector.shape_cast %get3A_691 : vector<1x16xf32> to vector<16xf32>
        %mul3A_693 = arith.mulf %get3A_688, %get3A_692 : vector<16xf32>
        %swap3A_694 = arith.index_cast %scan3A_670 : i32 to index
        %swap3A_695 = arith.constant 16 : index
        %swap3A_696 = tpu.vector_load %arg13[%swap3A_694, %swap3A_695] {strides = array<i32>} : memref<64x128xf32, #tpu.memory_space<vmem>>, vector<1x16xf32>,
        %swap3A_697 = vector.shape_cast %swap3A_696 : vector<1x16xf32> to vector<16xf32>
        %swap3A_698 = vector.shape_cast %mul3A_693 : vector<16xf32> to vector<1x16xf32>
        tpu.vector_store %arg13[%swap3A_694, %swap3A_695], %swap3A_698 {strides = array<i32>} : memref<64x128xf32, #tpu.memory_space<vmem>>, vector<1x16xf32>,
        %get3A_699 = arith.index_cast %scan3A_670 : i32 to index
        %get3A_700 = arith.constant 32 : index
        %get3A_701 = tpu.vector_load %arg13[%get3A_699, %get3A_700] {strides = array<i32>} : memref<64x128xf32, #tpu.memory_space<vmem>>, vector<1x16xf32>,
        %get3A_702 = vector.shape_cast %get3A_701 : vector<1x16xf32> to vector<16xf32>
        %get3A_703 = arith.index_cast %scan3A_670 : i32 to index
        %get3A_704 = arith.constant 32 : index
        %get3A_705 = tpu.vector_load %arg15[%get3A_703, %get3A_704] {strides = array<i32>} : memref<64x128xf32, #tpu.memory_space<vmem>>, vector<1x16xf32>,
        %get3A_706 = vector.shape_cast %get3A_705 : vector<1x16xf32> to vector<16xf32>
        %mul3A_707 = arith.mulf %get3A_702, %get3A_706 : vector<16xf32>
        %swap3A_708 = arith.index_cast %scan3A_670 : i32 to index
        %swap3A_709 = arith.constant 32 : index
        %swap3A_710 = tpu.vector_load %arg13[%swap3A_708, %swap3A_709] {strides = array<i32>} : memref<64x128xf32, #tpu.memory_space<vmem>>, vector<1x16xf32>,
        %swap3A_711 = vector.shape_cast %swap3A_710 : vector<1x16xf32> to vector<16xf32>
        %swap3A_712 = vector.shape_cast %mul3A_707 : vector<16xf32> to vector<1x16xf32>
        tpu.vector_store %arg13[%swap3A_708, %swap3A_709], %swap3A_712 {strides = array<i32>} : memref<64x128xf32, #tpu.memory_space<vmem>>, vector<1x16xf32>,
        %get3A_713 = arith.index_cast %scan3A_670 : i32 to index
        %get3A_714 = arith.constant 48 : index
        %get3A_715 = tpu.vector_load %arg13[%get3A_713, %get3A_714] {strides = array<i32>} : memref<64x128xf32, #tpu.memory_space<vmem>>, vector<1x16xf32>,
        %get3A_716 = vector.shape_cast %get3A_715 : vector<1x16xf32> to vector<16xf32>
        %get3A_717 = arith.index_cast %scan3A_670 : i32 to index
        %get3A_718 = arith.constant 48 : index
        %get3A_719 = tpu.vector_load %arg15[%get3A_717, %get3A_718] {strides = array<i32>} : memref<64x128xf32, #tpu.memory_space<vmem>>, vector<1x16xf32>,
        %get3A_720 = vector.shape_cast %get3A_719 : vector<1x16xf32> to vector<16xf32>
        %mul3A_721 = arith.mulf %get3A_716, %get3A_720 : vector<16xf32>
        %swap3A_722 = arith.index_cast %scan3A_670 : i32 to index
        %swap3A_723 = arith.constant 48 : index
        %swap3A_724 = tpu.vector_load %arg13[%swap3A_722, %swap3A_723] {strides = array<i32>} : memref<64x128xf32, #tpu.memory_space<vmem>>, vector<1x16xf32>,
        %swap3A_725 = vector.shape_cast %swap3A_724 : vector<1x16xf32> to vector<16xf32>
        %swap3A_726 = vector.shape_cast %mul3A_721 : vector<16xf32> to vector<1x16xf32>
        tpu.vector_store %arg13[%swap3A_722, %swap3A_723], %swap3A_726 {strides = array<i32>} : memref<64x128xf32, #tpu.memory_space<vmem>>, vector<1x16xf32>,
        %get3A_727 = arith.index_cast %scan3A_670 : i32 to index
        %get3A_728 = arith.constant 64 : index
        %get3A_729 = tpu.vector_load %arg13[%get3A_727, %get3A_728] {strides = array<i32>} : memref<64x128xf32, #tpu.memory_space<vmem>>, vector<1x16xf32>,
        %get3A_730 = vector.shape_cast %get3A_729 : vector<1x16xf32> to vector<16xf32>
        %get3A_731 = arith.index_cast %scan3A_670 : i32 to index
        %get3A_732 = arith.constant 64 : index
        %get3A_733 = tpu.vector_load %arg15[%get3A_731, %get3A_732] {strides = array<i32>} : memref<64x128xf32, #tpu.memory_space<vmem>>, vector<1x16xf32>,
        %get3A_734 = vector.shape_cast %get3A_733 : vector<1x16xf32> to vector<16xf32>
        %mul3A_735 = arith.mulf %get3A_730, %get3A_734 : vector<16xf32>
        %swap3A_736 = arith.index_cast %scan3A_670 : i32 to index
        %swap3A_737 = arith.constant 64 : index
        %swap3A_738 = tpu.vector_load %arg13[%swap3A_736, %swap3A_737] {strides = array<i32>} : memref<64x128xf32, #tpu.memory_space<vmem>>, vector<1x16xf32>,
        %swap3A_739 = vector.shape_cast %swap3A_738 : vector<1x16xf32> to vector<16xf32>
        %swap3A_740 = vector.shape_cast %mul3A_735 : vector<16xf32> to vector<1x16xf32>
        tpu.vector_store %arg13[%swap3A_736, %swap3A_737], %swap3A_740 {strides = array<i32>} : memref<64x128xf32, #tpu.memory_space<vmem>>, vector<1x16xf32>,
        %get3A_741 = arith.index_cast %scan3A_670 : i32 to index
        %get3A_742 = arith.constant 80 : index
        %get3A_743 = tpu.vector_load %arg13[%get3A_741, %get3A_742] {strides = array<i32>} : memref<64x128xf32, #tpu.memory_space<vmem>>, vector<1x16xf32>,
        %get3A_744 = vector.shape_cast %get3A_743 : vector<1x16xf32> to vector<16xf32>
        %get3A_745 = arith.index_cast %scan3A_670 : i32 to index
        %get3A_746 = arith.constant 80 : index
        %get3A_747 = tpu.vector_load %arg15[%get3A_745, %get3A_746] {strides = array<i32>} : memref<64x128xf32, #tpu.memory_space<vmem>>, vector<1x16xf32>,
        %get3A_748 = vector.shape_cast %get3A_747 : vector<1x16xf32> to vector<16xf32>
        %mul3A_749 = arith.mulf %get3A_744, %get3A_748 : vector<16xf32>
        %swap3A_750 = arith.index_cast %scan3A_670 : i32 to index
        %swap3A_751 = arith.constant 80 : index
        %swap3A_752 = tpu.vector_load %arg13[%swap3A_750, %swap3A_751] {strides = array<i32>} : memref<64x128xf32, #tpu.memory_space<vmem>>, vector<1x16xf32>,
        %swap3A_753 = vector.shape_cast %swap3A_752 : vector<1x16xf32> to vector<16xf32>
        %swap3A_754 = vector.shape_cast %mul3A_749 : vector<16xf32> to vector<1x16xf32>
        tpu.vector_store %arg13[%swap3A_750, %swap3A_751], %swap3A_754 {strides = array<i32>} : memref<64x128xf32, #tpu.memory_space<vmem>>, vector<1x16xf32>,
        %get3A_755 = arith.index_cast %scan3A_670 : i32 to index
        %get3A_756 = arith.constant 96 : index
        %get3A_757 = tpu.vector_load %arg13[%get3A_755, %get3A_756] {strides = array<i32>} : memref<64x128xf32, #tpu.memory_space<vmem>>, vector<1x16xf32>,
        %get3A_758 = vector.shape_cast %get3A_757 : vector<1x16xf32> to vector<16xf32>
        %get3A_759 = arith.index_cast %scan3A_670 : i32 to index
        %get3A_760 = arith.constant 96 : index
        %get3A_761 = tpu.vector_load %arg15[%get3A_759, %get3A_760] {strides = array<i32>} : memref<64x128xf32, #tpu.memory_space<vmem>>, vector<1x16xf32>,
        %get3A_762 = vector.shape_cast %get3A_761 : vector<1x16xf32> to vector<16xf32>
        %mul3A_763 = arith.mulf %get3A_758, %get3A_762 : vector<16xf32>
        %swap3A_764 = arith.index_cast %scan3A_670 : i32 to index
        %swap3A_765 = arith.constant 96 : index
        %swap3A_766 = tpu.vector_load %arg13[%swap3A_764, %swap3A_765] {strides = array<i32>} : memref<64x128xf32, #tpu.memory_space<vmem>>, vector<1x16xf32>,
        %swap3A_767 = vector.shape_cast %swap3A_766 : vector<1x16xf32> to vector<16xf32>
        %swap3A_768 = vector.shape_cast %mul3A_763 : vector<16xf32> to vector<1x16xf32>
        tpu.vector_store %arg13[%swap3A_764, %swap3A_765], %swap3A_768 {strides = array<i32>} : memref<64x128xf32, #tpu.memory_space<vmem>>, vector<1x16xf32>,
        %get3A_769 = arith.index_cast %scan3A_670 : i32 to index
        %get3A_770 = arith.constant 112 : index
        %get3A_771 = tpu.vector_load %arg13[%get3A_769, %get3A_770] {strides = array<i32>} : memref<64x128xf32, #tpu.memory_space<vmem>>, vector<1x16xf32>,
        %get3A_772 = vector.shape_cast %get3A_771 : vector<1x16xf32> to vector<16xf32>
        %get3A_773 = arith.index_cast %scan3A_670 : i32 to index
        %get3A_774 = arith.constant 112 : index
        %get3A_775 = tpu.vector_load %arg15[%get3A_773, %get3A_774] {strides = array<i32>} : memref<64x128xf32, #tpu.memory_space<vmem>>, vector<1x16xf32>,
        %get3A_776 = vector.shape_cast %get3A_775 : vector<1x16xf32> to vector<16xf32>
        %mul3A_777 = arith.mulf %get3A_772, %get3A_776 : vector<16xf32>
        %swap3A_778 = arith.index_cast %scan3A_670 : i32 to index
        %swap3A_779 = arith.constant 112 : index
        %swap3A_780 = tpu.vector_load %arg13[%swap3A_778, %swap3A_779] {strides = array<i32>} : memref<64x128xf32, #tpu.memory_space<vmem>>, vector<1x16xf32>,
        %swap3A_781 = vector.shape_cast %swap3A_780 : vector<1x16xf32> to vector<16xf32>
        %swap3A_782 = vector.shape_cast %mul3A_777 : vector<16xf32> to vector<1x16xf32>
        tpu.vector_store %arg13[%swap3A_778, %swap3A_779], %swap3A_782 {strides = array<i32>} : memref<64x128xf32, #tpu.memory_space<vmem>>, vector<1x16xf32>,
        %scan3A_783 = arith.constant 0 : i32
        %scan3A_784 = arith.constant 3 : i32
        %scan3A_785 = arith.addi %scan3A_440, %scan3A_784 : i32
        %get3A_786 = arith.index_cast %scan3A_785 : i32 to index
        %get3A_787 = arith.constant 0 : index
        %get3A_788 = tpu.vector_load %arg13[%get3A_786, %get3A_787] {strides = array<i32>} : memref<64x128xf32, #tpu.memory_space<vmem>>, vector<1x16xf32>,
        %get3A_789 = vector.shape_cast %get3A_788 : vector<1x16xf32> to vector<16xf32>
        %get3A_790 = arith.index_cast %scan3A_785 : i32 to index
        %get3A_791 = arith.constant 0 : index
        %get3A_792 = tpu.vector_load %arg15[%get3A_790, %get3A_791] {strides = array<i32>} : memref<64x128xf32, #tpu.memory_space<vmem>>, vector<1x16xf32>,
        %get3A_793 = vector.shape_cast %get3A_792 : vector<1x16xf32> to vector<16xf32>
        %mul3A_794 = arith.mulf %get3A_789, %get3A_793 : vector<16xf32>
        %swap3A_795 = arith.index_cast %scan3A_785 : i32 to index
        %swap3A_796 = arith.constant 0 : index
        %swap3A_797 = tpu.vector_load %arg13[%swap3A_795, %swap3A_796] {strides = array<i32>} : memref<64x128xf32, #tpu.memory_space<vmem>>, vector<1x16xf32>,
        %swap3A_798 = vector.shape_cast %swap3A_797 : vector<1x16xf32> to vector<16xf32>
        %swap3A_799 = vector.shape_cast %mul3A_794 : vector<16xf32> to vector<1x16xf32>
        tpu.vector_store %arg13[%swap3A_795, %swap3A_796], %swap3A_799 {strides = array<i32>} : memref<64x128xf32, #tpu.memory_space<vmem>>, vector<1x16xf32>,
        %get3A_800 = arith.index_cast %scan3A_785 : i32 to index
        %get3A_801 = arith.constant 16 : index
        %get3A_802 = tpu.vector_load %arg13[%get3A_800, %get3A_801] {strides = array<i32>} : memref<64x128xf32, #tpu.memory_space<vmem>>, vector<1x16xf32>,
        %get3A_803 = vector.shape_cast %get3A_802 : vector<1x16xf32> to vector<16xf32>
        %get3A_804 = arith.index_cast %scan3A_785 : i32 to index
        %get3A_805 = arith.constant 16 : index
        %get3A_806 = tpu.vector_load %arg15[%get3A_804, %get3A_805] {strides = array<i32>} : memref<64x128xf32, #tpu.memory_space<vmem>>, vector<1x16xf32>,
        %get3A_807 = vector.shape_cast %get3A_806 : vector<1x16xf32> to vector<16xf32>
        %mul3A_808 = arith.mulf %get3A_803, %get3A_807 : vector<16xf32>
        %swap3A_809 = arith.index_cast %scan3A_785 : i32 to index
        %swap3A_810 = arith.constant 16 : index
        %swap3A_811 = tpu.vector_load %arg13[%swap3A_809, %swap3A_810] {strides = array<i32>} : memref<64x128xf32, #tpu.memory_space<vmem>>, vector<1x16xf32>,
        %swap3A_812 = vector.shape_cast %swap3A_811 : vector<1x16xf32> to vector<16xf32>
        %swap3A_813 = vector.shape_cast %mul3A_808 : vector<16xf32> to vector<1x16xf32>
        tpu.vector_store %arg13[%swap3A_809, %swap3A_810], %swap3A_813 {strides = array<i32>} : memref<64x128xf32, #tpu.memory_space<vmem>>, vector<1x16xf32>,
        %get3A_814 = arith.index_cast %scan3A_785 : i32 to index
        %get3A_815 = arith.constant 32 : index
        %get3A_816 = tpu.vector_load %arg13[%get3A_814, %get3A_815] {strides = array<i32>} : memref<64x128xf32, #tpu.memory_space<vmem>>, vector<1x16xf32>,
        %get3A_817 = vector.shape_cast %get3A_816 : vector<1x16xf32> to vector<16xf32>
        %get3A_818 = arith.index_cast %scan3A_785 : i32 to index
        %get3A_819 = arith.constant 32 : index
        %get3A_820 = tpu.vector_load %arg15[%get3A_818, %get3A_819] {strides = array<i32>} : memref<64x128xf32, #tpu.memory_space<vmem>>, vector<1x16xf32>,
        %get3A_821 = vector.shape_cast %get3A_820 : vector<1x16xf32> to vector<16xf32>
        %mul3A_822 = arith.mulf %get3A_817, %get3A_821 : vector<16xf32>
        %swap3A_823 = arith.index_cast %scan3A_785 : i32 to index
        %swap3A_824 = arith.constant 32 : index
        %swap3A_825 = tpu.vector_load %arg13[%swap3A_823, %swap3A_824] {strides = array<i32>} : memref<64x128xf32, #tpu.memory_space<vmem>>, vector<1x16xf32>,
        %swap3A_826 = vector.shape_cast %swap3A_825 : vector<1x16xf32> to vector<16xf32>
        %swap3A_827 = vector.shape_cast %mul3A_822 : vector<16xf32> to vector<1x16xf32>
        tpu.vector_store %arg13[%swap3A_823, %swap3A_824], %swap3A_827 {strides = array<i32>} : memref<64x128xf32, #tpu.memory_space<vmem>>, vector<1x16xf32>,
        %get3A_828 = arith.index_cast %scan3A_785 : i32 to index
        %get3A_829 = arith.constant 48 : index
        %get3A_830 = tpu.vector_load %arg13[%get3A_828, %get3A_829] {strides = array<i32>} : memref<64x128xf32, #tpu.memory_space<vmem>>, vector<1x16xf32>,
        %get3A_831 = vector.shape_cast %get3A_830 : vector<1x16xf32> to vector<16xf32>
        %get3A_832 = arith.index_cast %scan3A_785 : i32 to index
        %get3A_833 = arith.constant 48 : index
        %get3A_834 = tpu.vector_load %arg15[%get3A_832, %get3A_833] {strides = array<i32>} : memref<64x128xf32, #tpu.memory_space<vmem>>, vector<1x16xf32>,
        %get3A_835 = vector.shape_cast %get3A_834 : vector<1x16xf32> to vector<16xf32>
        %mul3A_836 = arith.mulf %get3A_831, %get3A_835 : vector<16xf32>
        %swap3A_837 = arith.index_cast %scan3A_785 : i32 to index
        %swap3A_838 = arith.constant 48 : index
        %swap3A_839 = tpu.vector_load %arg13[%swap3A_837, %swap3A_838] {strides = array<i32>} : memref<64x128xf32, #tpu.memory_space<vmem>>, vector<1x16xf32>,
        %swap3A_840 = vector.shape_cast %swap3A_839 : vector<1x16xf32> to vector<16xf32>
        %swap3A_841 = vector.shape_cast %mul3A_836 : vector<16xf32> to vector<1x16xf32>
        tpu.vector_store %arg13[%swap3A_837, %swap3A_838], %swap3A_841 {strides = array<i32>} : memref<64x128xf32, #tpu.memory_space<vmem>>, vector<1x16xf32>,
        %get3A_842 = arith.index_cast %scan3A_785 : i32 to index
        %get3A_843 = arith.constant 64 : index
        %get3A_844 = tpu.vector_load %arg13[%get3A_842, %get3A_843] {strides = array<i32>} : memref<64x128xf32, #tpu.memory_space<vmem>>, vector<1x16xf32>,
        %get3A_845 = vector.shape_cast %get3A_844 : vector<1x16xf32> to vector<16xf32>
        %get3A_846 = arith.index_cast %scan3A_785 : i32 to index
        %get3A_847 = arith.constant 64 : index
        %get3A_848 = tpu.vector_load %arg15[%get3A_846, %get3A_847] {strides = array<i32>} : memref<64x128xf32, #tpu.memory_space<vmem>>, vector<1x16xf32>,
        %get3A_849 = vector.shape_cast %get3A_848 : vector<1x16xf32> to vector<16xf32>
        %mul3A_850 = arith.mulf %get3A_845, %get3A_849 : vector<16xf32>
        %swap3A_851 = arith.index_cast %scan3A_785 : i32 to index
        %swap3A_852 = arith.constant 64 : index
        %swap3A_853 = tpu.vector_load %arg13[%swap3A_851, %swap3A_852] {strides = array<i32>} : memref<64x128xf32, #tpu.memory_space<vmem>>, vector<1x16xf32>,
        %swap3A_854 = vector.shape_cast %swap3A_853 : vector<1x16xf32> to vector<16xf32>
        %swap3A_855 = vector.shape_cast %mul3A_850 : vector<16xf32> to vector<1x16xf32>
        tpu.vector_store %arg13[%swap3A_851, %swap3A_852], %swap3A_855 {strides = array<i32>} : memref<64x128xf32, #tpu.memory_space<vmem>>, vector<1x16xf32>,
        %get3A_856 = arith.index_cast %scan3A_785 : i32 to index
        %get3A_857 = arith.constant 80 : index
        %get3A_858 = tpu.vector_load %arg13[%get3A_856, %get3A_857] {strides = array<i32>} : memref<64x128xf32, #tpu.memory_space<vmem>>, vector<1x16xf32>,
        %get3A_859 = vector.shape_cast %get3A_858 : vector<1x16xf32> to vector<16xf32>
        %get3A_860 = arith.index_cast %scan3A_785 : i32 to index
        %get3A_861 = arith.constant 80 : index
        %get3A_862 = tpu.vector_load %arg15[%get3A_860, %get3A_861] {strides = array<i32>} : memref<64x128xf32, #tpu.memory_space<vmem>>, vector<1x16xf32>,
        %get3A_863 = vector.shape_cast %get3A_862 : vector<1x16xf32> to vector<16xf32>
        %mul3A_864 = arith.mulf %get3A_859, %get3A_863 : vector<16xf32>
        %swap3A_865 = arith.index_cast %scan3A_785 : i32 to index
        %swap3A_866 = arith.constant 80 : index
        %swap3A_867 = tpu.vector_load %arg13[%swap3A_865, %swap3A_866] {strides = array<i32>} : memref<64x128xf32, #tpu.memory_space<vmem>>, vector<1x16xf32>,
        %swap3A_868 = vector.shape_cast %swap3A_867 : vector<1x16xf32> to vector<16xf32>
        %swap3A_869 = vector.shape_cast %mul3A_864 : vector<16xf32> to vector<1x16xf32>
        tpu.vector_store %arg13[%swap3A_865, %swap3A_866], %swap3A_869 {strides = array<i32>} : memref<64x128xf32, #tpu.memory_space<vmem>>, vector<1x16xf32>,
        %get3A_870 = arith.index_cast %scan3A_785 : i32 to index
        %get3A_871 = arith.constant 96 : index
        %get3A_872 = tpu.vector_load %arg13[%get3A_870, %get3A_871] {strides = array<i32>} : memref<64x128xf32, #tpu.memory_space<vmem>>, vector<1x16xf32>,
        %get3A_873 = vector.shape_cast %get3A_872 : vector<1x16xf32> to vector<16xf32>
        %get3A_874 = arith.index_cast %scan3A_785 : i32 to index
        %get3A_875 = arith.constant 96 : index
        %get3A_876 = tpu.vector_load %arg15[%get3A_874, %get3A_875] {strides = array<i32>} : memref<64x128xf32, #tpu.memory_space<vmem>>, vector<1x16xf32>,
        %get3A_877 = vector.shape_cast %get3A_876 : vector<1x16xf32> to vector<16xf32>
        %mul3A_878 = arith.mulf %get3A_873, %get3A_877 : vector<16xf32>
        %swap3A_879 = arith.index_cast %scan3A_785 : i32 to index
        %swap3A_880 = arith.constant 96 : index
        %swap3A_881 = tpu.vector_load %arg13[%swap3A_879, %swap3A_880] {strides = array<i32>} : memref<64x128xf32, #tpu.memory_space<vmem>>, vector<1x16xf32>,
        %swap3A_882 = vector.shape_cast %swap3A_881 : vector<1x16xf32> to vector<16xf32>
        %swap3A_883 = vector.shape_cast %mul3A_878 : vector<16xf32> to vector<1x16xf32>
        tpu.vector_store %arg13[%swap3A_879, %swap3A_880], %swap3A_883 {strides = array<i32>} : memref<64x128xf32, #tpu.memory_space<vmem>>, vector<1x16xf32>,
        %get3A_884 = arith.index_cast %scan3A_785 : i32 to index
        %get3A_885 = arith.constant 112 : index
        %get3A_886 = tpu.vector_load %arg13[%get3A_884, %get3A_885] {strides = array<i32>} : memref<64x128xf32, #tpu.memory_space<vmem>>, vector<1x16xf32>,
        %get3A_887 = vector.shape_cast %get3A_886 : vector<1x16xf32> to vector<16xf32>
        %get3A_888 = arith.index_cast %scan3A_785 : i32 to index
        %get3A_889 = arith.constant 112 : index
        %get3A_890 = tpu.vector_load %arg15[%get3A_888, %get3A_889] {strides = array<i32>} : memref<64x128xf32, #tpu.memory_space<vmem>>, vector<1x16xf32>,
        %get3A_891 = vector.shape_cast %get3A_890 : vector<1x16xf32> to vector<16xf32>
        %mul3A_892 = arith.mulf %get3A_887, %get3A_891 : vector<16xf32>
        %swap3A_893 = arith.index_cast %scan3A_785 : i32 to index
        %swap3A_894 = arith.constant 112 : index
        %swap3A_895 = tpu.vector_load %arg13[%swap3A_893, %swap3A_894] {strides = array<i32>} : memref<64x128xf32, #tpu.memory_space<vmem>>, vector<1x16xf32>,
        %swap3A_896 = vector.shape_cast %swap3A_895 : vector<1x16xf32> to vector<16xf32>
        %swap3A_897 = vector.shape_cast %mul3A_892 : vector<16xf32> to vector<1x16xf32>
        tpu.vector_store %arg13[%swap3A_893, %swap3A_894], %swap3A_897 {strides = array<i32>} : memref<64x128xf32, #tpu.memory_space<vmem>>, vector<1x16xf32>,
        %scan3A_898 = arith.constant 0 : i32
        scf.yield %scan3A_898 : i32
      }
      %scan3A_197 = arith.constant 64 : i32
      %dma_start3A_198 = arith.constant 2 : i32
      %dma_start3A_199 = arith.constant 0 : i32
      %dma_start3A_200 = tpu.memref_slice %arg10[%dma_start3A_198, %dma_start3A_199] : memref<3x64xi32, #tpu.memory_space<vmem>> -> memref<1x64xi32, #tpu.memory_space<vmem>>
      %dma_start3A_201 = tpu.memref_squeeze %dma_start3A_200 : memref<1x64xi32, #tpu.memory_space<vmem>> -> memref<64xi32, #tpu.memory_space<vmem>>
      %dma_start3A_202 = arith.constant 0 : i32
      %dma_start3A_203 = arith.constant 0 : i32
      %dma_start3A_204 = tpu.memref_slice %arg17[%dma_start3A_202, %dma_start3A_203] : memref<10112x128xf32, #tpu.memory_space<vmem_shared>> -> memref<10112x128xf32, #tpu.memory_space<vmem_shared>>
      tpu.enqueue_indirect_dma source(%arg13 : memref<64x128xf32, #tpu.memory_space<vmem>>) target(%dma_start3A_204 : memref<10112x128xf32, #tpu.memory_space<vmem_shared>>) offsets(%dma_start3A_201 : memref<64xi32, #tpu.memory_space<vmem>>) semaphore(%arg24 : memref<!tpu.dma_semaphore, #tpu.memory_space<semaphore_mem>>) {add = true}
      %dma_start3A_205 = arith.constant 2 : i32
      %dma_start3A_206 = arith.constant 0 : i32
      %dma_start3A_207 = tpu.memref_slice %arg10[%dma_start3A_205, %dma_start3A_206] : memref<3x64xi32, #tpu.memory_space<vmem>> -> memref<1x64xi32, #tpu.memory_space<vmem>>
      %dma_start3A_208 = tpu.memref_squeeze %dma_start3A_207 : memref<1x64xi32, #tpu.memory_space<vmem>> -> memref<64xi32, #tpu.memory_space<vmem>>
      %dma_start3A_209 = arith.constant 0 : i32
      %dma_start3A_210 = tpu.memref_slice %arg18[%dma_start3A_209] : memref<10112xf32, #tpu.memory_space<vmem_shared>> -> memref<10112xf32, #tpu.memory_space<vmem_shared>>
      tpu.enqueue_indirect_dma source(%arg16 : memref<64xf32, #tpu.memory_space<vmem>>) target(%dma_start3A_210 : memref<10112xf32, #tpu.memory_space<vmem_shared>>) offsets(%dma_start3A_208 : memref<64xi32, #tpu.memory_space<vmem>>) semaphore(%arg26 : memref<!tpu.dma_semaphore, #tpu.memory_space<semaphore_mem>>) {add = true}
      %mul3A_211 = arith.constant 6 : i32
      %mul3A_212 = arith.muli %mul3A_211, %scan3A_97 : i32
      %add3A_213 = arith.constant 2 : i32
      %add3A_214 = arith.addi %mul3A_212, %add3A_213 : i32
      %ge3A_215 = arith.constant 1 : i32
      %ge3A_216 = arith.cmpi sge, %add3A_214, %ge3A_215 : i32
      %convert_element_type3A_217 = arith.extui %ge3A_216 : i1 to i32
      %cond3A_218 = arith.constant 0 : i32
      %cond3A_219 = arith.cmpi ne, %convert_element_type3A_217, %cond3A_218 : i32
      scf.if %cond3A_219 {
        %sub3A = arith.constant 1 : i32
        %sub3A_440 = arith.subi %add3A_214, %sub3A : i32
        %dma_wait3A_441 = arith.constant 2 : i32
        %dma_wait3A_442 = arith.constant 0 : i32
        %dma_wait3A_443 = tpu.memref_slice %arg10[%dma_wait3A_441, %dma_wait3A_442] : memref<3x64xi32, #tpu.memory_space<vmem>> -> memref<1x64xi32, #tpu.memory_space<vmem>>
        %dma_wait3A_444 = tpu.memref_squeeze %dma_wait3A_443 : memref<1x64xi32, #tpu.memory_space<vmem>> -> memref<64xi32, #tpu.memory_space<vmem>>
        %dma_wait3A_445 = arith.constant 0 : i32
        %dma_wait3A_446 = arith.constant 0 : i32
        %dma_wait3A_447 = tpu.memref_slice %arg17[%dma_wait3A_445, %dma_wait3A_446] : memref<10112x128xf32, #tpu.memory_space<vmem_shared>> -> memref<10112x128xf32, #tpu.memory_space<vmem_shared>>
        tpu.wait_indirect_dma semaphore(%arg24 : memref<!tpu.dma_semaphore, #tpu.memory_space<semaphore_mem>>) src(%arg13 : memref<64x128xf32, #tpu.memory_space<vmem>>) dst(%dma_wait3A_447 : memref<10112x128xf32, #tpu.memory_space<vmem_shared>>)
        %dma_wait3A_448 = arith.constant 2 : i32
        %dma_wait3A_449 = arith.constant 0 : i32
        %dma_wait3A_450 = tpu.memref_slice %arg10[%dma_wait3A_448, %dma_wait3A_449] : memref<3x64xi32, #tpu.memory_space<vmem>> -> memref<1x64xi32, #tpu.memory_space<vmem>>
        %dma_wait3A_451 = tpu.memref_squeeze %dma_wait3A_450 : memref<1x64xi32, #tpu.memory_space<vmem>> -> memref<64xi32, #tpu.memory_space<vmem>>
        %dma_wait3A_452 = arith.constant 0 : i32
        %dma_wait3A_453 = tpu.memref_slice %arg18[%dma_wait3A_452] : memref<10112xf32, #tpu.memory_space<vmem_shared>> -> memref<10112xf32, #tpu.memory_space<vmem_shared>>
        tpu.wait_indirect_dma semaphore(%arg26 : memref<!tpu.dma_semaphore, #tpu.memory_space<semaphore_mem>>) src(%arg16 : memref<64xf32, #tpu.memory_space<vmem>>) dst(%dma_wait3A_453 : memref<10112xf32, #tpu.memory_space<vmem_shared>>)
      } else {
      }
      %add3A_220 = arith.constant 2 : i32
      %add3A_221 = arith.addi %add3A_214, %add3A_220 : i32
      %lt3A_222 = arith.constant 162 : i32
      %lt3A_223 = arith.cmpi slt, %add3A_221, %lt3A_222 : i32
      %convert_element_type3A_224 = arith.extui %lt3A_223 : i1 to i32
      %cond3A_225 = arith.constant 0 : i32
      %cond3A_226 = arith.cmpi ne, %convert_element_type3A_224, %cond3A_225 : i32
      scf.if %cond3A_226 {
        %add3A_440 = arith.constant 2 : i32
        %add3A_441 = arith.addi %add3A_214, %add3A_440 : i32
        %dma_start3A_442 = arith.constant 0 : i32
        %dma_start3A_443 = arith.constant 0 : i32
        %dma_start3A_444 = tpu.memref_slice %arg2[%add3A, %add3A_441, %dma_start3A_442, %dma_start3A_443] : memref<32x162x3x64xi32, #tpu.memory_space<hbm>> -> memref<1x1x3x64xi32, #tpu.memory_space<hbm>>
        %dma_start3A_445 = tpu.memref_squeeze %dma_start3A_444 : memref<1x1x3x64xi32, #tpu.memory_space<hbm>> -> memref<3x64xi32, #tpu.memory_space<hbm>>
        %dma_start3A_446 = arith.constant 0 : i32
        %dma_start3A_447 = arith.constant 0 : i32
        %dma_start3A_448 = tpu.memref_slice %arg2[%add3A, %add3A_441, %dma_start3A_446, %dma_start3A_447] : memref<32x162x3x64xi32, #tpu.memory_space<hbm>> -> memref<1x1x3x64xi32, #tpu.memory_space<hbm>>
        %dma_start3A_449 = tpu.memref_squeeze %dma_start3A_448 : memref<1x1x3x64xi32, #tpu.memory_space<hbm>> -> memref<3x64xi32, #tpu.memory_space<hbm>>
        tpu.enqueue_dma source(%dma_start3A_449 : memref<3x64xi32, #tpu.memory_space<hbm>>) target(%arg10 : memref<3x64xi32, #tpu.memory_space<vmem>>) target_semaphore(%arg28 : memref<!tpu.dma_semaphore, #tpu.memory_space<semaphore_mem>>)
      } else {
      }
      %add3A_227 = arith.constant 1 : i32
      %add3A_228 = arith.addi %add3A_214, %add3A_227 : i32
      %lt3A_229 = arith.constant 162 : i32
      %lt3A_230 = arith.cmpi slt, %add3A_228, %lt3A_229 : i32
      %convert_element_type3A_231 = arith.extui %lt3A_230 : i1 to i32
      %cond3A_232 = arith.constant 0 : i32
      %cond3A_233 = arith.cmpi ne, %convert_element_type3A_231, %cond3A_232 : i32
      scf.if %cond3A_233 {
        %add3A_440 = arith.constant 1 : i32
        %add3A_441 = arith.addi %add3A_214, %add3A_440 : i32
        %dma_wait3A_442 = arith.constant 0 : i32
        %dma_wait3A_443 = arith.constant 0 : i32
        %dma_wait3A_444 = tpu.memref_slice %arg2[%add3A, %add3A_441, %dma_wait3A_442, %dma_wait3A_443] : memref<32x162x3x64xi32, #tpu.memory_space<hbm>> -> memref<1x1x3x64xi32, #tpu.memory_space<hbm>>
        %dma_wait3A_445 = tpu.memref_squeeze %dma_wait3A_444 : memref<1x1x3x64xi32, #tpu.memory_space<hbm>> -> memref<3x64xi32, #tpu.memory_space<hbm>>
        %dma_wait3A_446 = arith.constant 0 : i32
        %dma_wait3A_447 = arith.constant 0 : i32
        %dma_wait3A_448 = tpu.memref_slice %arg2[%add3A, %add3A_441, %dma_wait3A_446, %dma_wait3A_447] : memref<32x162x3x64xi32, #tpu.memory_space<hbm>> -> memref<1x1x3x64xi32, #tpu.memory_space<hbm>>
        %dma_wait3A_449 = tpu.memref_squeeze %dma_wait3A_448 : memref<1x1x3x64xi32, #tpu.memory_space<hbm>> -> memref<3x64xi32, #tpu.memory_space<hbm>>
        tpu.wait_dma2 semaphore(%arg27 : memref<!tpu.dma_semaphore, #tpu.memory_space<semaphore_mem>>) src(%dma_wait3A_449 : memref<3x64xi32, #tpu.memory_space<hbm>>) dst(%arg9 : memref<3x64xi32, #tpu.memory_space<vmem>>)
        %add3A_450 = arith.constant 1 : i32
        %add3A_451 = arith.addi %add3A_214, %add3A_450 : i32
        %dma_start3A_452 = arith.constant 0 : i32
        %dma_start3A_453 = arith.constant 0 : i32
        %dma_start3A_454 = tpu.memref_slice %arg9[%dma_start3A_452, %dma_start3A_453] : memref<3x64xi32, #tpu.memory_space<vmem>> -> memref<1x64xi32, #tpu.memory_space<vmem>>
        %dma_start3A_455 = tpu.memref_squeeze %dma_start3A_454 : memref<1x64xi32, #tpu.memory_space<vmem>> -> memref<64xi32, #tpu.memory_space<vmem>>
        %dma_start3A_456 = arith.constant 0 : i32
        %dma_start3A_457 = arith.constant 0 : i32
        %dma_start3A_458 = tpu.memref_slice %arg3[%dma_start3A_456, %dma_start3A_457] : memref<10000x128xf32, #tpu.memory_space<hbm>> -> memref<10000x128xf32, #tpu.memory_space<hbm>>
        tpu.enqueue_indirect_dma source(%dma_start3A_458 : memref<10000x128xf32, #tpu.memory_space<hbm>>) target(%arg13 : memref<64x128xf32, #tpu.memory_space<vmem>>) offsets(%dma_start3A_455 : memref<64xi32, #tpu.memory_space<vmem>>) semaphore(%arg20 : memref<!tpu.dma_semaphore, #tpu.memory_space<semaphore_mem>>)
        %dma_start3A_459 = arith.constant 1 : i32
        %dma_start3A_460 = arith.constant 0 : i32
        %dma_start3A_461 = tpu.memref_slice %arg9[%dma_start3A_459, %dma_start3A_460] : memref<3x64xi32, #tpu.memory_space<vmem>> -> memref<1x64xi32, #tpu.memory_space<vmem>>
        %dma_start3A_462 = tpu.memref_squeeze %dma_start3A_461 : memref<1x64xi32, #tpu.memory_space<vmem>> -> memref<64xi32, #tpu.memory_space<vmem>>
        %dma_start3A_463 = arith.constant 0 : i32
        %dma_start3A_464 = arith.constant 0 : i32
        %dma_start3A_465 = tpu.memref_slice %arg4[%dma_start3A_463, %dma_start3A_464] : memref<200x128xf32, #tpu.memory_space<hbm>> -> memref<200x128xf32, #tpu.memory_space<hbm>>
        tpu.enqueue_indirect_dma source(%dma_start3A_465 : memref<200x128xf32, #tpu.memory_space<hbm>>) target(%arg15 : memref<64x128xf32, #tpu.memory_space<vmem>>) offsets(%dma_start3A_462 : memref<64xi32, #tpu.memory_space<vmem>>) semaphore(%arg22 : memref<!tpu.dma_semaphore, #tpu.memory_space<semaphore_mem>>)
      } else {
      }
      %dma_wait3A_234 = arith.constant 0 : i32
      %dma_wait3A_235 = arith.constant 0 : i32
      %dma_wait3A_236 = tpu.memref_slice %arg11[%dma_wait3A_234, %dma_wait3A_235] : memref<3x64xi32, #tpu.memory_space<vmem>> -> memref<1x64xi32, #tpu.memory_space<vmem>>
      %dma_wait3A_237 = tpu.memref_squeeze %dma_wait3A_236 : memref<1x64xi32, #tpu.memory_space<vmem>> -> memref<64xi32, #tpu.memory_space<vmem>>
      %dma_wait3A_238 = arith.constant 0 : i32
      %dma_wait3A_239 = arith.constant 0 : i32
      %dma_wait3A_240 = tpu.memref_slice %arg3[%dma_wait3A_238, %dma_wait3A_239] : memref<10000x128xf32, #tpu.memory_space<hbm>> -> memref<10000x128xf32, #tpu.memory_space<hbm>>
      tpu.wait_indirect_dma semaphore(%arg19 : memref<!tpu.dma_semaphore, #tpu.memory_space<semaphore_mem>>) src(%dma_wait3A_240 : memref<10000x128xf32, #tpu.memory_space<hbm>>) dst(%arg12 : memref<64x128xf32, #tpu.memory_space<vmem>>)
      %dma_wait3A_241 = arith.constant 1 : i32
      %dma_wait3A_242 = arith.constant 0 : i32
      %dma_wait3A_243 = tpu.memref_slice %arg11[%dma_wait3A_241, %dma_wait3A_242] : memref<3x64xi32, #tpu.memory_space<vmem>> -> memref<1x64xi32, #tpu.memory_space<vmem>>
      %dma_wait3A_244 = tpu.memref_squeeze %dma_wait3A_243 : memref<1x64xi32, #tpu.memory_space<vmem>> -> memref<64xi32, #tpu.memory_space<vmem>>
      %dma_wait3A_245 = arith.constant 0 : i32
      %dma_wait3A_246 = arith.constant 0 : i32
      %dma_wait3A_247 = tpu.memref_slice %arg4[%dma_wait3A_245, %dma_wait3A_246] : memref<200x128xf32, #tpu.memory_space<hbm>> -> memref<200x128xf32, #tpu.memory_space<hbm>>
      tpu.wait_indirect_dma semaphore(%arg21 : memref<!tpu.dma_semaphore, #tpu.memory_space<semaphore_mem>>) src(%dma_wait3A_247 : memref<200x128xf32, #tpu.memory_space<hbm>>) dst(%arg14 : memref<64x128xf32, #tpu.memory_space<vmem>>)
      %scan3A_248 = arith.constant 0 : i32
      %scan3A_249 = arith.constant 0 : i32
      %scan3A_250 = arith.constant 64 : i32
      %scan3A_251 = arith.addi %scan3A_249, %scan3A_250 : i32
      %scan3A_252 = arith.constant 4 : i32
      %scan3A_253 = scf.for %scan3A_440 = %scan3A_249 to %scan3A_251 step %scan3A_252 iter_args(%scan3A_441 = %scan3A_248) -> (i32)  : i32 {
        %get3A = arith.index_cast %scan3A_440 : i32 to index
        %get3A_442 = arith.constant 0 : index
        %get3A_443 = tpu.vector_load %arg12[%get3A, %get3A_442] {strides = array<i32>} : memref<64x128xf32, #tpu.memory_space<vmem>>, vector<1x16xf32>,
        %get3A_444 = vector.shape_cast %get3A_443 : vector<1x16xf32> to vector<16xf32>
        %get3A_445 = arith.index_cast %scan3A_440 : i32 to index
        %get3A_446 = arith.constant 0 : index
        %get3A_447 = tpu.vector_load %arg14[%get3A_445, %get3A_446] {strides = array<i32>} : memref<64x128xf32, #tpu.memory_space<vmem>>, vector<1x16xf32>,
        %get3A_448 = vector.shape_cast %get3A_447 : vector<1x16xf32> to vector<16xf32>
        %mul3A_449 = arith.mulf %get3A_444, %get3A_448 : vector<16xf32>
        %swap3A_450 = arith.index_cast %scan3A_440 : i32 to index
        %swap3A_451 = arith.constant 0 : index
        %swap3A_452 = tpu.vector_load %arg12[%swap3A_450, %swap3A_451] {strides = array<i32>} : memref<64x128xf32, #tpu.memory_space<vmem>>, vector<1x16xf32>,
        %swap3A_453 = vector.shape_cast %swap3A_452 : vector<1x16xf32> to vector<16xf32>
        %swap3A_454 = vector.shape_cast %mul3A_449 : vector<16xf32> to vector<1x16xf32>
        tpu.vector_store %arg12[%swap3A_450, %swap3A_451], %swap3A_454 {strides = array<i32>} : memref<64x128xf32, #tpu.memory_space<vmem>>, vector<1x16xf32>,
        %get3A_455 = arith.index_cast %scan3A_440 : i32 to index
        %get3A_456 = arith.constant 16 : index
        %get3A_457 = tpu.vector_load %arg12[%get3A_455, %get3A_456] {strides = array<i32>} : memref<64x128xf32, #tpu.memory_space<vmem>>, vector<1x16xf32>,
        %get3A_458 = vector.shape_cast %get3A_457 : vector<1x16xf32> to vector<16xf32>
        %get3A_459 = arith.index_cast %scan3A_440 : i32 to index
        %get3A_460 = arith.constant 16 : index
        %get3A_461 = tpu.vector_load %arg14[%get3A_459, %get3A_460] {strides = array<i32>} : memref<64x128xf32, #tpu.memory_space<vmem>>, vector<1x16xf32>,
        %get3A_462 = vector.shape_cast %get3A_461 : vector<1x16xf32> to vector<16xf32>
        %mul3A_463 = arith.mulf %get3A_458, %get3A_462 : vector<16xf32>
        %swap3A_464 = arith.index_cast %scan3A_440 : i32 to index
        %swap3A_465 = arith.constant 16 : index
        %swap3A_466 = tpu.vector_load %arg12[%swap3A_464, %swap3A_465] {strides = array<i32>} : memref<64x128xf32, #tpu.memory_space<vmem>>, vector<1x16xf32>,
        %swap3A_467 = vector.shape_cast %swap3A_466 : vector<1x16xf32> to vector<16xf32>
        %swap3A_468 = vector.shape_cast %mul3A_463 : vector<16xf32> to vector<1x16xf32>
        tpu.vector_store %arg12[%swap3A_464, %swap3A_465], %swap3A_468 {strides = array<i32>} : memref<64x128xf32, #tpu.memory_space<vmem>>, vector<1x16xf32>,
        %get3A_469 = arith.index_cast %scan3A_440 : i32 to index
        %get3A_470 = arith.constant 32 : index
        %get3A_471 = tpu.vector_load %arg12[%get3A_469, %get3A_470] {strides = array<i32>} : memref<64x128xf32, #tpu.memory_space<vmem>>, vector<1x16xf32>,
        %get3A_472 = vector.shape_cast %get3A_471 : vector<1x16xf32> to vector<16xf32>
        %get3A_473 = arith.index_cast %scan3A_440 : i32 to index
        %get3A_474 = arith.constant 32 : index
        %get3A_475 = tpu.vector_load %arg14[%get3A_473, %get3A_474] {strides = array<i32>} : memref<64x128xf32, #tpu.memory_space<vmem>>, vector<1x16xf32>,
        %get3A_476 = vector.shape_cast %get3A_475 : vector<1x16xf32> to vector<16xf32>
        %mul3A_477 = arith.mulf %get3A_472, %get3A_476 : vector<16xf32>
        %swap3A_478 = arith.index_cast %scan3A_440 : i32 to index
        %swap3A_479 = arith.constant 32 : index
        %swap3A_480 = tpu.vector_load %arg12[%swap3A_478, %swap3A_479] {strides = array<i32>} : memref<64x128xf32, #tpu.memory_space<vmem>>, vector<1x16xf32>,
        %swap3A_481 = vector.shape_cast %swap3A_480 : vector<1x16xf32> to vector<16xf32>
        %swap3A_482 = vector.shape_cast %mul3A_477 : vector<16xf32> to vector<1x16xf32>
        tpu.vector_store %arg12[%swap3A_478, %swap3A_479], %swap3A_482 {strides = array<i32>} : memref<64x128xf32, #tpu.memory_space<vmem>>, vector<1x16xf32>,
        %get3A_483 = arith.index_cast %scan3A_440 : i32 to index
        %get3A_484 = arith.constant 48 : index
        %get3A_485 = tpu.vector_load %arg12[%get3A_483, %get3A_484] {strides = array<i32>} : memref<64x128xf32, #tpu.memory_space<vmem>>, vector<1x16xf32>,
        %get3A_486 = vector.shape_cast %get3A_485 : vector<1x16xf32> to vector<16xf32>
        %get3A_487 = arith.index_cast %scan3A_440 : i32 to index
        %get3A_488 = arith.constant 48 : index
        %get3A_489 = tpu.vector_load %arg14[%get3A_487, %get3A_488] {strides = array<i32>} : memref<64x128xf32, #tpu.memory_space<vmem>>, vector<1x16xf32>,
        %get3A_490 = vector.shape_cast %get3A_489 : vector<1x16xf32> to vector<16xf32>
        %mul3A_491 = arith.mulf %get3A_486, %get3A_490 : vector<16xf32>
        %swap3A_492 = arith.index_cast %scan3A_440 : i32 to index
        %swap3A_493 = arith.constant 48 : index
        %swap3A_494 = tpu.vector_load %arg12[%swap3A_492, %swap3A_493] {strides = array<i32>} : memref<64x128xf32, #tpu.memory_space<vmem>>, vector<1x16xf32>,
        %swap3A_495 = vector.shape_cast %swap3A_494 : vector<1x16xf32> to vector<16xf32>
        %swap3A_496 = vector.shape_cast %mul3A_491 : vector<16xf32> to vector<1x16xf32>
        tpu.vector_store %arg12[%swap3A_492, %swap3A_493], %swap3A_496 {strides = array<i32>} : memref<64x128xf32, #tpu.memory_space<vmem>>, vector<1x16xf32>,
        %get3A_497 = arith.index_cast %scan3A_440 : i32 to index
        %get3A_498 = arith.constant 64 : index
        %get3A_499 = tpu.vector_load %arg12[%get3A_497, %get3A_498] {strides = array<i32>} : memref<64x128xf32, #tpu.memory_space<vmem>>, vector<1x16xf32>,
        %get3A_500 = vector.shape_cast %get3A_499 : vector<1x16xf32> to vector<16xf32>
        %get3A_501 = arith.index_cast %scan3A_440 : i32 to index
        %get3A_502 = arith.constant 64 : index
        %get3A_503 = tpu.vector_load %arg14[%get3A_501, %get3A_502] {strides = array<i32>} : memref<64x128xf32, #tpu.memory_space<vmem>>, vector<1x16xf32>,
        %get3A_504 = vector.shape_cast %get3A_503 : vector<1x16xf32> to vector<16xf32>
        %mul3A_505 = arith.mulf %get3A_500, %get3A_504 : vector<16xf32>
        %swap3A_506 = arith.index_cast %scan3A_440 : i32 to index
        %swap3A_507 = arith.constant 64 : index
        %swap3A_508 = tpu.vector_load %arg12[%swap3A_506, %swap3A_507] {strides = array<i32>} : memref<64x128xf32, #tpu.memory_space<vmem>>, vector<1x16xf32>,
        %swap3A_509 = vector.shape_cast %swap3A_508 : vector<1x16xf32> to vector<16xf32>
        %swap3A_510 = vector.shape_cast %mul3A_505 : vector<16xf32> to vector<1x16xf32>
        tpu.vector_store %arg12[%swap3A_506, %swap3A_507], %swap3A_510 {strides = array<i32>} : memref<64x128xf32, #tpu.memory_space<vmem>>, vector<1x16xf32>,
        %get3A_511 = arith.index_cast %scan3A_440 : i32 to index
        %get3A_512 = arith.constant 80 : index
        %get3A_513 = tpu.vector_load %arg12[%get3A_511, %get3A_512] {strides = array<i32>} : memref<64x128xf32, #tpu.memory_space<vmem>>, vector<1x16xf32>,
        %get3A_514 = vector.shape_cast %get3A_513 : vector<1x16xf32> to vector<16xf32>
        %get3A_515 = arith.index_cast %scan3A_440 : i32 to index
        %get3A_516 = arith.constant 80 : index
        %get3A_517 = tpu.vector_load %arg14[%get3A_515, %get3A_516] {strides = array<i32>} : memref<64x128xf32, #tpu.memory_space<vmem>>, vector<1x16xf32>,
        %get3A_518 = vector.shape_cast %get3A_517 : vector<1x16xf32> to vector<16xf32>
        %mul3A_519 = arith.mulf %get3A_514, %get3A_518 : vector<16xf32>
        %swap3A_520 = arith.index_cast %scan3A_440 : i32 to index
        %swap3A_521 = arith.constant 80 : index
        %swap3A_522 = tpu.vector_load %arg12[%swap3A_520, %swap3A_521] {strides = array<i32>} : memref<64x128xf32, #tpu.memory_space<vmem>>, vector<1x16xf32>,
        %swap3A_523 = vector.shape_cast %swap3A_522 : vector<1x16xf32> to vector<16xf32>
        %swap3A_524 = vector.shape_cast %mul3A_519 : vector<16xf32> to vector<1x16xf32>
        tpu.vector_store %arg12[%swap3A_520, %swap3A_521], %swap3A_524 {strides = array<i32>} : memref<64x128xf32, #tpu.memory_space<vmem>>, vector<1x16xf32>,
        %get3A_525 = arith.index_cast %scan3A_440 : i32 to index
        %get3A_526 = arith.constant 96 : index
        %get3A_527 = tpu.vector_load %arg12[%get3A_525, %get3A_526] {strides = array<i32>} : memref<64x128xf32, #tpu.memory_space<vmem>>, vector<1x16xf32>,
        %get3A_528 = vector.shape_cast %get3A_527 : vector<1x16xf32> to vector<16xf32>
        %get3A_529 = arith.index_cast %scan3A_440 : i32 to index
        %get3A_530 = arith.constant 96 : index
        %get3A_531 = tpu.vector_load %arg14[%get3A_529, %get3A_530] {strides = array<i32>} : memref<64x128xf32, #tpu.memory_space<vmem>>, vector<1x16xf32>,
        %get3A_532 = vector.shape_cast %get3A_531 : vector<1x16xf32> to vector<16xf32>
        %mul3A_533 = arith.mulf %get3A_528, %get3A_532 : vector<16xf32>
        %swap3A_534 = arith.index_cast %scan3A_440 : i32 to index
        %swap3A_535 = arith.constant 96 : index
        %swap3A_536 = tpu.vector_load %arg12[%swap3A_534, %swap3A_535] {strides = array<i32>} : memref<64x128xf32, #tpu.memory_space<vmem>>, vector<1x16xf32>,
        %swap3A_537 = vector.shape_cast %swap3A_536 : vector<1x16xf32> to vector<16xf32>
        %swap3A_538 = vector.shape_cast %mul3A_533 : vector<16xf32> to vector<1x16xf32>
        tpu.vector_store %arg12[%swap3A_534, %swap3A_535], %swap3A_538 {strides = array<i32>} : memref<64x128xf32, #tpu.memory_space<vmem>>, vector<1x16xf32>,
        %get3A_539 = arith.index_cast %scan3A_440 : i32 to index
        %get3A_540 = arith.constant 112 : index
        %get3A_541 = tpu.vector_load %arg12[%get3A_539, %get3A_540] {strides = array<i32>} : memref<64x128xf32, #tpu.memory_space<vmem>>, vector<1x16xf32>,
        %get3A_542 = vector.shape_cast %get3A_541 : vector<1x16xf32> to vector<16xf32>
        %get3A_543 = arith.index_cast %scan3A_440 : i32 to index
        %get3A_544 = arith.constant 112 : index
        %get3A_545 = tpu.vector_load %arg14[%get3A_543, %get3A_544] {strides = array<i32>} : memref<64x128xf32, #tpu.memory_space<vmem>>, vector<1x16xf32>,
        %get3A_546 = vector.shape_cast %get3A_545 : vector<1x16xf32> to vector<16xf32>
        %mul3A_547 = arith.mulf %get3A_542, %get3A_546 : vector<16xf32>
        %swap3A_548 = arith.index_cast %scan3A_440 : i32 to index
        %swap3A_549 = arith.constant 112 : index
        %swap3A_550 = tpu.vector_load %arg12[%swap3A_548, %swap3A_549] {strides = array<i32>} : memref<64x128xf32, #tpu.memory_space<vmem>>, vector<1x16xf32>,
        %swap3A_551 = vector.shape_cast %swap3A_550 : vector<1x16xf32> to vector<16xf32>
        %swap3A_552 = vector.shape_cast %mul3A_547 : vector<16xf32> to vector<1x16xf32>
        tpu.vector_store %arg12[%swap3A_548, %swap3A_549], %swap3A_552 {strides = array<i32>} : memref<64x128xf32, #tpu.memory_space<vmem>>, vector<1x16xf32>,
        %scan3A_553 = arith.constant 0 : i32
        %scan3A_554 = arith.constant 1 : i32
        %scan3A_555 = arith.addi %scan3A_440, %scan3A_554 : i32
        %get3A_556 = arith.index_cast %scan3A_555 : i32 to index
        %get3A_557 = arith.constant 0 : index
        %get3A_558 = tpu.vector_load %arg12[%get3A_556, %get3A_557] {strides = array<i32>} : memref<64x128xf32, #tpu.memory_space<vmem>>, vector<1x16xf32>,
        %get3A_559 = vector.shape_cast %get3A_558 : vector<1x16xf32> to vector<16xf32>
        %get3A_560 = arith.index_cast %scan3A_555 : i32 to index
        %get3A_561 = arith.constant 0 : index
        %get3A_562 = tpu.vector_load %arg14[%get3A_560, %get3A_561] {strides = array<i32>} : memref<64x128xf32, #tpu.memory_space<vmem>>, vector<1x16xf32>,
        %get3A_563 = vector.shape_cast %get3A_562 : vector<1x16xf32> to vector<16xf32>
        %mul3A_564 = arith.mulf %get3A_559, %get3A_563 : vector<16xf32>
        %swap3A_565 = arith.index_cast %scan3A_555 : i32 to index
        %swap3A_566 = arith.constant 0 : index
        %swap3A_567 = tpu.vector_load %arg12[%swap3A_565, %swap3A_566] {strides = array<i32>} : memref<64x128xf32, #tpu.memory_space<vmem>>, vector<1x16xf32>,
        %swap3A_568 = vector.shape_cast %swap3A_567 : vector<1x16xf32> to vector<16xf32>
        %swap3A_569 = vector.shape_cast %mul3A_564 : vector<16xf32> to vector<1x16xf32>
        tpu.vector_store %arg12[%swap3A_565, %swap3A_566], %swap3A_569 {strides = array<i32>} : memref<64x128xf32, #tpu.memory_space<vmem>>, vector<1x16xf32>,
        %get3A_570 = arith.index_cast %scan3A_555 : i32 to index
        %get3A_571 = arith.constant 16 : index
        %get3A_572 = tpu.vector_load %arg12[%get3A_570, %get3A_571] {strides = array<i32>} : memref<64x128xf32, #tpu.memory_space<vmem>>, vector<1x16xf32>,
        %get3A_573 = vector.shape_cast %get3A_572 : vector<1x16xf32> to vector<16xf32>
        %get3A_574 = arith.index_cast %scan3A_555 : i32 to index
        %get3A_575 = arith.constant 16 : index
        %get3A_576 = tpu.vector_load %arg14[%get3A_574, %get3A_575] {strides = array<i32>} : memref<64x128xf32, #tpu.memory_space<vmem>>, vector<1x16xf32>,
        %get3A_577 = vector.shape_cast %get3A_576 : vector<1x16xf32> to vector<16xf32>
        %mul3A_578 = arith.mulf %get3A_573, %get3A_577 : vector<16xf32>
        %swap3A_579 = arith.index_cast %scan3A_555 : i32 to index
        %swap3A_580 = arith.constant 16 : index
        %swap3A_581 = tpu.vector_load %arg12[%swap3A_579, %swap3A_580] {strides = array<i32>} : memref<64x128xf32, #tpu.memory_space<vmem>>, vector<1x16xf32>,
        %swap3A_582 = vector.shape_cast %swap3A_581 : vector<1x16xf32> to vector<16xf32>
        %swap3A_583 = vector.shape_cast %mul3A_578 : vector<16xf32> to vector<1x16xf32>
        tpu.vector_store %arg12[%swap3A_579, %swap3A_580], %swap3A_583 {strides = array<i32>} : memref<64x128xf32, #tpu.memory_space<vmem>>, vector<1x16xf32>,
        %get3A_584 = arith.index_cast %scan3A_555 : i32 to index
        %get3A_585 = arith.constant 32 : index
        %get3A_586 = tpu.vector_load %arg12[%get3A_584, %get3A_585] {strides = array<i32>} : memref<64x128xf32, #tpu.memory_space<vmem>>, vector<1x16xf32>,
        %get3A_587 = vector.shape_cast %get3A_586 : vector<1x16xf32> to vector<16xf32>
        %get3A_588 = arith.index_cast %scan3A_555 : i32 to index
        %get3A_589 = arith.constant 32 : index
        %get3A_590 = tpu.vector_load %arg14[%get3A_588, %get3A_589] {strides = array<i32>} : memref<64x128xf32, #tpu.memory_space<vmem>>, vector<1x16xf32>,
        %get3A_591 = vector.shape_cast %get3A_590 : vector<1x16xf32> to vector<16xf32>
        %mul3A_592 = arith.mulf %get3A_587, %get3A_591 : vector<16xf32>
        %swap3A_593 = arith.index_cast %scan3A_555 : i32 to index
        %swap3A_594 = arith.constant 32 : index
        %swap3A_595 = tpu.vector_load %arg12[%swap3A_593, %swap3A_594] {strides = array<i32>} : memref<64x128xf32, #tpu.memory_space<vmem>>, vector<1x16xf32>,
        %swap3A_596 = vector.shape_cast %swap3A_595 : vector<1x16xf32> to vector<16xf32>
        %swap3A_597 = vector.shape_cast %mul3A_592 : vector<16xf32> to vector<1x16xf32>
        tpu.vector_store %arg12[%swap3A_593, %swap3A_594], %swap3A_597 {strides = array<i32>} : memref<64x128xf32, #tpu.memory_space<vmem>>, vector<1x16xf32>,
        %get3A_598 = arith.index_cast %scan3A_555 : i32 to index
        %get3A_599 = arith.constant 48 : index
        %get3A_600 = tpu.vector_load %arg12[%get3A_598, %get3A_599] {strides = array<i32>} : memref<64x128xf32, #tpu.memory_space<vmem>>, vector<1x16xf32>,
        %get3A_601 = vector.shape_cast %get3A_600 : vector<1x16xf32> to vector<16xf32>
        %get3A_602 = arith.index_cast %scan3A_555 : i32 to index
        %get3A_603 = arith.constant 48 : index
        %get3A_604 = tpu.vector_load %arg14[%get3A_602, %get3A_603] {strides = array<i32>} : memref<64x128xf32, #tpu.memory_space<vmem>>, vector<1x16xf32>,
        %get3A_605 = vector.shape_cast %get3A_604 : vector<1x16xf32> to vector<16xf32>
        %mul3A_606 = arith.mulf %get3A_601, %get3A_605 : vector<16xf32>
        %swap3A_607 = arith.index_cast %scan3A_555 : i32 to index
        %swap3A_608 = arith.constant 48 : index
        %swap3A_609 = tpu.vector_load %arg12[%swap3A_607, %swap3A_608] {strides = array<i32>} : memref<64x128xf32, #tpu.memory_space<vmem>>, vector<1x16xf32>,
        %swap3A_610 = vector.shape_cast %swap3A_609 : vector<1x16xf32> to vector<16xf32>
        %swap3A_611 = vector.shape_cast %mul3A_606 : vector<16xf32> to vector<1x16xf32>
        tpu.vector_store %arg12[%swap3A_607, %swap3A_608], %swap3A_611 {strides = array<i32>} : memref<64x128xf32, #tpu.memory_space<vmem>>, vector<1x16xf32>,
        %get3A_612 = arith.index_cast %scan3A_555 : i32 to index
        %get3A_613 = arith.constant 64 : index
        %get3A_614 = tpu.vector_load %arg12[%get3A_612, %get3A_613] {strides = array<i32>} : memref<64x128xf32, #tpu.memory_space<vmem>>, vector<1x16xf32>,
        %get3A_615 = vector.shape_cast %get3A_614 : vector<1x16xf32> to vector<16xf32>
        %get3A_616 = arith.index_cast %scan3A_555 : i32 to index
        %get3A_617 = arith.constant 64 : index
        %get3A_618 = tpu.vector_load %arg14[%get3A_616, %get3A_617] {strides = array<i32>} : memref<64x128xf32, #tpu.memory_space<vmem>>, vector<1x16xf32>,
        %get3A_619 = vector.shape_cast %get3A_618 : vector<1x16xf32> to vector<16xf32>
        %mul3A_620 = arith.mulf %get3A_615, %get3A_619 : vector<16xf32>
        %swap3A_621 = arith.index_cast %scan3A_555 : i32 to index
        %swap3A_622 = arith.constant 64 : index
        %swap3A_623 = tpu.vector_load %arg12[%swap3A_621, %swap3A_622] {strides = array<i32>} : memref<64x128xf32, #tpu.memory_space<vmem>>, vector<1x16xf32>,
        %swap3A_624 = vector.shape_cast %swap3A_623 : vector<1x16xf32> to vector<16xf32>
        %swap3A_625 = vector.shape_cast %mul3A_620 : vector<16xf32> to vector<1x16xf32>
        tpu.vector_store %arg12[%swap3A_621, %swap3A_622], %swap3A_625 {strides = array<i32>} : memref<64x128xf32, #tpu.memory_space<vmem>>, vector<1x16xf32>,
        %get3A_626 = arith.index_cast %scan3A_555 : i32 to index
        %get3A_627 = arith.constant 80 : index
        %get3A_628 = tpu.vector_load %arg12[%get3A_626, %get3A_627] {strides = array<i32>} : memref<64x128xf32, #tpu.memory_space<vmem>>, vector<1x16xf32>,
        %get3A_629 = vector.shape_cast %get3A_628 : vector<1x16xf32> to vector<16xf32>
        %get3A_630 = arith.index_cast %scan3A_555 : i32 to index
        %get3A_631 = arith.constant 80 : index
        %get3A_632 = tpu.vector_load %arg14[%get3A_630, %get3A_631] {strides = array<i32>} : memref<64x128xf32, #tpu.memory_space<vmem>>, vector<1x16xf32>,
        %get3A_633 = vector.shape_cast %get3A_632 : vector<1x16xf32> to vector<16xf32>
        %mul3A_634 = arith.mulf %get3A_629, %get3A_633 : vector<16xf32>
        %swap3A_635 = arith.index_cast %scan3A_555 : i32 to index
        %swap3A_636 = arith.constant 80 : index
        %swap3A_637 = tpu.vector_load %arg12[%swap3A_635, %swap3A_636] {strides = array<i32>} : memref<64x128xf32, #tpu.memory_space<vmem>>, vector<1x16xf32>,
        %swap3A_638 = vector.shape_cast %swap3A_637 : vector<1x16xf32> to vector<16xf32>
        %swap3A_639 = vector.shape_cast %mul3A_634 : vector<16xf32> to vector<1x16xf32>
        tpu.vector_store %arg12[%swap3A_635, %swap3A_636], %swap3A_639 {strides = array<i32>} : memref<64x128xf32, #tpu.memory_space<vmem>>, vector<1x16xf32>,
        %get3A_640 = arith.index_cast %scan3A_555 : i32 to index
        %get3A_641 = arith.constant 96 : index
        %get3A_642 = tpu.vector_load %arg12[%get3A_640, %get3A_641] {strides = array<i32>} : memref<64x128xf32, #tpu.memory_space<vmem>>, vector<1x16xf32>,
        %get3A_643 = vector.shape_cast %get3A_642 : vector<1x16xf32> to vector<16xf32>
        %get3A_644 = arith.index_cast %scan3A_555 : i32 to index
        %get3A_645 = arith.constant 96 : index
        %get3A_646 = tpu.vector_load %arg14[%get3A_644, %get3A_645] {strides = array<i32>} : memref<64x128xf32, #tpu.memory_space<vmem>>, vector<1x16xf32>,
        %get3A_647 = vector.shape_cast %get3A_646 : vector<1x16xf32> to vector<16xf32>
        %mul3A_648 = arith.mulf %get3A_643, %get3A_647 : vector<16xf32>
        %swap3A_649 = arith.index_cast %scan3A_555 : i32 to index
        %swap3A_650 = arith.constant 96 : index
        %swap3A_651 = tpu.vector_load %arg12[%swap3A_649, %swap3A_650] {strides = array<i32>} : memref<64x128xf32, #tpu.memory_space<vmem>>, vector<1x16xf32>,
        %swap3A_652 = vector.shape_cast %swap3A_651 : vector<1x16xf32> to vector<16xf32>
        %swap3A_653 = vector.shape_cast %mul3A_648 : vector<16xf32> to vector<1x16xf32>
        tpu.vector_store %arg12[%swap3A_649, %swap3A_650], %swap3A_653 {strides = array<i32>} : memref<64x128xf32, #tpu.memory_space<vmem>>, vector<1x16xf32>,
        %get3A_654 = arith.index_cast %scan3A_555 : i32 to index
        %get3A_655 = arith.constant 112 : index
        %get3A_656 = tpu.vector_load %arg12[%get3A_654, %get3A_655] {strides = array<i32>} : memref<64x128xf32, #tpu.memory_space<vmem>>, vector<1x16xf32>,
        %get3A_657 = vector.shape_cast %get3A_656 : vector<1x16xf32> to vector<16xf32>
        %get3A_658 = arith.index_cast %scan3A_555 : i32 to index
        %get3A_659 = arith.constant 112 : index
        %get3A_660 = tpu.vector_load %arg14[%get3A_658, %get3A_659] {strides = array<i32>} : memref<64x128xf32, #tpu.memory_space<vmem>>, vector<1x16xf32>,
        %get3A_661 = vector.shape_cast %get3A_660 : vector<1x16xf32> to vector<16xf32>
        %mul3A_662 = arith.mulf %get3A_657, %get3A_661 : vector<16xf32>
        %swap3A_663 = arith.index_cast %scan3A_555 : i32 to index
        %swap3A_664 = arith.constant 112 : index
        %swap3A_665 = tpu.vector_load %arg12[%swap3A_663, %swap3A_664] {strides = array<i32>} : memref<64x128xf32, #tpu.memory_space<vmem>>, vector<1x16xf32>,
        %swap3A_666 = vector.shape_cast %swap3A_665 : vector<1x16xf32> to vector<16xf32>
        %swap3A_667 = vector.shape_cast %mul3A_662 : vector<16xf32> to vector<1x16xf32>
        tpu.vector_store %arg12[%swap3A_663, %swap3A_664], %swap3A_667 {strides = array<i32>} : memref<64x128xf32, #tpu.memory_space<vmem>>, vector<1x16xf32>,
        %scan3A_668 = arith.constant 0 : i32
        %scan3A_669 = arith.constant 2 : i32
        %scan3A_670 = arith.addi %scan3A_440, %scan3A_669 : i32
        %get3A_671 = arith.index_cast %scan3A_670 : i32 to index
        %get3A_672 = arith.constant 0 : index
        %get3A_673 = tpu.vector_load %arg12[%get3A_671, %get3A_672] {strides = array<i32>} : memref<64x128xf32, #tpu.memory_space<vmem>>, vector<1x16xf32>,
        %get3A_674 = vector.shape_cast %get3A_673 : vector<1x16xf32> to vector<16xf32>
        %get3A_675 = arith.index_cast %scan3A_670 : i32 to index
        %get3A_676 = arith.constant 0 : index
        %get3A_677 = tpu.vector_load %arg14[%get3A_675, %get3A_676] {strides = array<i32>} : memref<64x128xf32, #tpu.memory_space<vmem>>, vector<1x16xf32>,
        %get3A_678 = vector.shape_cast %get3A_677 : vector<1x16xf32> to vector<16xf32>
        %mul3A_679 = arith.mulf %get3A_674, %get3A_678 : vector<16xf32>
        %swap3A_680 = arith.index_cast %scan3A_670 : i32 to index
        %swap3A_681 = arith.constant 0 : index
        %swap3A_682 = tpu.vector_load %arg12[%swap3A_680, %swap3A_681] {strides = array<i32>} : memref<64x128xf32, #tpu.memory_space<vmem>>, vector<1x16xf32>,
        %swap3A_683 = vector.shape_cast %swap3A_682 : vector<1x16xf32> to vector<16xf32>
        %swap3A_684 = vector.shape_cast %mul3A_679 : vector<16xf32> to vector<1x16xf32>
        tpu.vector_store %arg12[%swap3A_680, %swap3A_681], %swap3A_684 {strides = array<i32>} : memref<64x128xf32, #tpu.memory_space<vmem>>, vector<1x16xf32>,
        %get3A_685 = arith.index_cast %scan3A_670 : i32 to index
        %get3A_686 = arith.constant 16 : index
        %get3A_687 = tpu.vector_load %arg12[%get3A_685, %get3A_686] {strides = array<i32>} : memref<64x128xf32, #tpu.memory_space<vmem>>, vector<1x16xf32>,
        %get3A_688 = vector.shape_cast %get3A_687 : vector<1x16xf32> to vector<16xf32>
        %get3A_689 = arith.index_cast %scan3A_670 : i32 to index
        %get3A_690 = arith.constant 16 : index
        %get3A_691 = tpu.vector_load %arg14[%get3A_689, %get3A_690] {strides = array<i32>} : memref<64x128xf32, #tpu.memory_space<vmem>>, vector<1x16xf32>,
        %get3A_692 = vector.shape_cast %get3A_691 : vector<1x16xf32> to vector<16xf32>
        %mul3A_693 = arith.mulf %get3A_688, %get3A_692 : vector<16xf32>
        %swap3A_694 = arith.index_cast %scan3A_670 : i32 to index
        %swap3A_695 = arith.constant 16 : index
        %swap3A_696 = tpu.vector_load %arg12[%swap3A_694, %swap3A_695] {strides = array<i32>} : memref<64x128xf32, #tpu.memory_space<vmem>>, vector<1x16xf32>,
        %swap3A_697 = vector.shape_cast %swap3A_696 : vector<1x16xf32> to vector<16xf32>
        %swap3A_698 = vector.shape_cast %mul3A_693 : vector<16xf32> to vector<1x16xf32>
        tpu.vector_store %arg12[%swap3A_694, %swap3A_695], %swap3A_698 {strides = array<i32>} : memref<64x128xf32, #tpu.memory_space<vmem>>, vector<1x16xf32>,
        %get3A_699 = arith.index_cast %scan3A_670 : i32 to index
        %get3A_700 = arith.constant 32 : index
        %get3A_701 = tpu.vector_load %arg12[%get3A_699, %get3A_700] {strides = array<i32>} : memref<64x128xf32, #tpu.memory_space<vmem>>, vector<1x16xf32>,
        %get3A_702 = vector.shape_cast %get3A_701 : vector<1x16xf32> to vector<16xf32>
        %get3A_703 = arith.index_cast %scan3A_670 : i32 to index
        %get3A_704 = arith.constant 32 : index
        %get3A_705 = tpu.vector_load %arg14[%get3A_703, %get3A_704] {strides = array<i32>} : memref<64x128xf32, #tpu.memory_space<vmem>>, vector<1x16xf32>,
        %get3A_706 = vector.shape_cast %get3A_705 : vector<1x16xf32> to vector<16xf32>
        %mul3A_707 = arith.mulf %get3A_702, %get3A_706 : vector<16xf32>
        %swap3A_708 = arith.index_cast %scan3A_670 : i32 to index
        %swap3A_709 = arith.constant 32 : index
        %swap3A_710 = tpu.vector_load %arg12[%swap3A_708, %swap3A_709] {strides = array<i32>} : memref<64x128xf32, #tpu.memory_space<vmem>>, vector<1x16xf32>,
        %swap3A_711 = vector.shape_cast %swap3A_710 : vector<1x16xf32> to vector<16xf32>
        %swap3A_712 = vector.shape_cast %mul3A_707 : vector<16xf32> to vector<1x16xf32>
        tpu.vector_store %arg12[%swap3A_708, %swap3A_709], %swap3A_712 {strides = array<i32>} : memref<64x128xf32, #tpu.memory_space<vmem>>, vector<1x16xf32>,
        %get3A_713 = arith.index_cast %scan3A_670 : i32 to index
        %get3A_714 = arith.constant 48 : index
        %get3A_715 = tpu.vector_load %arg12[%get3A_713, %get3A_714] {strides = array<i32>} : memref<64x128xf32, #tpu.memory_space<vmem>>, vector<1x16xf32>,
        %get3A_716 = vector.shape_cast %get3A_715 : vector<1x16xf32> to vector<16xf32>
        %get3A_717 = arith.index_cast %scan3A_670 : i32 to index
        %get3A_718 = arith.constant 48 : index
        %get3A_719 = tpu.vector_load %arg14[%get3A_717, %get3A_718] {strides = array<i32>} : memref<64x128xf32, #tpu.memory_space<vmem>>, vector<1x16xf32>,
        %get3A_720 = vector.shape_cast %get3A_719 : vector<1x16xf32> to vector<16xf32>
        %mul3A_721 = arith.mulf %get3A_716, %get3A_720 : vector<16xf32>
        %swap3A_722 = arith.index_cast %scan3A_670 : i32 to index
        %swap3A_723 = arith.constant 48 : index
        %swap3A_724 = tpu.vector_load %arg12[%swap3A_722, %swap3A_723] {strides = array<i32>} : memref<64x128xf32, #tpu.memory_space<vmem>>, vector<1x16xf32>,
        %swap3A_725 = vector.shape_cast %swap3A_724 : vector<1x16xf32> to vector<16xf32>
        %swap3A_726 = vector.shape_cast %mul3A_721 : vector<16xf32> to vector<1x16xf32>
        tpu.vector_store %arg12[%swap3A_722, %swap3A_723], %swap3A_726 {strides = array<i32>} : memref<64x128xf32, #tpu.memory_space<vmem>>, vector<1x16xf32>,
        %get3A_727 = arith.index_cast %scan3A_670 : i32 to index
        %get3A_728 = arith.constant 64 : index
        %get3A_729 = tpu.vector_load %arg12[%get3A_727, %get3A_728] {strides = array<i32>} : memref<64x128xf32, #tpu.memory_space<vmem>>, vector<1x16xf32>,
        %get3A_730 = vector.shape_cast %get3A_729 : vector<1x16xf32> to vector<16xf32>
        %get3A_731 = arith.index_cast %scan3A_670 : i32 to index
        %get3A_732 = arith.constant 64 : index
        %get3A_733 = tpu.vector_load %arg14[%get3A_731, %get3A_732] {strides = array<i32>} : memref<64x128xf32, #tpu.memory_space<vmem>>, vector<1x16xf32>,
        %get3A_734 = vector.shape_cast %get3A_733 : vector<1x16xf32> to vector<16xf32>
        %mul3A_735 = arith.mulf %get3A_730, %get3A_734 : vector<16xf32>
        %swap3A_736 = arith.index_cast %scan3A_670 : i32 to index
        %swap3A_737 = arith.constant 64 : index
        %swap3A_738 = tpu.vector_load %arg12[%swap3A_736, %swap3A_737] {strides = array<i32>} : memref<64x128xf32, #tpu.memory_space<vmem>>, vector<1x16xf32>,
        %swap3A_739 = vector.shape_cast %swap3A_738 : vector<1x16xf32> to vector<16xf32>
        %swap3A_740 = vector.shape_cast %mul3A_735 : vector<16xf32> to vector<1x16xf32>
        tpu.vector_store %arg12[%swap3A_736, %swap3A_737], %swap3A_740 {strides = array<i32>} : memref<64x128xf32, #tpu.memory_space<vmem>>, vector<1x16xf32>,
        %get3A_741 = arith.index_cast %scan3A_670 : i32 to index
        %get3A_742 = arith.constant 80 : index
        %get3A_743 = tpu.vector_load %arg12[%get3A_741, %get3A_742] {strides = array<i32>} : memref<64x128xf32, #tpu.memory_space<vmem>>, vector<1x16xf32>,
        %get3A_744 = vector.shape_cast %get3A_743 : vector<1x16xf32> to vector<16xf32>
        %get3A_745 = arith.index_cast %scan3A_670 : i32 to index
        %get3A_746 = arith.constant 80 : index
        %get3A_747 = tpu.vector_load %arg14[%get3A_745, %get3A_746] {strides = array<i32>} : memref<64x128xf32, #tpu.memory_space<vmem>>, vector<1x16xf32>,
        %get3A_748 = vector.shape_cast %get3A_747 : vector<1x16xf32> to vector<16xf32>
        %mul3A_749 = arith.mulf %get3A_744, %get3A_748 : vector<16xf32>
        %swap3A_750 = arith.index_cast %scan3A_670 : i32 to index
        %swap3A_751 = arith.constant 80 : index
        %swap3A_752 = tpu.vector_load %arg12[%swap3A_750, %swap3A_751] {strides = array<i32>} : memref<64x128xf32, #tpu.memory_space<vmem>>, vector<1x16xf32>,
        %swap3A_753 = vector.shape_cast %swap3A_752 : vector<1x16xf32> to vector<16xf32>
        %swap3A_754 = vector.shape_cast %mul3A_749 : vector<16xf32> to vector<1x16xf32>
        tpu.vector_store %arg12[%swap3A_750, %swap3A_751], %swap3A_754 {strides = array<i32>} : memref<64x128xf32, #tpu.memory_space<vmem>>, vector<1x16xf32>,
        %get3A_755 = arith.index_cast %scan3A_670 : i32 to index
        %get3A_756 = arith.constant 96 : index
        %get3A_757 = tpu.vector_load %arg12[%get3A_755, %get3A_756] {strides = array<i32>} : memref<64x128xf32, #tpu.memory_space<vmem>>, vector<1x16xf32>,
        %get3A_758 = vector.shape_cast %get3A_757 : vector<1x16xf32> to vector<16xf32>
        %get3A_759 = arith.index_cast %scan3A_670 : i32 to index
        %get3A_760 = arith.constant 96 : index
        %get3A_761 = tpu.vector_load %arg14[%get3A_759, %get3A_760] {strides = array<i32>} : memref<64x128xf32, #tpu.memory_space<vmem>>, vector<1x16xf32>,
        %get3A_762 = vector.shape_cast %get3A_761 : vector<1x16xf32> to vector<16xf32>
        %mul3A_763 = arith.mulf %get3A_758, %get3A_762 : vector<16xf32>
        %swap3A_764 = arith.index_cast %scan3A_670 : i32 to index
        %swap3A_765 = arith.constant 96 : index
        %swap3A_766 = tpu.vector_load %arg12[%swap3A_764, %swap3A_765] {strides = array<i32>} : memref<64x128xf32, #tpu.memory_space<vmem>>, vector<1x16xf32>,
        %swap3A_767 = vector.shape_cast %swap3A_766 : vector<1x16xf32> to vector<16xf32>
        %swap3A_768 = vector.shape_cast %mul3A_763 : vector<16xf32> to vector<1x16xf32>
        tpu.vector_store %arg12[%swap3A_764, %swap3A_765], %swap3A_768 {strides = array<i32>} : memref<64x128xf32, #tpu.memory_space<vmem>>, vector<1x16xf32>,
        %get3A_769 = arith.index_cast %scan3A_670 : i32 to index
        %get3A_770 = arith.constant 112 : index
        %get3A_771 = tpu.vector_load %arg12[%get3A_769, %get3A_770] {strides = array<i32>} : memref<64x128xf32, #tpu.memory_space<vmem>>, vector<1x16xf32>,
        %get3A_772 = vector.shape_cast %get3A_771 : vector<1x16xf32> to vector<16xf32>
        %get3A_773 = arith.index_cast %scan3A_670 : i32 to index
        %get3A_774 = arith.constant 112 : index
        %get3A_775 = tpu.vector_load %arg14[%get3A_773, %get3A_774] {strides = array<i32>} : memref<64x128xf32, #tpu.memory_space<vmem>>, vector<1x16xf32>,
        %get3A_776 = vector.shape_cast %get3A_775 : vector<1x16xf32> to vector<16xf32>
        %mul3A_777 = arith.mulf %get3A_772, %get3A_776 : vector<16xf32>
        %swap3A_778 = arith.index_cast %scan3A_670 : i32 to index
        %swap3A_779 = arith.constant 112 : index
        %swap3A_780 = tpu.vector_load %arg12[%swap3A_778, %swap3A_779] {strides = array<i32>} : memref<64x128xf32, #tpu.memory_space<vmem>>, vector<1x16xf32>,
        %swap3A_781 = vector.shape_cast %swap3A_780 : vector<1x16xf32> to vector<16xf32>
        %swap3A_782 = vector.shape_cast %mul3A_777 : vector<16xf32> to vector<1x16xf32>
        tpu.vector_store %arg12[%swap3A_778, %swap3A_779], %swap3A_782 {strides = array<i32>} : memref<64x128xf32, #tpu.memory_space<vmem>>, vector<1x16xf32>,
        %scan3A_783 = arith.constant 0 : i32
        %scan3A_784 = arith.constant 3 : i32
        %scan3A_785 = arith.addi %scan3A_440, %scan3A_784 : i32
        %get3A_786 = arith.index_cast %scan3A_785 : i32 to index
        %get3A_787 = arith.constant 0 : index
        %get3A_788 = tpu.vector_load %arg12[%get3A_786, %get3A_787] {strides = array<i32>} : memref<64x128xf32, #tpu.memory_space<vmem>>, vector<1x16xf32>,
        %get3A_789 = vector.shape_cast %get3A_788 : vector<1x16xf32> to vector<16xf32>
        %get3A_790 = arith.index_cast %scan3A_785 : i32 to index
        %get3A_791 = arith.constant 0 : index
        %get3A_792 = tpu.vector_load %arg14[%get3A_790, %get3A_791] {strides = array<i32>} : memref<64x128xf32, #tpu.memory_space<vmem>>, vector<1x16xf32>,
        %get3A_793 = vector.shape_cast %get3A_792 : vector<1x16xf32> to vector<16xf32>
        %mul3A_794 = arith.mulf %get3A_789, %get3A_793 : vector<16xf32>
        %swap3A_795 = arith.index_cast %scan3A_785 : i32 to index
        %swap3A_796 = arith.constant 0 : index
        %swap3A_797 = tpu.vector_load %arg12[%swap3A_795, %swap3A_796] {strides = array<i32>} : memref<64x128xf32, #tpu.memory_space<vmem>>, vector<1x16xf32>,
        %swap3A_798 = vector.shape_cast %swap3A_797 : vector<1x16xf32> to vector<16xf32>
        %swap3A_799 = vector.shape_cast %mul3A_794 : vector<16xf32> to vector<1x16xf32>
        tpu.vector_store %arg12[%swap3A_795, %swap3A_796], %swap3A_799 {strides = array<i32>} : memref<64x128xf32, #tpu.memory_space<vmem>>, vector<1x16xf32>,
        %get3A_800 = arith.index_cast %scan3A_785 : i32 to index
        %get3A_801 = arith.constant 16 : index
        %get3A_802 = tpu.vector_load %arg12[%get3A_800, %get3A_801] {strides = array<i32>} : memref<64x128xf32, #tpu.memory_space<vmem>>, vector<1x16xf32>,
        %get3A_803 = vector.shape_cast %get3A_802 : vector<1x16xf32> to vector<16xf32>
        %get3A_804 = arith.index_cast %scan3A_785 : i32 to index
        %get3A_805 = arith.constant 16 : index
        %get3A_806 = tpu.vector_load %arg14[%get3A_804, %get3A_805] {strides = array<i32>} : memref<64x128xf32, #tpu.memory_space<vmem>>, vector<1x16xf32>,
        %get3A_807 = vector.shape_cast %get3A_806 : vector<1x16xf32> to vector<16xf32>
        %mul3A_808 = arith.mulf %get3A_803, %get3A_807 : vector<16xf32>
        %swap3A_809 = arith.index_cast %scan3A_785 : i32 to index
        %swap3A_810 = arith.constant 16 : index
        %swap3A_811 = tpu.vector_load %arg12[%swap3A_809, %swap3A_810] {strides = array<i32>} : memref<64x128xf32, #tpu.memory_space<vmem>>, vector<1x16xf32>,
        %swap3A_812 = vector.shape_cast %swap3A_811 : vector<1x16xf32> to vector<16xf32>
        %swap3A_813 = vector.shape_cast %mul3A_808 : vector<16xf32> to vector<1x16xf32>
        tpu.vector_store %arg12[%swap3A_809, %swap3A_810], %swap3A_813 {strides = array<i32>} : memref<64x128xf32, #tpu.memory_space<vmem>>, vector<1x16xf32>,
        %get3A_814 = arith.index_cast %scan3A_785 : i32 to index
        %get3A_815 = arith.constant 32 : index
        %get3A_816 = tpu.vector_load %arg12[%get3A_814, %get3A_815] {strides = array<i32>} : memref<64x128xf32, #tpu.memory_space<vmem>>, vector<1x16xf32>,
        %get3A_817 = vector.shape_cast %get3A_816 : vector<1x16xf32> to vector<16xf32>
        %get3A_818 = arith.index_cast %scan3A_785 : i32 to index
        %get3A_819 = arith.constant 32 : index
        %get3A_820 = tpu.vector_load %arg14[%get3A_818, %get3A_819] {strides = array<i32>} : memref<64x128xf32, #tpu.memory_space<vmem>>, vector<1x16xf32>,
        %get3A_821 = vector.shape_cast %get3A_820 : vector<1x16xf32> to vector<16xf32>
        %mul3A_822 = arith.mulf %get3A_817, %get3A_821 : vector<16xf32>
        %swap3A_823 = arith.index_cast %scan3A_785 : i32 to index
        %swap3A_824 = arith.constant 32 : index
        %swap3A_825 = tpu.vector_load %arg12[%swap3A_823, %swap3A_824] {strides = array<i32>} : memref<64x128xf32, #tpu.memory_space<vmem>>, vector<1x16xf32>,
        %swap3A_826 = vector.shape_cast %swap3A_825 : vector<1x16xf32> to vector<16xf32>
        %swap3A_827 = vector.shape_cast %mul3A_822 : vector<16xf32> to vector<1x16xf32>
        tpu.vector_store %arg12[%swap3A_823, %swap3A_824], %swap3A_827 {strides = array<i32>} : memref<64x128xf32, #tpu.memory_space<vmem>>, vector<1x16xf32>,
        %get3A_828 = arith.index_cast %scan3A_785 : i32 to index
        %get3A_829 = arith.constant 48 : index
        %get3A_830 = tpu.vector_load %arg12[%get3A_828, %get3A_829] {strides = array<i32>} : memref<64x128xf32, #tpu.memory_space<vmem>>, vector<1x16xf32>,
        %get3A_831 = vector.shape_cast %get3A_830 : vector<1x16xf32> to vector<16xf32>
        %get3A_832 = arith.index_cast %scan3A_785 : i32 to index
        %get3A_833 = arith.constant 48 : index
        %get3A_834 = tpu.vector_load %arg14[%get3A_832, %get3A_833] {strides = array<i32>} : memref<64x128xf32, #tpu.memory_space<vmem>>, vector<1x16xf32>,
        %get3A_835 = vector.shape_cast %get3A_834 : vector<1x16xf32> to vector<16xf32>
        %mul3A_836 = arith.mulf %get3A_831, %get3A_835 : vector<16xf32>
        %swap3A_837 = arith.index_cast %scan3A_785 : i32 to index
        %swap3A_838 = arith.constant 48 : index
        %swap3A_839 = tpu.vector_load %arg12[%swap3A_837, %swap3A_838] {strides = array<i32>} : memref<64x128xf32, #tpu.memory_space<vmem>>, vector<1x16xf32>,
        %swap3A_840 = vector.shape_cast %swap3A_839 : vector<1x16xf32> to vector<16xf32>
        %swap3A_841 = vector.shape_cast %mul3A_836 : vector<16xf32> to vector<1x16xf32>
        tpu.vector_store %arg12[%swap3A_837, %swap3A_838], %swap3A_841 {strides = array<i32>} : memref<64x128xf32, #tpu.memory_space<vmem>>, vector<1x16xf32>,
        %get3A_842 = arith.index_cast %scan3A_785 : i32 to index
        %get3A_843 = arith.constant 64 : index
        %get3A_844 = tpu.vector_load %arg12[%get3A_842, %get3A_843] {strides = array<i32>} : memref<64x128xf32, #tpu.memory_space<vmem>>, vector<1x16xf32>,
        %get3A_845 = vector.shape_cast %get3A_844 : vector<1x16xf32> to vector<16xf32>
        %get3A_846 = arith.index_cast %scan3A_785 : i32 to index
        %get3A_847 = arith.constant 64 : index
        %get3A_848 = tpu.vector_load %arg14[%get3A_846, %get3A_847] {strides = array<i32>} : memref<64x128xf32, #tpu.memory_space<vmem>>, vector<1x16xf32>,
        %get3A_849 = vector.shape_cast %get3A_848 : vector<1x16xf32> to vector<16xf32>
        %mul3A_850 = arith.mulf %get3A_845, %get3A_849 : vector<16xf32>
        %swap3A_851 = arith.index_cast %scan3A_785 : i32 to index
        %swap3A_852 = arith.constant 64 : index
        %swap3A_853 = tpu.vector_load %arg12[%swap3A_851, %swap3A_852] {strides = array<i32>} : memref<64x128xf32, #tpu.memory_space<vmem>>, vector<1x16xf32>,
        %swap3A_854 = vector.shape_cast %swap3A_853 : vector<1x16xf32> to vector<16xf32>
        %swap3A_855 = vector.shape_cast %mul3A_850 : vector<16xf32> to vector<1x16xf32>
        tpu.vector_store %arg12[%swap3A_851, %swap3A_852], %swap3A_855 {strides = array<i32>} : memref<64x128xf32, #tpu.memory_space<vmem>>, vector<1x16xf32>,
        %get3A_856 = arith.index_cast %scan3A_785 : i32 to index
        %get3A_857 = arith.constant 80 : index
        %get3A_858 = tpu.vector_load %arg12[%get3A_856, %get3A_857] {strides = array<i32>} : memref<64x128xf32, #tpu.memory_space<vmem>>, vector<1x16xf32>,
        %get3A_859 = vector.shape_cast %get3A_858 : vector<1x16xf32> to vector<16xf32>
        %get3A_860 = arith.index_cast %scan3A_785 : i32 to index
        %get3A_861 = arith.constant 80 : index
        %get3A_862 = tpu.vector_load %arg14[%get3A_860, %get3A_861] {strides = array<i32>} : memref<64x128xf32, #tpu.memory_space<vmem>>, vector<1x16xf32>,
        %get3A_863 = vector.shape_cast %get3A_862 : vector<1x16xf32> to vector<16xf32>
        %mul3A_864 = arith.mulf %get3A_859, %get3A_863 : vector<16xf32>
        %swap3A_865 = arith.index_cast %scan3A_785 : i32 to index
        %swap3A_866 = arith.constant 80 : index
        %swap3A_867 = tpu.vector_load %arg12[%swap3A_865, %swap3A_866] {strides = array<i32>} : memref<64x128xf32, #tpu.memory_space<vmem>>, vector<1x16xf32>,
        %swap3A_868 = vector.shape_cast %swap3A_867 : vector<1x16xf32> to vector<16xf32>
        %swap3A_869 = vector.shape_cast %mul3A_864 : vector<16xf32> to vector<1x16xf32>
        tpu.vector_store %arg12[%swap3A_865, %swap3A_866], %swap3A_869 {strides = array<i32>} : memref<64x128xf32, #tpu.memory_space<vmem>>, vector<1x16xf32>,
        %get3A_870 = arith.index_cast %scan3A_785 : i32 to index
        %get3A_871 = arith.constant 96 : index
        %get3A_872 = tpu.vector_load %arg12[%get3A_870, %get3A_871] {strides = array<i32>} : memref<64x128xf32, #tpu.memory_space<vmem>>, vector<1x16xf32>,
        %get3A_873 = vector.shape_cast %get3A_872 : vector<1x16xf32> to vector<16xf32>
        %get3A_874 = arith.index_cast %scan3A_785 : i32 to index
        %get3A_875 = arith.constant 96 : index
        %get3A_876 = tpu.vector_load %arg14[%get3A_874, %get3A_875] {strides = array<i32>} : memref<64x128xf32, #tpu.memory_space<vmem>>, vector<1x16xf32>,
        %get3A_877 = vector.shape_cast %get3A_876 : vector<1x16xf32> to vector<16xf32>
        %mul3A_878 = arith.mulf %get3A_873, %get3A_877 : vector<16xf32>
        %swap3A_879 = arith.index_cast %scan3A_785 : i32 to index
        %swap3A_880 = arith.constant 96 : index
        %swap3A_881 = tpu.vector_load %arg12[%swap3A_879, %swap3A_880] {strides = array<i32>} : memref<64x128xf32, #tpu.memory_space<vmem>>, vector<1x16xf32>,
        %swap3A_882 = vector.shape_cast %swap3A_881 : vector<1x16xf32> to vector<16xf32>
        %swap3A_883 = vector.shape_cast %mul3A_878 : vector<16xf32> to vector<1x16xf32>
        tpu.vector_store %arg12[%swap3A_879, %swap3A_880], %swap3A_883 {strides = array<i32>} : memref<64x128xf32, #tpu.memory_space<vmem>>, vector<1x16xf32>,
        %get3A_884 = arith.index_cast %scan3A_785 : i32 to index
        %get3A_885 = arith.constant 112 : index
        %get3A_886 = tpu.vector_load %arg12[%get3A_884, %get3A_885] {strides = array<i32>} : memref<64x128xf32, #tpu.memory_space<vmem>>, vector<1x16xf32>,
        %get3A_887 = vector.shape_cast %get3A_886 : vector<1x16xf32> to vector<16xf32>
        %get3A_888 = arith.index_cast %scan3A_785 : i32 to index
        %get3A_889 = arith.constant 112 : index
        %get3A_890 = tpu.vector_load %arg14[%get3A_888, %get3A_889] {strides = array<i32>} : memref<64x128xf32, #tpu.memory_space<vmem>>, vector<1x16xf32>,
        %get3A_891 = vector.shape_cast %get3A_890 : vector<1x16xf32> to vector<16xf32>
        %mul3A_892 = arith.mulf %get3A_887, %get3A_891 : vector<16xf32>
        %swap3A_893 = arith.index_cast %scan3A_785 : i32 to index
        %swap3A_894 = arith.constant 112 : index
        %swap3A_895 = tpu.vector_load %arg12[%swap3A_893, %swap3A_894] {strides = array<i32>} : memref<64x128xf32, #tpu.memory_space<vmem>>, vector<1x16xf32>,
        %swap3A_896 = vector.shape_cast %swap3A_895 : vector<1x16xf32> to vector<16xf32>
        %swap3A_897 = vector.shape_cast %mul3A_892 : vector<16xf32> to vector<1x16xf32>
        tpu.vector_store %arg12[%swap3A_893, %swap3A_894], %swap3A_897 {strides = array<i32>} : memref<64x128xf32, #tpu.memory_space<vmem>>, vector<1x16xf32>,
        %scan3A_898 = arith.constant 0 : i32
        scf.yield %scan3A_898 : i32
      }
      %scan3A_254 = arith.constant 64 : i32
      %dma_start3A_255 = arith.constant 2 : i32
      %dma_start3A_256 = arith.constant 0 : i32
      %dma_start3A_257 = tpu.memref_slice %arg11[%dma_start3A_255, %dma_start3A_256] : memref<3x64xi32, #tpu.memory_space<vmem>> -> memref<1x64xi32, #tpu.memory_space<vmem>>
      %dma_start3A_258 = tpu.memref_squeeze %dma_start3A_257 : memref<1x64xi32, #tpu.memory_space<vmem>> -> memref<64xi32, #tpu.memory_space<vmem>>
      %dma_start3A_259 = arith.constant 0 : i32
      %dma_start3A_260 = arith.constant 0 : i32
      %dma_start3A_261 = tpu.memref_slice %arg17[%dma_start3A_259, %dma_start3A_260] : memref<10112x128xf32, #tpu.memory_space<vmem_shared>> -> memref<10112x128xf32, #tpu.memory_space<vmem_shared>>
      tpu.enqueue_indirect_dma source(%arg12 : memref<64x128xf32, #tpu.memory_space<vmem>>) target(%dma_start3A_261 : memref<10112x128xf32, #tpu.memory_space<vmem_shared>>) offsets(%dma_start3A_258 : memref<64xi32, #tpu.memory_space<vmem>>) semaphore(%arg23 : memref<!tpu.dma_semaphore, #tpu.memory_space<semaphore_mem>>) {add = true}
      %dma_start3A_262 = arith.constant 2 : i32
      %dma_start3A_263 = arith.constant 0 : i32
      %dma_start3A_264 = tpu.memref_slice %arg11[%dma_start3A_262, %dma_start3A_263] : memref<3x64xi32, #tpu.memory_space<vmem>> -> memref<1x64xi32, #tpu.memory_space<vmem>>
      %dma_start3A_265 = tpu.memref_squeeze %dma_start3A_264 : memref<1x64xi32, #tpu.memory_space<vmem>> -> memref<64xi32, #tpu.memory_space<vmem>>
      %dma_start3A_266 = arith.constant 0 : i32
      %dma_start3A_267 = tpu.memref_slice %arg18[%dma_start3A_266] : memref<10112xf32, #tpu.memory_space<vmem_shared>> -> memref<10112xf32, #tpu.memory_space<vmem_shared>>
      tpu.enqueue_indirect_dma source(%arg16 : memref<64xf32, #tpu.memory_space<vmem>>) target(%dma_start3A_267 : memref<10112xf32, #tpu.memory_space<vmem_shared>>) offsets(%dma_start3A_265 : memref<64xi32, #tpu.memory_space<vmem>>) semaphore(%arg25 : memref<!tpu.dma_semaphore, #tpu.memory_space<semaphore_mem>>) {add = true}
      %mul3A_268 = arith.constant 6 : i32
      %mul3A_269 = arith.muli %mul3A_268, %scan3A_97 : i32
      %add3A_270 = arith.constant 3 : i32
      %add3A_271 = arith.addi %mul3A_269, %add3A_270 : i32
      %ge3A_272 = arith.constant 1 : i32
      %ge3A_273 = arith.cmpi sge, %add3A_271, %ge3A_272 : i32
      %convert_element_type3A_274 = arith.extui %ge3A_273 : i1 to i32
      %cond3A_275 = arith.constant 0 : i32
      %cond3A_276 = arith.cmpi ne, %convert_element_type3A_274, %cond3A_275 : i32
      scf.if %cond3A_276 {
        %sub3A = arith.constant 1 : i32
        %sub3A_440 = arith.subi %add3A_271, %sub3A : i32
        %dma_wait3A_441 = arith.constant 2 : i32
        %dma_wait3A_442 = arith.constant 0 : i32
        %dma_wait3A_443 = tpu.memref_slice %arg11[%dma_wait3A_441, %dma_wait3A_442] : memref<3x64xi32, #tpu.memory_space<vmem>> -> memref<1x64xi32, #tpu.memory_space<vmem>>
        %dma_wait3A_444 = tpu.memref_squeeze %dma_wait3A_443 : memref<1x64xi32, #tpu.memory_space<vmem>> -> memref<64xi32, #tpu.memory_space<vmem>>
        %dma_wait3A_445 = arith.constant 0 : i32
        %dma_wait3A_446 = arith.constant 0 : i32
        %dma_wait3A_447 = tpu.memref_slice %arg17[%dma_wait3A_445, %dma_wait3A_446] : memref<10112x128xf32, #tpu.memory_space<vmem_shared>> -> memref<10112x128xf32, #tpu.memory_space<vmem_shared>>
        tpu.wait_indirect_dma semaphore(%arg23 : memref<!tpu.dma_semaphore, #tpu.memory_space<semaphore_mem>>) src(%arg12 : memref<64x128xf32, #tpu.memory_space<vmem>>) dst(%dma_wait3A_447 : memref<10112x128xf32, #tpu.memory_space<vmem_shared>>)
        %dma_wait3A_448 = arith.constant 2 : i32
        %dma_wait3A_449 = arith.constant 0 : i32
        %dma_wait3A_450 = tpu.memref_slice %arg11[%dma_wait3A_448, %dma_wait3A_449] : memref<3x64xi32, #tpu.memory_space<vmem>> -> memref<1x64xi32, #tpu.memory_space<vmem>>
        %dma_wait3A_451 = tpu.memref_squeeze %dma_wait3A_450 : memref<1x64xi32, #tpu.memory_space<vmem>> -> memref<64xi32, #tpu.memory_space<vmem>>
        %dma_wait3A_452 = arith.constant 0 : i32
        %dma_wait3A_453 = tpu.memref_slice %arg18[%dma_wait3A_452] : memref<10112xf32, #tpu.memory_space<vmem_shared>> -> memref<10112xf32, #tpu.memory_space<vmem_shared>>
        tpu.wait_indirect_dma semaphore(%arg25 : memref<!tpu.dma_semaphore, #tpu.memory_space<semaphore_mem>>) src(%arg16 : memref<64xf32, #tpu.memory_space<vmem>>) dst(%dma_wait3A_453 : memref<10112xf32, #tpu.memory_space<vmem_shared>>)
      } else {
      }
      %add3A_277 = arith.constant 2 : i32
      %add3A_278 = arith.addi %add3A_271, %add3A_277 : i32
      %lt3A_279 = arith.constant 162 : i32
      %lt3A_280 = arith.cmpi slt, %add3A_278, %lt3A_279 : i32
      %convert_element_type3A_281 = arith.extui %lt3A_280 : i1 to i32
      %cond3A_282 = arith.constant 0 : i32
      %cond3A_283 = arith.cmpi ne, %convert_element_type3A_281, %cond3A_282 : i32
      scf.if %cond3A_283 {
        %add3A_440 = arith.constant 2 : i32
        %add3A_441 = arith.addi %add3A_271, %add3A_440 : i32
        %dma_start3A_442 = arith.constant 0 : i32
        %dma_start3A_443 = arith.constant 0 : i32
        %dma_start3A_444 = tpu.memref_slice %arg2[%add3A, %add3A_441, %dma_start3A_442, %dma_start3A_443] : memref<32x162x3x64xi32, #tpu.memory_space<hbm>> -> memref<1x1x3x64xi32, #tpu.memory_space<hbm>>
        %dma_start3A_445 = tpu.memref_squeeze %dma_start3A_444 : memref<1x1x3x64xi32, #tpu.memory_space<hbm>> -> memref<3x64xi32, #tpu.memory_space<hbm>>
        %dma_start3A_446 = arith.constant 0 : i32
        %dma_start3A_447 = arith.constant 0 : i32
        %dma_start3A_448 = tpu.memref_slice %arg2[%add3A, %add3A_441, %dma_start3A_446, %dma_start3A_447] : memref<32x162x3x64xi32, #tpu.memory_space<hbm>> -> memref<1x1x3x64xi32, #tpu.memory_space<hbm>>
        %dma_start3A_449 = tpu.memref_squeeze %dma_start3A_448 : memref<1x1x3x64xi32, #tpu.memory_space<hbm>> -> memref<3x64xi32, #tpu.memory_space<hbm>>
        tpu.enqueue_dma source(%dma_start3A_449 : memref<3x64xi32, #tpu.memory_space<hbm>>) target(%arg11 : memref<3x64xi32, #tpu.memory_space<vmem>>) target_semaphore(%arg29 : memref<!tpu.dma_semaphore, #tpu.memory_space<semaphore_mem>>)
      } else {
      }
      %add3A_284 = arith.constant 1 : i32
      %add3A_285 = arith.addi %add3A_271, %add3A_284 : i32
      %lt3A_286 = arith.constant 162 : i32
      %lt3A_287 = arith.cmpi slt, %add3A_285, %lt3A_286 : i32
      %convert_element_type3A_288 = arith.extui %lt3A_287 : i1 to i32
      %cond3A_289 = arith.constant 0 : i32
      %cond3A_290 = arith.cmpi ne, %convert_element_type3A_288, %cond3A_289 : i32
      scf.if %cond3A_290 {
        %add3A_440 = arith.constant 1 : i32
        %add3A_441 = arith.addi %add3A_271, %add3A_440 : i32
        %dma_wait3A_442 = arith.constant 0 : i32
        %dma_wait3A_443 = arith.constant 0 : i32
        %dma_wait3A_444 = tpu.memref_slice %arg2[%add3A, %add3A_441, %dma_wait3A_442, %dma_wait3A_443] : memref<32x162x3x64xi32, #tpu.memory_space<hbm>> -> memref<1x1x3x64xi32, #tpu.memory_space<hbm>>
        %dma_wait3A_445 = tpu.memref_squeeze %dma_wait3A_444 : memref<1x1x3x64xi32, #tpu.memory_space<hbm>> -> memref<3x64xi32, #tpu.memory_space<hbm>>
        %dma_wait3A_446 = arith.constant 0 : i32
        %dma_wait3A_447 = arith.constant 0 : i32
        %dma_wait3A_448 = tpu.memref_slice %arg2[%add3A, %add3A_441, %dma_wait3A_446, %dma_wait3A_447] : memref<32x162x3x64xi32, #tpu.memory_space<hbm>> -> memref<1x1x3x64xi32, #tpu.memory_space<hbm>>
        %dma_wait3A_449 = tpu.memref_squeeze %dma_wait3A_448 : memref<1x1x3x64xi32, #tpu.memory_space<hbm>> -> memref<3x64xi32, #tpu.memory_space<hbm>>
        tpu.wait_dma2 semaphore(%arg28 : memref<!tpu.dma_semaphore, #tpu.memory_space<semaphore_mem>>) src(%dma_wait3A_449 : memref<3x64xi32, #tpu.memory_space<hbm>>) dst(%arg10 : memref<3x64xi32, #tpu.memory_space<vmem>>)
        %add3A_450 = arith.constant 1 : i32
        %add3A_451 = arith.addi %add3A_271, %add3A_450 : i32
        %dma_start3A_452 = arith.constant 0 : i32
        %dma_start3A_453 = arith.constant 0 : i32
        %dma_start3A_454 = tpu.memref_slice %arg10[%dma_start3A_452, %dma_start3A_453] : memref<3x64xi32, #tpu.memory_space<vmem>> -> memref<1x64xi32, #tpu.memory_space<vmem>>
        %dma_start3A_455 = tpu.memref_squeeze %dma_start3A_454 : memref<1x64xi32, #tpu.memory_space<vmem>> -> memref<64xi32, #tpu.memory_space<vmem>>
        %dma_start3A_456 = arith.constant 0 : i32
        %dma_start3A_457 = arith.constant 0 : i32
        %dma_start3A_458 = tpu.memref_slice %arg3[%dma_start3A_456, %dma_start3A_457] : memref<10000x128xf32, #tpu.memory_space<hbm>> -> memref<10000x128xf32, #tpu.memory_space<hbm>>
        tpu.enqueue_indirect_dma source(%dma_start3A_458 : memref<10000x128xf32, #tpu.memory_space<hbm>>) target(%arg12 : memref<64x128xf32, #tpu.memory_space<vmem>>) offsets(%dma_start3A_455 : memref<64xi32, #tpu.memory_space<vmem>>) semaphore(%arg19 : memref<!tpu.dma_semaphore, #tpu.memory_space<semaphore_mem>>)
        %dma_start3A_459 = arith.constant 1 : i32
        %dma_start3A_460 = arith.constant 0 : i32
        %dma_start3A_461 = tpu.memref_slice %arg10[%dma_start3A_459, %dma_start3A_460] : memref<3x64xi32, #tpu.memory_space<vmem>> -> memref<1x64xi32, #tpu.memory_space<vmem>>
        %dma_start3A_462 = tpu.memref_squeeze %dma_start3A_461 : memref<1x64xi32, #tpu.memory_space<vmem>> -> memref<64xi32, #tpu.memory_space<vmem>>
        %dma_start3A_463 = arith.constant 0 : i32
        %dma_start3A_464 = arith.constant 0 : i32
        %dma_start3A_465 = tpu.memref_slice %arg4[%dma_start3A_463, %dma_start3A_464] : memref<200x128xf32, #tpu.memory_space<hbm>> -> memref<200x128xf32, #tpu.memory_space<hbm>>
        tpu.enqueue_indirect_dma source(%dma_start3A_465 : memref<200x128xf32, #tpu.memory_space<hbm>>) target(%arg14 : memref<64x128xf32, #tpu.memory_space<vmem>>) offsets(%dma_start3A_462 : memref<64xi32, #tpu.memory_space<vmem>>) semaphore(%arg21 : memref<!tpu.dma_semaphore, #tpu.memory_space<semaphore_mem>>)
      } else {
      }
      %dma_wait3A_291 = arith.constant 0 : i32
      %dma_wait3A_292 = arith.constant 0 : i32
      %dma_wait3A_293 = tpu.memref_slice %arg9[%dma_wait3A_291, %dma_wait3A_292] : memref<3x64xi32, #tpu.memory_space<vmem>> -> memref<1x64xi32, #tpu.memory_space<vmem>>
      %dma_wait3A_294 = tpu.memref_squeeze %dma_wait3A_293 : memref<1x64xi32, #tpu.memory_space<vmem>> -> memref<64xi32, #tpu.memory_space<vmem>>
      %dma_wait3A_295 = arith.constant 0 : i32
      %dma_wait3A_296 = arith.constant 0 : i32
      %dma_wait3A_297 = tpu.memref_slice %arg3[%dma_wait3A_295, %dma_wait3A_296] : memref<10000x128xf32, #tpu.memory_space<hbm>> -> memref<10000x128xf32, #tpu.memory_space<hbm>>
      tpu.wait_indirect_dma semaphore(%arg20 : memref<!tpu.dma_semaphore, #tpu.memory_space<semaphore_mem>>) src(%dma_wait3A_297 : memref<10000x128xf32, #tpu.memory_space<hbm>>) dst(%arg13 : memref<64x128xf32, #tpu.memory_space<vmem>>)
      %dma_wait3A_298 = arith.constant 1 : i32
      %dma_wait3A_299 = arith.constant 0 : i32
      %dma_wait3A_300 = tpu.memref_slice %arg9[%dma_wait3A_298, %dma_wait3A_299] : memref<3x64xi32, #tpu.memory_space<vmem>> -> memref<1x64xi32, #tpu.memory_space<vmem>>
      %dma_wait3A_301 = tpu.memref_squeeze %dma_wait3A_300 : memref<1x64xi32, #tpu.memory_space<vmem>> -> memref<64xi32, #tpu.memory_space<vmem>>
      %dma_wait3A_302 = arith.constant 0 : i32
      %dma_wait3A_303 = arith.constant 0 : i32
      %dma_wait3A_304 = tpu.memref_slice %arg4[%dma_wait3A_302, %dma_wait3A_303] : memref<200x128xf32, #tpu.memory_space<hbm>> -> memref<200x128xf32, #tpu.memory_space<hbm>>
      tpu.wait_indirect_dma semaphore(%arg22 : memref<!tpu.dma_semaphore, #tpu.memory_space<semaphore_mem>>) src(%dma_wait3A_304 : memref<200x128xf32, #tpu.memory_space<hbm>>) dst(%arg15 : memref<64x128xf32, #tpu.memory_space<vmem>>)
      %scan3A_305 = arith.constant 0 : i32
      %scan3A_306 = arith.constant 0 : i32
      %scan3A_307 = arith.constant 64 : i32
      %scan3A_308 = arith.addi %scan3A_306, %scan3A_307 : i32
      %scan3A_309 = arith.constant 4 : i32
      %scan3A_310 = scf.for %scan3A_440 = %scan3A_306 to %scan3A_308 step %scan3A_309 iter_args(%scan3A_441 = %scan3A_305) -> (i32)  : i32 {
        %get3A = arith.index_cast %scan3A_440 : i32 to index
        %get3A_442 = arith.constant 0 : index
        %get3A_443 = tpu.vector_load %arg13[%get3A, %get3A_442] {strides = array<i32>} : memref<64x128xf32, #tpu.memory_space<vmem>>, vector<1x16xf32>,
        %get3A_444 = vector.shape_cast %get3A_443 : vector<1x16xf32> to vector<16xf32>
        %get3A_445 = arith.index_cast %scan3A_440 : i32 to index
        %get3A_446 = arith.constant 0 : index
        %get3A_447 = tpu.vector_load %arg15[%get3A_445, %get3A_446] {strides = array<i32>} : memref<64x128xf32, #tpu.memory_space<vmem>>, vector<1x16xf32>,
        %get3A_448 = vector.shape_cast %get3A_447 : vector<1x16xf32> to vector<16xf32>
        %mul3A_449 = arith.mulf %get3A_444, %get3A_448 : vector<16xf32>
        %swap3A_450 = arith.index_cast %scan3A_440 : i32 to index
        %swap3A_451 = arith.constant 0 : index
        %swap3A_452 = tpu.vector_load %arg13[%swap3A_450, %swap3A_451] {strides = array<i32>} : memref<64x128xf32, #tpu.memory_space<vmem>>, vector<1x16xf32>,
        %swap3A_453 = vector.shape_cast %swap3A_452 : vector<1x16xf32> to vector<16xf32>
        %swap3A_454 = vector.shape_cast %mul3A_449 : vector<16xf32> to vector<1x16xf32>
        tpu.vector_store %arg13[%swap3A_450, %swap3A_451], %swap3A_454 {strides = array<i32>} : memref<64x128xf32, #tpu.memory_space<vmem>>, vector<1x16xf32>,
        %get3A_455 = arith.index_cast %scan3A_440 : i32 to index
        %get3A_456 = arith.constant 16 : index
        %get3A_457 = tpu.vector_load %arg13[%get3A_455, %get3A_456] {strides = array<i32>} : memref<64x128xf32, #tpu.memory_space<vmem>>, vector<1x16xf32>,
        %get3A_458 = vector.shape_cast %get3A_457 : vector<1x16xf32> to vector<16xf32>
        %get3A_459 = arith.index_cast %scan3A_440 : i32 to index
        %get3A_460 = arith.constant 16 : index
        %get3A_461 = tpu.vector_load %arg15[%get3A_459, %get3A_460] {strides = array<i32>} : memref<64x128xf32, #tpu.memory_space<vmem>>, vector<1x16xf32>,
        %get3A_462 = vector.shape_cast %get3A_461 : vector<1x16xf32> to vector<16xf32>
        %mul3A_463 = arith.mulf %get3A_458, %get3A_462 : vector<16xf32>
        %swap3A_464 = arith.index_cast %scan3A_440 : i32 to index
        %swap3A_465 = arith.constant 16 : index
        %swap3A_466 = tpu.vector_load %arg13[%swap3A_464, %swap3A_465] {strides = array<i32>} : memref<64x128xf32, #tpu.memory_space<vmem>>, vector<1x16xf32>,
        %swap3A_467 = vector.shape_cast %swap3A_466 : vector<1x16xf32> to vector<16xf32>
        %swap3A_468 = vector.shape_cast %mul3A_463 : vector<16xf32> to vector<1x16xf32>
        tpu.vector_store %arg13[%swap3A_464, %swap3A_465], %swap3A_468 {strides = array<i32>} : memref<64x128xf32, #tpu.memory_space<vmem>>, vector<1x16xf32>,
        %get3A_469 = arith.index_cast %scan3A_440 : i32 to index
        %get3A_470 = arith.constant 32 : index
        %get3A_471 = tpu.vector_load %arg13[%get3A_469, %get3A_470] {strides = array<i32>} : memref<64x128xf32, #tpu.memory_space<vmem>>, vector<1x16xf32>,
        %get3A_472 = vector.shape_cast %get3A_471 : vector<1x16xf32> to vector<16xf32>
        %get3A_473 = arith.index_cast %scan3A_440 : i32 to index
        %get3A_474 = arith.constant 32 : index
        %get3A_475 = tpu.vector_load %arg15[%get3A_473, %get3A_474] {strides = array<i32>} : memref<64x128xf32, #tpu.memory_space<vmem>>, vector<1x16xf32>,
        %get3A_476 = vector.shape_cast %get3A_475 : vector<1x16xf32> to vector<16xf32>
        %mul3A_477 = arith.mulf %get3A_472, %get3A_476 : vector<16xf32>
        %swap3A_478 = arith.index_cast %scan3A_440 : i32 to index
        %swap3A_479 = arith.constant 32 : index
        %swap3A_480 = tpu.vector_load %arg13[%swap3A_478, %swap3A_479] {strides = array<i32>} : memref<64x128xf32, #tpu.memory_space<vmem>>, vector<1x16xf32>,
        %swap3A_481 = vector.shape_cast %swap3A_480 : vector<1x16xf32> to vector<16xf32>
        %swap3A_482 = vector.shape_cast %mul3A_477 : vector<16xf32> to vector<1x16xf32>
        tpu.vector_store %arg13[%swap3A_478, %swap3A_479], %swap3A_482 {strides = array<i32>} : memref<64x128xf32, #tpu.memory_space<vmem>>, vector<1x16xf32>,
        %get3A_483 = arith.index_cast %scan3A_440 : i32 to index
        %get3A_484 = arith.constant 48 : index
        %get3A_485 = tpu.vector_load %arg13[%get3A_483, %get3A_484] {strides = array<i32>} : memref<64x128xf32, #tpu.memory_space<vmem>>, vector<1x16xf32>,
        %get3A_486 = vector.shape_cast %get3A_485 : vector<1x16xf32> to vector<16xf32>
        %get3A_487 = arith.index_cast %scan3A_440 : i32 to index
        %get3A_488 = arith.constant 48 : index
        %get3A_489 = tpu.vector_load %arg15[%get3A_487, %get3A_488] {strides = array<i32>} : memref<64x128xf32, #tpu.memory_space<vmem>>, vector<1x16xf32>,
        %get3A_490 = vector.shape_cast %get3A_489 : vector<1x16xf32> to vector<16xf32>
        %mul3A_491 = arith.mulf %get3A_486, %get3A_490 : vector<16xf32>
        %swap3A_492 = arith.index_cast %scan3A_440 : i32 to index
        %swap3A_493 = arith.constant 48 : index
        %swap3A_494 = tpu.vector_load %arg13[%swap3A_492, %swap3A_493] {strides = array<i32>} : memref<64x128xf32, #tpu.memory_space<vmem>>, vector<1x16xf32>,
        %swap3A_495 = vector.shape_cast %swap3A_494 : vector<1x16xf32> to vector<16xf32>
        %swap3A_496 = vector.shape_cast %mul3A_491 : vector<16xf32> to vector<1x16xf32>
        tpu.vector_store %arg13[%swap3A_492, %swap3A_493], %swap3A_496 {strides = array<i32>} : memref<64x128xf32, #tpu.memory_space<vmem>>, vector<1x16xf32>,
        %get3A_497 = arith.index_cast %scan3A_440 : i32 to index
        %get3A_498 = arith.constant 64 : index
        %get3A_499 = tpu.vector_load %arg13[%get3A_497, %get3A_498] {strides = array<i32>} : memref<64x128xf32, #tpu.memory_space<vmem>>, vector<1x16xf32>,
        %get3A_500 = vector.shape_cast %get3A_499 : vector<1x16xf32> to vector<16xf32>
        %get3A_501 = arith.index_cast %scan3A_440 : i32 to index
        %get3A_502 = arith.constant 64 : index
        %get3A_503 = tpu.vector_load %arg15[%get3A_501, %get3A_502] {strides = array<i32>} : memref<64x128xf32, #tpu.memory_space<vmem>>, vector<1x16xf32>,
        %get3A_504 = vector.shape_cast %get3A_503 : vector<1x16xf32> to vector<16xf32>
        %mul3A_505 = arith.mulf %get3A_500, %get3A_504 : vector<16xf32>
        %swap3A_506 = arith.index_cast %scan3A_440 : i32 to index
        %swap3A_507 = arith.constant 64 : index
        %swap3A_508 = tpu.vector_load %arg13[%swap3A_506, %swap3A_507] {strides = array<i32>} : memref<64x128xf32, #tpu.memory_space<vmem>>, vector<1x16xf32>,
        %swap3A_509 = vector.shape_cast %swap3A_508 : vector<1x16xf32> to vector<16xf32>
        %swap3A_510 = vector.shape_cast %mul3A_505 : vector<16xf32> to vector<1x16xf32>
        tpu.vector_store %arg13[%swap3A_506, %swap3A_507], %swap3A_510 {strides = array<i32>} : memref<64x128xf32, #tpu.memory_space<vmem>>, vector<1x16xf32>,
        %get3A_511 = arith.index_cast %scan3A_440 : i32 to index
        %get3A_512 = arith.constant 80 : index
        %get3A_513 = tpu.vector_load %arg13[%get3A_511, %get3A_512] {strides = array<i32>} : memref<64x128xf32, #tpu.memory_space<vmem>>, vector<1x16xf32>,
        %get3A_514 = vector.shape_cast %get3A_513 : vector<1x16xf32> to vector<16xf32>
        %get3A_515 = arith.index_cast %scan3A_440 : i32 to index
        %get3A_516 = arith.constant 80 : index
        %get3A_517 = tpu.vector_load %arg15[%get3A_515, %get3A_516] {strides = array<i32>} : memref<64x128xf32, #tpu.memory_space<vmem>>, vector<1x16xf32>,
        %get3A_518 = vector.shape_cast %get3A_517 : vector<1x16xf32> to vector<16xf32>
        %mul3A_519 = arith.mulf %get3A_514, %get3A_518 : vector<16xf32>
        %swap3A_520 = arith.index_cast %scan3A_440 : i32 to index
        %swap3A_521 = arith.constant 80 : index
        %swap3A_522 = tpu.vector_load %arg13[%swap3A_520, %swap3A_521] {strides = array<i32>} : memref<64x128xf32, #tpu.memory_space<vmem>>, vector<1x16xf32>,
        %swap3A_523 = vector.shape_cast %swap3A_522 : vector<1x16xf32> to vector<16xf32>
        %swap3A_524 = vector.shape_cast %mul3A_519 : vector<16xf32> to vector<1x16xf32>
        tpu.vector_store %arg13[%swap3A_520, %swap3A_521], %swap3A_524 {strides = array<i32>} : memref<64x128xf32, #tpu.memory_space<vmem>>, vector<1x16xf32>,
        %get3A_525 = arith.index_cast %scan3A_440 : i32 to index
        %get3A_526 = arith.constant 96 : index
        %get3A_527 = tpu.vector_load %arg13[%get3A_525, %get3A_526] {strides = array<i32>} : memref<64x128xf32, #tpu.memory_space<vmem>>, vector<1x16xf32>,
        %get3A_528 = vector.shape_cast %get3A_527 : vector<1x16xf32> to vector<16xf32>
        %get3A_529 = arith.index_cast %scan3A_440 : i32 to index
        %get3A_530 = arith.constant 96 : index
        %get3A_531 = tpu.vector_load %arg15[%get3A_529, %get3A_530] {strides = array<i32>} : memref<64x128xf32, #tpu.memory_space<vmem>>, vector<1x16xf32>,
        %get3A_532 = vector.shape_cast %get3A_531 : vector<1x16xf32> to vector<16xf32>
        %mul3A_533 = arith.mulf %get3A_528, %get3A_532 : vector<16xf32>
        %swap3A_534 = arith.index_cast %scan3A_440 : i32 to index
        %swap3A_535 = arith.constant 96 : index
        %swap3A_536 = tpu.vector_load %arg13[%swap3A_534, %swap3A_535] {strides = array<i32>} : memref<64x128xf32, #tpu.memory_space<vmem>>, vector<1x16xf32>,
        %swap3A_537 = vector.shape_cast %swap3A_536 : vector<1x16xf32> to vector<16xf32>
        %swap3A_538 = vector.shape_cast %mul3A_533 : vector<16xf32> to vector<1x16xf32>
        tpu.vector_store %arg13[%swap3A_534, %swap3A_535], %swap3A_538 {strides = array<i32>} : memref<64x128xf32, #tpu.memory_space<vmem>>, vector<1x16xf32>,
        %get3A_539 = arith.index_cast %scan3A_440 : i32 to index
        %get3A_540 = arith.constant 112 : index
        %get3A_541 = tpu.vector_load %arg13[%get3A_539, %get3A_540] {strides = array<i32>} : memref<64x128xf32, #tpu.memory_space<vmem>>, vector<1x16xf32>,
        %get3A_542 = vector.shape_cast %get3A_541 : vector<1x16xf32> to vector<16xf32>
        %get3A_543 = arith.index_cast %scan3A_440 : i32 to index
        %get3A_544 = arith.constant 112 : index
        %get3A_545 = tpu.vector_load %arg15[%get3A_543, %get3A_544] {strides = array<i32>} : memref<64x128xf32, #tpu.memory_space<vmem>>, vector<1x16xf32>,
        %get3A_546 = vector.shape_cast %get3A_545 : vector<1x16xf32> to vector<16xf32>
        %mul3A_547 = arith.mulf %get3A_542, %get3A_546 : vector<16xf32>
        %swap3A_548 = arith.index_cast %scan3A_440 : i32 to index
        %swap3A_549 = arith.constant 112 : index
        %swap3A_550 = tpu.vector_load %arg13[%swap3A_548, %swap3A_549] {strides = array<i32>} : memref<64x128xf32, #tpu.memory_space<vmem>>, vector<1x16xf32>,
        %swap3A_551 = vector.shape_cast %swap3A_550 : vector<1x16xf32> to vector<16xf32>
        %swap3A_552 = vector.shape_cast %mul3A_547 : vector<16xf32> to vector<1x16xf32>
        tpu.vector_store %arg13[%swap3A_548, %swap3A_549], %swap3A_552 {strides = array<i32>} : memref<64x128xf32, #tpu.memory_space<vmem>>, vector<1x16xf32>,
        %scan3A_553 = arith.constant 0 : i32
        %scan3A_554 = arith.constant 1 : i32
        %scan3A_555 = arith.addi %scan3A_440, %scan3A_554 : i32
        %get3A_556 = arith.index_cast %scan3A_555 : i32 to index
        %get3A_557 = arith.constant 0 : index
        %get3A_558 = tpu.vector_load %arg13[%get3A_556, %get3A_557] {strides = array<i32>} : memref<64x128xf32, #tpu.memory_space<vmem>>, vector<1x16xf32>,
        %get3A_559 = vector.shape_cast %get3A_558 : vector<1x16xf32> to vector<16xf32>
        %get3A_560 = arith.index_cast %scan3A_555 : i32 to index
        %get3A_561 = arith.constant 0 : index
        %get3A_562 = tpu.vector_load %arg15[%get3A_560, %get3A_561] {strides = array<i32>} : memref<64x128xf32, #tpu.memory_space<vmem>>, vector<1x16xf32>,
        %get3A_563 = vector.shape_cast %get3A_562 : vector<1x16xf32> to vector<16xf32>
        %mul3A_564 = arith.mulf %get3A_559, %get3A_563 : vector<16xf32>
        %swap3A_565 = arith.index_cast %scan3A_555 : i32 to index
        %swap3A_566 = arith.constant 0 : index
        %swap3A_567 = tpu.vector_load %arg13[%swap3A_565, %swap3A_566] {strides = array<i32>} : memref<64x128xf32, #tpu.memory_space<vmem>>, vector<1x16xf32>,
        %swap3A_568 = vector.shape_cast %swap3A_567 : vector<1x16xf32> to vector<16xf32>
        %swap3A_569 = vector.shape_cast %mul3A_564 : vector<16xf32> to vector<1x16xf32>
        tpu.vector_store %arg13[%swap3A_565, %swap3A_566], %swap3A_569 {strides = array<i32>} : memref<64x128xf32, #tpu.memory_space<vmem>>, vector<1x16xf32>,
        %get3A_570 = arith.index_cast %scan3A_555 : i32 to index
        %get3A_571 = arith.constant 16 : index
        %get3A_572 = tpu.vector_load %arg13[%get3A_570, %get3A_571] {strides = array<i32>} : memref<64x128xf32, #tpu.memory_space<vmem>>, vector<1x16xf32>,
        %get3A_573 = vector.shape_cast %get3A_572 : vector<1x16xf32> to vector<16xf32>
        %get3A_574 = arith.index_cast %scan3A_555 : i32 to index
        %get3A_575 = arith.constant 16 : index
        %get3A_576 = tpu.vector_load %arg15[%get3A_574, %get3A_575] {strides = array<i32>} : memref<64x128xf32, #tpu.memory_space<vmem>>, vector<1x16xf32>,
        %get3A_577 = vector.shape_cast %get3A_576 : vector<1x16xf32> to vector<16xf32>
        %mul3A_578 = arith.mulf %get3A_573, %get3A_577 : vector<16xf32>
        %swap3A_579 = arith.index_cast %scan3A_555 : i32 to index
        %swap3A_580 = arith.constant 16 : index
        %swap3A_581 = tpu.vector_load %arg13[%swap3A_579, %swap3A_580] {strides = array<i32>} : memref<64x128xf32, #tpu.memory_space<vmem>>, vector<1x16xf32>,
        %swap3A_582 = vector.shape_cast %swap3A_581 : vector<1x16xf32> to vector<16xf32>
        %swap3A_583 = vector.shape_cast %mul3A_578 : vector<16xf32> to vector<1x16xf32>
        tpu.vector_store %arg13[%swap3A_579, %swap3A_580], %swap3A_583 {strides = array<i32>} : memref<64x128xf32, #tpu.memory_space<vmem>>, vector<1x16xf32>,
        %get3A_584 = arith.index_cast %scan3A_555 : i32 to index
        %get3A_585 = arith.constant 32 : index
        %get3A_586 = tpu.vector_load %arg13[%get3A_584, %get3A_585] {strides = array<i32>} : memref<64x128xf32, #tpu.memory_space<vmem>>, vector<1x16xf32>,
        %get3A_587 = vector.shape_cast %get3A_586 : vector<1x16xf32> to vector<16xf32>
        %get3A_588 = arith.index_cast %scan3A_555 : i32 to index
        %get3A_589 = arith.constant 32 : index
        %get3A_590 = tpu.vector_load %arg15[%get3A_588, %get3A_589] {strides = array<i32>} : memref<64x128xf32, #tpu.memory_space<vmem>>, vector<1x16xf32>,
        %get3A_591 = vector.shape_cast %get3A_590 : vector<1x16xf32> to vector<16xf32>
        %mul3A_592 = arith.mulf %get3A_587, %get3A_591 : vector<16xf32>
        %swap3A_593 = arith.index_cast %scan3A_555 : i32 to index
        %swap3A_594 = arith.constant 32 : index
        %swap3A_595 = tpu.vector_load %arg13[%swap3A_593, %swap3A_594] {strides = array<i32>} : memref<64x128xf32, #tpu.memory_space<vmem>>, vector<1x16xf32>,
        %swap3A_596 = vector.shape_cast %swap3A_595 : vector<1x16xf32> to vector<16xf32>
        %swap3A_597 = vector.shape_cast %mul3A_592 : vector<16xf32> to vector<1x16xf32>
        tpu.vector_store %arg13[%swap3A_593, %swap3A_594], %swap3A_597 {strides = array<i32>} : memref<64x128xf32, #tpu.memory_space<vmem>>, vector<1x16xf32>,
        %get3A_598 = arith.index_cast %scan3A_555 : i32 to index
        %get3A_599 = arith.constant 48 : index
        %get3A_600 = tpu.vector_load %arg13[%get3A_598, %get3A_599] {strides = array<i32>} : memref<64x128xf32, #tpu.memory_space<vmem>>, vector<1x16xf32>,
        %get3A_601 = vector.shape_cast %get3A_600 : vector<1x16xf32> to vector<16xf32>
        %get3A_602 = arith.index_cast %scan3A_555 : i32 to index
        %get3A_603 = arith.constant 48 : index
        %get3A_604 = tpu.vector_load %arg15[%get3A_602, %get3A_603] {strides = array<i32>} : memref<64x128xf32, #tpu.memory_space<vmem>>, vector<1x16xf32>,
        %get3A_605 = vector.shape_cast %get3A_604 : vector<1x16xf32> to vector<16xf32>
        %mul3A_606 = arith.mulf %get3A_601, %get3A_605 : vector<16xf32>
        %swap3A_607 = arith.index_cast %scan3A_555 : i32 to index
        %swap3A_608 = arith.constant 48 : index
        %swap3A_609 = tpu.vector_load %arg13[%swap3A_607, %swap3A_608] {strides = array<i32>} : memref<64x128xf32, #tpu.memory_space<vmem>>, vector<1x16xf32>,
        %swap3A_610 = vector.shape_cast %swap3A_609 : vector<1x16xf32> to vector<16xf32>
        %swap3A_611 = vector.shape_cast %mul3A_606 : vector<16xf32> to vector<1x16xf32>
        tpu.vector_store %arg13[%swap3A_607, %swap3A_608], %swap3A_611 {strides = array<i32>} : memref<64x128xf32, #tpu.memory_space<vmem>>, vector<1x16xf32>,
        %get3A_612 = arith.index_cast %scan3A_555 : i32 to index
        %get3A_613 = arith.constant 64 : index
        %get3A_614 = tpu.vector_load %arg13[%get3A_612, %get3A_613] {strides = array<i32>} : memref<64x128xf32, #tpu.memory_space<vmem>>, vector<1x16xf32>,
        %get3A_615 = vector.shape_cast %get3A_614 : vector<1x16xf32> to vector<16xf32>
        %get3A_616 = arith.index_cast %scan3A_555 : i32 to index
        %get3A_617 = arith.constant 64 : index
        %get3A_618 = tpu.vector_load %arg15[%get3A_616, %get3A_617] {strides = array<i32>} : memref<64x128xf32, #tpu.memory_space<vmem>>, vector<1x16xf32>,
        %get3A_619 = vector.shape_cast %get3A_618 : vector<1x16xf32> to vector<16xf32>
        %mul3A_620 = arith.mulf %get3A_615, %get3A_619 : vector<16xf32>
        %swap3A_621 = arith.index_cast %scan3A_555 : i32 to index
        %swap3A_622 = arith.constant 64 : index
        %swap3A_623 = tpu.vector_load %arg13[%swap3A_621, %swap3A_622] {strides = array<i32>} : memref<64x128xf32, #tpu.memory_space<vmem>>, vector<1x16xf32>,
        %swap3A_624 = vector.shape_cast %swap3A_623 : vector<1x16xf32> to vector<16xf32>
        %swap3A_625 = vector.shape_cast %mul3A_620 : vector<16xf32> to vector<1x16xf32>
        tpu.vector_store %arg13[%swap3A_621, %swap3A_622], %swap3A_625 {strides = array<i32>} : memref<64x128xf32, #tpu.memory_space<vmem>>, vector<1x16xf32>,
        %get3A_626 = arith.index_cast %scan3A_555 : i32 to index
        %get3A_627 = arith.constant 80 : index
        %get3A_628 = tpu.vector_load %arg13[%get3A_626, %get3A_627] {strides = array<i32>} : memref<64x128xf32, #tpu.memory_space<vmem>>, vector<1x16xf32>,
        %get3A_629 = vector.shape_cast %get3A_628 : vector<1x16xf32> to vector<16xf32>
        %get3A_630 = arith.index_cast %scan3A_555 : i32 to index
        %get3A_631 = arith.constant 80 : index
        %get3A_632 = tpu.vector_load %arg15[%get3A_630, %get3A_631] {strides = array<i32>} : memref<64x128xf32, #tpu.memory_space<vmem>>, vector<1x16xf32>,
        %get3A_633 = vector.shape_cast %get3A_632 : vector<1x16xf32> to vector<16xf32>
        %mul3A_634 = arith.mulf %get3A_629, %get3A_633 : vector<16xf32>
        %swap3A_635 = arith.index_cast %scan3A_555 : i32 to index
        %swap3A_636 = arith.constant 80 : index
        %swap3A_637 = tpu.vector_load %arg13[%swap3A_635, %swap3A_636] {strides = array<i32>} : memref<64x128xf32, #tpu.memory_space<vmem>>, vector<1x16xf32>,
        %swap3A_638 = vector.shape_cast %swap3A_637 : vector<1x16xf32> to vector<16xf32>
        %swap3A_639 = vector.shape_cast %mul3A_634 : vector<16xf32> to vector<1x16xf32>
        tpu.vector_store %arg13[%swap3A_635, %swap3A_636], %swap3A_639 {strides = array<i32>} : memref<64x128xf32, #tpu.memory_space<vmem>>, vector<1x16xf32>,
        %get3A_640 = arith.index_cast %scan3A_555 : i32 to index
        %get3A_641 = arith.constant 96 : index
        %get3A_642 = tpu.vector_load %arg13[%get3A_640, %get3A_641] {strides = array<i32>} : memref<64x128xf32, #tpu.memory_space<vmem>>, vector<1x16xf32>,
        %get3A_643 = vector.shape_cast %get3A_642 : vector<1x16xf32> to vector<16xf32>
        %get3A_644 = arith.index_cast %scan3A_555 : i32 to index
        %get3A_645 = arith.constant 96 : index
        %get3A_646 = tpu.vector_load %arg15[%get3A_644, %get3A_645] {strides = array<i32>} : memref<64x128xf32, #tpu.memory_space<vmem>>, vector<1x16xf32>,
        %get3A_647 = vector.shape_cast %get3A_646 : vector<1x16xf32> to vector<16xf32>
        %mul3A_648 = arith.mulf %get3A_643, %get3A_647 : vector<16xf32>
        %swap3A_649 = arith.index_cast %scan3A_555 : i32 to index
        %swap3A_650 = arith.constant 96 : index
        %swap3A_651 = tpu.vector_load %arg13[%swap3A_649, %swap3A_650] {strides = array<i32>} : memref<64x128xf32, #tpu.memory_space<vmem>>, vector<1x16xf32>,
        %swap3A_652 = vector.shape_cast %swap3A_651 : vector<1x16xf32> to vector<16xf32>
        %swap3A_653 = vector.shape_cast %mul3A_648 : vector<16xf32> to vector<1x16xf32>
        tpu.vector_store %arg13[%swap3A_649, %swap3A_650], %swap3A_653 {strides = array<i32>} : memref<64x128xf32, #tpu.memory_space<vmem>>, vector<1x16xf32>,
        %get3A_654 = arith.index_cast %scan3A_555 : i32 to index
        %get3A_655 = arith.constant 112 : index
        %get3A_656 = tpu.vector_load %arg13[%get3A_654, %get3A_655] {strides = array<i32>} : memref<64x128xf32, #tpu.memory_space<vmem>>, vector<1x16xf32>,
        %get3A_657 = vector.shape_cast %get3A_656 : vector<1x16xf32> to vector<16xf32>
        %get3A_658 = arith.index_cast %scan3A_555 : i32 to index
        %get3A_659 = arith.constant 112 : index
        %get3A_660 = tpu.vector_load %arg15[%get3A_658, %get3A_659] {strides = array<i32>} : memref<64x128xf32, #tpu.memory_space<vmem>>, vector<1x16xf32>,
        %get3A_661 = vector.shape_cast %get3A_660 : vector<1x16xf32> to vector<16xf32>
        %mul3A_662 = arith.mulf %get3A_657, %get3A_661 : vector<16xf32>
        %swap3A_663 = arith.index_cast %scan3A_555 : i32 to index
        %swap3A_664 = arith.constant 112 : index
        %swap3A_665 = tpu.vector_load %arg13[%swap3A_663, %swap3A_664] {strides = array<i32>} : memref<64x128xf32, #tpu.memory_space<vmem>>, vector<1x16xf32>,
        %swap3A_666 = vector.shape_cast %swap3A_665 : vector<1x16xf32> to vector<16xf32>
        %swap3A_667 = vector.shape_cast %mul3A_662 : vector<16xf32> to vector<1x16xf32>
        tpu.vector_store %arg13[%swap3A_663, %swap3A_664], %swap3A_667 {strides = array<i32>} : memref<64x128xf32, #tpu.memory_space<vmem>>, vector<1x16xf32>,
        %scan3A_668 = arith.constant 0 : i32
        %scan3A_669 = arith.constant 2 : i32
        %scan3A_670 = arith.addi %scan3A_440, %scan3A_669 : i32
        %get3A_671 = arith.index_cast %scan3A_670 : i32 to index
        %get3A_672 = arith.constant 0 : index
        %get3A_673 = tpu.vector_load %arg13[%get3A_671, %get3A_672] {strides = array<i32>} : memref<64x128xf32, #tpu.memory_space<vmem>>, vector<1x16xf32>,
        %get3A_674 = vector.shape_cast %get3A_673 : vector<1x16xf32> to vector<16xf32>
        %get3A_675 = arith.index_cast %scan3A_670 : i32 to index
        %get3A_676 = arith.constant 0 : index
        %get3A_677 = tpu.vector_load %arg15[%get3A_675, %get3A_676] {strides = array<i32>} : memref<64x128xf32, #tpu.memory_space<vmem>>, vector<1x16xf32>,
        %get3A_678 = vector.shape_cast %get3A_677 : vector<1x16xf32> to vector<16xf32>
        %mul3A_679 = arith.mulf %get3A_674, %get3A_678 : vector<16xf32>
        %swap3A_680 = arith.index_cast %scan3A_670 : i32 to index
        %swap3A_681 = arith.constant 0 : index
        %swap3A_682 = tpu.vector_load %arg13[%swap3A_680, %swap3A_681] {strides = array<i32>} : memref<64x128xf32, #tpu.memory_space<vmem>>, vector<1x16xf32>,
        %swap3A_683 = vector.shape_cast %swap3A_682 : vector<1x16xf32> to vector<16xf32>
        %swap3A_684 = vector.shape_cast %mul3A_679 : vector<16xf32> to vector<1x16xf32>
        tpu.vector_store %arg13[%swap3A_680, %swap3A_681], %swap3A_684 {strides = array<i32>} : memref<64x128xf32, #tpu.memory_space<vmem>>, vector<1x16xf32>,
        %get3A_685 = arith.index_cast %scan3A_670 : i32 to index
        %get3A_686 = arith.constant 16 : index
        %get3A_687 = tpu.vector_load %arg13[%get3A_685, %get3A_686] {strides = array<i32>} : memref<64x128xf32, #tpu.memory_space<vmem>>, vector<1x16xf32>,
        %get3A_688 = vector.shape_cast %get3A_687 : vector<1x16xf32> to vector<16xf32>
        %get3A_689 = arith.index_cast %scan3A_670 : i32 to index
        %get3A_690 = arith.constant 16 : index
        %get3A_691 = tpu.vector_load %arg15[%get3A_689, %get3A_690] {strides = array<i32>} : memref<64x128xf32, #tpu.memory_space<vmem>>, vector<1x16xf32>,
        %get3A_692 = vector.shape_cast %get3A_691 : vector<1x16xf32> to vector<16xf32>
        %mul3A_693 = arith.mulf %get3A_688, %get3A_692 : vector<16xf32>
        %swap3A_694 = arith.index_cast %scan3A_670 : i32 to index
        %swap3A_695 = arith.constant 16 : index
        %swap3A_696 = tpu.vector_load %arg13[%swap3A_694, %swap3A_695] {strides = array<i32>} : memref<64x128xf32, #tpu.memory_space<vmem>>, vector<1x16xf32>,
        %swap3A_697 = vector.shape_cast %swap3A_696 : vector<1x16xf32> to vector<16xf32>
        %swap3A_698 = vector.shape_cast %mul3A_693 : vector<16xf32> to vector<1x16xf32>
        tpu.vector_store %arg13[%swap3A_694, %swap3A_695], %swap3A_698 {strides = array<i32>} : memref<64x128xf32, #tpu.memory_space<vmem>>, vector<1x16xf32>,
        %get3A_699 = arith.index_cast %scan3A_670 : i32 to index
        %get3A_700 = arith.constant 32 : index
        %get3A_701 = tpu.vector_load %arg13[%get3A_699, %get3A_700] {strides = array<i32>} : memref<64x128xf32, #tpu.memory_space<vmem>>, vector<1x16xf32>,
        %get3A_702 = vector.shape_cast %get3A_701 : vector<1x16xf32> to vector<16xf32>
        %get3A_703 = arith.index_cast %scan3A_670 : i32 to index
        %get3A_704 = arith.constant 32 : index
        %get3A_705 = tpu.vector_load %arg15[%get3A_703, %get3A_704] {strides = array<i32>} : memref<64x128xf32, #tpu.memory_space<vmem>>, vector<1x16xf32>,
        %get3A_706 = vector.shape_cast %get3A_705 : vector<1x16xf32> to vector<16xf32>
        %mul3A_707 = arith.mulf %get3A_702, %get3A_706 : vector<16xf32>
        %swap3A_708 = arith.index_cast %scan3A_670 : i32 to index
        %swap3A_709 = arith.constant 32 : index
        %swap3A_710 = tpu.vector_load %arg13[%swap3A_708, %swap3A_709] {strides = array<i32>} : memref<64x128xf32, #tpu.memory_space<vmem>>, vector<1x16xf32>,
        %swap3A_711 = vector.shape_cast %swap3A_710 : vector<1x16xf32> to vector<16xf32>
        %swap3A_712 = vector.shape_cast %mul3A_707 : vector<16xf32> to vector<1x16xf32>
        tpu.vector_store %arg13[%swap3A_708, %swap3A_709], %swap3A_712 {strides = array<i32>} : memref<64x128xf32, #tpu.memory_space<vmem>>, vector<1x16xf32>,
        %get3A_713 = arith.index_cast %scan3A_670 : i32 to index
        %get3A_714 = arith.constant 48 : index
        %get3A_715 = tpu.vector_load %arg13[%get3A_713, %get3A_714] {strides = array<i32>} : memref<64x128xf32, #tpu.memory_space<vmem>>, vector<1x16xf32>,
        %get3A_716 = vector.shape_cast %get3A_715 : vector<1x16xf32> to vector<16xf32>
        %get3A_717 = arith.index_cast %scan3A_670 : i32 to index
        %get3A_718 = arith.constant 48 : index
        %get3A_719 = tpu.vector_load %arg15[%get3A_717, %get3A_718] {strides = array<i32>} : memref<64x128xf32, #tpu.memory_space<vmem>>, vector<1x16xf32>,
        %get3A_720 = vector.shape_cast %get3A_719 : vector<1x16xf32> to vector<16xf32>
        %mul3A_721 = arith.mulf %get3A_716, %get3A_720 : vector<16xf32>
        %swap3A_722 = arith.index_cast %scan3A_670 : i32 to index
        %swap3A_723 = arith.constant 48 : index
        %swap3A_724 = tpu.vector_load %arg13[%swap3A_722, %swap3A_723] {strides = array<i32>} : memref<64x128xf32, #tpu.memory_space<vmem>>, vector<1x16xf32>,
        %swap3A_725 = vector.shape_cast %swap3A_724 : vector<1x16xf32> to vector<16xf32>
        %swap3A_726 = vector.shape_cast %mul3A_721 : vector<16xf32> to vector<1x16xf32>
        tpu.vector_store %arg13[%swap3A_722, %swap3A_723], %swap3A_726 {strides = array<i32>} : memref<64x128xf32, #tpu.memory_space<vmem>>, vector<1x16xf32>,
        %get3A_727 = arith.index_cast %scan3A_670 : i32 to index
        %get3A_728 = arith.constant 64 : index
        %get3A_729 = tpu.vector_load %arg13[%get3A_727, %get3A_728] {strides = array<i32>} : memref<64x128xf32, #tpu.memory_space<vmem>>, vector<1x16xf32>,
        %get3A_730 = vector.shape_cast %get3A_729 : vector<1x16xf32> to vector<16xf32>
        %get3A_731 = arith.index_cast %scan3A_670 : i32 to index
        %get3A_732 = arith.constant 64 : index
        %get3A_733 = tpu.vector_load %arg15[%get3A_731, %get3A_732] {strides = array<i32>} : memref<64x128xf32, #tpu.memory_space<vmem>>, vector<1x16xf32>,
        %get3A_734 = vector.shape_cast %get3A_733 : vector<1x16xf32> to vector<16xf32>
        %mul3A_735 = arith.mulf %get3A_730, %get3A_734 : vector<16xf32>
        %swap3A_736 = arith.index_cast %scan3A_670 : i32 to index
        %swap3A_737 = arith.constant 64 : index
        %swap3A_738 = tpu.vector_load %arg13[%swap3A_736, %swap3A_737] {strides = array<i32>} : memref<64x128xf32, #tpu.memory_space<vmem>>, vector<1x16xf32>,
        %swap3A_739 = vector.shape_cast %swap3A_738 : vector<1x16xf32> to vector<16xf32>
        %swap3A_740 = vector.shape_cast %mul3A_735 : vector<16xf32> to vector<1x16xf32>
        tpu.vector_store %arg13[%swap3A_736, %swap3A_737], %swap3A_740 {strides = array<i32>} : memref<64x128xf32, #tpu.memory_space<vmem>>, vector<1x16xf32>,
        %get3A_741 = arith.index_cast %scan3A_670 : i32 to index
        %get3A_742 = arith.constant 80 : index
        %get3A_743 = tpu.vector_load %arg13[%get3A_741, %get3A_742] {strides = array<i32>} : memref<64x128xf32, #tpu.memory_space<vmem>>, vector<1x16xf32>,
        %get3A_744 = vector.shape_cast %get3A_743 : vector<1x16xf32> to vector<16xf32>
        %get3A_745 = arith.index_cast %scan3A_670 : i32 to index
        %get3A_746 = arith.constant 80 : index
        %get3A_747 = tpu.vector_load %arg15[%get3A_745, %get3A_746] {strides = array<i32>} : memref<64x128xf32, #tpu.memory_space<vmem>>, vector<1x16xf32>,
        %get3A_748 = vector.shape_cast %get3A_747 : vector<1x16xf32> to vector<16xf32>
        %mul3A_749 = arith.mulf %get3A_744, %get3A_748 : vector<16xf32>
        %swap3A_750 = arith.index_cast %scan3A_670 : i32 to index
        %swap3A_751 = arith.constant 80 : index
        %swap3A_752 = tpu.vector_load %arg13[%swap3A_750, %swap3A_751] {strides = array<i32>} : memref<64x128xf32, #tpu.memory_space<vmem>>, vector<1x16xf32>,
        %swap3A_753 = vector.shape_cast %swap3A_752 : vector<1x16xf32> to vector<16xf32>
        %swap3A_754 = vector.shape_cast %mul3A_749 : vector<16xf32> to vector<1x16xf32>
        tpu.vector_store %arg13[%swap3A_750, %swap3A_751], %swap3A_754 {strides = array<i32>} : memref<64x128xf32, #tpu.memory_space<vmem>>, vector<1x16xf32>,
        %get3A_755 = arith.index_cast %scan3A_670 : i32 to index
        %get3A_756 = arith.constant 96 : index
        %get3A_757 = tpu.vector_load %arg13[%get3A_755, %get3A_756] {strides = array<i32>} : memref<64x128xf32, #tpu.memory_space<vmem>>, vector<1x16xf32>,
        %get3A_758 = vector.shape_cast %get3A_757 : vector<1x16xf32> to vector<16xf32>
        %get3A_759 = arith.index_cast %scan3A_670 : i32 to index
        %get3A_760 = arith.constant 96 : index
        %get3A_761 = tpu.vector_load %arg15[%get3A_759, %get3A_760] {strides = array<i32>} : memref<64x128xf32, #tpu.memory_space<vmem>>, vector<1x16xf32>,
        %get3A_762 = vector.shape_cast %get3A_761 : vector<1x16xf32> to vector<16xf32>
        %mul3A_763 = arith.mulf %get3A_758, %get3A_762 : vector<16xf32>
        %swap3A_764 = arith.index_cast %scan3A_670 : i32 to index
        %swap3A_765 = arith.constant 96 : index
        %swap3A_766 = tpu.vector_load %arg13[%swap3A_764, %swap3A_765] {strides = array<i32>} : memref<64x128xf32, #tpu.memory_space<vmem>>, vector<1x16xf32>,
        %swap3A_767 = vector.shape_cast %swap3A_766 : vector<1x16xf32> to vector<16xf32>
        %swap3A_768 = vector.shape_cast %mul3A_763 : vector<16xf32> to vector<1x16xf32>
        tpu.vector_store %arg13[%swap3A_764, %swap3A_765], %swap3A_768 {strides = array<i32>} : memref<64x128xf32, #tpu.memory_space<vmem>>, vector<1x16xf32>,
        %get3A_769 = arith.index_cast %scan3A_670 : i32 to index
        %get3A_770 = arith.constant 112 : index
        %get3A_771 = tpu.vector_load %arg13[%get3A_769, %get3A_770] {strides = array<i32>} : memref<64x128xf32, #tpu.memory_space<vmem>>, vector<1x16xf32>,
        %get3A_772 = vector.shape_cast %get3A_771 : vector<1x16xf32> to vector<16xf32>
        %get3A_773 = arith.index_cast %scan3A_670 : i32 to index
        %get3A_774 = arith.constant 112 : index
        %get3A_775 = tpu.vector_load %arg15[%get3A_773, %get3A_774] {strides = array<i32>} : memref<64x128xf32, #tpu.memory_space<vmem>>, vector<1x16xf32>,
        %get3A_776 = vector.shape_cast %get3A_775 : vector<1x16xf32> to vector<16xf32>
        %mul3A_777 = arith.mulf %get3A_772, %get3A_776 : vector<16xf32>
        %swap3A_778 = arith.index_cast %scan3A_670 : i32 to index
        %swap3A_779 = arith.constant 112 : index
        %swap3A_780 = tpu.vector_load %arg13[%swap3A_778, %swap3A_779] {strides = array<i32>} : memref<64x128xf32, #tpu.memory_space<vmem>>, vector<1x16xf32>,
        %swap3A_781 = vector.shape_cast %swap3A_780 : vector<1x16xf32> to vector<16xf32>
        %swap3A_782 = vector.shape_cast %mul3A_777 : vector<16xf32> to vector<1x16xf32>
        tpu.vector_store %arg13[%swap3A_778, %swap3A_779], %swap3A_782 {strides = array<i32>} : memref<64x128xf32, #tpu.memory_space<vmem>>, vector<1x16xf32>,
        %scan3A_783 = arith.constant 0 : i32
        %scan3A_784 = arith.constant 3 : i32
        %scan3A_785 = arith.addi %scan3A_440, %scan3A_784 : i32
        %get3A_786 = arith.index_cast %scan3A_785 : i32 to index
        %get3A_787 = arith.constant 0 : index
        %get3A_788 = tpu.vector_load %arg13[%get3A_786, %get3A_787] {strides = array<i32>} : memref<64x128xf32, #tpu.memory_space<vmem>>, vector<1x16xf32>,
        %get3A_789 = vector.shape_cast %get3A_788 : vector<1x16xf32> to vector<16xf32>
        %get3A_790 = arith.index_cast %scan3A_785 : i32 to index
        %get3A_791 = arith.constant 0 : index
        %get3A_792 = tpu.vector_load %arg15[%get3A_790, %get3A_791] {strides = array<i32>} : memref<64x128xf32, #tpu.memory_space<vmem>>, vector<1x16xf32>,
        %get3A_793 = vector.shape_cast %get3A_792 : vector<1x16xf32> to vector<16xf32>
        %mul3A_794 = arith.mulf %get3A_789, %get3A_793 : vector<16xf32>
        %swap3A_795 = arith.index_cast %scan3A_785 : i32 to index
        %swap3A_796 = arith.constant 0 : index
        %swap3A_797 = tpu.vector_load %arg13[%swap3A_795, %swap3A_796] {strides = array<i32>} : memref<64x128xf32, #tpu.memory_space<vmem>>, vector<1x16xf32>,
        %swap3A_798 = vector.shape_cast %swap3A_797 : vector<1x16xf32> to vector<16xf32>
        %swap3A_799 = vector.shape_cast %mul3A_794 : vector<16xf32> to vector<1x16xf32>
        tpu.vector_store %arg13[%swap3A_795, %swap3A_796], %swap3A_799 {strides = array<i32>} : memref<64x128xf32, #tpu.memory_space<vmem>>, vector<1x16xf32>,
        %get3A_800 = arith.index_cast %scan3A_785 : i32 to index
        %get3A_801 = arith.constant 16 : index
        %get3A_802 = tpu.vector_load %arg13[%get3A_800, %get3A_801] {strides = array<i32>} : memref<64x128xf32, #tpu.memory_space<vmem>>, vector<1x16xf32>,
        %get3A_803 = vector.shape_cast %get3A_802 : vector<1x16xf32> to vector<16xf32>
        %get3A_804 = arith.index_cast %scan3A_785 : i32 to index
        %get3A_805 = arith.constant 16 : index
        %get3A_806 = tpu.vector_load %arg15[%get3A_804, %get3A_805] {strides = array<i32>} : memref<64x128xf32, #tpu.memory_space<vmem>>, vector<1x16xf32>,
        %get3A_807 = vector.shape_cast %get3A_806 : vector<1x16xf32> to vector<16xf32>
        %mul3A_808 = arith.mulf %get3A_803, %get3A_807 : vector<16xf32>
        %swap3A_809 = arith.index_cast %scan3A_785 : i32 to index
        %swap3A_810 = arith.constant 16 : index
        %swap3A_811 = tpu.vector_load %arg13[%swap3A_809, %swap3A_810] {strides = array<i32>} : memref<64x128xf32, #tpu.memory_space<vmem>>, vector<1x16xf32>,
        %swap3A_812 = vector.shape_cast %swap3A_811 : vector<1x16xf32> to vector<16xf32>
        %swap3A_813 = vector.shape_cast %mul3A_808 : vector<16xf32> to vector<1x16xf32>
        tpu.vector_store %arg13[%swap3A_809, %swap3A_810], %swap3A_813 {strides = array<i32>} : memref<64x128xf32, #tpu.memory_space<vmem>>, vector<1x16xf32>,
        %get3A_814 = arith.index_cast %scan3A_785 : i32 to index
        %get3A_815 = arith.constant 32 : index
        %get3A_816 = tpu.vector_load %arg13[%get3A_814, %get3A_815] {strides = array<i32>} : memref<64x128xf32, #tpu.memory_space<vmem>>, vector<1x16xf32>,
        %get3A_817 = vector.shape_cast %get3A_816 : vector<1x16xf32> to vector<16xf32>
        %get3A_818 = arith.index_cast %scan3A_785 : i32 to index
        %get3A_819 = arith.constant 32 : index
        %get3A_820 = tpu.vector_load %arg15[%get3A_818, %get3A_819] {strides = array<i32>} : memref<64x128xf32, #tpu.memory_space<vmem>>, vector<1x16xf32>,
        %get3A_821 = vector.shape_cast %get3A_820 : vector<1x16xf32> to vector<16xf32>
        %mul3A_822 = arith.mulf %get3A_817, %get3A_821 : vector<16xf32>
        %swap3A_823 = arith.index_cast %scan3A_785 : i32 to index
        %swap3A_824 = arith.constant 32 : index
        %swap3A_825 = tpu.vector_load %arg13[%swap3A_823, %swap3A_824] {strides = array<i32>} : memref<64x128xf32, #tpu.memory_space<vmem>>, vector<1x16xf32>,
        %swap3A_826 = vector.shape_cast %swap3A_825 : vector<1x16xf32> to vector<16xf32>
        %swap3A_827 = vector.shape_cast %mul3A_822 : vector<16xf32> to vector<1x16xf32>
        tpu.vector_store %arg13[%swap3A_823, %swap3A_824], %swap3A_827 {strides = array<i32>} : memref<64x128xf32, #tpu.memory_space<vmem>>, vector<1x16xf32>,
        %get3A_828 = arith.index_cast %scan3A_785 : i32 to index
        %get3A_829 = arith.constant 48 : index
        %get3A_830 = tpu.vector_load %arg13[%get3A_828, %get3A_829] {strides = array<i32>} : memref<64x128xf32, #tpu.memory_space<vmem>>, vector<1x16xf32>,
        %get3A_831 = vector.shape_cast %get3A_830 : vector<1x16xf32> to vector<16xf32>
        %get3A_832 = arith.index_cast %scan3A_785 : i32 to index
        %get3A_833 = arith.constant 48 : index
        %get3A_834 = tpu.vector_load %arg15[%get3A_832, %get3A_833] {strides = array<i32>} : memref<64x128xf32, #tpu.memory_space<vmem>>, vector<1x16xf32>,
        %get3A_835 = vector.shape_cast %get3A_834 : vector<1x16xf32> to vector<16xf32>
        %mul3A_836 = arith.mulf %get3A_831, %get3A_835 : vector<16xf32>
        %swap3A_837 = arith.index_cast %scan3A_785 : i32 to index
        %swap3A_838 = arith.constant 48 : index
        %swap3A_839 = tpu.vector_load %arg13[%swap3A_837, %swap3A_838] {strides = array<i32>} : memref<64x128xf32, #tpu.memory_space<vmem>>, vector<1x16xf32>,
        %swap3A_840 = vector.shape_cast %swap3A_839 : vector<1x16xf32> to vector<16xf32>
        %swap3A_841 = vector.shape_cast %mul3A_836 : vector<16xf32> to vector<1x16xf32>
        tpu.vector_store %arg13[%swap3A_837, %swap3A_838], %swap3A_841 {strides = array<i32>} : memref<64x128xf32, #tpu.memory_space<vmem>>, vector<1x16xf32>,
        %get3A_842 = arith.index_cast %scan3A_785 : i32 to index
        %get3A_843 = arith.constant 64 : index
        %get3A_844 = tpu.vector_load %arg13[%get3A_842, %get3A_843] {strides = array<i32>} : memref<64x128xf32, #tpu.memory_space<vmem>>, vector<1x16xf32>,
        %get3A_845 = vector.shape_cast %get3A_844 : vector<1x16xf32> to vector<16xf32>
        %get3A_846 = arith.index_cast %scan3A_785 : i32 to index
        %get3A_847 = arith.constant 64 : index
        %get3A_848 = tpu.vector_load %arg15[%get3A_846, %get3A_847] {strides = array<i32>} : memref<64x128xf32, #tpu.memory_space<vmem>>, vector<1x16xf32>,
        %get3A_849 = vector.shape_cast %get3A_848 : vector<1x16xf32> to vector<16xf32>
        %mul3A_850 = arith.mulf %get3A_845, %get3A_849 : vector<16xf32>
        %swap3A_851 = arith.index_cast %scan3A_785 : i32 to index
        %swap3A_852 = arith.constant 64 : index
        %swap3A_853 = tpu.vector_load %arg13[%swap3A_851, %swap3A_852] {strides = array<i32>} : memref<64x128xf32, #tpu.memory_space<vmem>>, vector<1x16xf32>,
        %swap3A_854 = vector.shape_cast %swap3A_853 : vector<1x16xf32> to vector<16xf32>
        %swap3A_855 = vector.shape_cast %mul3A_850 : vector<16xf32> to vector<1x16xf32>
        tpu.vector_store %arg13[%swap3A_851, %swap3A_852], %swap3A_855 {strides = array<i32>} : memref<64x128xf32, #tpu.memory_space<vmem>>, vector<1x16xf32>,
        %get3A_856 = arith.index_cast %scan3A_785 : i32 to index
        %get3A_857 = arith.constant 80 : index
        %get3A_858 = tpu.vector_load %arg13[%get3A_856, %get3A_857] {strides = array<i32>} : memref<64x128xf32, #tpu.memory_space<vmem>>, vector<1x16xf32>,
        %get3A_859 = vector.shape_cast %get3A_858 : vector<1x16xf32> to vector<16xf32>
        %get3A_860 = arith.index_cast %scan3A_785 : i32 to index
        %get3A_861 = arith.constant 80 : index
        %get3A_862 = tpu.vector_load %arg15[%get3A_860, %get3A_861] {strides = array<i32>} : memref<64x128xf32, #tpu.memory_space<vmem>>, vector<1x16xf32>,
        %get3A_863 = vector.shape_cast %get3A_862 : vector<1x16xf32> to vector<16xf32>
        %mul3A_864 = arith.mulf %get3A_859, %get3A_863 : vector<16xf32>
        %swap3A_865 = arith.index_cast %scan3A_785 : i32 to index
        %swap3A_866 = arith.constant 80 : index
        %swap3A_867 = tpu.vector_load %arg13[%swap3A_865, %swap3A_866] {strides = array<i32>} : memref<64x128xf32, #tpu.memory_space<vmem>>, vector<1x16xf32>,
        %swap3A_868 = vector.shape_cast %swap3A_867 : vector<1x16xf32> to vector<16xf32>
        %swap3A_869 = vector.shape_cast %mul3A_864 : vector<16xf32> to vector<1x16xf32>
        tpu.vector_store %arg13[%swap3A_865, %swap3A_866], %swap3A_869 {strides = array<i32>} : memref<64x128xf32, #tpu.memory_space<vmem>>, vector<1x16xf32>,
        %get3A_870 = arith.index_cast %scan3A_785 : i32 to index
        %get3A_871 = arith.constant 96 : index
        %get3A_872 = tpu.vector_load %arg13[%get3A_870, %get3A_871] {strides = array<i32>} : memref<64x128xf32, #tpu.memory_space<vmem>>, vector<1x16xf32>,
        %get3A_873 = vector.shape_cast %get3A_872 : vector<1x16xf32> to vector<16xf32>
        %get3A_874 = arith.index_cast %scan3A_785 : i32 to index
        %get3A_875 = arith.constant 96 : index
        %get3A_876 = tpu.vector_load %arg15[%get3A_874, %get3A_875] {strides = array<i32>} : memref<64x128xf32, #tpu.memory_space<vmem>>, vector<1x16xf32>,
        %get3A_877 = vector.shape_cast %get3A_876 : vector<1x16xf32> to vector<16xf32>
        %mul3A_878 = arith.mulf %get3A_873, %get3A_877 : vector<16xf32>
        %swap3A_879 = arith.index_cast %scan3A_785 : i32 to index
        %swap3A_880 = arith.constant 96 : index
        %swap3A_881 = tpu.vector_load %arg13[%swap3A_879, %swap3A_880] {strides = array<i32>} : memref<64x128xf32, #tpu.memory_space<vmem>>, vector<1x16xf32>,
        %swap3A_882 = vector.shape_cast %swap3A_881 : vector<1x16xf32> to vector<16xf32>
        %swap3A_883 = vector.shape_cast %mul3A_878 : vector<16xf32> to vector<1x16xf32>
        tpu.vector_store %arg13[%swap3A_879, %swap3A_880], %swap3A_883 {strides = array<i32>} : memref<64x128xf32, #tpu.memory_space<vmem>>, vector<1x16xf32>,
        %get3A_884 = arith.index_cast %scan3A_785 : i32 to index
        %get3A_885 = arith.constant 112 : index
        %get3A_886 = tpu.vector_load %arg13[%get3A_884, %get3A_885] {strides = array<i32>} : memref<64x128xf32, #tpu.memory_space<vmem>>, vector<1x16xf32>,
        %get3A_887 = vector.shape_cast %get3A_886 : vector<1x16xf32> to vector<16xf32>
        %get3A_888 = arith.index_cast %scan3A_785 : i32 to index
        %get3A_889 = arith.constant 112 : index
        %get3A_890 = tpu.vector_load %arg15[%get3A_888, %get3A_889] {strides = array<i32>} : memref<64x128xf32, #tpu.memory_space<vmem>>, vector<1x16xf32>,
        %get3A_891 = vector.shape_cast %get3A_890 : vector<1x16xf32> to vector<16xf32>
        %mul3A_892 = arith.mulf %get3A_887, %get3A_891 : vector<16xf32>
        %swap3A_893 = arith.index_cast %scan3A_785 : i32 to index
        %swap3A_894 = arith.constant 112 : index
        %swap3A_895 = tpu.vector_load %arg13[%swap3A_893, %swap3A_894] {strides = array<i32>} : memref<64x128xf32, #tpu.memory_space<vmem>>, vector<1x16xf32>,
        %swap3A_896 = vector.shape_cast %swap3A_895 : vector<1x16xf32> to vector<16xf32>
        %swap3A_897 = vector.shape_cast %mul3A_892 : vector<16xf32> to vector<1x16xf32>
        tpu.vector_store %arg13[%swap3A_893, %swap3A_894], %swap3A_897 {strides = array<i32>} : memref<64x128xf32, #tpu.memory_space<vmem>>, vector<1x16xf32>,
        %scan3A_898 = arith.constant 0 : i32
        scf.yield %scan3A_898 : i32
      }
      %scan3A_311 = arith.constant 64 : i32
      %dma_start3A_312 = arith.constant 2 : i32
      %dma_start3A_313 = arith.constant 0 : i32
      %dma_start3A_314 = tpu.memref_slice %arg9[%dma_start3A_312, %dma_start3A_313] : memref<3x64xi32, #tpu.memory_space<vmem>> -> memref<1x64xi32, #tpu.memory_space<vmem>>
      %dma_start3A_315 = tpu.memref_squeeze %dma_start3A_314 : memref<1x64xi32, #tpu.memory_space<vmem>> -> memref<64xi32, #tpu.memory_space<vmem>>
      %dma_start3A_316 = arith.constant 0 : i32
      %dma_start3A_317 = arith.constant 0 : i32
      %dma_start3A_318 = tpu.memref_slice %arg17[%dma_start3A_316, %dma_start3A_317] : memref<10112x128xf32, #tpu.memory_space<vmem_shared>> -> memref<10112x128xf32, #tpu.memory_space<vmem_shared>>
      tpu.enqueue_indirect_dma source(%arg13 : memref<64x128xf32, #tpu.memory_space<vmem>>) target(%dma_start3A_318 : memref<10112x128xf32, #tpu.memory_space<vmem_shared>>) offsets(%dma_start3A_315 : memref<64xi32, #tpu.memory_space<vmem>>) semaphore(%arg24 : memref<!tpu.dma_semaphore, #tpu.memory_space<semaphore_mem>>) {add = true}
      %dma_start3A_319 = arith.constant 2 : i32
      %dma_start3A_320 = arith.constant 0 : i32
      %dma_start3A_321 = tpu.memref_slice %arg9[%dma_start3A_319, %dma_start3A_320] : memref<3x64xi32, #tpu.memory_space<vmem>> -> memref<1x64xi32, #tpu.memory_space<vmem>>
      %dma_start3A_322 = tpu.memref_squeeze %dma_start3A_321 : memref<1x64xi32, #tpu.memory_space<vmem>> -> memref<64xi32, #tpu.memory_space<vmem>>
      %dma_start3A_323 = arith.constant 0 : i32
      %dma_start3A_324 = tpu.memref_slice %arg18[%dma_start3A_323] : memref<10112xf32, #tpu.memory_space<vmem_shared>> -> memref<10112xf32, #tpu.memory_space<vmem_shared>>
      tpu.enqueue_indirect_dma source(%arg16 : memref<64xf32, #tpu.memory_space<vmem>>) target(%dma_start3A_324 : memref<10112xf32, #tpu.memory_space<vmem_shared>>) offsets(%dma_start3A_322 : memref<64xi32, #tpu.memory_space<vmem>>) semaphore(%arg26 : memref<!tpu.dma_semaphore, #tpu.memory_space<semaphore_mem>>) {add = true}
      %mul3A_325 = arith.constant 6 : i32
      %mul3A_326 = arith.muli %mul3A_325, %scan3A_97 : i32
      %add3A_327 = arith.constant 4 : i32
      %add3A_328 = arith.addi %mul3A_326, %add3A_327 : i32
      %ge3A_329 = arith.constant 1 : i32
      %ge3A_330 = arith.cmpi sge, %add3A_328, %ge3A_329 : i32
      %convert_element_type3A_331 = arith.extui %ge3A_330 : i1 to i32
      %cond3A_332 = arith.constant 0 : i32
      %cond3A_333 = arith.cmpi ne, %convert_element_type3A_331, %cond3A_332 : i32
      scf.if %cond3A_333 {
        %sub3A = arith.constant 1 : i32
        %sub3A_440 = arith.subi %add3A_328, %sub3A : i32
        %dma_wait3A_441 = arith.constant 2 : i32
        %dma_wait3A_442 = arith.constant 0 : i32
        %dma_wait3A_443 = tpu.memref_slice %arg9[%dma_wait3A_441, %dma_wait3A_442] : memref<3x64xi32, #tpu.memory_space<vmem>> -> memref<1x64xi32, #tpu.memory_space<vmem>>
        %dma_wait3A_444 = tpu.memref_squeeze %dma_wait3A_443 : memref<1x64xi32, #tpu.memory_space<vmem>> -> memref<64xi32, #tpu.memory_space<vmem>>
        %dma_wait3A_445 = arith.constant 0 : i32
        %dma_wait3A_446 = arith.constant 0 : i32
        %dma_wait3A_447 = tpu.memref_slice %arg17[%dma_wait3A_445, %dma_wait3A_446] : memref<10112x128xf32, #tpu.memory_space<vmem_shared>> -> memref<10112x128xf32, #tpu.memory_space<vmem_shared>>
        tpu.wait_indirect_dma semaphore(%arg24 : memref<!tpu.dma_semaphore, #tpu.memory_space<semaphore_mem>>) src(%arg13 : memref<64x128xf32, #tpu.memory_space<vmem>>) dst(%dma_wait3A_447 : memref<10112x128xf32, #tpu.memory_space<vmem_shared>>)
        %dma_wait3A_448 = arith.constant 2 : i32
        %dma_wait3A_449 = arith.constant 0 : i32
        %dma_wait3A_450 = tpu.memref_slice %arg9[%dma_wait3A_448, %dma_wait3A_449] : memref<3x64xi32, #tpu.memory_space<vmem>> -> memref<1x64xi32, #tpu.memory_space<vmem>>
        %dma_wait3A_451 = tpu.memref_squeeze %dma_wait3A_450 : memref<1x64xi32, #tpu.memory_space<vmem>> -> memref<64xi32, #tpu.memory_space<vmem>>
        %dma_wait3A_452 = arith.constant 0 : i32
        %dma_wait3A_453 = tpu.memref_slice %arg18[%dma_wait3A_452] : memref<10112xf32, #tpu.memory_space<vmem_shared>> -> memref<10112xf32, #tpu.memory_space<vmem_shared>>
        tpu.wait_indirect_dma semaphore(%arg26 : memref<!tpu.dma_semaphore, #tpu.memory_space<semaphore_mem>>) src(%arg16 : memref<64xf32, #tpu.memory_space<vmem>>) dst(%dma_wait3A_453 : memref<10112xf32, #tpu.memory_space<vmem_shared>>)
      } else {
      }
      %add3A_334 = arith.constant 2 : i32
      %add3A_335 = arith.addi %add3A_328, %add3A_334 : i32
      %lt3A_336 = arith.constant 162 : i32
      %lt3A_337 = arith.cmpi slt, %add3A_335, %lt3A_336 : i32
      %convert_element_type3A_338 = arith.extui %lt3A_337 : i1 to i32
      %cond3A_339 = arith.constant 0 : i32
      %cond3A_340 = arith.cmpi ne, %convert_element_type3A_338, %cond3A_339 : i32
      scf.if %cond3A_340 {
        %add3A_440 = arith.constant 2 : i32
        %add3A_441 = arith.addi %add3A_328, %add3A_440 : i32
        %dma_start3A_442 = arith.constant 0 : i32
        %dma_start3A_443 = arith.constant 0 : i32
        %dma_start3A_444 = tpu.memref_slice %arg2[%add3A, %add3A_441, %dma_start3A_442, %dma_start3A_443] : memref<32x162x3x64xi32, #tpu.memory_space<hbm>> -> memref<1x1x3x64xi32, #tpu.memory_space<hbm>>
        %dma_start3A_445 = tpu.memref_squeeze %dma_start3A_444 : memref<1x1x3x64xi32, #tpu.memory_space<hbm>> -> memref<3x64xi32, #tpu.memory_space<hbm>>
        %dma_start3A_446 = arith.constant 0 : i32
        %dma_start3A_447 = arith.constant 0 : i32
        %dma_start3A_448 = tpu.memref_slice %arg2[%add3A, %add3A_441, %dma_start3A_446, %dma_start3A_447] : memref<32x162x3x64xi32, #tpu.memory_space<hbm>> -> memref<1x1x3x64xi32, #tpu.memory_space<hbm>>
        %dma_start3A_449 = tpu.memref_squeeze %dma_start3A_448 : memref<1x1x3x64xi32, #tpu.memory_space<hbm>> -> memref<3x64xi32, #tpu.memory_space<hbm>>
        tpu.enqueue_dma source(%dma_start3A_449 : memref<3x64xi32, #tpu.memory_space<hbm>>) target(%arg9 : memref<3x64xi32, #tpu.memory_space<vmem>>) target_semaphore(%arg27 : memref<!tpu.dma_semaphore, #tpu.memory_space<semaphore_mem>>)
      } else {
      }
      %add3A_341 = arith.constant 1 : i32
      %add3A_342 = arith.addi %add3A_328, %add3A_341 : i32
      %lt3A_343 = arith.constant 162 : i32
      %lt3A_344 = arith.cmpi slt, %add3A_342, %lt3A_343 : i32
      %convert_element_type3A_345 = arith.extui %lt3A_344 : i1 to i32
      %cond3A_346 = arith.constant 0 : i32
      %cond3A_347 = arith.cmpi ne, %convert_element_type3A_345, %cond3A_346 : i32
      scf.if %cond3A_347 {
        %add3A_440 = arith.constant 1 : i32
        %add3A_441 = arith.addi %add3A_328, %add3A_440 : i32
        %dma_wait3A_442 = arith.constant 0 : i32
        %dma_wait3A_443 = arith.constant 0 : i32
        %dma_wait3A_444 = tpu.memref_slice %arg2[%add3A, %add3A_441, %dma_wait3A_442, %dma_wait3A_443] : memref<32x162x3x64xi32, #tpu.memory_space<hbm>> -> memref<1x1x3x64xi32, #tpu.memory_space<hbm>>
        %dma_wait3A_445 = tpu.memref_squeeze %dma_wait3A_444 : memref<1x1x3x64xi32, #tpu.memory_space<hbm>> -> memref<3x64xi32, #tpu.memory_space<hbm>>
        %dma_wait3A_446 = arith.constant 0 : i32
        %dma_wait3A_447 = arith.constant 0 : i32
        %dma_wait3A_448 = tpu.memref_slice %arg2[%add3A, %add3A_441, %dma_wait3A_446, %dma_wait3A_447] : memref<32x162x3x64xi32, #tpu.memory_space<hbm>> -> memref<1x1x3x64xi32, #tpu.memory_space<hbm>>
        %dma_wait3A_449 = tpu.memref_squeeze %dma_wait3A_448 : memref<1x1x3x64xi32, #tpu.memory_space<hbm>> -> memref<3x64xi32, #tpu.memory_space<hbm>>
        tpu.wait_dma2 semaphore(%arg29 : memref<!tpu.dma_semaphore, #tpu.memory_space<semaphore_mem>>) src(%dma_wait3A_449 : memref<3x64xi32, #tpu.memory_space<hbm>>) dst(%arg11 : memref<3x64xi32, #tpu.memory_space<vmem>>)
        %add3A_450 = arith.constant 1 : i32
        %add3A_451 = arith.addi %add3A_328, %add3A_450 : i32
        %dma_start3A_452 = arith.constant 0 : i32
        %dma_start3A_453 = arith.constant 0 : i32
        %dma_start3A_454 = tpu.memref_slice %arg11[%dma_start3A_452, %dma_start3A_453] : memref<3x64xi32, #tpu.memory_space<vmem>> -> memref<1x64xi32, #tpu.memory_space<vmem>>
        %dma_start3A_455 = tpu.memref_squeeze %dma_start3A_454 : memref<1x64xi32, #tpu.memory_space<vmem>> -> memref<64xi32, #tpu.memory_space<vmem>>
        %dma_start3A_456 = arith.constant 0 : i32
        %dma_start3A_457 = arith.constant 0 : i32
        %dma_start3A_458 = tpu.memref_slice %arg3[%dma_start3A_456, %dma_start3A_457] : memref<10000x128xf32, #tpu.memory_space<hbm>> -> memref<10000x128xf32, #tpu.memory_space<hbm>>
        tpu.enqueue_indirect_dma source(%dma_start3A_458 : memref<10000x128xf32, #tpu.memory_space<hbm>>) target(%arg13 : memref<64x128xf32, #tpu.memory_space<vmem>>) offsets(%dma_start3A_455 : memref<64xi32, #tpu.memory_space<vmem>>) semaphore(%arg20 : memref<!tpu.dma_semaphore, #tpu.memory_space<semaphore_mem>>)
        %dma_start3A_459 = arith.constant 1 : i32
        %dma_start3A_460 = arith.constant 0 : i32
        %dma_start3A_461 = tpu.memref_slice %arg11[%dma_start3A_459, %dma_start3A_460] : memref<3x64xi32, #tpu.memory_space<vmem>> -> memref<1x64xi32, #tpu.memory_space<vmem>>
        %dma_start3A_462 = tpu.memref_squeeze %dma_start3A_461 : memref<1x64xi32, #tpu.memory_space<vmem>> -> memref<64xi32, #tpu.memory_space<vmem>>
        %dma_start3A_463 = arith.constant 0 : i32
        %dma_start3A_464 = arith.constant 0 : i32
        %dma_start3A_465 = tpu.memref_slice %arg4[%dma_start3A_463, %dma_start3A_464] : memref<200x128xf32, #tpu.memory_space<hbm>> -> memref<200x128xf32, #tpu.memory_space<hbm>>
        tpu.enqueue_indirect_dma source(%dma_start3A_465 : memref<200x128xf32, #tpu.memory_space<hbm>>) target(%arg15 : memref<64x128xf32, #tpu.memory_space<vmem>>) offsets(%dma_start3A_462 : memref<64xi32, #tpu.memory_space<vmem>>) semaphore(%arg22 : memref<!tpu.dma_semaphore, #tpu.memory_space<semaphore_mem>>)
      } else {
      }
      %dma_wait3A_348 = arith.constant 0 : i32
      %dma_wait3A_349 = arith.constant 0 : i32
      %dma_wait3A_350 = tpu.memref_slice %arg10[%dma_wait3A_348, %dma_wait3A_349] : memref<3x64xi32, #tpu.memory_space<vmem>> -> memref<1x64xi32, #tpu.memory_space<vmem>>
      %dma_wait3A_351 = tpu.memref_squeeze %dma_wait3A_350 : memref<1x64xi32, #tpu.memory_space<vmem>> -> memref<64xi32, #tpu.memory_space<vmem>>
      %dma_wait3A_352 = arith.constant 0 : i32
      %dma_wait3A_353 = arith.constant 0 : i32
      %dma_wait3A_354 = tpu.memref_slice %arg3[%dma_wait3A_352, %dma_wait3A_353] : memref<10000x128xf32, #tpu.memory_space<hbm>> -> memref<10000x128xf32, #tpu.memory_space<hbm>>
      tpu.wait_indirect_dma semaphore(%arg19 : memref<!tpu.dma_semaphore, #tpu.memory_space<semaphore_mem>>) src(%dma_wait3A_354 : memref<10000x128xf32, #tpu.memory_space<hbm>>) dst(%arg12 : memref<64x128xf32, #tpu.memory_space<vmem>>)
      %dma_wait3A_355 = arith.constant 1 : i32
      %dma_wait3A_356 = arith.constant 0 : i32
      %dma_wait3A_357 = tpu.memref_slice %arg10[%dma_wait3A_355, %dma_wait3A_356] : memref<3x64xi32, #tpu.memory_space<vmem>> -> memref<1x64xi32, #tpu.memory_space<vmem>>
      %dma_wait3A_358 = tpu.memref_squeeze %dma_wait3A_357 : memref<1x64xi32, #tpu.memory_space<vmem>> -> memref<64xi32, #tpu.memory_space<vmem>>
      %dma_wait3A_359 = arith.constant 0 : i32
      %dma_wait3A_360 = arith.constant 0 : i32
      %dma_wait3A_361 = tpu.memref_slice %arg4[%dma_wait3A_359, %dma_wait3A_360] : memref<200x128xf32, #tpu.memory_space<hbm>> -> memref<200x128xf32, #tpu.memory_space<hbm>>
      tpu.wait_indirect_dma semaphore(%arg21 : memref<!tpu.dma_semaphore, #tpu.memory_space<semaphore_mem>>) src(%dma_wait3A_361 : memref<200x128xf32, #tpu.memory_space<hbm>>) dst(%arg14 : memref<64x128xf32, #tpu.memory_space<vmem>>)
      %scan3A_362 = arith.constant 0 : i32
      %scan3A_363 = arith.constant 0 : i32
      %scan3A_364 = arith.constant 64 : i32
      %scan3A_365 = arith.addi %scan3A_363, %scan3A_364 : i32
      %scan3A_366 = arith.constant 4 : i32
      %scan3A_367 = scf.for %scan3A_440 = %scan3A_363 to %scan3A_365 step %scan3A_366 iter_args(%scan3A_441 = %scan3A_362) -> (i32)  : i32 {
        %get3A = arith.index_cast %scan3A_440 : i32 to index
        %get3A_442 = arith.constant 0 : index
        %get3A_443 = tpu.vector_load %arg12[%get3A, %get3A_442] {strides = array<i32>} : memref<64x128xf32, #tpu.memory_space<vmem>>, vector<1x16xf32>,
        %get3A_444 = vector.shape_cast %get3A_443 : vector<1x16xf32> to vector<16xf32>
        %get3A_445 = arith.index_cast %scan3A_440 : i32 to index
        %get3A_446 = arith.constant 0 : index
        %get3A_447 = tpu.vector_load %arg14[%get3A_445, %get3A_446] {strides = array<i32>} : memref<64x128xf32, #tpu.memory_space<vmem>>, vector<1x16xf32>,
        %get3A_448 = vector.shape_cast %get3A_447 : vector<1x16xf32> to vector<16xf32>
        %mul3A_449 = arith.mulf %get3A_444, %get3A_448 : vector<16xf32>
        %swap3A_450 = arith.index_cast %scan3A_440 : i32 to index
        %swap3A_451 = arith.constant 0 : index
        %swap3A_452 = tpu.vector_load %arg12[%swap3A_450, %swap3A_451] {strides = array<i32>} : memref<64x128xf32, #tpu.memory_space<vmem>>, vector<1x16xf32>,
        %swap3A_453 = vector.shape_cast %swap3A_452 : vector<1x16xf32> to vector<16xf32>
        %swap3A_454 = vector.shape_cast %mul3A_449 : vector<16xf32> to vector<1x16xf32>
        tpu.vector_store %arg12[%swap3A_450, %swap3A_451], %swap3A_454 {strides = array<i32>} : memref<64x128xf32, #tpu.memory_space<vmem>>, vector<1x16xf32>,
        %get3A_455 = arith.index_cast %scan3A_440 : i32 to index
        %get3A_456 = arith.constant 16 : index
        %get3A_457 = tpu.vector_load %arg12[%get3A_455, %get3A_456] {strides = array<i32>} : memref<64x128xf32, #tpu.memory_space<vmem>>, vector<1x16xf32>,
        %get3A_458 = vector.shape_cast %get3A_457 : vector<1x16xf32> to vector<16xf32>
        %get3A_459 = arith.index_cast %scan3A_440 : i32 to index
        %get3A_460 = arith.constant 16 : index
        %get3A_461 = tpu.vector_load %arg14[%get3A_459, %get3A_460] {strides = array<i32>} : memref<64x128xf32, #tpu.memory_space<vmem>>, vector<1x16xf32>,
        %get3A_462 = vector.shape_cast %get3A_461 : vector<1x16xf32> to vector<16xf32>
        %mul3A_463 = arith.mulf %get3A_458, %get3A_462 : vector<16xf32>
        %swap3A_464 = arith.index_cast %scan3A_440 : i32 to index
        %swap3A_465 = arith.constant 16 : index
        %swap3A_466 = tpu.vector_load %arg12[%swap3A_464, %swap3A_465] {strides = array<i32>} : memref<64x128xf32, #tpu.memory_space<vmem>>, vector<1x16xf32>,
        %swap3A_467 = vector.shape_cast %swap3A_466 : vector<1x16xf32> to vector<16xf32>
        %swap3A_468 = vector.shape_cast %mul3A_463 : vector<16xf32> to vector<1x16xf32>
        tpu.vector_store %arg12[%swap3A_464, %swap3A_465], %swap3A_468 {strides = array<i32>} : memref<64x128xf32, #tpu.memory_space<vmem>>, vector<1x16xf32>,
        %get3A_469 = arith.index_cast %scan3A_440 : i32 to index
        %get3A_470 = arith.constant 32 : index
        %get3A_471 = tpu.vector_load %arg12[%get3A_469, %get3A_470] {strides = array<i32>} : memref<64x128xf32, #tpu.memory_space<vmem>>, vector<1x16xf32>,
        %get3A_472 = vector.shape_cast %get3A_471 : vector<1x16xf32> to vector<16xf32>
        %get3A_473 = arith.index_cast %scan3A_440 : i32 to index
        %get3A_474 = arith.constant 32 : index
        %get3A_475 = tpu.vector_load %arg14[%get3A_473, %get3A_474] {strides = array<i32>} : memref<64x128xf32, #tpu.memory_space<vmem>>, vector<1x16xf32>,
        %get3A_476 = vector.shape_cast %get3A_475 : vector<1x16xf32> to vector<16xf32>
        %mul3A_477 = arith.mulf %get3A_472, %get3A_476 : vector<16xf32>
        %swap3A_478 = arith.index_cast %scan3A_440 : i32 to index
        %swap3A_479 = arith.constant 32 : index
        %swap3A_480 = tpu.vector_load %arg12[%swap3A_478, %swap3A_479] {strides = array<i32>} : memref<64x128xf32, #tpu.memory_space<vmem>>, vector<1x16xf32>,
        %swap3A_481 = vector.shape_cast %swap3A_480 : vector<1x16xf32> to vector<16xf32>
        %swap3A_482 = vector.shape_cast %mul3A_477 : vector<16xf32> to vector<1x16xf32>
        tpu.vector_store %arg12[%swap3A_478, %swap3A_479], %swap3A_482 {strides = array<i32>} : memref<64x128xf32, #tpu.memory_space<vmem>>, vector<1x16xf32>,
        %get3A_483 = arith.index_cast %scan3A_440 : i32 to index
        %get3A_484 = arith.constant 48 : index
        %get3A_485 = tpu.vector_load %arg12[%get3A_483, %get3A_484] {strides = array<i32>} : memref<64x128xf32, #tpu.memory_space<vmem>>, vector<1x16xf32>,
        %get3A_486 = vector.shape_cast %get3A_485 : vector<1x16xf32> to vector<16xf32>
        %get3A_487 = arith.index_cast %scan3A_440 : i32 to index
        %get3A_488 = arith.constant 48 : index
        %get3A_489 = tpu.vector_load %arg14[%get3A_487, %get3A_488] {strides = array<i32>} : memref<64x128xf32, #tpu.memory_space<vmem>>, vector<1x16xf32>,
        %get3A_490 = vector.shape_cast %get3A_489 : vector<1x16xf32> to vector<16xf32>
        %mul3A_491 = arith.mulf %get3A_486, %get3A_490 : vector<16xf32>
        %swap3A_492 = arith.index_cast %scan3A_440 : i32 to index
        %swap3A_493 = arith.constant 48 : index
        %swap3A_494 = tpu.vector_load %arg12[%swap3A_492, %swap3A_493] {strides = array<i32>} : memref<64x128xf32, #tpu.memory_space<vmem>>, vector<1x16xf32>,
        %swap3A_495 = vector.shape_cast %swap3A_494 : vector<1x16xf32> to vector<16xf32>
        %swap3A_496 = vector.shape_cast %mul3A_491 : vector<16xf32> to vector<1x16xf32>
        tpu.vector_store %arg12[%swap3A_492, %swap3A_493], %swap3A_496 {strides = array<i32>} : memref<64x128xf32, #tpu.memory_space<vmem>>, vector<1x16xf32>,
        %get3A_497 = arith.index_cast %scan3A_440 : i32 to index
        %get3A_498 = arith.constant 64 : index
        %get3A_499 = tpu.vector_load %arg12[%get3A_497, %get3A_498] {strides = array<i32>} : memref<64x128xf32, #tpu.memory_space<vmem>>, vector<1x16xf32>,
        %get3A_500 = vector.shape_cast %get3A_499 : vector<1x16xf32> to vector<16xf32>
        %get3A_501 = arith.index_cast %scan3A_440 : i32 to index
        %get3A_502 = arith.constant 64 : index
        %get3A_503 = tpu.vector_load %arg14[%get3A_501, %get3A_502] {strides = array<i32>} : memref<64x128xf32, #tpu.memory_space<vmem>>, vector<1x16xf32>,
        %get3A_504 = vector.shape_cast %get3A_503 : vector<1x16xf32> to vector<16xf32>
        %mul3A_505 = arith.mulf %get3A_500, %get3A_504 : vector<16xf32>
        %swap3A_506 = arith.index_cast %scan3A_440 : i32 to index
        %swap3A_507 = arith.constant 64 : index
        %swap3A_508 = tpu.vector_load %arg12[%swap3A_506, %swap3A_507] {strides = array<i32>} : memref<64x128xf32, #tpu.memory_space<vmem>>, vector<1x16xf32>,
        %swap3A_509 = vector.shape_cast %swap3A_508 : vector<1x16xf32> to vector<16xf32>
        %swap3A_510 = vector.shape_cast %mul3A_505 : vector<16xf32> to vector<1x16xf32>
        tpu.vector_store %arg12[%swap3A_506, %swap3A_507], %swap3A_510 {strides = array<i32>} : memref<64x128xf32, #tpu.memory_space<vmem>>, vector<1x16xf32>,
        %get3A_511 = arith.index_cast %scan3A_440 : i32 to index
        %get3A_512 = arith.constant 80 : index
        %get3A_513 = tpu.vector_load %arg12[%get3A_511, %get3A_512] {strides = array<i32>} : memref<64x128xf32, #tpu.memory_space<vmem>>, vector<1x16xf32>,
        %get3A_514 = vector.shape_cast %get3A_513 : vector<1x16xf32> to vector<16xf32>
        %get3A_515 = arith.index_cast %scan3A_440 : i32 to index
        %get3A_516 = arith.constant 80 : index
        %get3A_517 = tpu.vector_load %arg14[%get3A_515, %get3A_516] {strides = array<i32>} : memref<64x128xf32, #tpu.memory_space<vmem>>, vector<1x16xf32>,
        %get3A_518 = vector.shape_cast %get3A_517 : vector<1x16xf32> to vector<16xf32>
        %mul3A_519 = arith.mulf %get3A_514, %get3A_518 : vector<16xf32>
        %swap3A_520 = arith.index_cast %scan3A_440 : i32 to index
        %swap3A_521 = arith.constant 80 : index
        %swap3A_522 = tpu.vector_load %arg12[%swap3A_520, %swap3A_521] {strides = array<i32>} : memref<64x128xf32, #tpu.memory_space<vmem>>, vector<1x16xf32>,
        %swap3A_523 = vector.shape_cast %swap3A_522 : vector<1x16xf32> to vector<16xf32>
        %swap3A_524 = vector.shape_cast %mul3A_519 : vector<16xf32> to vector<1x16xf32>
        tpu.vector_store %arg12[%swap3A_520, %swap3A_521], %swap3A_524 {strides = array<i32>} : memref<64x128xf32, #tpu.memory_space<vmem>>, vector<1x16xf32>,
        %get3A_525 = arith.index_cast %scan3A_440 : i32 to index
        %get3A_526 = arith.constant 96 : index
        %get3A_527 = tpu.vector_load %arg12[%get3A_525, %get3A_526] {strides = array<i32>} : memref<64x128xf32, #tpu.memory_space<vmem>>, vector<1x16xf32>,
        %get3A_528 = vector.shape_cast %get3A_527 : vector<1x16xf32> to vector<16xf32>
        %get3A_529 = arith.index_cast %scan3A_440 : i32 to index
        %get3A_530 = arith.constant 96 : index
        %get3A_531 = tpu.vector_load %arg14[%get3A_529, %get3A_530] {strides = array<i32>} : memref<64x128xf32, #tpu.memory_space<vmem>>, vector<1x16xf32>,
        %get3A_532 = vector.shape_cast %get3A_531 : vector<1x16xf32> to vector<16xf32>
        %mul3A_533 = arith.mulf %get3A_528, %get3A_532 : vector<16xf32>
        %swap3A_534 = arith.index_cast %scan3A_440 : i32 to index
        %swap3A_535 = arith.constant 96 : index
        %swap3A_536 = tpu.vector_load %arg12[%swap3A_534, %swap3A_535] {strides = array<i32>} : memref<64x128xf32, #tpu.memory_space<vmem>>, vector<1x16xf32>,
        %swap3A_537 = vector.shape_cast %swap3A_536 : vector<1x16xf32> to vector<16xf32>
        %swap3A_538 = vector.shape_cast %mul3A_533 : vector<16xf32> to vector<1x16xf32>
        tpu.vector_store %arg12[%swap3A_534, %swap3A_535], %swap3A_538 {strides = array<i32>} : memref<64x128xf32, #tpu.memory_space<vmem>>, vector<1x16xf32>,
        %get3A_539 = arith.index_cast %scan3A_440 : i32 to index
        %get3A_540 = arith.constant 112 : index
        %get3A_541 = tpu.vector_load %arg12[%get3A_539, %get3A_540] {strides = array<i32>} : memref<64x128xf32, #tpu.memory_space<vmem>>, vector<1x16xf32>,
        %get3A_542 = vector.shape_cast %get3A_541 : vector<1x16xf32> to vector<16xf32>
        %get3A_543 = arith.index_cast %scan3A_440 : i32 to index
        %get3A_544 = arith.constant 112 : index
        %get3A_545 = tpu.vector_load %arg14[%get3A_543, %get3A_544] {strides = array<i32>} : memref<64x128xf32, #tpu.memory_space<vmem>>, vector<1x16xf32>,
        %get3A_546 = vector.shape_cast %get3A_545 : vector<1x16xf32> to vector<16xf32>
        %mul3A_547 = arith.mulf %get3A_542, %get3A_546 : vector<16xf32>
        %swap3A_548 = arith.index_cast %scan3A_440 : i32 to index
        %swap3A_549 = arith.constant 112 : index
        %swap3A_550 = tpu.vector_load %arg12[%swap3A_548, %swap3A_549] {strides = array<i32>} : memref<64x128xf32, #tpu.memory_space<vmem>>, vector<1x16xf32>,
        %swap3A_551 = vector.shape_cast %swap3A_550 : vector<1x16xf32> to vector<16xf32>
        %swap3A_552 = vector.shape_cast %mul3A_547 : vector<16xf32> to vector<1x16xf32>
        tpu.vector_store %arg12[%swap3A_548, %swap3A_549], %swap3A_552 {strides = array<i32>} : memref<64x128xf32, #tpu.memory_space<vmem>>, vector<1x16xf32>,
        %scan3A_553 = arith.constant 0 : i32
        %scan3A_554 = arith.constant 1 : i32
        %scan3A_555 = arith.addi %scan3A_440, %scan3A_554 : i32
        %get3A_556 = arith.index_cast %scan3A_555 : i32 to index
        %get3A_557 = arith.constant 0 : index
        %get3A_558 = tpu.vector_load %arg12[%get3A_556, %get3A_557] {strides = array<i32>} : memref<64x128xf32, #tpu.memory_space<vmem>>, vector<1x16xf32>,
        %get3A_559 = vector.shape_cast %get3A_558 : vector<1x16xf32> to vector<16xf32>
        %get3A_560 = arith.index_cast %scan3A_555 : i32 to index
        %get3A_561 = arith.constant 0 : index
        %get3A_562 = tpu.vector_load %arg14[%get3A_560, %get3A_561] {strides = array<i32>} : memref<64x128xf32, #tpu.memory_space<vmem>>, vector<1x16xf32>,
        %get3A_563 = vector.shape_cast %get3A_562 : vector<1x16xf32> to vector<16xf32>
        %mul3A_564 = arith.mulf %get3A_559, %get3A_563 : vector<16xf32>
        %swap3A_565 = arith.index_cast %scan3A_555 : i32 to index
        %swap3A_566 = arith.constant 0 : index
        %swap3A_567 = tpu.vector_load %arg12[%swap3A_565, %swap3A_566] {strides = array<i32>} : memref<64x128xf32, #tpu.memory_space<vmem>>, vector<1x16xf32>,
        %swap3A_568 = vector.shape_cast %swap3A_567 : vector<1x16xf32> to vector<16xf32>
        %swap3A_569 = vector.shape_cast %mul3A_564 : vector<16xf32> to vector<1x16xf32>
        tpu.vector_store %arg12[%swap3A_565, %swap3A_566], %swap3A_569 {strides = array<i32>} : memref<64x128xf32, #tpu.memory_space<vmem>>, vector<1x16xf32>,
        %get3A_570 = arith.index_cast %scan3A_555 : i32 to index
        %get3A_571 = arith.constant 16 : index
        %get3A_572 = tpu.vector_load %arg12[%get3A_570, %get3A_571] {strides = array<i32>} : memref<64x128xf32, #tpu.memory_space<vmem>>, vector<1x16xf32>,
        %get3A_573 = vector.shape_cast %get3A_572 : vector<1x16xf32> to vector<16xf32>
        %get3A_574 = arith.index_cast %scan3A_555 : i32 to index
        %get3A_575 = arith.constant 16 : index
        %get3A_576 = tpu.vector_load %arg14[%get3A_574, %get3A_575] {strides = array<i32>} : memref<64x128xf32, #tpu.memory_space<vmem>>, vector<1x16xf32>,
        %get3A_577 = vector.shape_cast %get3A_576 : vector<1x16xf32> to vector<16xf32>
        %mul3A_578 = arith.mulf %get3A_573, %get3A_577 : vector<16xf32>
        %swap3A_579 = arith.index_cast %scan3A_555 : i32 to index
        %swap3A_580 = arith.constant 16 : index
        %swap3A_581 = tpu.vector_load %arg12[%swap3A_579, %swap3A_580] {strides = array<i32>} : memref<64x128xf32, #tpu.memory_space<vmem>>, vector<1x16xf32>,
        %swap3A_582 = vector.shape_cast %swap3A_581 : vector<1x16xf32> to vector<16xf32>
        %swap3A_583 = vector.shape_cast %mul3A_578 : vector<16xf32> to vector<1x16xf32>
        tpu.vector_store %arg12[%swap3A_579, %swap3A_580], %swap3A_583 {strides = array<i32>} : memref<64x128xf32, #tpu.memory_space<vmem>>, vector<1x16xf32>,
        %get3A_584 = arith.index_cast %scan3A_555 : i32 to index
        %get3A_585 = arith.constant 32 : index
        %get3A_586 = tpu.vector_load %arg12[%get3A_584, %get3A_585] {strides = array<i32>} : memref<64x128xf32, #tpu.memory_space<vmem>>, vector<1x16xf32>,
        %get3A_587 = vector.shape_cast %get3A_586 : vector<1x16xf32> to vector<16xf32>
        %get3A_588 = arith.index_cast %scan3A_555 : i32 to index
        %get3A_589 = arith.constant 32 : index
        %get3A_590 = tpu.vector_load %arg14[%get3A_588, %get3A_589] {strides = array<i32>} : memref<64x128xf32, #tpu.memory_space<vmem>>, vector<1x16xf32>,
        %get3A_591 = vector.shape_cast %get3A_590 : vector<1x16xf32> to vector<16xf32>
        %mul3A_592 = arith.mulf %get3A_587, %get3A_591 : vector<16xf32>
        %swap3A_593 = arith.index_cast %scan3A_555 : i32 to index
        %swap3A_594 = arith.constant 32 : index
        %swap3A_595 = tpu.vector_load %arg12[%swap3A_593, %swap3A_594] {strides = array<i32>} : memref<64x128xf32, #tpu.memory_space<vmem>>, vector<1x16xf32>,
        %swap3A_596 = vector.shape_cast %swap3A_595 : vector<1x16xf32> to vector<16xf32>
        %swap3A_597 = vector.shape_cast %mul3A_592 : vector<16xf32> to vector<1x16xf32>
        tpu.vector_store %arg12[%swap3A_593, %swap3A_594], %swap3A_597 {strides = array<i32>} : memref<64x128xf32, #tpu.memory_space<vmem>>, vector<1x16xf32>,
        %get3A_598 = arith.index_cast %scan3A_555 : i32 to index
        %get3A_599 = arith.constant 48 : index
        %get3A_600 = tpu.vector_load %arg12[%get3A_598, %get3A_599] {strides = array<i32>} : memref<64x128xf32, #tpu.memory_space<vmem>>, vector<1x16xf32>,
        %get3A_601 = vector.shape_cast %get3A_600 : vector<1x16xf32> to vector<16xf32>
        %get3A_602 = arith.index_cast %scan3A_555 : i32 to index
        %get3A_603 = arith.constant 48 : index
        %get3A_604 = tpu.vector_load %arg14[%get3A_602, %get3A_603] {strides = array<i32>} : memref<64x128xf32, #tpu.memory_space<vmem>>, vector<1x16xf32>,
        %get3A_605 = vector.shape_cast %get3A_604 : vector<1x16xf32> to vector<16xf32>
        %mul3A_606 = arith.mulf %get3A_601, %get3A_605 : vector<16xf32>
        %swap3A_607 = arith.index_cast %scan3A_555 : i32 to index
        %swap3A_608 = arith.constant 48 : index
        %swap3A_609 = tpu.vector_load %arg12[%swap3A_607, %swap3A_608] {strides = array<i32>} : memref<64x128xf32, #tpu.memory_space<vmem>>, vector<1x16xf32>,
        %swap3A_610 = vector.shape_cast %swap3A_609 : vector<1x16xf32> to vector<16xf32>
        %swap3A_611 = vector.shape_cast %mul3A_606 : vector<16xf32> to vector<1x16xf32>
        tpu.vector_store %arg12[%swap3A_607, %swap3A_608], %swap3A_611 {strides = array<i32>} : memref<64x128xf32, #tpu.memory_space<vmem>>, vector<1x16xf32>,
        %get3A_612 = arith.index_cast %scan3A_555 : i32 to index
        %get3A_613 = arith.constant 64 : index
        %get3A_614 = tpu.vector_load %arg12[%get3A_612, %get3A_613] {strides = array<i32>} : memref<64x128xf32, #tpu.memory_space<vmem>>, vector<1x16xf32>,
        %get3A_615 = vector.shape_cast %get3A_614 : vector<1x16xf32> to vector<16xf32>
        %get3A_616 = arith.index_cast %scan3A_555 : i32 to index
        %get3A_617 = arith.constant 64 : index
        %get3A_618 = tpu.vector_load %arg14[%get3A_616, %get3A_617] {strides = array<i32>} : memref<64x128xf32, #tpu.memory_space<vmem>>, vector<1x16xf32>,
        %get3A_619 = vector.shape_cast %get3A_618 : vector<1x16xf32> to vector<16xf32>
        %mul3A_620 = arith.mulf %get3A_615, %get3A_619 : vector<16xf32>
        %swap3A_621 = arith.index_cast %scan3A_555 : i32 to index
        %swap3A_622 = arith.constant 64 : index
        %swap3A_623 = tpu.vector_load %arg12[%swap3A_621, %swap3A_622] {strides = array<i32>} : memref<64x128xf32, #tpu.memory_space<vmem>>, vector<1x16xf32>,
        %swap3A_624 = vector.shape_cast %swap3A_623 : vector<1x16xf32> to vector<16xf32>
        %swap3A_625 = vector.shape_cast %mul3A_620 : vector<16xf32> to vector<1x16xf32>
        tpu.vector_store %arg12[%swap3A_621, %swap3A_622], %swap3A_625 {strides = array<i32>} : memref<64x128xf32, #tpu.memory_space<vmem>>, vector<1x16xf32>,
        %get3A_626 = arith.index_cast %scan3A_555 : i32 to index
        %get3A_627 = arith.constant 80 : index
        %get3A_628 = tpu.vector_load %arg12[%get3A_626, %get3A_627] {strides = array<i32>} : memref<64x128xf32, #tpu.memory_space<vmem>>, vector<1x16xf32>,
        %get3A_629 = vector.shape_cast %get3A_628 : vector<1x16xf32> to vector<16xf32>
        %get3A_630 = arith.index_cast %scan3A_555 : i32 to index
        %get3A_631 = arith.constant 80 : index
        %get3A_632 = tpu.vector_load %arg14[%get3A_630, %get3A_631] {strides = array<i32>} : memref<64x128xf32, #tpu.memory_space<vmem>>, vector<1x16xf32>,
        %get3A_633 = vector.shape_cast %get3A_632 : vector<1x16xf32> to vector<16xf32>
        %mul3A_634 = arith.mulf %get3A_629, %get3A_633 : vector<16xf32>
        %swap3A_635 = arith.index_cast %scan3A_555 : i32 to index
        %swap3A_636 = arith.constant 80 : index
        %swap3A_637 = tpu.vector_load %arg12[%swap3A_635, %swap3A_636] {strides = array<i32>} : memref<64x128xf32, #tpu.memory_space<vmem>>, vector<1x16xf32>,
        %swap3A_638 = vector.shape_cast %swap3A_637 : vector<1x16xf32> to vector<16xf32>
        %swap3A_639 = vector.shape_cast %mul3A_634 : vector<16xf32> to vector<1x16xf32>
        tpu.vector_store %arg12[%swap3A_635, %swap3A_636], %swap3A_639 {strides = array<i32>} : memref<64x128xf32, #tpu.memory_space<vmem>>, vector<1x16xf32>,
        %get3A_640 = arith.index_cast %scan3A_555 : i32 to index
        %get3A_641 = arith.constant 96 : index
        %get3A_642 = tpu.vector_load %arg12[%get3A_640, %get3A_641] {strides = array<i32>} : memref<64x128xf32, #tpu.memory_space<vmem>>, vector<1x16xf32>,
        %get3A_643 = vector.shape_cast %get3A_642 : vector<1x16xf32> to vector<16xf32>
        %get3A_644 = arith.index_cast %scan3A_555 : i32 to index
        %get3A_645 = arith.constant 96 : index
        %get3A_646 = tpu.vector_load %arg14[%get3A_644, %get3A_645] {strides = array<i32>} : memref<64x128xf32, #tpu.memory_space<vmem>>, vector<1x16xf32>,
        %get3A_647 = vector.shape_cast %get3A_646 : vector<1x16xf32> to vector<16xf32>
        %mul3A_648 = arith.mulf %get3A_643, %get3A_647 : vector<16xf32>
        %swap3A_649 = arith.index_cast %scan3A_555 : i32 to index
        %swap3A_650 = arith.constant 96 : index
        %swap3A_651 = tpu.vector_load %arg12[%swap3A_649, %swap3A_650] {strides = array<i32>} : memref<64x128xf32, #tpu.memory_space<vmem>>, vector<1x16xf32>,
        %swap3A_652 = vector.shape_cast %swap3A_651 : vector<1x16xf32> to vector<16xf32>
        %swap3A_653 = vector.shape_cast %mul3A_648 : vector<16xf32> to vector<1x16xf32>
        tpu.vector_store %arg12[%swap3A_649, %swap3A_650], %swap3A_653 {strides = array<i32>} : memref<64x128xf32, #tpu.memory_space<vmem>>, vector<1x16xf32>,
        %get3A_654 = arith.index_cast %scan3A_555 : i32 to index
        %get3A_655 = arith.constant 112 : index
        %get3A_656 = tpu.vector_load %arg12[%get3A_654, %get3A_655] {strides = array<i32>} : memref<64x128xf32, #tpu.memory_space<vmem>>, vector<1x16xf32>,
        %get3A_657 = vector.shape_cast %get3A_656 : vector<1x16xf32> to vector<16xf32>
        %get3A_658 = arith.index_cast %scan3A_555 : i32 to index
        %get3A_659 = arith.constant 112 : index
        %get3A_660 = tpu.vector_load %arg14[%get3A_658, %get3A_659] {strides = array<i32>} : memref<64x128xf32, #tpu.memory_space<vmem>>, vector<1x16xf32>,
        %get3A_661 = vector.shape_cast %get3A_660 : vector<1x16xf32> to vector<16xf32>
        %mul3A_662 = arith.mulf %get3A_657, %get3A_661 : vector<16xf32>
        %swap3A_663 = arith.index_cast %scan3A_555 : i32 to index
        %swap3A_664 = arith.constant 112 : index
        %swap3A_665 = tpu.vector_load %arg12[%swap3A_663, %swap3A_664] {strides = array<i32>} : memref<64x128xf32, #tpu.memory_space<vmem>>, vector<1x16xf32>,
        %swap3A_666 = vector.shape_cast %swap3A_665 : vector<1x16xf32> to vector<16xf32>
        %swap3A_667 = vector.shape_cast %mul3A_662 : vector<16xf32> to vector<1x16xf32>
        tpu.vector_store %arg12[%swap3A_663, %swap3A_664], %swap3A_667 {strides = array<i32>} : memref<64x128xf32, #tpu.memory_space<vmem>>, vector<1x16xf32>,
        %scan3A_668 = arith.constant 0 : i32
        %scan3A_669 = arith.constant 2 : i32
        %scan3A_670 = arith.addi %scan3A_440, %scan3A_669 : i32
        %get3A_671 = arith.index_cast %scan3A_670 : i32 to index
        %get3A_672 = arith.constant 0 : index
        %get3A_673 = tpu.vector_load %arg12[%get3A_671, %get3A_672] {strides = array<i32>} : memref<64x128xf32, #tpu.memory_space<vmem>>, vector<1x16xf32>,
        %get3A_674 = vector.shape_cast %get3A_673 : vector<1x16xf32> to vector<16xf32>
        %get3A_675 = arith.index_cast %scan3A_670 : i32 to index
        %get3A_676 = arith.constant 0 : index
        %get3A_677 = tpu.vector_load %arg14[%get3A_675, %get3A_676] {strides = array<i32>} : memref<64x128xf32, #tpu.memory_space<vmem>>, vector<1x16xf32>,
        %get3A_678 = vector.shape_cast %get3A_677 : vector<1x16xf32> to vector<16xf32>
        %mul3A_679 = arith.mulf %get3A_674, %get3A_678 : vector<16xf32>
        %swap3A_680 = arith.index_cast %scan3A_670 : i32 to index
        %swap3A_681 = arith.constant 0 : index
        %swap3A_682 = tpu.vector_load %arg12[%swap3A_680, %swap3A_681] {strides = array<i32>} : memref<64x128xf32, #tpu.memory_space<vmem>>, vector<1x16xf32>,
        %swap3A_683 = vector.shape_cast %swap3A_682 : vector<1x16xf32> to vector<16xf32>
        %swap3A_684 = vector.shape_cast %mul3A_679 : vector<16xf32> to vector<1x16xf32>
        tpu.vector_store %arg12[%swap3A_680, %swap3A_681], %swap3A_684 {strides = array<i32>} : memref<64x128xf32, #tpu.memory_space<vmem>>, vector<1x16xf32>,
        %get3A_685 = arith.index_cast %scan3A_670 : i32 to index
        %get3A_686 = arith.constant 16 : index
        %get3A_687 = tpu.vector_load %arg12[%get3A_685, %get3A_686] {strides = array<i32>} : memref<64x128xf32, #tpu.memory_space<vmem>>, vector<1x16xf32>,
        %get3A_688 = vector.shape_cast %get3A_687 : vector<1x16xf32> to vector<16xf32>
        %get3A_689 = arith.index_cast %scan3A_670 : i32 to index
        %get3A_690 = arith.constant 16 : index
        %get3A_691 = tpu.vector_load %arg14[%get3A_689, %get3A_690] {strides = array<i32>} : memref<64x128xf32, #tpu.memory_space<vmem>>, vector<1x16xf32>,
        %get3A_692 = vector.shape_cast %get3A_691 : vector<1x16xf32> to vector<16xf32>
        %mul3A_693 = arith.mulf %get3A_688, %get3A_692 : vector<16xf32>
        %swap3A_694 = arith.index_cast %scan3A_670 : i32 to index
        %swap3A_695 = arith.constant 16 : index
        %swap3A_696 = tpu.vector_load %arg12[%swap3A_694, %swap3A_695] {strides = array<i32>} : memref<64x128xf32, #tpu.memory_space<vmem>>, vector<1x16xf32>,
        %swap3A_697 = vector.shape_cast %swap3A_696 : vector<1x16xf32> to vector<16xf32>
        %swap3A_698 = vector.shape_cast %mul3A_693 : vector<16xf32> to vector<1x16xf32>
        tpu.vector_store %arg12[%swap3A_694, %swap3A_695], %swap3A_698 {strides = array<i32>} : memref<64x128xf32, #tpu.memory_space<vmem>>, vector<1x16xf32>,
        %get3A_699 = arith.index_cast %scan3A_670 : i32 to index
        %get3A_700 = arith.constant 32 : index
        %get3A_701 = tpu.vector_load %arg12[%get3A_699, %get3A_700] {strides = array<i32>} : memref<64x128xf32, #tpu.memory_space<vmem>>, vector<1x16xf32>,
        %get3A_702 = vector.shape_cast %get3A_701 : vector<1x16xf32> to vector<16xf32>
        %get3A_703 = arith.index_cast %scan3A_670 : i32 to index
        %get3A_704 = arith.constant 32 : index
        %get3A_705 = tpu.vector_load %arg14[%get3A_703, %get3A_704] {strides = array<i32>} : memref<64x128xf32, #tpu.memory_space<vmem>>, vector<1x16xf32>,
        %get3A_706 = vector.shape_cast %get3A_705 : vector<1x16xf32> to vector<16xf32>
        %mul3A_707 = arith.mulf %get3A_702, %get3A_706 : vector<16xf32>
        %swap3A_708 = arith.index_cast %scan3A_670 : i32 to index
        %swap3A_709 = arith.constant 32 : index
        %swap3A_710 = tpu.vector_load %arg12[%swap3A_708, %swap3A_709] {strides = array<i32>} : memref<64x128xf32, #tpu.memory_space<vmem>>, vector<1x16xf32>,
        %swap3A_711 = vector.shape_cast %swap3A_710 : vector<1x16xf32> to vector<16xf32>
        %swap3A_712 = vector.shape_cast %mul3A_707 : vector<16xf32> to vector<1x16xf32>
        tpu.vector_store %arg12[%swap3A_708, %swap3A_709], %swap3A_712 {strides = array<i32>} : memref<64x128xf32, #tpu.memory_space<vmem>>, vector<1x16xf32>,
        %get3A_713 = arith.index_cast %scan3A_670 : i32 to index
        %get3A_714 = arith.constant 48 : index
        %get3A_715 = tpu.vector_load %arg12[%get3A_713, %get3A_714] {strides = array<i32>} : memref<64x128xf32, #tpu.memory_space<vmem>>, vector<1x16xf32>,
        %get3A_716 = vector.shape_cast %get3A_715 : vector<1x16xf32> to vector<16xf32>
        %get3A_717 = arith.index_cast %scan3A_670 : i32 to index
        %get3A_718 = arith.constant 48 : index
        %get3A_719 = tpu.vector_load %arg14[%get3A_717, %get3A_718] {strides = array<i32>} : memref<64x128xf32, #tpu.memory_space<vmem>>, vector<1x16xf32>,
        %get3A_720 = vector.shape_cast %get3A_719 : vector<1x16xf32> to vector<16xf32>
        %mul3A_721 = arith.mulf %get3A_716, %get3A_720 : vector<16xf32>
        %swap3A_722 = arith.index_cast %scan3A_670 : i32 to index
        %swap3A_723 = arith.constant 48 : index
        %swap3A_724 = tpu.vector_load %arg12[%swap3A_722, %swap3A_723] {strides = array<i32>} : memref<64x128xf32, #tpu.memory_space<vmem>>, vector<1x16xf32>,
        %swap3A_725 = vector.shape_cast %swap3A_724 : vector<1x16xf32> to vector<16xf32>
        %swap3A_726 = vector.shape_cast %mul3A_721 : vector<16xf32> to vector<1x16xf32>
        tpu.vector_store %arg12[%swap3A_722, %swap3A_723], %swap3A_726 {strides = array<i32>} : memref<64x128xf32, #tpu.memory_space<vmem>>, vector<1x16xf32>,
        %get3A_727 = arith.index_cast %scan3A_670 : i32 to index
        %get3A_728 = arith.constant 64 : index
        %get3A_729 = tpu.vector_load %arg12[%get3A_727, %get3A_728] {strides = array<i32>} : memref<64x128xf32, #tpu.memory_space<vmem>>, vector<1x16xf32>,
        %get3A_730 = vector.shape_cast %get3A_729 : vector<1x16xf32> to vector<16xf32>
        %get3A_731 = arith.index_cast %scan3A_670 : i32 to index
        %get3A_732 = arith.constant 64 : index
        %get3A_733 = tpu.vector_load %arg14[%get3A_731, %get3A_732] {strides = array<i32>} : memref<64x128xf32, #tpu.memory_space<vmem>>, vector<1x16xf32>,
        %get3A_734 = vector.shape_cast %get3A_733 : vector<1x16xf32> to vector<16xf32>
        %mul3A_735 = arith.mulf %get3A_730, %get3A_734 : vector<16xf32>
        %swap3A_736 = arith.index_cast %scan3A_670 : i32 to index
        %swap3A_737 = arith.constant 64 : index
        %swap3A_738 = tpu.vector_load %arg12[%swap3A_736, %swap3A_737] {strides = array<i32>} : memref<64x128xf32, #tpu.memory_space<vmem>>, vector<1x16xf32>,
        %swap3A_739 = vector.shape_cast %swap3A_738 : vector<1x16xf32> to vector<16xf32>
        %swap3A_740 = vector.shape_cast %mul3A_735 : vector<16xf32> to vector<1x16xf32>
        tpu.vector_store %arg12[%swap3A_736, %swap3A_737], %swap3A_740 {strides = array<i32>} : memref<64x128xf32, #tpu.memory_space<vmem>>, vector<1x16xf32>,
        %get3A_741 = arith.index_cast %scan3A_670 : i32 to index
        %get3A_742 = arith.constant 80 : index
        %get3A_743 = tpu.vector_load %arg12[%get3A_741, %get3A_742] {strides = array<i32>} : memref<64x128xf32, #tpu.memory_space<vmem>>, vector<1x16xf32>,
        %get3A_744 = vector.shape_cast %get3A_743 : vector<1x16xf32> to vector<16xf32>
        %get3A_745 = arith.index_cast %scan3A_670 : i32 to index
        %get3A_746 = arith.constant 80 : index
        %get3A_747 = tpu.vector_load %arg14[%get3A_745, %get3A_746] {strides = array<i32>} : memref<64x128xf32, #tpu.memory_space<vmem>>, vector<1x16xf32>,
        %get3A_748 = vector.shape_cast %get3A_747 : vector<1x16xf32> to vector<16xf32>
        %mul3A_749 = arith.mulf %get3A_744, %get3A_748 : vector<16xf32>
        %swap3A_750 = arith.index_cast %scan3A_670 : i32 to index
        %swap3A_751 = arith.constant 80 : index
        %swap3A_752 = tpu.vector_load %arg12[%swap3A_750, %swap3A_751] {strides = array<i32>} : memref<64x128xf32, #tpu.memory_space<vmem>>, vector<1x16xf32>,
        %swap3A_753 = vector.shape_cast %swap3A_752 : vector<1x16xf32> to vector<16xf32>
        %swap3A_754 = vector.shape_cast %mul3A_749 : vector<16xf32> to vector<1x16xf32>
        tpu.vector_store %arg12[%swap3A_750, %swap3A_751], %swap3A_754 {strides = array<i32>} : memref<64x128xf32, #tpu.memory_space<vmem>>, vector<1x16xf32>,
        %get3A_755 = arith.index_cast %scan3A_670 : i32 to index
        %get3A_756 = arith.constant 96 : index
        %get3A_757 = tpu.vector_load %arg12[%get3A_755, %get3A_756] {strides = array<i32>} : memref<64x128xf32, #tpu.memory_space<vmem>>, vector<1x16xf32>,
        %get3A_758 = vector.shape_cast %get3A_757 : vector<1x16xf32> to vector<16xf32>
        %get3A_759 = arith.index_cast %scan3A_670 : i32 to index
        %get3A_760 = arith.constant 96 : index
        %get3A_761 = tpu.vector_load %arg14[%get3A_759, %get3A_760] {strides = array<i32>} : memref<64x128xf32, #tpu.memory_space<vmem>>, vector<1x16xf32>,
        %get3A_762 = vector.shape_cast %get3A_761 : vector<1x16xf32> to vector<16xf32>
        %mul3A_763 = arith.mulf %get3A_758, %get3A_762 : vector<16xf32>
        %swap3A_764 = arith.index_cast %scan3A_670 : i32 to index
        %swap3A_765 = arith.constant 96 : index
        %swap3A_766 = tpu.vector_load %arg12[%swap3A_764, %swap3A_765] {strides = array<i32>} : memref<64x128xf32, #tpu.memory_space<vmem>>, vector<1x16xf32>,
        %swap3A_767 = vector.shape_cast %swap3A_766 : vector<1x16xf32> to vector<16xf32>
        %swap3A_768 = vector.shape_cast %mul3A_763 : vector<16xf32> to vector<1x16xf32>
        tpu.vector_store %arg12[%swap3A_764, %swap3A_765], %swap3A_768 {strides = array<i32>} : memref<64x128xf32, #tpu.memory_space<vmem>>, vector<1x16xf32>,
        %get3A_769 = arith.index_cast %scan3A_670 : i32 to index
        %get3A_770 = arith.constant 112 : index
        %get3A_771 = tpu.vector_load %arg12[%get3A_769, %get3A_770] {strides = array<i32>} : memref<64x128xf32, #tpu.memory_space<vmem>>, vector<1x16xf32>,
        %get3A_772 = vector.shape_cast %get3A_771 : vector<1x16xf32> to vector<16xf32>
        %get3A_773 = arith.index_cast %scan3A_670 : i32 to index
        %get3A_774 = arith.constant 112 : index
        %get3A_775 = tpu.vector_load %arg14[%get3A_773, %get3A_774] {strides = array<i32>} : memref<64x128xf32, #tpu.memory_space<vmem>>, vector<1x16xf32>,
        %get3A_776 = vector.shape_cast %get3A_775 : vector<1x16xf32> to vector<16xf32>
        %mul3A_777 = arith.mulf %get3A_772, %get3A_776 : vector<16xf32>
        %swap3A_778 = arith.index_cast %scan3A_670 : i32 to index
        %swap3A_779 = arith.constant 112 : index
        %swap3A_780 = tpu.vector_load %arg12[%swap3A_778, %swap3A_779] {strides = array<i32>} : memref<64x128xf32, #tpu.memory_space<vmem>>, vector<1x16xf32>,
        %swap3A_781 = vector.shape_cast %swap3A_780 : vector<1x16xf32> to vector<16xf32>
        %swap3A_782 = vector.shape_cast %mul3A_777 : vector<16xf32> to vector<1x16xf32>
        tpu.vector_store %arg12[%swap3A_778, %swap3A_779], %swap3A_782 {strides = array<i32>} : memref<64x128xf32, #tpu.memory_space<vmem>>, vector<1x16xf32>,
        %scan3A_783 = arith.constant 0 : i32
        %scan3A_784 = arith.constant 3 : i32
        %scan3A_785 = arith.addi %scan3A_440, %scan3A_784 : i32
        %get3A_786 = arith.index_cast %scan3A_785 : i32 to index
        %get3A_787 = arith.constant 0 : index
        %get3A_788 = tpu.vector_load %arg12[%get3A_786, %get3A_787] {strides = array<i32>} : memref<64x128xf32, #tpu.memory_space<vmem>>, vector<1x16xf32>,
        %get3A_789 = vector.shape_cast %get3A_788 : vector<1x16xf32> to vector<16xf32>
        %get3A_790 = arith.index_cast %scan3A_785 : i32 to index
        %get3A_791 = arith.constant 0 : index
        %get3A_792 = tpu.vector_load %arg14[%get3A_790, %get3A_791] {strides = array<i32>} : memref<64x128xf32, #tpu.memory_space<vmem>>, vector<1x16xf32>,
        %get3A_793 = vector.shape_cast %get3A_792 : vector<1x16xf32> to vector<16xf32>
        %mul3A_794 = arith.mulf %get3A_789, %get3A_793 : vector<16xf32>
        %swap3A_795 = arith.index_cast %scan3A_785 : i32 to index
        %swap3A_796 = arith.constant 0 : index
        %swap3A_797 = tpu.vector_load %arg12[%swap3A_795, %swap3A_796] {strides = array<i32>} : memref<64x128xf32, #tpu.memory_space<vmem>>, vector<1x16xf32>,
        %swap3A_798 = vector.shape_cast %swap3A_797 : vector<1x16xf32> to vector<16xf32>
        %swap3A_799 = vector.shape_cast %mul3A_794 : vector<16xf32> to vector<1x16xf32>
        tpu.vector_store %arg12[%swap3A_795, %swap3A_796], %swap3A_799 {strides = array<i32>} : memref<64x128xf32, #tpu.memory_space<vmem>>, vector<1x16xf32>,
        %get3A_800 = arith.index_cast %scan3A_785 : i32 to index
        %get3A_801 = arith.constant 16 : index
        %get3A_802 = tpu.vector_load %arg12[%get3A_800, %get3A_801] {strides = array<i32>} : memref<64x128xf32, #tpu.memory_space<vmem>>, vector<1x16xf32>,
        %get3A_803 = vector.shape_cast %get3A_802 : vector<1x16xf32> to vector<16xf32>
        %get3A_804 = arith.index_cast %scan3A_785 : i32 to index
        %get3A_805 = arith.constant 16 : index
        %get3A_806 = tpu.vector_load %arg14[%get3A_804, %get3A_805] {strides = array<i32>} : memref<64x128xf32, #tpu.memory_space<vmem>>, vector<1x16xf32>,
        %get3A_807 = vector.shape_cast %get3A_806 : vector<1x16xf32> to vector<16xf32>
        %mul3A_808 = arith.mulf %get3A_803, %get3A_807 : vector<16xf32>
        %swap3A_809 = arith.index_cast %scan3A_785 : i32 to index
        %swap3A_810 = arith.constant 16 : index
        %swap3A_811 = tpu.vector_load %arg12[%swap3A_809, %swap3A_810] {strides = array<i32>} : memref<64x128xf32, #tpu.memory_space<vmem>>, vector<1x16xf32>,
        %swap3A_812 = vector.shape_cast %swap3A_811 : vector<1x16xf32> to vector<16xf32>
        %swap3A_813 = vector.shape_cast %mul3A_808 : vector<16xf32> to vector<1x16xf32>
        tpu.vector_store %arg12[%swap3A_809, %swap3A_810], %swap3A_813 {strides = array<i32>} : memref<64x128xf32, #tpu.memory_space<vmem>>, vector<1x16xf32>,
        %get3A_814 = arith.index_cast %scan3A_785 : i32 to index
        %get3A_815 = arith.constant 32 : index
        %get3A_816 = tpu.vector_load %arg12[%get3A_814, %get3A_815] {strides = array<i32>} : memref<64x128xf32, #tpu.memory_space<vmem>>, vector<1x16xf32>,
        %get3A_817 = vector.shape_cast %get3A_816 : vector<1x16xf32> to vector<16xf32>
        %get3A_818 = arith.index_cast %scan3A_785 : i32 to index
        %get3A_819 = arith.constant 32 : index
        %get3A_820 = tpu.vector_load %arg14[%get3A_818, %get3A_819] {strides = array<i32>} : memref<64x128xf32, #tpu.memory_space<vmem>>, vector<1x16xf32>,
        %get3A_821 = vector.shape_cast %get3A_820 : vector<1x16xf32> to vector<16xf32>
        %mul3A_822 = arith.mulf %get3A_817, %get3A_821 : vector<16xf32>
        %swap3A_823 = arith.index_cast %scan3A_785 : i32 to index
        %swap3A_824 = arith.constant 32 : index
        %swap3A_825 = tpu.vector_load %arg12[%swap3A_823, %swap3A_824] {strides = array<i32>} : memref<64x128xf32, #tpu.memory_space<vmem>>, vector<1x16xf32>,
        %swap3A_826 = vector.shape_cast %swap3A_825 : vector<1x16xf32> to vector<16xf32>
        %swap3A_827 = vector.shape_cast %mul3A_822 : vector<16xf32> to vector<1x16xf32>
        tpu.vector_store %arg12[%swap3A_823, %swap3A_824], %swap3A_827 {strides = array<i32>} : memref<64x128xf32, #tpu.memory_space<vmem>>, vector<1x16xf32>,
        %get3A_828 = arith.index_cast %scan3A_785 : i32 to index
        %get3A_829 = arith.constant 48 : index
        %get3A_830 = tpu.vector_load %arg12[%get3A_828, %get3A_829] {strides = array<i32>} : memref<64x128xf32, #tpu.memory_space<vmem>>, vector<1x16xf32>,
        %get3A_831 = vector.shape_cast %get3A_830 : vector<1x16xf32> to vector<16xf32>
        %get3A_832 = arith.index_cast %scan3A_785 : i32 to index
        %get3A_833 = arith.constant 48 : index
        %get3A_834 = tpu.vector_load %arg14[%get3A_832, %get3A_833] {strides = array<i32>} : memref<64x128xf32, #tpu.memory_space<vmem>>, vector<1x16xf32>,
        %get3A_835 = vector.shape_cast %get3A_834 : vector<1x16xf32> to vector<16xf32>
        %mul3A_836 = arith.mulf %get3A_831, %get3A_835 : vector<16xf32>
        %swap3A_837 = arith.index_cast %scan3A_785 : i32 to index
        %swap3A_838 = arith.constant 48 : index
        %swap3A_839 = tpu.vector_load %arg12[%swap3A_837, %swap3A_838] {strides = array<i32>} : memref<64x128xf32, #tpu.memory_space<vmem>>, vector<1x16xf32>,
        %swap3A_840 = vector.shape_cast %swap3A_839 : vector<1x16xf32> to vector<16xf32>
        %swap3A_841 = vector.shape_cast %mul3A_836 : vector<16xf32> to vector<1x16xf32>
        tpu.vector_store %arg12[%swap3A_837, %swap3A_838], %swap3A_841 {strides = array<i32>} : memref<64x128xf32, #tpu.memory_space<vmem>>, vector<1x16xf32>,
        %get3A_842 = arith.index_cast %scan3A_785 : i32 to index
        %get3A_843 = arith.constant 64 : index
        %get3A_844 = tpu.vector_load %arg12[%get3A_842, %get3A_843] {strides = array<i32>} : memref<64x128xf32, #tpu.memory_space<vmem>>, vector<1x16xf32>,
        %get3A_845 = vector.shape_cast %get3A_844 : vector<1x16xf32> to vector<16xf32>
        %get3A_846 = arith.index_cast %scan3A_785 : i32 to index
        %get3A_847 = arith.constant 64 : index
        %get3A_848 = tpu.vector_load %arg14[%get3A_846, %get3A_847] {strides = array<i32>} : memref<64x128xf32, #tpu.memory_space<vmem>>, vector<1x16xf32>,
        %get3A_849 = vector.shape_cast %get3A_848 : vector<1x16xf32> to vector<16xf32>
        %mul3A_850 = arith.mulf %get3A_845, %get3A_849 : vector<16xf32>
        %swap3A_851 = arith.index_cast %scan3A_785 : i32 to index
        %swap3A_852 = arith.constant 64 : index
        %swap3A_853 = tpu.vector_load %arg12[%swap3A_851, %swap3A_852] {strides = array<i32>} : memref<64x128xf32, #tpu.memory_space<vmem>>, vector<1x16xf32>,
        %swap3A_854 = vector.shape_cast %swap3A_853 : vector<1x16xf32> to vector<16xf32>
        %swap3A_855 = vector.shape_cast %mul3A_850 : vector<16xf32> to vector<1x16xf32>
        tpu.vector_store %arg12[%swap3A_851, %swap3A_852], %swap3A_855 {strides = array<i32>} : memref<64x128xf32, #tpu.memory_space<vmem>>, vector<1x16xf32>,
        %get3A_856 = arith.index_cast %scan3A_785 : i32 to index
        %get3A_857 = arith.constant 80 : index
        %get3A_858 = tpu.vector_load %arg12[%get3A_856, %get3A_857] {strides = array<i32>} : memref<64x128xf32, #tpu.memory_space<vmem>>, vector<1x16xf32>,
        %get3A_859 = vector.shape_cast %get3A_858 : vector<1x16xf32> to vector<16xf32>
        %get3A_860 = arith.index_cast %scan3A_785 : i32 to index
        %get3A_861 = arith.constant 80 : index
        %get3A_862 = tpu.vector_load %arg14[%get3A_860, %get3A_861] {strides = array<i32>} : memref<64x128xf32, #tpu.memory_space<vmem>>, vector<1x16xf32>,
        %get3A_863 = vector.shape_cast %get3A_862 : vector<1x16xf32> to vector<16xf32>
        %mul3A_864 = arith.mulf %get3A_859, %get3A_863 : vector<16xf32>
        %swap3A_865 = arith.index_cast %scan3A_785 : i32 to index
        %swap3A_866 = arith.constant 80 : index
        %swap3A_867 = tpu.vector_load %arg12[%swap3A_865, %swap3A_866] {strides = array<i32>} : memref<64x128xf32, #tpu.memory_space<vmem>>, vector<1x16xf32>,
        %swap3A_868 = vector.shape_cast %swap3A_867 : vector<1x16xf32> to vector<16xf32>
        %swap3A_869 = vector.shape_cast %mul3A_864 : vector<16xf32> to vector<1x16xf32>
        tpu.vector_store %arg12[%swap3A_865, %swap3A_866], %swap3A_869 {strides = array<i32>} : memref<64x128xf32, #tpu.memory_space<vmem>>, vector<1x16xf32>,
        %get3A_870 = arith.index_cast %scan3A_785 : i32 to index
        %get3A_871 = arith.constant 96 : index
        %get3A_872 = tpu.vector_load %arg12[%get3A_870, %get3A_871] {strides = array<i32>} : memref<64x128xf32, #tpu.memory_space<vmem>>, vector<1x16xf32>,
        %get3A_873 = vector.shape_cast %get3A_872 : vector<1x16xf32> to vector<16xf32>
        %get3A_874 = arith.index_cast %scan3A_785 : i32 to index
        %get3A_875 = arith.constant 96 : index
        %get3A_876 = tpu.vector_load %arg14[%get3A_874, %get3A_875] {strides = array<i32>} : memref<64x128xf32, #tpu.memory_space<vmem>>, vector<1x16xf32>,
        %get3A_877 = vector.shape_cast %get3A_876 : vector<1x16xf32> to vector<16xf32>
        %mul3A_878 = arith.mulf %get3A_873, %get3A_877 : vector<16xf32>
        %swap3A_879 = arith.index_cast %scan3A_785 : i32 to index
        %swap3A_880 = arith.constant 96 : index
        %swap3A_881 = tpu.vector_load %arg12[%swap3A_879, %swap3A_880] {strides = array<i32>} : memref<64x128xf32, #tpu.memory_space<vmem>>, vector<1x16xf32>,
        %swap3A_882 = vector.shape_cast %swap3A_881 : vector<1x16xf32> to vector<16xf32>
        %swap3A_883 = vector.shape_cast %mul3A_878 : vector<16xf32> to vector<1x16xf32>
        tpu.vector_store %arg12[%swap3A_879, %swap3A_880], %swap3A_883 {strides = array<i32>} : memref<64x128xf32, #tpu.memory_space<vmem>>, vector<1x16xf32>,
        %get3A_884 = arith.index_cast %scan3A_785 : i32 to index
        %get3A_885 = arith.constant 112 : index
        %get3A_886 = tpu.vector_load %arg12[%get3A_884, %get3A_885] {strides = array<i32>} : memref<64x128xf32, #tpu.memory_space<vmem>>, vector<1x16xf32>,
        %get3A_887 = vector.shape_cast %get3A_886 : vector<1x16xf32> to vector<16xf32>
        %get3A_888 = arith.index_cast %scan3A_785 : i32 to index
        %get3A_889 = arith.constant 112 : index
        %get3A_890 = tpu.vector_load %arg14[%get3A_888, %get3A_889] {strides = array<i32>} : memref<64x128xf32, #tpu.memory_space<vmem>>, vector<1x16xf32>,
        %get3A_891 = vector.shape_cast %get3A_890 : vector<1x16xf32> to vector<16xf32>
        %mul3A_892 = arith.mulf %get3A_887, %get3A_891 : vector<16xf32>
        %swap3A_893 = arith.index_cast %scan3A_785 : i32 to index
        %swap3A_894 = arith.constant 112 : index
        %swap3A_895 = tpu.vector_load %arg12[%swap3A_893, %swap3A_894] {strides = array<i32>} : memref<64x128xf32, #tpu.memory_space<vmem>>, vector<1x16xf32>,
        %swap3A_896 = vector.shape_cast %swap3A_895 : vector<1x16xf32> to vector<16xf32>
        %swap3A_897 = vector.shape_cast %mul3A_892 : vector<16xf32> to vector<1x16xf32>
        tpu.vector_store %arg12[%swap3A_893, %swap3A_894], %swap3A_897 {strides = array<i32>} : memref<64x128xf32, #tpu.memory_space<vmem>>, vector<1x16xf32>,
        %scan3A_898 = arith.constant 0 : i32
        scf.yield %scan3A_898 : i32
      }
      %scan3A_368 = arith.constant 64 : i32
      %dma_start3A_369 = arith.constant 2 : i32
      %dma_start3A_370 = arith.constant 0 : i32
      %dma_start3A_371 = tpu.memref_slice %arg10[%dma_start3A_369, %dma_start3A_370] : memref<3x64xi32, #tpu.memory_space<vmem>> -> memref<1x64xi32, #tpu.memory_space<vmem>>
      %dma_start3A_372 = tpu.memref_squeeze %dma_start3A_371 : memref<1x64xi32, #tpu.memory_space<vmem>> -> memref<64xi32, #tpu.memory_space<vmem>>
      %dma_start3A_373 = arith.constant 0 : i32
      %dma_start3A_374 = arith.constant 0 : i32
      %dma_start3A_375 = tpu.memref_slice %arg17[%dma_start3A_373, %dma_start3A_374] : memref<10112x128xf32, #tpu.memory_space<vmem_shared>> -> memref<10112x128xf32, #tpu.memory_space<vmem_shared>>
      tpu.enqueue_indirect_dma source(%arg12 : memref<64x128xf32, #tpu.memory_space<vmem>>) target(%dma_start3A_375 : memref<10112x128xf32, #tpu.memory_space<vmem_shared>>) offsets(%dma_start3A_372 : memref<64xi32, #tpu.memory_space<vmem>>) semaphore(%arg23 : memref<!tpu.dma_semaphore, #tpu.memory_space<semaphore_mem>>) {add = true}
      %dma_start3A_376 = arith.constant 2 : i32
      %dma_start3A_377 = arith.constant 0 : i32
      %dma_start3A_378 = tpu.memref_slice %arg10[%dma_start3A_376, %dma_start3A_377] : memref<3x64xi32, #tpu.memory_space<vmem>> -> memref<1x64xi32, #tpu.memory_space<vmem>>
      %dma_start3A_379 = tpu.memref_squeeze %dma_start3A_378 : memref<1x64xi32, #tpu.memory_space<vmem>> -> memref<64xi32, #tpu.memory_space<vmem>>
      %dma_start3A_380 = arith.constant 0 : i32
      %dma_start3A_381 = tpu.memref_slice %arg18[%dma_start3A_380] : memref<10112xf32, #tpu.memory_space<vmem_shared>> -> memref<10112xf32, #tpu.memory_space<vmem_shared>>
      tpu.enqueue_indirect_dma source(%arg16 : memref<64xf32, #tpu.memory_space<vmem>>) target(%dma_start3A_381 : memref<10112xf32, #tpu.memory_space<vmem_shared>>) offsets(%dma_start3A_379 : memref<64xi32, #tpu.memory_space<vmem>>) semaphore(%arg25 : memref<!tpu.dma_semaphore, #tpu.memory_space<semaphore_mem>>) {add = true}
      %mul3A_382 = arith.constant 6 : i32
      %mul3A_383 = arith.muli %mul3A_382, %scan3A_97 : i32
      %add3A_384 = arith.constant 5 : i32
      %add3A_385 = arith.addi %mul3A_383, %add3A_384 : i32
      %ge3A_386 = arith.constant 1 : i32
      %ge3A_387 = arith.cmpi sge, %add3A_385, %ge3A_386 : i32
      %convert_element_type3A_388 = arith.extui %ge3A_387 : i1 to i32
      %cond3A_389 = arith.constant 0 : i32
      %cond3A_390 = arith.cmpi ne, %convert_element_type3A_388, %cond3A_389 : i32
      scf.if %cond3A_390 {
        %sub3A = arith.constant 1 : i32
        %sub3A_440 = arith.subi %add3A_385, %sub3A : i32
        %dma_wait3A_441 = arith.constant 2 : i32
        %dma_wait3A_442 = arith.constant 0 : i32
        %dma_wait3A_443 = tpu.memref_slice %arg10[%dma_wait3A_441, %dma_wait3A_442] : memref<3x64xi32, #tpu.memory_space<vmem>> -> memref<1x64xi32, #tpu.memory_space<vmem>>
        %dma_wait3A_444 = tpu.memref_squeeze %dma_wait3A_443 : memref<1x64xi32, #tpu.memory_space<vmem>> -> memref<64xi32, #tpu.memory_space<vmem>>
        %dma_wait3A_445 = arith.constant 0 : i32
        %dma_wait3A_446 = arith.constant 0 : i32
        %dma_wait3A_447 = tpu.memref_slice %arg17[%dma_wait3A_445, %dma_wait3A_446] : memref<10112x128xf32, #tpu.memory_space<vmem_shared>> -> memref<10112x128xf32, #tpu.memory_space<vmem_shared>>
        tpu.wait_indirect_dma semaphore(%arg23 : memref<!tpu.dma_semaphore, #tpu.memory_space<semaphore_mem>>) src(%arg12 : memref<64x128xf32, #tpu.memory_space<vmem>>) dst(%dma_wait3A_447 : memref<10112x128xf32, #tpu.memory_space<vmem_shared>>)
        %dma_wait3A_448 = arith.constant 2 : i32
        %dma_wait3A_449 = arith.constant 0 : i32
        %dma_wait3A_450 = tpu.memref_slice %arg10[%dma_wait3A_448, %dma_wait3A_449] : memref<3x64xi32, #tpu.memory_space<vmem>> -> memref<1x64xi32, #tpu.memory_space<vmem>>
        %dma_wait3A_451 = tpu.memref_squeeze %dma_wait3A_450 : memref<1x64xi32, #tpu.memory_space<vmem>> -> memref<64xi32, #tpu.memory_space<vmem>>
        %dma_wait3A_452 = arith.constant 0 : i32
        %dma_wait3A_453 = tpu.memref_slice %arg18[%dma_wait3A_452] : memref<10112xf32, #tpu.memory_space<vmem_shared>> -> memref<10112xf32, #tpu.memory_space<vmem_shared>>
        tpu.wait_indirect_dma semaphore(%arg25 : memref<!tpu.dma_semaphore, #tpu.memory_space<semaphore_mem>>) src(%arg16 : memref<64xf32, #tpu.memory_space<vmem>>) dst(%dma_wait3A_453 : memref<10112xf32, #tpu.memory_space<vmem_shared>>)
      } else {
      }
      %add3A_391 = arith.constant 2 : i32
      %add3A_392 = arith.addi %add3A_385, %add3A_391 : i32
      %lt3A_393 = arith.constant 162 : i32
      %lt3A_394 = arith.cmpi slt, %add3A_392, %lt3A_393 : i32
      %convert_element_type3A_395 = arith.extui %lt3A_394 : i1 to i32
      %cond3A_396 = arith.constant 0 : i32
      %cond3A_397 = arith.cmpi ne, %convert_element_type3A_395, %cond3A_396 : i32
      scf.if %cond3A_397 {
        %add3A_440 = arith.constant 2 : i32
        %add3A_441 = arith.addi %add3A_385, %add3A_440 : i32
        %dma_start3A_442 = arith.constant 0 : i32
        %dma_start3A_443 = arith.constant 0 : i32
        %dma_start3A_444 = tpu.memref_slice %arg2[%add3A, %add3A_441, %dma_start3A_442, %dma_start3A_443] : memref<32x162x3x64xi32, #tpu.memory_space<hbm>> -> memref<1x1x3x64xi32, #tpu.memory_space<hbm>>
        %dma_start3A_445 = tpu.memref_squeeze %dma_start3A_444 : memref<1x1x3x64xi32, #tpu.memory_space<hbm>> -> memref<3x64xi32, #tpu.memory_space<hbm>>
        %dma_start3A_446 = arith.constant 0 : i32
        %dma_start3A_447 = arith.constant 0 : i32
        %dma_start3A_448 = tpu.memref_slice %arg2[%add3A, %add3A_441, %dma_start3A_446, %dma_start3A_447] : memref<32x162x3x64xi32, #tpu.memory_space<hbm>> -> memref<1x1x3x64xi32, #tpu.memory_space<hbm>>
        %dma_start3A_449 = tpu.memref_squeeze %dma_start3A_448 : memref<1x1x3x64xi32, #tpu.memory_space<hbm>> -> memref<3x64xi32, #tpu.memory_space<hbm>>
        tpu.enqueue_dma source(%dma_start3A_449 : memref<3x64xi32, #tpu.memory_space<hbm>>) target(%arg10 : memref<3x64xi32, #tpu.memory_space<vmem>>) target_semaphore(%arg28 : memref<!tpu.dma_semaphore, #tpu.memory_space<semaphore_mem>>)
      } else {
      }
      %add3A_398 = arith.constant 1 : i32
      %add3A_399 = arith.addi %add3A_385, %add3A_398 : i32
      %lt3A_400 = arith.constant 162 : i32
      %lt3A_401 = arith.cmpi slt, %add3A_399, %lt3A_400 : i32
      %convert_element_type3A_402 = arith.extui %lt3A_401 : i1 to i32
      %cond3A_403 = arith.constant 0 : i32
      %cond3A_404 = arith.cmpi ne, %convert_element_type3A_402, %cond3A_403 : i32
      scf.if %cond3A_404 {
        %add3A_440 = arith.constant 1 : i32
        %add3A_441 = arith.addi %add3A_385, %add3A_440 : i32
        %dma_wait3A_442 = arith.constant 0 : i32
        %dma_wait3A_443 = arith.constant 0 : i32
        %dma_wait3A_444 = tpu.memref_slice %arg2[%add3A, %add3A_441, %dma_wait3A_442, %dma_wait3A_443] : memref<32x162x3x64xi32, #tpu.memory_space<hbm>> -> memref<1x1x3x64xi32, #tpu.memory_space<hbm>>
        %dma_wait3A_445 = tpu.memref_squeeze %dma_wait3A_444 : memref<1x1x3x64xi32, #tpu.memory_space<hbm>> -> memref<3x64xi32, #tpu.memory_space<hbm>>
        %dma_wait3A_446 = arith.constant 0 : i32
        %dma_wait3A_447 = arith.constant 0 : i32
        %dma_wait3A_448 = tpu.memref_slice %arg2[%add3A, %add3A_441, %dma_wait3A_446, %dma_wait3A_447] : memref<32x162x3x64xi32, #tpu.memory_space<hbm>> -> memref<1x1x3x64xi32, #tpu.memory_space<hbm>>
        %dma_wait3A_449 = tpu.memref_squeeze %dma_wait3A_448 : memref<1x1x3x64xi32, #tpu.memory_space<hbm>> -> memref<3x64xi32, #tpu.memory_space<hbm>>
        tpu.wait_dma2 semaphore(%arg27 : memref<!tpu.dma_semaphore, #tpu.memory_space<semaphore_mem>>) src(%dma_wait3A_449 : memref<3x64xi32, #tpu.memory_space<hbm>>) dst(%arg9 : memref<3x64xi32, #tpu.memory_space<vmem>>)
        %add3A_450 = arith.constant 1 : i32
        %add3A_451 = arith.addi %add3A_385, %add3A_450 : i32
        %dma_start3A_452 = arith.constant 0 : i32
        %dma_start3A_453 = arith.constant 0 : i32
        %dma_start3A_454 = tpu.memref_slice %arg9[%dma_start3A_452, %dma_start3A_453] : memref<3x64xi32, #tpu.memory_space<vmem>> -> memref<1x64xi32, #tpu.memory_space<vmem>>
        %dma_start3A_455 = tpu.memref_squeeze %dma_start3A_454 : memref<1x64xi32, #tpu.memory_space<vmem>> -> memref<64xi32, #tpu.memory_space<vmem>>
        %dma_start3A_456 = arith.constant 0 : i32
        %dma_start3A_457 = arith.constant 0 : i32
        %dma_start3A_458 = tpu.memref_slice %arg3[%dma_start3A_456, %dma_start3A_457] : memref<10000x128xf32, #tpu.memory_space<hbm>> -> memref<10000x128xf32, #tpu.memory_space<hbm>>
        tpu.enqueue_indirect_dma source(%dma_start3A_458 : memref<10000x128xf32, #tpu.memory_space<hbm>>) target(%arg12 : memref<64x128xf32, #tpu.memory_space<vmem>>) offsets(%dma_start3A_455 : memref<64xi32, #tpu.memory_space<vmem>>) semaphore(%arg19 : memref<!tpu.dma_semaphore, #tpu.memory_space<semaphore_mem>>)
        %dma_start3A_459 = arith.constant 1 : i32
        %dma_start3A_460 = arith.constant 0 : i32
        %dma_start3A_461 = tpu.memref_slice %arg9[%dma_start3A_459, %dma_start3A_460] : memref<3x64xi32, #tpu.memory_space<vmem>> -> memref<1x64xi32, #tpu.memory_space<vmem>>
        %dma_start3A_462 = tpu.memref_squeeze %dma_start3A_461 : memref<1x64xi32, #tpu.memory_space<vmem>> -> memref<64xi32, #tpu.memory_space<vmem>>
        %dma_start3A_463 = arith.constant 0 : i32
        %dma_start3A_464 = arith.constant 0 : i32
        %dma_start3A_465 = tpu.memref_slice %arg4[%dma_start3A_463, %dma_start3A_464] : memref<200x128xf32, #tpu.memory_space<hbm>> -> memref<200x128xf32, #tpu.memory_space<hbm>>
        tpu.enqueue_indirect_dma source(%dma_start3A_465 : memref<200x128xf32, #tpu.memory_space<hbm>>) target(%arg14 : memref<64x128xf32, #tpu.memory_space<vmem>>) offsets(%dma_start3A_462 : memref<64xi32, #tpu.memory_space<vmem>>) semaphore(%arg21 : memref<!tpu.dma_semaphore, #tpu.memory_space<semaphore_mem>>)
      } else {
      }
      %dma_wait3A_405 = arith.constant 0 : i32
      %dma_wait3A_406 = arith.constant 0 : i32
      %dma_wait3A_407 = tpu.memref_slice %arg11[%dma_wait3A_405, %dma_wait3A_406] : memref<3x64xi32, #tpu.memory_space<vmem>> -> memref<1x64xi32, #tpu.memory_space<vmem>>
      %dma_wait3A_408 = tpu.memref_squeeze %dma_wait3A_407 : memref<1x64xi32, #tpu.memory_space<vmem>> -> memref<64xi32, #tpu.memory_space<vmem>>
      %dma_wait3A_409 = arith.constant 0 : i32
      %dma_wait3A_410 = arith.constant 0 : i32
      %dma_wait3A_411 = tpu.memref_slice %arg3[%dma_wait3A_409, %dma_wait3A_410] : memref<10000x128xf32, #tpu.memory_space<hbm>> -> memref<10000x128xf32, #tpu.memory_space<hbm>>
      tpu.wait_indirect_dma semaphore(%arg20 : memref<!tpu.dma_semaphore, #tpu.memory_space<semaphore_mem>>) src(%dma_wait3A_411 : memref<10000x128xf32, #tpu.memory_space<hbm>>) dst(%arg13 : memref<64x128xf32, #tpu.memory_space<vmem>>)
      %dma_wait3A_412 = arith.constant 1 : i32
      %dma_wait3A_413 = arith.constant 0 : i32
      %dma_wait3A_414 = tpu.memref_slice %arg11[%dma_wait3A_412, %dma_wait3A_413] : memref<3x64xi32, #tpu.memory_space<vmem>> -> memref<1x64xi32, #tpu.memory_space<vmem>>
      %dma_wait3A_415 = tpu.memref_squeeze %dma_wait3A_414 : memref<1x64xi32, #tpu.memory_space<vmem>> -> memref<64xi32, #tpu.memory_space<vmem>>
      %dma_wait3A_416 = arith.constant 0 : i32
      %dma_wait3A_417 = arith.constant 0 : i32
      %dma_wait3A_418 = tpu.memref_slice %arg4[%dma_wait3A_416, %dma_wait3A_417] : memref<200x128xf32, #tpu.memory_space<hbm>> -> memref<200x128xf32, #tpu.memory_space<hbm>>
      tpu.wait_indirect_dma semaphore(%arg22 : memref<!tpu.dma_semaphore, #tpu.memory_space<semaphore_mem>>) src(%dma_wait3A_418 : memref<200x128xf32, #tpu.memory_space<hbm>>) dst(%arg15 : memref<64x128xf32, #tpu.memory_space<vmem>>)
      %scan3A_419 = arith.constant 0 : i32
      %scan3A_420 = arith.constant 0 : i32
      %scan3A_421 = arith.constant 64 : i32
      %scan3A_422 = arith.addi %scan3A_420, %scan3A_421 : i32
      %scan3A_423 = arith.constant 4 : i32
      %scan3A_424 = scf.for %scan3A_440 = %scan3A_420 to %scan3A_422 step %scan3A_423 iter_args(%scan3A_441 = %scan3A_419) -> (i32)  : i32 {
        %get3A = arith.index_cast %scan3A_440 : i32 to index
        %get3A_442 = arith.constant 0 : index
        %get3A_443 = tpu.vector_load %arg13[%get3A, %get3A_442] {strides = array<i32>} : memref<64x128xf32, #tpu.memory_space<vmem>>, vector<1x16xf32>,
        %get3A_444 = vector.shape_cast %get3A_443 : vector<1x16xf32> to vector<16xf32>
        %get3A_445 = arith.index_cast %scan3A_440 : i32 to index
        %get3A_446 = arith.constant 0 : index
        %get3A_447 = tpu.vector_load %arg15[%get3A_445, %get3A_446] {strides = array<i32>} : memref<64x128xf32, #tpu.memory_space<vmem>>, vector<1x16xf32>,
        %get3A_448 = vector.shape_cast %get3A_447 : vector<1x16xf32> to vector<16xf32>
        %mul3A_449 = arith.mulf %get3A_444, %get3A_448 : vector<16xf32>
        %swap3A_450 = arith.index_cast %scan3A_440 : i32 to index
        %swap3A_451 = arith.constant 0 : index
        %swap3A_452 = tpu.vector_load %arg13[%swap3A_450, %swap3A_451] {strides = array<i32>} : memref<64x128xf32, #tpu.memory_space<vmem>>, vector<1x16xf32>,
        %swap3A_453 = vector.shape_cast %swap3A_452 : vector<1x16xf32> to vector<16xf32>
        %swap3A_454 = vector.shape_cast %mul3A_449 : vector<16xf32> to vector<1x16xf32>
        tpu.vector_store %arg13[%swap3A_450, %swap3A_451], %swap3A_454 {strides = array<i32>} : memref<64x128xf32, #tpu.memory_space<vmem>>, vector<1x16xf32>,
        %get3A_455 = arith.index_cast %scan3A_440 : i32 to index
        %get3A_456 = arith.constant 16 : index
        %get3A_457 = tpu.vector_load %arg13[%get3A_455, %get3A_456] {strides = array<i32>} : memref<64x128xf32, #tpu.memory_space<vmem>>, vector<1x16xf32>,
        %get3A_458 = vector.shape_cast %get3A_457 : vector<1x16xf32> to vector<16xf32>
        %get3A_459 = arith.index_cast %scan3A_440 : i32 to index
        %get3A_460 = arith.constant 16 : index
        %get3A_461 = tpu.vector_load %arg15[%get3A_459, %get3A_460] {strides = array<i32>} : memref<64x128xf32, #tpu.memory_space<vmem>>, vector<1x16xf32>,
        %get3A_462 = vector.shape_cast %get3A_461 : vector<1x16xf32> to vector<16xf32>
        %mul3A_463 = arith.mulf %get3A_458, %get3A_462 : vector<16xf32>
        %swap3A_464 = arith.index_cast %scan3A_440 : i32 to index
        %swap3A_465 = arith.constant 16 : index
        %swap3A_466 = tpu.vector_load %arg13[%swap3A_464, %swap3A_465] {strides = array<i32>} : memref<64x128xf32, #tpu.memory_space<vmem>>, vector<1x16xf32>,
        %swap3A_467 = vector.shape_cast %swap3A_466 : vector<1x16xf32> to vector<16xf32>
        %swap3A_468 = vector.shape_cast %mul3A_463 : vector<16xf32> to vector<1x16xf32>
        tpu.vector_store %arg13[%swap3A_464, %swap3A_465], %swap3A_468 {strides = array<i32>} : memref<64x128xf32, #tpu.memory_space<vmem>>, vector<1x16xf32>,
        %get3A_469 = arith.index_cast %scan3A_440 : i32 to index
        %get3A_470 = arith.constant 32 : index
        %get3A_471 = tpu.vector_load %arg13[%get3A_469, %get3A_470] {strides = array<i32>} : memref<64x128xf32, #tpu.memory_space<vmem>>, vector<1x16xf32>,
        %get3A_472 = vector.shape_cast %get3A_471 : vector<1x16xf32> to vector<16xf32>
        %get3A_473 = arith.index_cast %scan3A_440 : i32 to index
        %get3A_474 = arith.constant 32 : index
        %get3A_475 = tpu.vector_load %arg15[%get3A_473, %get3A_474] {strides = array<i32>} : memref<64x128xf32, #tpu.memory_space<vmem>>, vector<1x16xf32>,
        %get3A_476 = vector.shape_cast %get3A_475 : vector<1x16xf32> to vector<16xf32>
        %mul3A_477 = arith.mulf %get3A_472, %get3A_476 : vector<16xf32>
        %swap3A_478 = arith.index_cast %scan3A_440 : i32 to index
        %swap3A_479 = arith.constant 32 : index
        %swap3A_480 = tpu.vector_load %arg13[%swap3A_478, %swap3A_479] {strides = array<i32>} : memref<64x128xf32, #tpu.memory_space<vmem>>, vector<1x16xf32>,
        %swap3A_481 = vector.shape_cast %swap3A_480 : vector<1x16xf32> to vector<16xf32>
        %swap3A_482 = vector.shape_cast %mul3A_477 : vector<16xf32> to vector<1x16xf32>
        tpu.vector_store %arg13[%swap3A_478, %swap3A_479], %swap3A_482 {strides = array<i32>} : memref<64x128xf32, #tpu.memory_space<vmem>>, vector<1x16xf32>,
        %get3A_483 = arith.index_cast %scan3A_440 : i32 to index
        %get3A_484 = arith.constant 48 : index
        %get3A_485 = tpu.vector_load %arg13[%get3A_483, %get3A_484] {strides = array<i32>} : memref<64x128xf32, #tpu.memory_space<vmem>>, vector<1x16xf32>,
        %get3A_486 = vector.shape_cast %get3A_485 : vector<1x16xf32> to vector<16xf32>
        %get3A_487 = arith.index_cast %scan3A_440 : i32 to index
        %get3A_488 = arith.constant 48 : index
        %get3A_489 = tpu.vector_load %arg15[%get3A_487, %get3A_488] {strides = array<i32>} : memref<64x128xf32, #tpu.memory_space<vmem>>, vector<1x16xf32>,
        %get3A_490 = vector.shape_cast %get3A_489 : vector<1x16xf32> to vector<16xf32>
        %mul3A_491 = arith.mulf %get3A_486, %get3A_490 : vector<16xf32>
        %swap3A_492 = arith.index_cast %scan3A_440 : i32 to index
        %swap3A_493 = arith.constant 48 : index
        %swap3A_494 = tpu.vector_load %arg13[%swap3A_492, %swap3A_493] {strides = array<i32>} : memref<64x128xf32, #tpu.memory_space<vmem>>, vector<1x16xf32>,
        %swap3A_495 = vector.shape_cast %swap3A_494 : vector<1x16xf32> to vector<16xf32>
        %swap3A_496 = vector.shape_cast %mul3A_491 : vector<16xf32> to vector<1x16xf32>
        tpu.vector_store %arg13[%swap3A_492, %swap3A_493], %swap3A_496 {strides = array<i32>} : memref<64x128xf32, #tpu.memory_space<vmem>>, vector<1x16xf32>,
        %get3A_497 = arith.index_cast %scan3A_440 : i32 to index
        %get3A_498 = arith.constant 64 : index
        %get3A_499 = tpu.vector_load %arg13[%get3A_497, %get3A_498] {strides = array<i32>} : memref<64x128xf32, #tpu.memory_space<vmem>>, vector<1x16xf32>,
        %get3A_500 = vector.shape_cast %get3A_499 : vector<1x16xf32> to vector<16xf32>
        %get3A_501 = arith.index_cast %scan3A_440 : i32 to index
        %get3A_502 = arith.constant 64 : index
        %get3A_503 = tpu.vector_load %arg15[%get3A_501, %get3A_502] {strides = array<i32>} : memref<64x128xf32, #tpu.memory_space<vmem>>, vector<1x16xf32>,
        %get3A_504 = vector.shape_cast %get3A_503 : vector<1x16xf32> to vector<16xf32>
        %mul3A_505 = arith.mulf %get3A_500, %get3A_504 : vector<16xf32>
        %swap3A_506 = arith.index_cast %scan3A_440 : i32 to index
        %swap3A_507 = arith.constant 64 : index
        %swap3A_508 = tpu.vector_load %arg13[%swap3A_506, %swap3A_507] {strides = array<i32>} : memref<64x128xf32, #tpu.memory_space<vmem>>, vector<1x16xf32>,
        %swap3A_509 = vector.shape_cast %swap3A_508 : vector<1x16xf32> to vector<16xf32>
        %swap3A_510 = vector.shape_cast %mul3A_505 : vector<16xf32> to vector<1x16xf32>
        tpu.vector_store %arg13[%swap3A_506, %swap3A_507], %swap3A_510 {strides = array<i32>} : memref<64x128xf32, #tpu.memory_space<vmem>>, vector<1x16xf32>,
        %get3A_511 = arith.index_cast %scan3A_440 : i32 to index
        %get3A_512 = arith.constant 80 : index
        %get3A_513 = tpu.vector_load %arg13[%get3A_511, %get3A_512] {strides = array<i32>} : memref<64x128xf32, #tpu.memory_space<vmem>>, vector<1x16xf32>,
        %get3A_514 = vector.shape_cast %get3A_513 : vector<1x16xf32> to vector<16xf32>
        %get3A_515 = arith.index_cast %scan3A_440 : i32 to index
        %get3A_516 = arith.constant 80 : index
        %get3A_517 = tpu.vector_load %arg15[%get3A_515, %get3A_516] {strides = array<i32>} : memref<64x128xf32, #tpu.memory_space<vmem>>, vector<1x16xf32>,
        %get3A_518 = vector.shape_cast %get3A_517 : vector<1x16xf32> to vector<16xf32>
        %mul3A_519 = arith.mulf %get3A_514, %get3A_518 : vector<16xf32>
        %swap3A_520 = arith.index_cast %scan3A_440 : i32 to index
        %swap3A_521 = arith.constant 80 : index
        %swap3A_522 = tpu.vector_load %arg13[%swap3A_520, %swap3A_521] {strides = array<i32>} : memref<64x128xf32, #tpu.memory_space<vmem>>, vector<1x16xf32>,
        %swap3A_523 = vector.shape_cast %swap3A_522 : vector<1x16xf32> to vector<16xf32>
        %swap3A_524 = vector.shape_cast %mul3A_519 : vector<16xf32> to vector<1x16xf32>
        tpu.vector_store %arg13[%swap3A_520, %swap3A_521], %swap3A_524 {strides = array<i32>} : memref<64x128xf32, #tpu.memory_space<vmem>>, vector<1x16xf32>,
        %get3A_525 = arith.index_cast %scan3A_440 : i32 to index
        %get3A_526 = arith.constant 96 : index
        %get3A_527 = tpu.vector_load %arg13[%get3A_525, %get3A_526] {strides = array<i32>} : memref<64x128xf32, #tpu.memory_space<vmem>>, vector<1x16xf32>,
        %get3A_528 = vector.shape_cast %get3A_527 : vector<1x16xf32> to vector<16xf32>
        %get3A_529 = arith.index_cast %scan3A_440 : i32 to index
        %get3A_530 = arith.constant 96 : index
        %get3A_531 = tpu.vector_load %arg15[%get3A_529, %get3A_530] {strides = array<i32>} : memref<64x128xf32, #tpu.memory_space<vmem>>, vector<1x16xf32>,
        %get3A_532 = vector.shape_cast %get3A_531 : vector<1x16xf32> to vector<16xf32>
        %mul3A_533 = arith.mulf %get3A_528, %get3A_532 : vector<16xf32>
        %swap3A_534 = arith.index_cast %scan3A_440 : i32 to index
        %swap3A_535 = arith.constant 96 : index
        %swap3A_536 = tpu.vector_load %arg13[%swap3A_534, %swap3A_535] {strides = array<i32>} : memref<64x128xf32, #tpu.memory_space<vmem>>, vector<1x16xf32>,
        %swap3A_537 = vector.shape_cast %swap3A_536 : vector<1x16xf32> to vector<16xf32>
        %swap3A_538 = vector.shape_cast %mul3A_533 : vector<16xf32> to vector<1x16xf32>
        tpu.vector_store %arg13[%swap3A_534, %swap3A_535], %swap3A_538 {strides = array<i32>} : memref<64x128xf32, #tpu.memory_space<vmem>>, vector<1x16xf32>,
        %get3A_539 = arith.index_cast %scan3A_440 : i32 to index
        %get3A_540 = arith.constant 112 : index
        %get3A_541 = tpu.vector_load %arg13[%get3A_539, %get3A_540] {strides = array<i32>} : memref<64x128xf32, #tpu.memory_space<vmem>>, vector<1x16xf32>,
        %get3A_542 = vector.shape_cast %get3A_541 : vector<1x16xf32> to vector<16xf32>
        %get3A_543 = arith.index_cast %scan3A_440 : i32 to index
        %get3A_544 = arith.constant 112 : index
        %get3A_545 = tpu.vector_load %arg15[%get3A_543, %get3A_544] {strides = array<i32>} : memref<64x128xf32, #tpu.memory_space<vmem>>, vector<1x16xf32>,
        %get3A_546 = vector.shape_cast %get3A_545 : vector<1x16xf32> to vector<16xf32>
        %mul3A_547 = arith.mulf %get3A_542, %get3A_546 : vector<16xf32>
        %swap3A_548 = arith.index_cast %scan3A_440 : i32 to index
        %swap3A_549 = arith.constant 112 : index
        %swap3A_550 = tpu.vector_load %arg13[%swap3A_548, %swap3A_549] {strides = array<i32>} : memref<64x128xf32, #tpu.memory_space<vmem>>, vector<1x16xf32>,
        %swap3A_551 = vector.shape_cast %swap3A_550 : vector<1x16xf32> to vector<16xf32>
        %swap3A_552 = vector.shape_cast %mul3A_547 : vector<16xf32> to vector<1x16xf32>
        tpu.vector_store %arg13[%swap3A_548, %swap3A_549], %swap3A_552 {strides = array<i32>} : memref<64x128xf32, #tpu.memory_space<vmem>>, vector<1x16xf32>,
        %scan3A_553 = arith.constant 0 : i32
        %scan3A_554 = arith.constant 1 : i32
        %scan3A_555 = arith.addi %scan3A_440, %scan3A_554 : i32
        %get3A_556 = arith.index_cast %scan3A_555 : i32 to index
        %get3A_557 = arith.constant 0 : index
        %get3A_558 = tpu.vector_load %arg13[%get3A_556, %get3A_557] {strides = array<i32>} : memref<64x128xf32, #tpu.memory_space<vmem>>, vector<1x16xf32>,
        %get3A_559 = vector.shape_cast %get3A_558 : vector<1x16xf32> to vector<16xf32>
        %get3A_560 = arith.index_cast %scan3A_555 : i32 to index
        %get3A_561 = arith.constant 0 : index
        %get3A_562 = tpu.vector_load %arg15[%get3A_560, %get3A_561] {strides = array<i32>} : memref<64x128xf32, #tpu.memory_space<vmem>>, vector<1x16xf32>,
        %get3A_563 = vector.shape_cast %get3A_562 : vector<1x16xf32> to vector<16xf32>
        %mul3A_564 = arith.mulf %get3A_559, %get3A_563 : vector<16xf32>
        %swap3A_565 = arith.index_cast %scan3A_555 : i32 to index
        %swap3A_566 = arith.constant 0 : index
        %swap3A_567 = tpu.vector_load %arg13[%swap3A_565, %swap3A_566] {strides = array<i32>} : memref<64x128xf32, #tpu.memory_space<vmem>>, vector<1x16xf32>,
        %swap3A_568 = vector.shape_cast %swap3A_567 : vector<1x16xf32> to vector<16xf32>
        %swap3A_569 = vector.shape_cast %mul3A_564 : vector<16xf32> to vector<1x16xf32>
        tpu.vector_store %arg13[%swap3A_565, %swap3A_566], %swap3A_569 {strides = array<i32>} : memref<64x128xf32, #tpu.memory_space<vmem>>, vector<1x16xf32>,
        %get3A_570 = arith.index_cast %scan3A_555 : i32 to index
        %get3A_571 = arith.constant 16 : index
        %get3A_572 = tpu.vector_load %arg13[%get3A_570, %get3A_571] {strides = array<i32>} : memref<64x128xf32, #tpu.memory_space<vmem>>, vector<1x16xf32>,
        %get3A_573 = vector.shape_cast %get3A_572 : vector<1x16xf32> to vector<16xf32>
        %get3A_574 = arith.index_cast %scan3A_555 : i32 to index
        %get3A_575 = arith.constant 16 : index
        %get3A_576 = tpu.vector_load %arg15[%get3A_574, %get3A_575] {strides = array<i32>} : memref<64x128xf32, #tpu.memory_space<vmem>>, vector<1x16xf32>,
        %get3A_577 = vector.shape_cast %get3A_576 : vector<1x16xf32> to vector<16xf32>
        %mul3A_578 = arith.mulf %get3A_573, %get3A_577 : vector<16xf32>
        %swap3A_579 = arith.index_cast %scan3A_555 : i32 to index
        %swap3A_580 = arith.constant 16 : index
        %swap3A_581 = tpu.vector_load %arg13[%swap3A_579, %swap3A_580] {strides = array<i32>} : memref<64x128xf32, #tpu.memory_space<vmem>>, vector<1x16xf32>,
        %swap3A_582 = vector.shape_cast %swap3A_581 : vector<1x16xf32> to vector<16xf32>
        %swap3A_583 = vector.shape_cast %mul3A_578 : vector<16xf32> to vector<1x16xf32>
        tpu.vector_store %arg13[%swap3A_579, %swap3A_580], %swap3A_583 {strides = array<i32>} : memref<64x128xf32, #tpu.memory_space<vmem>>, vector<1x16xf32>,
        %get3A_584 = arith.index_cast %scan3A_555 : i32 to index
        %get3A_585 = arith.constant 32 : index
        %get3A_586 = tpu.vector_load %arg13[%get3A_584, %get3A_585] {strides = array<i32>} : memref<64x128xf32, #tpu.memory_space<vmem>>, vector<1x16xf32>,
        %get3A_587 = vector.shape_cast %get3A_586 : vector<1x16xf32> to vector<16xf32>
        %get3A_588 = arith.index_cast %scan3A_555 : i32 to index
        %get3A_589 = arith.constant 32 : index
        %get3A_590 = tpu.vector_load %arg15[%get3A_588, %get3A_589] {strides = array<i32>} : memref<64x128xf32, #tpu.memory_space<vmem>>, vector<1x16xf32>,
        %get3A_591 = vector.shape_cast %get3A_590 : vector<1x16xf32> to vector<16xf32>
        %mul3A_592 = arith.mulf %get3A_587, %get3A_591 : vector<16xf32>
        %swap3A_593 = arith.index_cast %scan3A_555 : i32 to index
        %swap3A_594 = arith.constant 32 : index
        %swap3A_595 = tpu.vector_load %arg13[%swap3A_593, %swap3A_594] {strides = array<i32>} : memref<64x128xf32, #tpu.memory_space<vmem>>, vector<1x16xf32>,
        %swap3A_596 = vector.shape_cast %swap3A_595 : vector<1x16xf32> to vector<16xf32>
        %swap3A_597 = vector.shape_cast %mul3A_592 : vector<16xf32> to vector<1x16xf32>
        tpu.vector_store %arg13[%swap3A_593, %swap3A_594], %swap3A_597 {strides = array<i32>} : memref<64x128xf32, #tpu.memory_space<vmem>>, vector<1x16xf32>,
        %get3A_598 = arith.index_cast %scan3A_555 : i32 to index
        %get3A_599 = arith.constant 48 : index
        %get3A_600 = tpu.vector_load %arg13[%get3A_598, %get3A_599] {strides = array<i32>} : memref<64x128xf32, #tpu.memory_space<vmem>>, vector<1x16xf32>,
        %get3A_601 = vector.shape_cast %get3A_600 : vector<1x16xf32> to vector<16xf32>
        %get3A_602 = arith.index_cast %scan3A_555 : i32 to index
        %get3A_603 = arith.constant 48 : index
        %get3A_604 = tpu.vector_load %arg15[%get3A_602, %get3A_603] {strides = array<i32>} : memref<64x128xf32, #tpu.memory_space<vmem>>, vector<1x16xf32>,
        %get3A_605 = vector.shape_cast %get3A_604 : vector<1x16xf32> to vector<16xf32>
        %mul3A_606 = arith.mulf %get3A_601, %get3A_605 : vector<16xf32>
        %swap3A_607 = arith.index_cast %scan3A_555 : i32 to index
        %swap3A_608 = arith.constant 48 : index
        %swap3A_609 = tpu.vector_load %arg13[%swap3A_607, %swap3A_608] {strides = array<i32>} : memref<64x128xf32, #tpu.memory_space<vmem>>, vector<1x16xf32>,
        %swap3A_610 = vector.shape_cast %swap3A_609 : vector<1x16xf32> to vector<16xf32>
        %swap3A_611 = vector.shape_cast %mul3A_606 : vector<16xf32> to vector<1x16xf32>
        tpu.vector_store %arg13[%swap3A_607, %swap3A_608], %swap3A_611 {strides = array<i32>} : memref<64x128xf32, #tpu.memory_space<vmem>>, vector<1x16xf32>,
        %get3A_612 = arith.index_cast %scan3A_555 : i32 to index
        %get3A_613 = arith.constant 64 : index
        %get3A_614 = tpu.vector_load %arg13[%get3A_612, %get3A_613] {strides = array<i32>} : memref<64x128xf32, #tpu.memory_space<vmem>>, vector<1x16xf32>,
        %get3A_615 = vector.shape_cast %get3A_614 : vector<1x16xf32> to vector<16xf32>
        %get3A_616 = arith.index_cast %scan3A_555 : i32 to index
        %get3A_617 = arith.constant 64 : index
        %get3A_618 = tpu.vector_load %arg15[%get3A_616, %get3A_617] {strides = array<i32>} : memref<64x128xf32, #tpu.memory_space<vmem>>, vector<1x16xf32>,
        %get3A_619 = vector.shape_cast %get3A_618 : vector<1x16xf32> to vector<16xf32>
        %mul3A_620 = arith.mulf %get3A_615, %get3A_619 : vector<16xf32>
        %swap3A_621 = arith.index_cast %scan3A_555 : i32 to index
        %swap3A_622 = arith.constant 64 : index
        %swap3A_623 = tpu.vector_load %arg13[%swap3A_621, %swap3A_622] {strides = array<i32>} : memref<64x128xf32, #tpu.memory_space<vmem>>, vector<1x16xf32>,
        %swap3A_624 = vector.shape_cast %swap3A_623 : vector<1x16xf32> to vector<16xf32>
        %swap3A_625 = vector.shape_cast %mul3A_620 : vector<16xf32> to vector<1x16xf32>
        tpu.vector_store %arg13[%swap3A_621, %swap3A_622], %swap3A_625 {strides = array<i32>} : memref<64x128xf32, #tpu.memory_space<vmem>>, vector<1x16xf32>,
        %get3A_626 = arith.index_cast %scan3A_555 : i32 to index
        %get3A_627 = arith.constant 80 : index
        %get3A_628 = tpu.vector_load %arg13[%get3A_626, %get3A_627] {strides = array<i32>} : memref<64x128xf32, #tpu.memory_space<vmem>>, vector<1x16xf32>,
        %get3A_629 = vector.shape_cast %get3A_628 : vector<1x16xf32> to vector<16xf32>
        %get3A_630 = arith.index_cast %scan3A_555 : i32 to index
        %get3A_631 = arith.constant 80 : index
        %get3A_632 = tpu.vector_load %arg15[%get3A_630, %get3A_631] {strides = array<i32>} : memref<64x128xf32, #tpu.memory_space<vmem>>, vector<1x16xf32>,
        %get3A_633 = vector.shape_cast %get3A_632 : vector<1x16xf32> to vector<16xf32>
        %mul3A_634 = arith.mulf %get3A_629, %get3A_633 : vector<16xf32>
        %swap3A_635 = arith.index_cast %scan3A_555 : i32 to index
        %swap3A_636 = arith.constant 80 : index
        %swap3A_637 = tpu.vector_load %arg13[%swap3A_635, %swap3A_636] {strides = array<i32>} : memref<64x128xf32, #tpu.memory_space<vmem>>, vector<1x16xf32>,
        %swap3A_638 = vector.shape_cast %swap3A_637 : vector<1x16xf32> to vector<16xf32>
        %swap3A_639 = vector.shape_cast %mul3A_634 : vector<16xf32> to vector<1x16xf32>
        tpu.vector_store %arg13[%swap3A_635, %swap3A_636], %swap3A_639 {strides = array<i32>} : memref<64x128xf32, #tpu.memory_space<vmem>>, vector<1x16xf32>,
        %get3A_640 = arith.index_cast %scan3A_555 : i32 to index
        %get3A_641 = arith.constant 96 : index
        %get3A_642 = tpu.vector_load %arg13[%get3A_640, %get3A_641] {strides = array<i32>} : memref<64x128xf32, #tpu.memory_space<vmem>>, vector<1x16xf32>,
        %get3A_643 = vector.shape_cast %get3A_642 : vector<1x16xf32> to vector<16xf32>
        %get3A_644 = arith.index_cast %scan3A_555 : i32 to index
        %get3A_645 = arith.constant 96 : index
        %get3A_646 = tpu.vector_load %arg15[%get3A_644, %get3A_645] {strides = array<i32>} : memref<64x128xf32, #tpu.memory_space<vmem>>, vector<1x16xf32>,
        %get3A_647 = vector.shape_cast %get3A_646 : vector<1x16xf32> to vector<16xf32>
        %mul3A_648 = arith.mulf %get3A_643, %get3A_647 : vector<16xf32>
        %swap3A_649 = arith.index_cast %scan3A_555 : i32 to index
        %swap3A_650 = arith.constant 96 : index
        %swap3A_651 = tpu.vector_load %arg13[%swap3A_649, %swap3A_650] {strides = array<i32>} : memref<64x128xf32, #tpu.memory_space<vmem>>, vector<1x16xf32>,
        %swap3A_652 = vector.shape_cast %swap3A_651 : vector<1x16xf32> to vector<16xf32>
        %swap3A_653 = vector.shape_cast %mul3A_648 : vector<16xf32> to vector<1x16xf32>
        tpu.vector_store %arg13[%swap3A_649, %swap3A_650], %swap3A_653 {strides = array<i32>} : memref<64x128xf32, #tpu.memory_space<vmem>>, vector<1x16xf32>,
        %get3A_654 = arith.index_cast %scan3A_555 : i32 to index
        %get3A_655 = arith.constant 112 : index
        %get3A_656 = tpu.vector_load %arg13[%get3A_654, %get3A_655] {strides = array<i32>} : memref<64x128xf32, #tpu.memory_space<vmem>>, vector<1x16xf32>,
        %get3A_657 = vector.shape_cast %get3A_656 : vector<1x16xf32> to vector<16xf32>
        %get3A_658 = arith.index_cast %scan3A_555 : i32 to index
        %get3A_659 = arith.constant 112 : index
        %get3A_660 = tpu.vector_load %arg15[%get3A_658, %get3A_659] {strides = array<i32>} : memref<64x128xf32, #tpu.memory_space<vmem>>, vector<1x16xf32>,
        %get3A_661 = vector.shape_cast %get3A_660 : vector<1x16xf32> to vector<16xf32>
        %mul3A_662 = arith.mulf %get3A_657, %get3A_661 : vector<16xf32>
        %swap3A_663 = arith.index_cast %scan3A_555 : i32 to index
        %swap3A_664 = arith.constant 112 : index
        %swap3A_665 = tpu.vector_load %arg13[%swap3A_663, %swap3A_664] {strides = array<i32>} : memref<64x128xf32, #tpu.memory_space<vmem>>, vector<1x16xf32>,
        %swap3A_666 = vector.shape_cast %swap3A_665 : vector<1x16xf32> to vector<16xf32>
        %swap3A_667 = vector.shape_cast %mul3A_662 : vector<16xf32> to vector<1x16xf32>
        tpu.vector_store %arg13[%swap3A_663, %swap3A_664], %swap3A_667 {strides = array<i32>} : memref<64x128xf32, #tpu.memory_space<vmem>>, vector<1x16xf32>,
        %scan3A_668 = arith.constant 0 : i32
        %scan3A_669 = arith.constant 2 : i32
        %scan3A_670 = arith.addi %scan3A_440, %scan3A_669 : i32
        %get3A_671 = arith.index_cast %scan3A_670 : i32 to index
        %get3A_672 = arith.constant 0 : index
        %get3A_673 = tpu.vector_load %arg13[%get3A_671, %get3A_672] {strides = array<i32>} : memref<64x128xf32, #tpu.memory_space<vmem>>, vector<1x16xf32>,
        %get3A_674 = vector.shape_cast %get3A_673 : vector<1x16xf32> to vector<16xf32>
        %get3A_675 = arith.index_cast %scan3A_670 : i32 to index
        %get3A_676 = arith.constant 0 : index
        %get3A_677 = tpu.vector_load %arg15[%get3A_675, %get3A_676] {strides = array<i32>} : memref<64x128xf32, #tpu.memory_space<vmem>>, vector<1x16xf32>,
        %get3A_678 = vector.shape_cast %get3A_677 : vector<1x16xf32> to vector<16xf32>
        %mul3A_679 = arith.mulf %get3A_674, %get3A_678 : vector<16xf32>
        %swap3A_680 = arith.index_cast %scan3A_670 : i32 to index
        %swap3A_681 = arith.constant 0 : index
        %swap3A_682 = tpu.vector_load %arg13[%swap3A_680, %swap3A_681] {strides = array<i32>} : memref<64x128xf32, #tpu.memory_space<vmem>>, vector<1x16xf32>,
        %swap3A_683 = vector.shape_cast %swap3A_682 : vector<1x16xf32> to vector<16xf32>
        %swap3A_684 = vector.shape_cast %mul3A_679 : vector<16xf32> to vector<1x16xf32>
        tpu.vector_store %arg13[%swap3A_680, %swap3A_681], %swap3A_684 {strides = array<i32>} : memref<64x128xf32, #tpu.memory_space<vmem>>, vector<1x16xf32>,
        %get3A_685 = arith.index_cast %scan3A_670 : i32 to index
        %get3A_686 = arith.constant 16 : index
        %get3A_687 = tpu.vector_load %arg13[%get3A_685, %get3A_686] {strides = array<i32>} : memref<64x128xf32, #tpu.memory_space<vmem>>, vector<1x16xf32>,
        %get3A_688 = vector.shape_cast %get3A_687 : vector<1x16xf32> to vector<16xf32>
        %get3A_689 = arith.index_cast %scan3A_670 : i32 to index
        %get3A_690 = arith.constant 16 : index
        %get3A_691 = tpu.vector_load %arg15[%get3A_689, %get3A_690] {strides = array<i32>} : memref<64x128xf32, #tpu.memory_space<vmem>>, vector<1x16xf32>,
        %get3A_692 = vector.shape_cast %get3A_691 : vector<1x16xf32> to vector<16xf32>
        %mul3A_693 = arith.mulf %get3A_688, %get3A_692 : vector<16xf32>
        %swap3A_694 = arith.index_cast %scan3A_670 : i32 to index
        %swap3A_695 = arith.constant 16 : index
        %swap3A_696 = tpu.vector_load %arg13[%swap3A_694, %swap3A_695] {strides = array<i32>} : memref<64x128xf32, #tpu.memory_space<vmem>>, vector<1x16xf32>,
        %swap3A_697 = vector.shape_cast %swap3A_696 : vector<1x16xf32> to vector<16xf32>
        %swap3A_698 = vector.shape_cast %mul3A_693 : vector<16xf32> to vector<1x16xf32>
        tpu.vector_store %arg13[%swap3A_694, %swap3A_695], %swap3A_698 {strides = array<i32>} : memref<64x128xf32, #tpu.memory_space<vmem>>, vector<1x16xf32>,
        %get3A_699 = arith.index_cast %scan3A_670 : i32 to index
        %get3A_700 = arith.constant 32 : index
        %get3A_701 = tpu.vector_load %arg13[%get3A_699, %get3A_700] {strides = array<i32>} : memref<64x128xf32, #tpu.memory_space<vmem>>, vector<1x16xf32>,
        %get3A_702 = vector.shape_cast %get3A_701 : vector<1x16xf32> to vector<16xf32>
        %get3A_703 = arith.index_cast %scan3A_670 : i32 to index
        %get3A_704 = arith.constant 32 : index
        %get3A_705 = tpu.vector_load %arg15[%get3A_703, %get3A_704] {strides = array<i32>} : memref<64x128xf32, #tpu.memory_space<vmem>>, vector<1x16xf32>,
        %get3A_706 = vector.shape_cast %get3A_705 : vector<1x16xf32> to vector<16xf32>
        %mul3A_707 = arith.mulf %get3A_702, %get3A_706 : vector<16xf32>
        %swap3A_708 = arith.index_cast %scan3A_670 : i32 to index
        %swap3A_709 = arith.constant 32 : index
        %swap3A_710 = tpu.vector_load %arg13[%swap3A_708, %swap3A_709] {strides = array<i32>} : memref<64x128xf32, #tpu.memory_space<vmem>>, vector<1x16xf32>,
        %swap3A_711 = vector.shape_cast %swap3A_710 : vector<1x16xf32> to vector<16xf32>
        %swap3A_712 = vector.shape_cast %mul3A_707 : vector<16xf32> to vector<1x16xf32>
        tpu.vector_store %arg13[%swap3A_708, %swap3A_709], %swap3A_712 {strides = array<i32>} : memref<64x128xf32, #tpu.memory_space<vmem>>, vector<1x16xf32>,
        %get3A_713 = arith.index_cast %scan3A_670 : i32 to index
        %get3A_714 = arith.constant 48 : index
        %get3A_715 = tpu.vector_load %arg13[%get3A_713, %get3A_714] {strides = array<i32>} : memref<64x128xf32, #tpu.memory_space<vmem>>, vector<1x16xf32>,
        %get3A_716 = vector.shape_cast %get3A_715 : vector<1x16xf32> to vector<16xf32>
        %get3A_717 = arith.index_cast %scan3A_670 : i32 to index
        %get3A_718 = arith.constant 48 : index
        %get3A_719 = tpu.vector_load %arg15[%get3A_717, %get3A_718] {strides = array<i32>} : memref<64x128xf32, #tpu.memory_space<vmem>>, vector<1x16xf32>,
        %get3A_720 = vector.shape_cast %get3A_719 : vector<1x16xf32> to vector<16xf32>
        %mul3A_721 = arith.mulf %get3A_716, %get3A_720 : vector<16xf32>
        %swap3A_722 = arith.index_cast %scan3A_670 : i32 to index
        %swap3A_723 = arith.constant 48 : index
        %swap3A_724 = tpu.vector_load %arg13[%swap3A_722, %swap3A_723] {strides = array<i32>} : memref<64x128xf32, #tpu.memory_space<vmem>>, vector<1x16xf32>,
        %swap3A_725 = vector.shape_cast %swap3A_724 : vector<1x16xf32> to vector<16xf32>
        %swap3A_726 = vector.shape_cast %mul3A_721 : vector<16xf32> to vector<1x16xf32>
        tpu.vector_store %arg13[%swap3A_722, %swap3A_723], %swap3A_726 {strides = array<i32>} : memref<64x128xf32, #tpu.memory_space<vmem>>, vector<1x16xf32>,
        %get3A_727 = arith.index_cast %scan3A_670 : i32 to index
        %get3A_728 = arith.constant 64 : index
        %get3A_729 = tpu.vector_load %arg13[%get3A_727, %get3A_728] {strides = array<i32>} : memref<64x128xf32, #tpu.memory_space<vmem>>, vector<1x16xf32>,
        %get3A_730 = vector.shape_cast %get3A_729 : vector<1x16xf32> to vector<16xf32>
        %get3A_731 = arith.index_cast %scan3A_670 : i32 to index
        %get3A_732 = arith.constant 64 : index
        %get3A_733 = tpu.vector_load %arg15[%get3A_731, %get3A_732] {strides = array<i32>} : memref<64x128xf32, #tpu.memory_space<vmem>>, vector<1x16xf32>,
        %get3A_734 = vector.shape_cast %get3A_733 : vector<1x16xf32> to vector<16xf32>
        %mul3A_735 = arith.mulf %get3A_730, %get3A_734 : vector<16xf32>
        %swap3A_736 = arith.index_cast %scan3A_670 : i32 to index
        %swap3A_737 = arith.constant 64 : index
        %swap3A_738 = tpu.vector_load %arg13[%swap3A_736, %swap3A_737] {strides = array<i32>} : memref<64x128xf32, #tpu.memory_space<vmem>>, vector<1x16xf32>,
        %swap3A_739 = vector.shape_cast %swap3A_738 : vector<1x16xf32> to vector<16xf32>
        %swap3A_740 = vector.shape_cast %mul3A_735 : vector<16xf32> to vector<1x16xf32>
        tpu.vector_store %arg13[%swap3A_736, %swap3A_737], %swap3A_740 {strides = array<i32>} : memref<64x128xf32, #tpu.memory_space<vmem>>, vector<1x16xf32>,
        %get3A_741 = arith.index_cast %scan3A_670 : i32 to index
        %get3A_742 = arith.constant 80 : index
        %get3A_743 = tpu.vector_load %arg13[%get3A_741, %get3A_742] {strides = array<i32>} : memref<64x128xf32, #tpu.memory_space<vmem>>, vector<1x16xf32>,
        %get3A_744 = vector.shape_cast %get3A_743 : vector<1x16xf32> to vector<16xf32>
        %get3A_745 = arith.index_cast %scan3A_670 : i32 to index
        %get3A_746 = arith.constant 80 : index
        %get3A_747 = tpu.vector_load %arg15[%get3A_745, %get3A_746] {strides = array<i32>} : memref<64x128xf32, #tpu.memory_space<vmem>>, vector<1x16xf32>,
        %get3A_748 = vector.shape_cast %get3A_747 : vector<1x16xf32> to vector<16xf32>
        %mul3A_749 = arith.mulf %get3A_744, %get3A_748 : vector<16xf32>
        %swap3A_750 = arith.index_cast %scan3A_670 : i32 to index
        %swap3A_751 = arith.constant 80 : index
        %swap3A_752 = tpu.vector_load %arg13[%swap3A_750, %swap3A_751] {strides = array<i32>} : memref<64x128xf32, #tpu.memory_space<vmem>>, vector<1x16xf32>,
        %swap3A_753 = vector.shape_cast %swap3A_752 : vector<1x16xf32> to vector<16xf32>
        %swap3A_754 = vector.shape_cast %mul3A_749 : vector<16xf32> to vector<1x16xf32>
        tpu.vector_store %arg13[%swap3A_750, %swap3A_751], %swap3A_754 {strides = array<i32>} : memref<64x128xf32, #tpu.memory_space<vmem>>, vector<1x16xf32>,
        %get3A_755 = arith.index_cast %scan3A_670 : i32 to index
        %get3A_756 = arith.constant 96 : index
        %get3A_757 = tpu.vector_load %arg13[%get3A_755, %get3A_756] {strides = array<i32>} : memref<64x128xf32, #tpu.memory_space<vmem>>, vector<1x16xf32>,
        %get3A_758 = vector.shape_cast %get3A_757 : vector<1x16xf32> to vector<16xf32>
        %get3A_759 = arith.index_cast %scan3A_670 : i32 to index
        %get3A_760 = arith.constant 96 : index
        %get3A_761 = tpu.vector_load %arg15[%get3A_759, %get3A_760] {strides = array<i32>} : memref<64x128xf32, #tpu.memory_space<vmem>>, vector<1x16xf32>,
        %get3A_762 = vector.shape_cast %get3A_761 : vector<1x16xf32> to vector<16xf32>
        %mul3A_763 = arith.mulf %get3A_758, %get3A_762 : vector<16xf32>
        %swap3A_764 = arith.index_cast %scan3A_670 : i32 to index
        %swap3A_765 = arith.constant 96 : index
        %swap3A_766 = tpu.vector_load %arg13[%swap3A_764, %swap3A_765] {strides = array<i32>} : memref<64x128xf32, #tpu.memory_space<vmem>>, vector<1x16xf32>,
        %swap3A_767 = vector.shape_cast %swap3A_766 : vector<1x16xf32> to vector<16xf32>
        %swap3A_768 = vector.shape_cast %mul3A_763 : vector<16xf32> to vector<1x16xf32>
        tpu.vector_store %arg13[%swap3A_764, %swap3A_765], %swap3A_768 {strides = array<i32>} : memref<64x128xf32, #tpu.memory_space<vmem>>, vector<1x16xf32>,
        %get3A_769 = arith.index_cast %scan3A_670 : i32 to index
        %get3A_770 = arith.constant 112 : index
        %get3A_771 = tpu.vector_load %arg13[%get3A_769, %get3A_770] {strides = array<i32>} : memref<64x128xf32, #tpu.memory_space<vmem>>, vector<1x16xf32>,
        %get3A_772 = vector.shape_cast %get3A_771 : vector<1x16xf32> to vector<16xf32>
        %get3A_773 = arith.index_cast %scan3A_670 : i32 to index
        %get3A_774 = arith.constant 112 : index
        %get3A_775 = tpu.vector_load %arg15[%get3A_773, %get3A_774] {strides = array<i32>} : memref<64x128xf32, #tpu.memory_space<vmem>>, vector<1x16xf32>,
        %get3A_776 = vector.shape_cast %get3A_775 : vector<1x16xf32> to vector<16xf32>
        %mul3A_777 = arith.mulf %get3A_772, %get3A_776 : vector<16xf32>
        %swap3A_778 = arith.index_cast %scan3A_670 : i32 to index
        %swap3A_779 = arith.constant 112 : index
        %swap3A_780 = tpu.vector_load %arg13[%swap3A_778, %swap3A_779] {strides = array<i32>} : memref<64x128xf32, #tpu.memory_space<vmem>>, vector<1x16xf32>,
        %swap3A_781 = vector.shape_cast %swap3A_780 : vector<1x16xf32> to vector<16xf32>
        %swap3A_782 = vector.shape_cast %mul3A_777 : vector<16xf32> to vector<1x16xf32>
        tpu.vector_store %arg13[%swap3A_778, %swap3A_779], %swap3A_782 {strides = array<i32>} : memref<64x128xf32, #tpu.memory_space<vmem>>, vector<1x16xf32>,
        %scan3A_783 = arith.constant 0 : i32
        %scan3A_784 = arith.constant 3 : i32
        %scan3A_785 = arith.addi %scan3A_440, %scan3A_784 : i32
        %get3A_786 = arith.index_cast %scan3A_785 : i32 to index
        %get3A_787 = arith.constant 0 : index
        %get3A_788 = tpu.vector_load %arg13[%get3A_786, %get3A_787] {strides = array<i32>} : memref<64x128xf32, #tpu.memory_space<vmem>>, vector<1x16xf32>,
        %get3A_789 = vector.shape_cast %get3A_788 : vector<1x16xf32> to vector<16xf32>
        %get3A_790 = arith.index_cast %scan3A_785 : i32 to index
        %get3A_791 = arith.constant 0 : index
        %get3A_792 = tpu.vector_load %arg15[%get3A_790, %get3A_791] {strides = array<i32>} : memref<64x128xf32, #tpu.memory_space<vmem>>, vector<1x16xf32>,
        %get3A_793 = vector.shape_cast %get3A_792 : vector<1x16xf32> to vector<16xf32>
        %mul3A_794 = arith.mulf %get3A_789, %get3A_793 : vector<16xf32>
        %swap3A_795 = arith.index_cast %scan3A_785 : i32 to index
        %swap3A_796 = arith.constant 0 : index
        %swap3A_797 = tpu.vector_load %arg13[%swap3A_795, %swap3A_796] {strides = array<i32>} : memref<64x128xf32, #tpu.memory_space<vmem>>, vector<1x16xf32>,
        %swap3A_798 = vector.shape_cast %swap3A_797 : vector<1x16xf32> to vector<16xf32>
        %swap3A_799 = vector.shape_cast %mul3A_794 : vector<16xf32> to vector<1x16xf32>
        tpu.vector_store %arg13[%swap3A_795, %swap3A_796], %swap3A_799 {strides = array<i32>} : memref<64x128xf32, #tpu.memory_space<vmem>>, vector<1x16xf32>,
        %get3A_800 = arith.index_cast %scan3A_785 : i32 to index
        %get3A_801 = arith.constant 16 : index
        %get3A_802 = tpu.vector_load %arg13[%get3A_800, %get3A_801] {strides = array<i32>} : memref<64x128xf32, #tpu.memory_space<vmem>>, vector<1x16xf32>,
        %get3A_803 = vector.shape_cast %get3A_802 : vector<1x16xf32> to vector<16xf32>
        %get3A_804 = arith.index_cast %scan3A_785 : i32 to index
        %get3A_805 = arith.constant 16 : index
        %get3A_806 = tpu.vector_load %arg15[%get3A_804, %get3A_805] {strides = array<i32>} : memref<64x128xf32, #tpu.memory_space<vmem>>, vector<1x16xf32>,
        %get3A_807 = vector.shape_cast %get3A_806 : vector<1x16xf32> to vector<16xf32>
        %mul3A_808 = arith.mulf %get3A_803, %get3A_807 : vector<16xf32>
        %swap3A_809 = arith.index_cast %scan3A_785 : i32 to index
        %swap3A_810 = arith.constant 16 : index
        %swap3A_811 = tpu.vector_load %arg13[%swap3A_809, %swap3A_810] {strides = array<i32>} : memref<64x128xf32, #tpu.memory_space<vmem>>, vector<1x16xf32>,
        %swap3A_812 = vector.shape_cast %swap3A_811 : vector<1x16xf32> to vector<16xf32>
        %swap3A_813 = vector.shape_cast %mul3A_808 : vector<16xf32> to vector<1x16xf32>
        tpu.vector_store %arg13[%swap3A_809, %swap3A_810], %swap3A_813 {strides = array<i32>} : memref<64x128xf32, #tpu.memory_space<vmem>>, vector<1x16xf32>,
        %get3A_814 = arith.index_cast %scan3A_785 : i32 to index
        %get3A_815 = arith.constant 32 : index
        %get3A_816 = tpu.vector_load %arg13[%get3A_814, %get3A_815] {strides = array<i32>} : memref<64x128xf32, #tpu.memory_space<vmem>>, vector<1x16xf32>,
        %get3A_817 = vector.shape_cast %get3A_816 : vector<1x16xf32> to vector<16xf32>
        %get3A_818 = arith.index_cast %scan3A_785 : i32 to index
        %get3A_819 = arith.constant 32 : index
        %get3A_820 = tpu.vector_load %arg15[%get3A_818, %get3A_819] {strides = array<i32>} : memref<64x128xf32, #tpu.memory_space<vmem>>, vector<1x16xf32>,
        %get3A_821 = vector.shape_cast %get3A_820 : vector<1x16xf32> to vector<16xf32>
        %mul3A_822 = arith.mulf %get3A_817, %get3A_821 : vector<16xf32>
        %swap3A_823 = arith.index_cast %scan3A_785 : i32 to index
        %swap3A_824 = arith.constant 32 : index
        %swap3A_825 = tpu.vector_load %arg13[%swap3A_823, %swap3A_824] {strides = array<i32>} : memref<64x128xf32, #tpu.memory_space<vmem>>, vector<1x16xf32>,
        %swap3A_826 = vector.shape_cast %swap3A_825 : vector<1x16xf32> to vector<16xf32>
        %swap3A_827 = vector.shape_cast %mul3A_822 : vector<16xf32> to vector<1x16xf32>
        tpu.vector_store %arg13[%swap3A_823, %swap3A_824], %swap3A_827 {strides = array<i32>} : memref<64x128xf32, #tpu.memory_space<vmem>>, vector<1x16xf32>,
        %get3A_828 = arith.index_cast %scan3A_785 : i32 to index
        %get3A_829 = arith.constant 48 : index
        %get3A_830 = tpu.vector_load %arg13[%get3A_828, %get3A_829] {strides = array<i32>} : memref<64x128xf32, #tpu.memory_space<vmem>>, vector<1x16xf32>,
        %get3A_831 = vector.shape_cast %get3A_830 : vector<1x16xf32> to vector<16xf32>
        %get3A_832 = arith.index_cast %scan3A_785 : i32 to index
        %get3A_833 = arith.constant 48 : index
        %get3A_834 = tpu.vector_load %arg15[%get3A_832, %get3A_833] {strides = array<i32>} : memref<64x128xf32, #tpu.memory_space<vmem>>, vector<1x16xf32>,
        %get3A_835 = vector.shape_cast %get3A_834 : vector<1x16xf32> to vector<16xf32>
        %mul3A_836 = arith.mulf %get3A_831, %get3A_835 : vector<16xf32>
        %swap3A_837 = arith.index_cast %scan3A_785 : i32 to index
        %swap3A_838 = arith.constant 48 : index
        %swap3A_839 = tpu.vector_load %arg13[%swap3A_837, %swap3A_838] {strides = array<i32>} : memref<64x128xf32, #tpu.memory_space<vmem>>, vector<1x16xf32>,
        %swap3A_840 = vector.shape_cast %swap3A_839 : vector<1x16xf32> to vector<16xf32>
        %swap3A_841 = vector.shape_cast %mul3A_836 : vector<16xf32> to vector<1x16xf32>
        tpu.vector_store %arg13[%swap3A_837, %swap3A_838], %swap3A_841 {strides = array<i32>} : memref<64x128xf32, #tpu.memory_space<vmem>>, vector<1x16xf32>,
        %get3A_842 = arith.index_cast %scan3A_785 : i32 to index
        %get3A_843 = arith.constant 64 : index
        %get3A_844 = tpu.vector_load %arg13[%get3A_842, %get3A_843] {strides = array<i32>} : memref<64x128xf32, #tpu.memory_space<vmem>>, vector<1x16xf32>,
        %get3A_845 = vector.shape_cast %get3A_844 : vector<1x16xf32> to vector<16xf32>
        %get3A_846 = arith.index_cast %scan3A_785 : i32 to index
        %get3A_847 = arith.constant 64 : index
        %get3A_848 = tpu.vector_load %arg15[%get3A_846, %get3A_847] {strides = array<i32>} : memref<64x128xf32, #tpu.memory_space<vmem>>, vector<1x16xf32>,
        %get3A_849 = vector.shape_cast %get3A_848 : vector<1x16xf32> to vector<16xf32>
        %mul3A_850 = arith.mulf %get3A_845, %get3A_849 : vector<16xf32>
        %swap3A_851 = arith.index_cast %scan3A_785 : i32 to index
        %swap3A_852 = arith.constant 64 : index
        %swap3A_853 = tpu.vector_load %arg13[%swap3A_851, %swap3A_852] {strides = array<i32>} : memref<64x128xf32, #tpu.memory_space<vmem>>, vector<1x16xf32>,
        %swap3A_854 = vector.shape_cast %swap3A_853 : vector<1x16xf32> to vector<16xf32>
        %swap3A_855 = vector.shape_cast %mul3A_850 : vector<16xf32> to vector<1x16xf32>
        tpu.vector_store %arg13[%swap3A_851, %swap3A_852], %swap3A_855 {strides = array<i32>} : memref<64x128xf32, #tpu.memory_space<vmem>>, vector<1x16xf32>,
        %get3A_856 = arith.index_cast %scan3A_785 : i32 to index
        %get3A_857 = arith.constant 80 : index
        %get3A_858 = tpu.vector_load %arg13[%get3A_856, %get3A_857] {strides = array<i32>} : memref<64x128xf32, #tpu.memory_space<vmem>>, vector<1x16xf32>,
        %get3A_859 = vector.shape_cast %get3A_858 : vector<1x16xf32> to vector<16xf32>
        %get3A_860 = arith.index_cast %scan3A_785 : i32 to index
        %get3A_861 = arith.constant 80 : index
        %get3A_862 = tpu.vector_load %arg15[%get3A_860, %get3A_861] {strides = array<i32>} : memref<64x128xf32, #tpu.memory_space<vmem>>, vector<1x16xf32>,
        %get3A_863 = vector.shape_cast %get3A_862 : vector<1x16xf32> to vector<16xf32>
        %mul3A_864 = arith.mulf %get3A_859, %get3A_863 : vector<16xf32>
        %swap3A_865 = arith.index_cast %scan3A_785 : i32 to index
        %swap3A_866 = arith.constant 80 : index
        %swap3A_867 = tpu.vector_load %arg13[%swap3A_865, %swap3A_866] {strides = array<i32>} : memref<64x128xf32, #tpu.memory_space<vmem>>, vector<1x16xf32>,
        %swap3A_868 = vector.shape_cast %swap3A_867 : vector<1x16xf32> to vector<16xf32>
        %swap3A_869 = vector.shape_cast %mul3A_864 : vector<16xf32> to vector<1x16xf32>
        tpu.vector_store %arg13[%swap3A_865, %swap3A_866], %swap3A_869 {strides = array<i32>} : memref<64x128xf32, #tpu.memory_space<vmem>>, vector<1x16xf32>,
        %get3A_870 = arith.index_cast %scan3A_785 : i32 to index
        %get3A_871 = arith.constant 96 : index
        %get3A_872 = tpu.vector_load %arg13[%get3A_870, %get3A_871] {strides = array<i32>} : memref<64x128xf32, #tpu.memory_space<vmem>>, vector<1x16xf32>,
        %get3A_873 = vector.shape_cast %get3A_872 : vector<1x16xf32> to vector<16xf32>
        %get3A_874 = arith.index_cast %scan3A_785 : i32 to index
        %get3A_875 = arith.constant 96 : index
        %get3A_876 = tpu.vector_load %arg15[%get3A_874, %get3A_875] {strides = array<i32>} : memref<64x128xf32, #tpu.memory_space<vmem>>, vector<1x16xf32>,
        %get3A_877 = vector.shape_cast %get3A_876 : vector<1x16xf32> to vector<16xf32>
        %mul3A_878 = arith.mulf %get3A_873, %get3A_877 : vector<16xf32>
        %swap3A_879 = arith.index_cast %scan3A_785 : i32 to index
        %swap3A_880 = arith.constant 96 : index
        %swap3A_881 = tpu.vector_load %arg13[%swap3A_879, %swap3A_880] {strides = array<i32>} : memref<64x128xf32, #tpu.memory_space<vmem>>, vector<1x16xf32>,
        %swap3A_882 = vector.shape_cast %swap3A_881 : vector<1x16xf32> to vector<16xf32>
        %swap3A_883 = vector.shape_cast %mul3A_878 : vector<16xf32> to vector<1x16xf32>
        tpu.vector_store %arg13[%swap3A_879, %swap3A_880], %swap3A_883 {strides = array<i32>} : memref<64x128xf32, #tpu.memory_space<vmem>>, vector<1x16xf32>,
        %get3A_884 = arith.index_cast %scan3A_785 : i32 to index
        %get3A_885 = arith.constant 112 : index
        %get3A_886 = tpu.vector_load %arg13[%get3A_884, %get3A_885] {strides = array<i32>} : memref<64x128xf32, #tpu.memory_space<vmem>>, vector<1x16xf32>,
        %get3A_887 = vector.shape_cast %get3A_886 : vector<1x16xf32> to vector<16xf32>
        %get3A_888 = arith.index_cast %scan3A_785 : i32 to index
        %get3A_889 = arith.constant 112 : index
        %get3A_890 = tpu.vector_load %arg15[%get3A_888, %get3A_889] {strides = array<i32>} : memref<64x128xf32, #tpu.memory_space<vmem>>, vector<1x16xf32>,
        %get3A_891 = vector.shape_cast %get3A_890 : vector<1x16xf32> to vector<16xf32>
        %mul3A_892 = arith.mulf %get3A_887, %get3A_891 : vector<16xf32>
        %swap3A_893 = arith.index_cast %scan3A_785 : i32 to index
        %swap3A_894 = arith.constant 112 : index
        %swap3A_895 = tpu.vector_load %arg13[%swap3A_893, %swap3A_894] {strides = array<i32>} : memref<64x128xf32, #tpu.memory_space<vmem>>, vector<1x16xf32>,
        %swap3A_896 = vector.shape_cast %swap3A_895 : vector<1x16xf32> to vector<16xf32>
        %swap3A_897 = vector.shape_cast %mul3A_892 : vector<16xf32> to vector<1x16xf32>
        tpu.vector_store %arg13[%swap3A_893, %swap3A_894], %swap3A_897 {strides = array<i32>} : memref<64x128xf32, #tpu.memory_space<vmem>>, vector<1x16xf32>,
        %scan3A_898 = arith.constant 0 : i32
        scf.yield %scan3A_898 : i32
      }
      %scan3A_425 = arith.constant 64 : i32
      %dma_start3A_426 = arith.constant 2 : i32
      %dma_start3A_427 = arith.constant 0 : i32
      %dma_start3A_428 = tpu.memref_slice %arg11[%dma_start3A_426, %dma_start3A_427] : memref<3x64xi32, #tpu.memory_space<vmem>> -> memref<1x64xi32, #tpu.memory_space<vmem>>
      %dma_start3A_429 = tpu.memref_squeeze %dma_start3A_428 : memref<1x64xi32, #tpu.memory_space<vmem>> -> memref<64xi32, #tpu.memory_space<vmem>>
      %dma_start3A_430 = arith.constant 0 : i32
      %dma_start3A_431 = arith.constant 0 : i32
      %dma_start3A_432 = tpu.memref_slice %arg17[%dma_start3A_430, %dma_start3A_431] : memref<10112x128xf32, #tpu.memory_space<vmem_shared>> -> memref<10112x128xf32, #tpu.memory_space<vmem_shared>>
      tpu.enqueue_indirect_dma source(%arg13 : memref<64x128xf32, #tpu.memory_space<vmem>>) target(%dma_start3A_432 : memref<10112x128xf32, #tpu.memory_space<vmem_shared>>) offsets(%dma_start3A_429 : memref<64xi32, #tpu.memory_space<vmem>>) semaphore(%arg24 : memref<!tpu.dma_semaphore, #tpu.memory_space<semaphore_mem>>) {add = true}
      %dma_start3A_433 = arith.constant 2 : i32
      %dma_start3A_434 = arith.constant 0 : i32
      %dma_start3A_435 = tpu.memref_slice %arg11[%dma_start3A_433, %dma_start3A_434] : memref<3x64xi32, #tpu.memory_space<vmem>> -> memref<1x64xi32, #tpu.memory_space<vmem>>
      %dma_start3A_436 = tpu.memref_squeeze %dma_start3A_435 : memref<1x64xi32, #tpu.memory_space<vmem>> -> memref<64xi32, #tpu.memory_space<vmem>>
      %dma_start3A_437 = arith.constant 0 : i32
      %dma_start3A_438 = tpu.memref_slice %arg18[%dma_start3A_437] : memref<10112xf32, #tpu.memory_space<vmem_shared>> -> memref<10112xf32, #tpu.memory_space<vmem_shared>>
      tpu.enqueue_indirect_dma source(%arg16 : memref<64xf32, #tpu.memory_space<vmem>>) target(%dma_start3A_438 : memref<10112xf32, #tpu.memory_space<vmem_shared>>) offsets(%dma_start3A_436 : memref<64xi32, #tpu.memory_space<vmem>>) semaphore(%arg26 : memref<!tpu.dma_semaphore, #tpu.memory_space<semaphore_mem>>) {add = true}
      %scan3A_439 = arith.constant 0 : i32
      scf.yield %scan3A_439 : i32
    }
    %scan3A_73 = arith.constant 27 : i32
    %dma_wait3A_74 = arith.constant 2 : i32
    %dma_wait3A_75 = arith.constant 0 : i32
    %dma_wait3A_76 = tpu.memref_slice %arg11[%dma_wait3A_74, %dma_wait3A_75] : memref<3x64xi32, #tpu.memory_space<vmem>> -> memref<1x64xi32, #tpu.memory_space<vmem>>
    %dma_wait3A_77 = tpu.memref_squeeze %dma_wait3A_76 : memref<1x64xi32, #tpu.memory_space<vmem>> -> memref<64xi32, #tpu.memory_space<vmem>>
    %dma_wait3A_78 = arith.constant 0 : i32
    %dma_wait3A_79 = arith.constant 0 : i32
    %dma_wait3A_80 = tpu.memref_slice %arg17[%dma_wait3A_78, %dma_wait3A_79] : memref<10112x128xf32, #tpu.memory_space<vmem_shared>> -> memref<10112x128xf32, #tpu.memory_space<vmem_shared>>
    tpu.wait_indirect_dma semaphore(%arg24 : memref<!tpu.dma_semaphore, #tpu.memory_space<semaphore_mem>>) src(%arg13 : memref<64x128xf32, #tpu.memory_space<vmem>>) dst(%dma_wait3A_80 : memref<10112x128xf32, #tpu.memory_space<vmem_shared>>)
    %dma_wait3A_81 = arith.constant 2 : i32
    %dma_wait3A_82 = arith.constant 0 : i32
    %dma_wait3A_83 = tpu.memref_slice %arg11[%dma_wait3A_81, %dma_wait3A_82] : memref<3x64xi32, #tpu.memory_space<vmem>> -> memref<1x64xi32, #tpu.memory_space<vmem>>
    %dma_wait3A_84 = tpu.memref_squeeze %dma_wait3A_83 : memref<1x64xi32, #tpu.memory_space<vmem>> -> memref<64xi32, #tpu.memory_space<vmem>>
    %dma_wait3A_85 = arith.constant 0 : i32
    %dma_wait3A_86 = tpu.memref_slice %arg18[%dma_wait3A_85] : memref<10112xf32, #tpu.memory_space<vmem_shared>> -> memref<10112xf32, #tpu.memory_space<vmem_shared>>
    tpu.wait_indirect_dma semaphore(%arg26 : memref<!tpu.dma_semaphore, #tpu.memory_space<semaphore_mem>>) src(%arg16 : memref<64xf32, #tpu.memory_space<vmem>>) dst(%dma_wait3A_86 : memref<10112xf32, #tpu.memory_space<vmem_shared>>)
    %barrier3A_87 = arith.constant 0 : index
    tpu.barrier barrier_id(%barrier3A_87)
    %mul3A_88 = arith.constant 632 : i32
    %mul3A_89 = arith.muli %arg1, %mul3A_88 : i32
    %mul3A_90 = arith.constant 632 : i32
    %mul3A_91 = arith.muli %arg1, %mul3A_90 : i32
    "tpu.region"() ({
      %run_scoped3A = tpu.sem_alloc : memref<!tpu.dma_semaphore, #tpu.memory_space<semaphore_mem>>
      %dma_start3A_97 = arith.constant 0 : i32
      %dma_start3A_98 = tpu.memref_slice %arg7[%arg0, %mul3A_91, %dma_start3A_97] : memref<2x10112x128xf32, #tpu.memory_space<hbm>> -> memref<1x632x128xf32, #tpu.memory_space<hbm>>
      %dma_start3A_99 = tpu.memref_squeeze %dma_start3A_98 : memref<1x632x128xf32, #tpu.memory_space<hbm>> -> memref<632x128xf32, #tpu.memory_space<hbm>>
      %dma_start3A_100 = arith.constant 0 : i32
      %dma_start3A_101 = tpu.memref_slice %arg17[%mul3A_89, %dma_start3A_100] : memref<10112x128xf32, #tpu.memory_space<vmem_shared>> -> memref<632x128xf32, #tpu.memory_space<vmem_shared>>
      tpu.enqueue_dma source(%dma_start3A_101 : memref<632x128xf32, #tpu.memory_space<vmem_shared>>) target(%dma_start3A_99 : memref<632x128xf32, #tpu.memory_space<hbm>>) target_semaphore(%run_scoped3A : memref<!tpu.dma_semaphore, #tpu.memory_space<semaphore_mem>>)
      %dma_wait3A_102 = arith.constant 0 : i32
      %dma_wait3A_103 = tpu.memref_slice %arg7[%arg0, %mul3A_91, %dma_wait3A_102] : memref<2x10112x128xf32, #tpu.memory_space<hbm>> -> memref<1x632x128xf32, #tpu.memory_space<hbm>>
      %dma_wait3A_104 = tpu.memref_squeeze %dma_wait3A_103 : memref<1x632x128xf32, #tpu.memory_space<hbm>> -> memref<632x128xf32, #tpu.memory_space<hbm>>
      %dma_wait3A_105 = arith.constant 0 : i32
      %dma_wait3A_106 = tpu.memref_slice %arg17[%mul3A_89, %dma_wait3A_105] : memref<10112x128xf32, #tpu.memory_space<vmem_shared>> -> memref<632x128xf32, #tpu.memory_space<vmem_shared>>
      tpu.wait_dma2 semaphore(%run_scoped3A : memref<!tpu.dma_semaphore, #tpu.memory_space<semaphore_mem>>) src(%dma_wait3A_106 : memref<632x128xf32, #tpu.memory_space<vmem_shared>>) dst(%dma_wait3A_104 : memref<632x128xf32, #tpu.memory_space<hbm>>)
      tpu.yield
    }) : () -> ()
    %eq3A_92 = arith.constant 0 : i32
    %eq3A_93 = arith.cmpi eq, %arg1, %eq3A_92 : i32
    %convert_element_type3A_94 = arith.extui %eq3A_93 : i1 to i32
    %cond3A_95 = arith.constant 0 : i32
    %cond3A_96 = arith.cmpi ne, %convert_element_type3A_94, %cond3A_95 : i32
    scf.if %cond3A_96 {
      "tpu.region"() ({
        %run_scoped3A = tpu.sem_alloc : memref<!tpu.dma_semaphore, #tpu.memory_space<semaphore_mem>>
        %dma_start3A_97 = arith.constant 0 : i32
        %dma_start3A_98 = tpu.memref_slice %arg8[%arg0, %dma_start3A_97] : memref<2x10112xf32, #tpu.memory_space<hbm>> -> memref<1x10112xf32, #tpu.memory_space<hbm>>
        %dma_start3A_99 = tpu.memref_squeeze %dma_start3A_98 : memref<1x10112xf32, #tpu.memory_space<hbm>> -> memref<10112xf32, #tpu.memory_space<hbm>>
        tpu.enqueue_dma source(%arg18 : memref<10112xf32, #tpu.memory_space<vmem_shared>>) target(%dma_start3A_99 : memref<10112xf32, #tpu.memory_space<hbm>>) target_semaphore(%run_scoped3A : memref<!tpu.dma_semaphore, #tpu.memory_space<semaphore_mem>>)
        %dma_wait3A_100 = arith.constant 0 : i32
        %dma_wait3A_101 = tpu.memref_slice %arg8[%arg0, %dma_wait3A_100] : memref<2x10112xf32, #tpu.memory_space<hbm>> -> memref<1x10112xf32, #tpu.memory_space<hbm>>
        %dma_wait3A_102 = tpu.memref_squeeze %dma_wait3A_101 : memref<1x10112xf32, #tpu.memory_space<hbm>> -> memref<10112xf32, #tpu.memory_space<hbm>>
        tpu.wait_dma2 semaphore(%run_scoped3A : memref<!tpu.dma_semaphore, #tpu.memory_space<semaphore_mem>>) src(%arg18 : memref<10112xf32, #tpu.memory_space<vmem_shared>>) dst(%dma_wait3A_102 : memref<10112xf32, #tpu.memory_space<hbm>>)
        tpu.yield
      }) : () -> ()
    } else {
    }
    return
  }
}

#map = affine_map<(d0, d1) -> (0)>
#map1 = affine_map<(d0, d1) -> (0, 0)>
module attributes {stable_mosaic.version = 14 : i64} {
  func.func @_gather_body(%arg0: i32, %arg1: i32, %arg2: memref<1024xi32, #tpu.memory_space<hbm>>, %arg3: memref<1024xi32, #tpu.memory_space<hbm>>, %arg4: memref<10000x128xf32, #tpu.memory_space<hbm>>, %arg5: memref<200x128xf32, #tpu.memory_space<hbm>>, %arg6: memref<1024x128xf32, #tpu.memory_space<hbm>>, %arg7: memref<1024x128xf32, #tpu.memory_space<hbm>>, %arg8: memref<32xi32, #tpu.memory_space<vmem>>, %arg9: memref<32xi32, #tpu.memory_space<vmem>>, %arg10: memref<32x128xf32, #tpu.memory_space<vmem>>, %arg11: memref<32x128xf32, #tpu.memory_space<vmem>>, %arg12: memref<!tpu.dma_semaphore, #tpu.memory_space<semaphore_mem>>, %arg13: memref<!tpu.dma_semaphore, #tpu.memory_space<semaphore_mem>>) attributes {dimension_semantics = [#tpu.dimension_semantics<core_parallel>, #tpu.dimension_semantics<subcore_parallel>], iteration_bounds = array<i64: 2, 16>, scalar_prefetch = 0 : i64, scratch_operands = 6 : i64, tpu.core_type = #tpu.core_type<sc_vector_subcore>, window_params = [{transform_indices = #map}, {transform_indices = #map}, {transform_indices = #map1}, {transform_indices = #map1}, {transform_indices = #map1}, {transform_indices = #map1}]} {
    %mul3A = arith.constant 2 : i32
    %mul3A_0 = arith.muli %arg1, %mul3A : i32
    %add3A = arith.addi %mul3A_0, %arg0 : i32
    %mul3A_1 = arith.constant 32 : i32
    %mul3A_2 = arith.muli %add3A, %mul3A_1 : i32
    "tpu.region"() ({
      %run_scoped3A = tpu.sem_alloc : memref<!tpu.dma_semaphore, #tpu.memory_space<semaphore_mem>>
      %dma_start3A_13 = tpu.memref_slice %arg2[%mul3A_2] : memref<1024xi32, #tpu.memory_space<hbm>> -> memref<32xi32, #tpu.memory_space<hbm>>
      %dma_start3A_14 = tpu.memref_slice %arg2[%mul3A_2] : memref<1024xi32, #tpu.memory_space<hbm>> -> memref<32xi32, #tpu.memory_space<hbm>>
      tpu.enqueue_dma source(%dma_start3A_14 : memref<32xi32, #tpu.memory_space<hbm>>) target(%arg8 : memref<32xi32, #tpu.memory_space<vmem>>) target_semaphore(%run_scoped3A : memref<!tpu.dma_semaphore, #tpu.memory_space<semaphore_mem>>)
      %dma_wait3A_15 = tpu.memref_slice %arg2[%mul3A_2] : memref<1024xi32, #tpu.memory_space<hbm>> -> memref<32xi32, #tpu.memory_space<hbm>>
      %dma_wait3A_16 = tpu.memref_slice %arg2[%mul3A_2] : memref<1024xi32, #tpu.memory_space<hbm>> -> memref<32xi32, #tpu.memory_space<hbm>>
      tpu.wait_dma2 semaphore(%run_scoped3A : memref<!tpu.dma_semaphore, #tpu.memory_space<semaphore_mem>>) src(%dma_wait3A_16 : memref<32xi32, #tpu.memory_space<hbm>>) dst(%arg8 : memref<32xi32, #tpu.memory_space<vmem>>)
      tpu.yield
    }) : () -> ()
    "tpu.region"() ({
      %run_scoped3A = tpu.sem_alloc : memref<!tpu.dma_semaphore, #tpu.memory_space<semaphore_mem>>
      %dma_start3A_13 = tpu.memref_slice %arg3[%mul3A_2] : memref<1024xi32, #tpu.memory_space<hbm>> -> memref<32xi32, #tpu.memory_space<hbm>>
      %dma_start3A_14 = tpu.memref_slice %arg3[%mul3A_2] : memref<1024xi32, #tpu.memory_space<hbm>> -> memref<32xi32, #tpu.memory_space<hbm>>
      tpu.enqueue_dma source(%dma_start3A_14 : memref<32xi32, #tpu.memory_space<hbm>>) target(%arg9 : memref<32xi32, #tpu.memory_space<vmem>>) target_semaphore(%run_scoped3A : memref<!tpu.dma_semaphore, #tpu.memory_space<semaphore_mem>>)
      %dma_wait3A_15 = tpu.memref_slice %arg3[%mul3A_2] : memref<1024xi32, #tpu.memory_space<hbm>> -> memref<32xi32, #tpu.memory_space<hbm>>
      %dma_wait3A_16 = tpu.memref_slice %arg3[%mul3A_2] : memref<1024xi32, #tpu.memory_space<hbm>> -> memref<32xi32, #tpu.memory_space<hbm>>
      tpu.wait_dma2 semaphore(%run_scoped3A : memref<!tpu.dma_semaphore, #tpu.memory_space<semaphore_mem>>) src(%dma_wait3A_16 : memref<32xi32, #tpu.memory_space<hbm>>) dst(%arg9 : memref<32xi32, #tpu.memory_space<vmem>>)
      tpu.yield
    }) : () -> ()
    %dma_start3A = arith.constant 0 : i32
    %dma_start3A_3 = arith.constant 0 : i32
    %dma_start3A_4 = tpu.memref_slice %arg4[%dma_start3A, %dma_start3A_3] : memref<10000x128xf32, #tpu.memory_space<hbm>> -> memref<10000x128xf32, #tpu.memory_space<hbm>>
    tpu.enqueue_indirect_dma source(%dma_start3A_4 : memref<10000x128xf32, #tpu.memory_space<hbm>>) target(%arg10 : memref<32x128xf32, #tpu.memory_space<vmem>>) offsets(%arg8 : memref<32xi32, #tpu.memory_space<vmem>>) semaphore(%arg12 : memref<!tpu.dma_semaphore, #tpu.memory_space<semaphore_mem>>)
    %dma_start3A_5 = arith.constant 0 : i32
    %dma_start3A_6 = arith.constant 0 : i32
    %dma_start3A_7 = tpu.memref_slice %arg5[%dma_start3A_5, %dma_start3A_6] : memref<200x128xf32, #tpu.memory_space<hbm>> -> memref<200x128xf32, #tpu.memory_space<hbm>>
    tpu.enqueue_indirect_dma source(%dma_start3A_7 : memref<200x128xf32, #tpu.memory_space<hbm>>) target(%arg11 : memref<32x128xf32, #tpu.memory_space<vmem>>) offsets(%arg9 : memref<32xi32, #tpu.memory_space<vmem>>) semaphore(%arg13 : memref<!tpu.dma_semaphore, #tpu.memory_space<semaphore_mem>>)
    %dma_wait3A = arith.constant 0 : i32
    %dma_wait3A_8 = arith.constant 0 : i32
    %dma_wait3A_9 = tpu.memref_slice %arg4[%dma_wait3A, %dma_wait3A_8] : memref<10000x128xf32, #tpu.memory_space<hbm>> -> memref<10000x128xf32, #tpu.memory_space<hbm>>
    tpu.wait_indirect_dma semaphore(%arg12 : memref<!tpu.dma_semaphore, #tpu.memory_space<semaphore_mem>>) src(%dma_wait3A_9 : memref<10000x128xf32, #tpu.memory_space<hbm>>) dst(%arg10 : memref<32x128xf32, #tpu.memory_space<vmem>>)
    %dma_wait3A_10 = arith.constant 0 : i32
    %dma_wait3A_11 = arith.constant 0 : i32
    %dma_wait3A_12 = tpu.memref_slice %arg5[%dma_wait3A_10, %dma_wait3A_11] : memref<200x128xf32, #tpu.memory_space<hbm>> -> memref<200x128xf32, #tpu.memory_space<hbm>>
    tpu.wait_indirect_dma semaphore(%arg13 : memref<!tpu.dma_semaphore, #tpu.memory_space<semaphore_mem>>) src(%dma_wait3A_12 : memref<200x128xf32, #tpu.memory_space<hbm>>) dst(%arg11 : memref<32x128xf32, #tpu.memory_space<vmem>>)
    "tpu.region"() ({
      %run_scoped3A = tpu.sem_alloc : memref<!tpu.dma_semaphore, #tpu.memory_space<semaphore_mem>>
      %dma_start3A_13 = arith.constant 0 : i32
      %dma_start3A_14 = tpu.memref_slice %arg6[%mul3A_2, %dma_start3A_13] : memref<1024x128xf32, #tpu.memory_space<hbm>> -> memref<32x128xf32, #tpu.memory_space<hbm>>
      %dma_start3A_15 = arith.constant 0 : i32
      %dma_start3A_16 = tpu.memref_slice %arg6[%mul3A_2, %dma_start3A_15] : memref<1024x128xf32, #tpu.memory_space<hbm>> -> memref<32x128xf32, #tpu.memory_space<hbm>>
      tpu.enqueue_dma source(%arg10 : memref<32x128xf32, #tpu.memory_space<vmem>>) target(%dma_start3A_16 : memref<32x128xf32, #tpu.memory_space<hbm>>) target_semaphore(%run_scoped3A : memref<!tpu.dma_semaphore, #tpu.memory_space<semaphore_mem>>)
      %dma_wait3A_17 = arith.constant 0 : i32
      %dma_wait3A_18 = tpu.memref_slice %arg6[%mul3A_2, %dma_wait3A_17] : memref<1024x128xf32, #tpu.memory_space<hbm>> -> memref<32x128xf32, #tpu.memory_space<hbm>>
      %dma_wait3A_19 = arith.constant 0 : i32
      %dma_wait3A_20 = tpu.memref_slice %arg6[%mul3A_2, %dma_wait3A_19] : memref<1024x128xf32, #tpu.memory_space<hbm>> -> memref<32x128xf32, #tpu.memory_space<hbm>>
      tpu.wait_dma2 semaphore(%run_scoped3A : memref<!tpu.dma_semaphore, #tpu.memory_space<semaphore_mem>>) src(%arg10 : memref<32x128xf32, #tpu.memory_space<vmem>>) dst(%dma_wait3A_20 : memref<32x128xf32, #tpu.memory_space<hbm>>)
      tpu.yield
    }) : () -> ()
    "tpu.region"() ({
      %run_scoped3A = tpu.sem_alloc : memref<!tpu.dma_semaphore, #tpu.memory_space<semaphore_mem>>
      %dma_start3A_13 = arith.constant 0 : i32
      %dma_start3A_14 = tpu.memref_slice %arg7[%mul3A_2, %dma_start3A_13] : memref<1024x128xf32, #tpu.memory_space<hbm>> -> memref<32x128xf32, #tpu.memory_space<hbm>>
      %dma_start3A_15 = arith.constant 0 : i32
      %dma_start3A_16 = tpu.memref_slice %arg7[%mul3A_2, %dma_start3A_15] : memref<1024x128xf32, #tpu.memory_space<hbm>> -> memref<32x128xf32, #tpu.memory_space<hbm>>
      tpu.enqueue_dma source(%arg11 : memref<32x128xf32, #tpu.memory_space<vmem>>) target(%dma_start3A_16 : memref<32x128xf32, #tpu.memory_space<hbm>>) target_semaphore(%run_scoped3A : memref<!tpu.dma_semaphore, #tpu.memory_space<semaphore_mem>>)
      %dma_wait3A_17 = arith.constant 0 : i32
      %dma_wait3A_18 = tpu.memref_slice %arg7[%mul3A_2, %dma_wait3A_17] : memref<1024x128xf32, #tpu.memory_space<hbm>> -> memref<32x128xf32, #tpu.memory_space<hbm>>
      %dma_wait3A_19 = arith.constant 0 : i32
      %dma_wait3A_20 = tpu.memref_slice %arg7[%mul3A_2, %dma_wait3A_19] : memref<1024x128xf32, #tpu.memory_space<hbm>> -> memref<32x128xf32, #tpu.memory_space<hbm>>
      tpu.wait_dma2 semaphore(%run_scoped3A : memref<!tpu.dma_semaphore, #tpu.memory_space<semaphore_mem>>) src(%arg11 : memref<32x128xf32, #tpu.memory_space<vmem>>) dst(%dma_wait3A_20 : memref<32x128xf32, #tpu.memory_space<hbm>>)
      tpu.yield
    }) : () -> ()
    return
  }
}

module attributes {stable_mosaic.version = 14 : i64} {
  func.func @_xr_body(%arg0: memref<2x10112x128xf32, #tpu.memory_space<vmem>>, %arg1: memref<10112x2xf32, #tpu.memory_space<vmem>>, %arg2: memref<128x128xf32, #tpu.memory_space<vmem>>, %arg3: memref<200x128xf32, #tpu.memory_space<vmem>>, %arg4: memref<128x128xf32, #tpu.memory_space<vmem>>, %arg5: memref<10000x128xf32, #tpu.memory_space<vmem>>, %arg6: memref<200x128xf32, #tpu.memory_space<vmem>>) attributes {dimension_semantics = [], scalar_prefetch = 0 : i64, scratch_operands = 0 : i64, tpu.core_type = #tpu.core_type<tc>} {
    %get3A = arith.constant 0 : index
    %get3A_0 = arith.constant 0 : index
    %get3A_1 = vector.load %arg1[%get3A, %get3A_0] : memref<10112x2xf32, #tpu.memory_space<vmem>>, vector<10000x2xf32>
    %slice3A = vector.extract_strided_slice %get3A_1 {offsets = [0, 0], sizes = [10000, 1], strides = [1, 1]} : vector<10000x2xf32> to vector<10000x1xf32>
    %slice3A_2 = vector.extract_strided_slice %get3A_1 {offsets = [0, 1], sizes = [10000, 1], strides = [1, 1]} : vector<10000x2xf32> to vector<10000x1xf32>
    %add3A = arith.addf %slice3A, %slice3A_2 : vector<10000x1xf32>
    %max3A = arith.constant 1.000000e+00 : f32
    %max3A_3 = vector.broadcast %max3A : f32 to vector<10000x1xf32>
    %max3A_4 = arith.maximumf %add3A, %max3A_3 : vector<10000x1xf32>
    %div3A = arith.constant 1.000000e+00 : f32
    %div3A_5 = vector.broadcast %div3A : f32 to vector<10000x1xf32>
    %div3A_6 = arith.divf %div3A_5, %max3A_4 : vector<10000x1xf32>
    %get3A_7 = arith.constant 0 : index
    %get3A_8 = arith.constant 0 : index
    %get3A_9 = arith.constant 0 : index
    %get3A_10 = vector.load %arg0[%get3A_7, %get3A_8, %get3A_9] : memref<2x10112x128xf32, #tpu.memory_space<vmem>>, vector<1x10000x128xf32>
    %get3A_11 = vector.shape_cast %get3A_10 : vector<1x10000x128xf32> to vector<10000x128xf32>
    %get3A_12 = arith.constant 1 : index
    %get3A_13 = arith.constant 0 : index
    %get3A_14 = arith.constant 0 : index
    %get3A_15 = vector.load %arg0[%get3A_12, %get3A_13, %get3A_14] : memref<2x10112x128xf32, #tpu.memory_space<vmem>>, vector<1x10000x128xf32>
    %get3A_16 = vector.shape_cast %get3A_15 : vector<1x10000x128xf32> to vector<10000x128xf32>
    %add3A_17 = arith.addf %get3A_11, %get3A_16 : vector<10000x128xf32>
    %mul3A = vector.broadcast %div3A_6 : vector<10000x1xf32> to vector<10000x128xf32>
    %mul3A_18 = arith.mulf %add3A_17, %mul3A : vector<10000x128xf32>
    %get3A_19 = arith.constant 0 : index
    %get3A_20 = arith.constant 0 : index
    %get3A_21 = vector.load %arg2[%get3A_19, %get3A_20] : memref<128x128xf32, #tpu.memory_space<vmem>>, vector<128x128xf32>
    %dot_general3A = arith.constant dense<0.000000e+00> : vector<10000x128xf32>
    %dot_general3A_22 = tpu.matmul %mul3A_18, %get3A_21, %dot_general3A {dimension_numbers = #tpu.dot_dimension_numbers<[1], [0], [0], [1], [0, 0, 1, 1], [], []>, transpose_lhs_hint = false} : vector<10000x128xf32>, vector<128x128xf32>, vector<10000x128xf32> -> vector<10000x128xf32>
    %tanh3A = math.tanh %dot_general3A_22 : vector<10000x128xf32>
    %swap3A = arith.constant 0 : index
    %swap3A_23 = arith.constant 0 : index
    %swap3A_24 = vector.load %arg5[%swap3A, %swap3A_23] : memref<10000x128xf32, #tpu.memory_space<vmem>>, vector<10000x128xf32>
    tpu.vector_store %arg5[%swap3A, %swap3A_23], %tanh3A {strides = array<i32>} : memref<10000x128xf32, #tpu.memory_space<vmem>>, vector<10000x128xf32>,
    %get3A_25 = arith.constant 0 : index
    %get3A_26 = arith.constant 0 : index
    %get3A_27 = vector.load %arg3[%get3A_25, %get3A_26] : memref<200x128xf32, #tpu.memory_space<vmem>>, vector<200x128xf32>
    %get3A_28 = arith.constant 0 : index
    %get3A_29 = arith.constant 0 : index
    %get3A_30 = vector.load %arg4[%get3A_28, %get3A_29] : memref<128x128xf32, #tpu.memory_space<vmem>>, vector<128x128xf32>
    %dot_general3A_31 = arith.constant dense<0.000000e+00> : vector<200x128xf32>
    %dot_general3A_32 = tpu.matmul %get3A_27, %get3A_30, %dot_general3A_31 {dimension_numbers = #tpu.dot_dimension_numbers<[1], [0], [0], [1], [0, 0, 1, 1], [], []>, transpose_lhs_hint = false} : vector<200x128xf32>, vector<128x128xf32>, vector<200x128xf32> -> vector<200x128xf32>
    %swap3A_33 = arith.constant 0 : index
    %swap3A_34 = arith.constant 0 : index
    %swap3A_35 = vector.load %arg6[%swap3A_33, %swap3A_34] : memref<200x128xf32, #tpu.memory_space<vmem>>, vector<200x128xf32>
    tpu.vector_store %arg6[%swap3A_33, %swap3A_34], %dot_general3A_32 {strides = array<i32>} : memref<200x128xf32, #tpu.memory_space<vmem>>, vector<200x128xf32>,
    return
  }
}

module attributes {stable_mosaic.version = 14 : i64} {
  func.func @_head_body(%arg0: memref<1024x256xf32, #tpu.memory_space<vmem>>, %arg1: memref<256x3200xf32, #tpu.memory_space<vmem>>, %arg2: memref<3200x128xf32, #tpu.memory_space<vmem>>, %arg3: memref<1x128xf32, #tpu.memory_space<vmem>>, %arg4: memref<1024x128xf32, #tpu.memory_space<vmem>>) attributes {dimension_semantics = [], scalar_prefetch = 0 : i64, scratch_operands = 0 : i64, tpu.core_type = #tpu.core_type<tc>} {
    %get3A = arith.constant 0 : index
    %get3A_0 = arith.constant 0 : index
    %get3A_1 = vector.load %arg0[%get3A, %get3A_0] : memref<1024x256xf32, #tpu.memory_space<vmem>>, vector<1024x256xf32>
    %reduce_sum3A = vector.shape_cast %get3A_1 : vector<1024x256xf32> to vector<1x1024x256xf32>
    %reduce_sum3A_2 = arith.constant dense<0.000000e+00> : vector<1xf32>
    %reduce_sum3A_3 = vector.multi_reduction <add>, %reduce_sum3A, %reduce_sum3A_2 [1, 2] : vector<1x1024x256xf32> to vector<1xf32>
    %reduce_sum3A_4 = vector.shape_cast %reduce_sum3A_3 : vector<1xf32> to vector<1x1x1xf32>
    %reduce_sum3A_5 = vector.extract %reduce_sum3A_4[0, 0, 0] : f32 from vector<1x1x1xf32>
    %div3A = arith.constant 2.621440e+05 : f32
    %div3A_6 = arith.divf %reduce_sum3A_5, %div3A : f32
    %sub3A = vector.broadcast %div3A_6 : f32 to vector<1024x256xf32>
    %sub3A_7 = arith.subf %get3A_1, %sub3A : vector<1024x256xf32>
    %mul3A = arith.mulf %sub3A_7, %sub3A_7 : vector<1024x256xf32>
    %reduce_sum3A_8 = vector.shape_cast %mul3A : vector<1024x256xf32> to vector<1x1024x256xf32>
    %reduce_sum3A_9 = arith.constant dense<0.000000e+00> : vector<1xf32>
    %reduce_sum3A_10 = vector.multi_reduction <add>, %reduce_sum3A_8, %reduce_sum3A_9 [1, 2] : vector<1x1024x256xf32> to vector<1xf32>
    %reduce_sum3A_11 = vector.shape_cast %reduce_sum3A_10 : vector<1xf32> to vector<1x1x1xf32>
    %reduce_sum3A_12 = vector.extract %reduce_sum3A_11[0, 0, 0] : f32 from vector<1x1x1xf32>
    %div3A_13 = arith.constant 2.621440e+05 : f32
    %div3A_14 = arith.divf %reduce_sum3A_12, %div3A_13 : f32
    %add3A = arith.constant 9.99999974E-6 : f32
    %add3A_15 = arith.addf %div3A_14, %add3A : f32
    %sqrt3A = math.sqrt %add3A_15 : f32
    %div3A_16 = vector.broadcast %sqrt3A : f32 to vector<1024x256xf32>
    %div3A_17 = arith.divf %sub3A_7, %div3A_16 : vector<1024x256xf32>
    %get3A_18 = arith.constant 0 : index
    %get3A_19 = arith.constant 0 : index
    %get3A_20 = vector.load %arg1[%get3A_18, %get3A_19] : memref<256x3200xf32, #tpu.memory_space<vmem>>, vector<256x3200xf32>
    %dot_general3A = arith.constant dense<0.000000e+00> : vector<1024x3200xf32>
    %dot_general3A_21 = tpu.matmul %div3A_17, %get3A_20, %dot_general3A {dimension_numbers = #tpu.dot_dimension_numbers<[1], [0], [0], [1], [0, 0, 1, 1], [], []>, transpose_lhs_hint = false} : vector<1024x256xf32>, vector<256x3200xf32>, vector<1024x3200xf32> -> vector<1024x3200xf32>
    %iota3A = tpu.iota {dimensions = array<i32: 0>} : vector<3200x32xi32>
    %jit3A = arith.constant 100 : i32
    %div3A_22 = vector.broadcast %jit3A : i32 to vector<3200x32xi32>
    %div3A_23 = arith.divsi %iota3A, %div3A_22 : vector<3200x32xi32>
    %sign3A = arith.constant 0 : i32
    %sign3A_24 = vector.broadcast %sign3A : i32 to vector<3200x32xi32>
    %sign3A_25 = arith.cmpi sgt, %iota3A, %sign3A_24 : vector<3200x32xi32>
    %sign3A_26 = arith.extui %sign3A_25 : vector<3200x32xi1> to vector<3200x32xi32>
    %sign3A_27 = arith.constant 0 : i32
    %sign3A_28 = vector.broadcast %sign3A_27 : i32 to vector<3200x32xi32>
    %sign3A_29 = arith.cmpi slt, %iota3A, %sign3A_28 : vector<3200x32xi32>
    %sign3A_30 = arith.extui %sign3A_29 : vector<3200x32xi1> to vector<3200x32xi32>
    %sign3A_31 = arith.subi %sign3A_26, %sign3A_30 : vector<3200x32xi32>
    %sign3A_32 = arith.constant 0 : i32
    %sign3A_33 = arith.cmpi sgt, %jit3A, %sign3A_32 : i32
    %sign3A_34 = arith.extui %sign3A_33 : i1 to i32
    %sign3A_35 = arith.constant 0 : i32
    %sign3A_36 = arith.cmpi slt, %jit3A, %sign3A_35 : i32
    %sign3A_37 = arith.extui %sign3A_36 : i1 to i32
    %sign3A_38 = arith.subi %sign3A_34, %sign3A_37 : i32
    %ne3A = vector.broadcast %sign3A_38 : i32 to vector<3200x32xi32>
    %ne3A_39 = arith.cmpi ne, %sign3A_31, %ne3A : vector<3200x32xi32>
    %rem3A = vector.broadcast %jit3A : i32 to vector<3200x32xi32>
    %rem3A_40 = arith.remsi %iota3A, %rem3A : vector<3200x32xi32>
    %ne3A_41 = arith.constant 0 : i32
    %ne3A_42 = vector.broadcast %ne3A_41 : i32 to vector<3200x32xi32>
    %ne3A_43 = arith.cmpi ne, %rem3A_40, %ne3A_42 : vector<3200x32xi32>
    %and3A = arith.andi %ne3A_39, %ne3A_43 : vector<3200x32xi1>
    %sub3A_44 = arith.constant 1 : i32
    %sub3A_45 = vector.broadcast %sub3A_44 : i32 to vector<3200x32xi32>
    %sub3A_46 = arith.subi %div3A_23, %sub3A_45 : vector<3200x32xi32>
    %select_n3A = arith.select %and3A, %sub3A_46, %div3A_23 : vector<3200x32xi1>, vector<3200x32xi32>
    %iota3A_47 = tpu.iota {dimensions = array<i32: 1>} : vector<3200x32xi32>
    %eq3A = arith.cmpi eq, %select_n3A, %iota3A_47 : vector<3200x32xi32>
    %convert_element_type3A = arith.extui %eq3A : vector<3200x32xi1> to vector<3200x32xi32>
    %convert_element_type3A_48 = arith.sitofp %convert_element_type3A : vector<3200x32xi32> to vector<3200x32xf32>
    %broadcast_in_dim3A = arith.constant 1.000000e+00 : f32
    %broadcast_in_dim3A_49 = vector.broadcast %broadcast_in_dim3A : f32 to vector<1x1024xf32>
    %dot_general3A_50 = arith.constant dense<0.000000e+00> : vector<1x3200xf32>
    %dot_general3A_51 = tpu.matmul %broadcast_in_dim3A_49, %dot_general3A_21, %dot_general3A_50 {dimension_numbers = #tpu.dot_dimension_numbers<[1], [0], [0], [1], [0, 0, 1, 1], [], []>, transpose_lhs_hint = false} : vector<1x1024xf32>, vector<1024x3200xf32>, vector<1x3200xf32> -> vector<1x3200xf32>
    %mul3A_52 = arith.mulf %dot_general3A_21, %dot_general3A_21 : vector<1024x3200xf32>
    %dot_general3A_53 = arith.constant dense<0.000000e+00> : vector<1x3200xf32>
    %dot_general3A_54 = tpu.matmul %broadcast_in_dim3A_49, %mul3A_52, %dot_general3A_53 {dimension_numbers = #tpu.dot_dimension_numbers<[1], [0], [0], [1], [0, 0, 1, 1], [], []>, transpose_lhs_hint = false} : vector<1x1024xf32>, vector<1024x3200xf32>, vector<1x3200xf32> -> vector<1x3200xf32>
    %dot_general3A_55 = arith.constant dense<0.000000e+00> : vector<1x32xf32>
    %dot_general3A_56 = tpu.matmul %dot_general3A_51, %convert_element_type3A_48, %dot_general3A_55 {dimension_numbers = #tpu.dot_dimension_numbers<[1], [0], [0], [1], [0, 0, 1, 1], [], []>, transpose_lhs_hint = false} : vector<1x3200xf32>, vector<3200x32xf32>, vector<1x32xf32> -> vector<1x32xf32>
    %div3A_57 = arith.constant 1.024000e+05 : f32
    %div3A_58 = vector.broadcast %div3A_57 : f32 to vector<1x32xf32>
    %div3A_59 = arith.divf %dot_general3A_56, %div3A_58 : vector<1x32xf32>
    %dot_general3A_60 = arith.constant dense<0.000000e+00> : vector<1x32xf32>
    %dot_general3A_61 = tpu.matmul %dot_general3A_54, %convert_element_type3A_48, %dot_general3A_60 {dimension_numbers = #tpu.dot_dimension_numbers<[1], [0], [0], [1], [0, 0, 1, 1], [], []>, transpose_lhs_hint = false} : vector<1x3200xf32>, vector<3200x32xf32>, vector<1x32xf32> -> vector<1x32xf32>
    %div3A_62 = arith.constant 1.024000e+05 : f32
    %div3A_63 = vector.broadcast %div3A_62 : f32 to vector<1x32xf32>
    %div3A_64 = arith.divf %dot_general3A_61, %div3A_63 : vector<1x32xf32>
    %mul3A_65 = arith.mulf %div3A_59, %div3A_59 : vector<1x32xf32>
    %sub3A_66 = arith.subf %div3A_64, %mul3A_65 : vector<1x32xf32>
    %add3A_67 = arith.constant 9.99999974E-6 : f32
    %add3A_68 = vector.broadcast %add3A_67 : f32 to vector<1x32xf32>
    %add3A_69 = arith.addf %sub3A_66, %add3A_68 : vector<1x32xf32>
    %sqrt3A_70 = math.sqrt %add3A_69 : vector<1x32xf32>
    %div3A_71 = arith.constant 1.000000e+00 : f32
    %div3A_72 = vector.broadcast %div3A_71 : f32 to vector<1x32xf32>
    %div3A_73 = arith.divf %div3A_72, %sqrt3A_70 : vector<1x32xf32>
    %dot_general3A_74 = arith.constant dense<0.000000e+00> : vector<1x3200xf32>
    %dot_general3A_75 = tpu.matmul %div3A_59, %convert_element_type3A_48, %dot_general3A_74 {dimension_numbers = #tpu.dot_dimension_numbers<[1], [1], [0], [0], [0, 0, 1, 0], [], []>, transpose_lhs_hint = false} : vector<1x32xf32>, vector<3200x32xf32>, vector<1x3200xf32> -> vector<1x3200xf32>
    %dot_general3A_76 = arith.constant dense<0.000000e+00> : vector<1x3200xf32>
    %dot_general3A_77 = tpu.matmul %div3A_73, %convert_element_type3A_48, %dot_general3A_76 {dimension_numbers = #tpu.dot_dimension_numbers<[1], [1], [0], [0], [0, 0, 1, 0], [], []>, transpose_lhs_hint = false} : vector<1x32xf32>, vector<3200x32xf32>, vector<1x3200xf32> -> vector<1x3200xf32>
    %sub3A_78 = vector.broadcast %dot_general3A_75 : vector<1x3200xf32> to vector<1024x3200xf32>
    %sub3A_79 = arith.subf %dot_general3A_21, %sub3A_78 : vector<1024x3200xf32>
    %mul3A_80 = vector.broadcast %dot_general3A_77 : vector<1x3200xf32> to vector<1024x3200xf32>
    %mul3A_81 = arith.mulf %sub3A_79, %mul3A_80 : vector<1024x3200xf32>
    %max3A = arith.constant 0.000000e+00 : f32
    %max3A_82 = vector.broadcast %max3A : f32 to vector<1024x3200xf32>
    %max3A_83 = arith.maximumf %mul3A_81, %max3A_82 : vector<1024x3200xf32>
    %get3A_84 = arith.constant 0 : index
    %get3A_85 = arith.constant 0 : index
    %get3A_86 = vector.load %arg2[%get3A_84, %get3A_85] : memref<3200x128xf32, #tpu.memory_space<vmem>>, vector<3200x128xf32>
    %dot_general3A_87 = arith.constant dense<0.000000e+00> : vector<1024x128xf32>
    %dot_general3A_88 = tpu.matmul %max3A_83, %get3A_86, %dot_general3A_87 {dimension_numbers = #tpu.dot_dimension_numbers<[1], [0], [0], [1], [0, 0, 1, 1], [], []>, transpose_lhs_hint = false} : vector<1024x3200xf32>, vector<3200x128xf32>, vector<1024x128xf32> -> vector<1024x128xf32>
    %get3A_89 = arith.constant 0 : index
    %get3A_90 = arith.constant 0 : index
    %get3A_91 = vector.load %arg3[%get3A_89, %get3A_90] : memref<1x128xf32, #tpu.memory_space<vmem>>, vector<1x128xf32>
    %add3A_92 = vector.broadcast %get3A_91 : vector<1x128xf32> to vector<1024x128xf32>
    %add3A_93 = arith.addf %dot_general3A_88, %add3A_92 : vector<1024x128xf32>
    %dot_general3A_94 = arith.constant dense<0.000000e+00> : vector<1x128xf32>
    %dot_general3A_95 = tpu.matmul %broadcast_in_dim3A_49, %add3A_93, %dot_general3A_94 {dimension_numbers = #tpu.dot_dimension_numbers<[1], [0], [0], [1], [0, 0, 1, 1], [], []>, transpose_lhs_hint = false} : vector<1x1024xf32>, vector<1024x128xf32>, vector<1x128xf32> -> vector<1x128xf32>
    %div3A_96 = arith.constant 1.024000e+03 : f32
    %div3A_97 = vector.broadcast %div3A_96 : f32 to vector<1x128xf32>
    %div3A_98 = arith.divf %dot_general3A_95, %div3A_97 : vector<1x128xf32>
    %sub3A_99 = vector.broadcast %div3A_98 : vector<1x128xf32> to vector<1024x128xf32>
    %sub3A_100 = arith.subf %add3A_93, %sub3A_99 : vector<1024x128xf32>
    %mul3A_101 = arith.mulf %sub3A_100, %sub3A_100 : vector<1024x128xf32>
    %dot_general3A_102 = arith.constant dense<0.000000e+00> : vector<1x128xf32>
    %dot_general3A_103 = tpu.matmul %broadcast_in_dim3A_49, %mul3A_101, %dot_general3A_102 {dimension_numbers = #tpu.dot_dimension_numbers<[1], [0], [0], [1], [0, 0, 1, 1], [], []>, transpose_lhs_hint = false} : vector<1x1024xf32>, vector<1024x128xf32>, vector<1x128xf32> -> vector<1x128xf32>
    %div3A_104 = arith.constant 1.024000e+03 : f32
    %div3A_105 = vector.broadcast %div3A_104 : f32 to vector<1x128xf32>
    %div3A_106 = arith.divf %dot_general3A_103, %div3A_105 : vector<1x128xf32>
    %add3A_107 = arith.constant 9.99999974E-6 : f32
    %add3A_108 = vector.broadcast %add3A_107 : f32 to vector<1x128xf32>
    %add3A_109 = arith.addf %div3A_106, %add3A_108 : vector<1x128xf32>
    %sqrt3A_110 = math.sqrt %add3A_109 : vector<1x128xf32>
    %div3A_111 = vector.broadcast %sqrt3A_110 : vector<1x128xf32> to vector<1024x128xf32>
    %div3A_112 = arith.divf %sub3A_100, %div3A_111 : vector<1024x128xf32>
    %max3A_113 = arith.constant 0.000000e+00 : f32
    %max3A_114 = vector.broadcast %max3A_113 : f32 to vector<1024x128xf32>
    %max3A_115 = arith.maximumf %div3A_112, %max3A_114 : vector<1024x128xf32>
    %swap3A = arith.constant 0 : index
    %swap3A_116 = arith.constant 0 : index
    %swap3A_117 = vector.load %arg4[%swap3A, %swap3A_116] : memref<1024x128xf32, #tpu.memory_space<vmem>>, vector<1024x128xf32>
    tpu.vector_store %arg4[%swap3A, %swap3A_116], %max3A_115 {strides = array<i32>} : memref<1024x128xf32, #tpu.memory_space<vmem>>, vector<1024x128xf32>,
    return
  }
}

module attributes {stable_mosaic.version = 14 : i64} {
  func.func @_score_body(%arg0: i32, %arg1: memref<256x128xf32, #tpu.memory_space<vmem>>, %arg2: memref<10000x128xf32, #tpu.memory_space<vmem>>, %arg3: memref<1x10000xf32, #tpu.memory_space<vmem>>, %arg4: memref<256x10000xf32, #tpu.memory_space<vmem>>) attributes {dimension_semantics = [#tpu.dimension_semantics<arbitrary>], iteration_bounds = array<i64: 4>, scalar_prefetch = 0 : i64, scratch_operands = 0 : i64, tpu.core_type = #tpu.core_type<tc>, window_params = [{transform_indices = @transform_0, window_bounds = array<i64: 256, 128>}, {pipeline_mode = #tpu.pipeline_mode<synchronous>, transform_indices = @transform_1, window_bounds = array<i64: 10000, 128>}, {pipeline_mode = #tpu.pipeline_mode<synchronous>, transform_indices = @transform_2, window_bounds = array<i64: 1, 10000>}, {transform_indices = @transform_3, window_bounds = array<i64: 256, 10000>}]} {
    %get3A = arith.constant 0 : index
    %get3A_0 = arith.constant 0 : index
    %get3A_1 = vector.load %arg1[%get3A, %get3A_0] : memref<256x128xf32, #tpu.memory_space<vmem>>, vector<256x128xf32>
    %get3A_2 = arith.constant 0 : index
    %get3A_3 = arith.constant 0 : index
    %get3A_4 = vector.load %arg2[%get3A_2, %get3A_3] : memref<10000x128xf32, #tpu.memory_space<vmem>>, vector<10000x128xf32>
    %dot_general3A = arith.constant dense<0.000000e+00> : vector<256x10000xf32>
    %dot_general3A_5 = tpu.matmul %get3A_1, %get3A_4, %dot_general3A {dimension_numbers = #tpu.dot_dimension_numbers<[1], [1], [0], [0], [0, 0, 1, 0], [], []>, transpose_lhs_hint = false} : vector<256x128xf32>, vector<10000x128xf32>, vector<256x10000xf32> -> vector<256x10000xf32>
    %get3A_6 = arith.constant 0 : index
    %get3A_7 = arith.constant 0 : index
    %get3A_8 = vector.load %arg3[%get3A_6, %get3A_7] : memref<1x10000xf32, #tpu.memory_space<vmem>>, vector<1x10000xf32>
    %add3A = vector.broadcast %get3A_8 : vector<1x10000xf32> to vector<256x10000xf32>
    %add3A_9 = arith.addf %dot_general3A_5, %add3A : vector<256x10000xf32>
    %logistic3A = arith.negf %add3A_9 : vector<256x10000xf32>
    %logistic3A_10 = math.exp %logistic3A : vector<256x10000xf32>
    %logistic3A_11 = arith.constant 1.000000e+00 : f32
    %logistic3A_12 = vector.broadcast %logistic3A_11 : f32 to vector<256x10000xf32>
    %logistic3A_13 = arith.addf %logistic3A_12, %logistic3A_10 : vector<256x10000xf32>
    %logistic3A_14 = arith.divf %logistic3A_12, %logistic3A_13 : vector<256x10000xf32>
    %swap3A = arith.constant 0 : index
    %swap3A_15 = arith.constant 0 : index
    %swap3A_16 = vector.load %arg4[%swap3A, %swap3A_15] : memref<256x10000xf32, #tpu.memory_space<vmem>>, vector<256x10000xf32>
    tpu.vector_store %arg4[%swap3A, %swap3A_15], %logistic3A_14 {strides = array<i32>} : memref<256x10000xf32, #tpu.memory_space<vmem>>, vector<256x10000xf32>,
    return
  }
  func.func @transform_0(%arg0: i32) -> (i32, i32) {
    %c0_i32 = arith.constant 0 : i32
    %c0_i32_0 = arith.constant 0 : i32
    return %arg0, %c0_i32 : i32, i32
  }
  func.func @transform_1(%arg0: i32) -> (i32, i32) {
    %c0_i32 = arith.constant 0 : i32
    %c0_i32_0 = arith.constant 0 : i32
    %c0_i32_1 = arith.constant 0 : i32
    return %c0_i32, %c0_i32_0 : i32, i32
  }
  func.func @transform_2(%arg0: i32) -> (i32, i32) {
    %c0_i32 = arith.constant 0 : i32
    %c0_i32_0 = arith.constant 0 : i32
    %c0_i32_1 = arith.constant 0 : i32
    return %c0_i32, %c0_i32_0 : i32, i32
  }
  func.func @transform_3(%arg0: i32) -> (i32, i32) {
    %c0_i32 = arith.constant 0 : i32
    %c0_i32_0 = arith.constant 0 : i32
    return %arg0, %c0_i32 : i32, i32
  }
}

</mosaic_0001>

<sc_bundles>
// kernel: kernel.10.cloned.1.call-start
scs
__scs_entry_jumppad:
0x0: {  	(pc) =	sbr.rel $0x88, $3  }
0x1: {  	(tag) =	ssettag $0x0;
	lr =	simm.s32 $0x1  }
0x2: {  	[smem:$0x3F95] =	sst lr;
	_ =	strace $0xD0000000  }
0x3: {  	_ = 	snop  }
0x4: {  	_ = 	snop  }
0x5: {  	_ = 	snop  }
0x6: {  	_ = 	snop  }
0x7: {  	_ = 	snop  }
__scs_overlays_trampoline_lowered:
0x8: {  	[smem:$0x3FA4] =	sst s0  }
0x9: {  	[smem:$0x3FA5] =	sst s1  }
0xa: {  	[smem:$0x3FA6] =	sst s2  }
0xb: {  	[smem:$0x3FA7] =	sst s3  }
0xc: {  	[smem:$0x3FA8] =	sst s4  }
0xd: {  	[smem:$0x3FA9] =	sst s5  }
0xe: {  	[smem:$0x3FAA] =	sst s6  }
0xf: {  	[smem:$0x3FAB] =	sst s7  }
0x10: {  	[smem:$0x3FAC] =	sst s8  }
0x11: {  	[smem:$0x3FAD] =	sst s9;
	s0 =	simm.s32 @!p0 $0x0  }
0x12: {  	s1 =	sld [smem:$0x3F93];
	s0 =	simm.s32 @p0 $0x1  }
0x13: {  	[smem:$0x3FAE] =	sst s0;
	s0 =	simm.s32 @!p1 $0x0  }
0x14: {  	s2 =	sld [smem:$0x3F92];
	s0 =	simm.s32 @p1 $0x1  }
0x15: {  	[smem:$0x3FAF] =	sst s0;
	s0 =	simm.s32 @!p2 $0x0  }
0x16: {  	s3 =	sld [smem:$0x3FDB];
	s0 =	simm.s32 @p2 $0x1  }
0x17: {  	s4 =	simm.s32 $0x1BF5;
	[smem:$0x3FB1] =	sst s0  }
0x18: {  	s0 =	sld [smem:$0x3F94];
	_ =	swait.ge [sflag:s4], $0x0  }
0x19: {  	s7 =	sld [smem:$0x3F95]  }
0x1a: {  	s8 =	sadd.s32 $0xFFFFE003, lr  }
0x1b: {  	s9 =	sadd.s32 $0xFFFFFEF7, lr;
	s5 =	simm.s32 $0xFFFFFFFF;
	p2 =	slt.u32 s8, $0xFFFFF086  }
0x1c: {  	p1 =	slt.u32 s9, $0xF7A;
	s5 =	simm.s32 @!p2 $0x0  }
0x1d: {  	s5 =	simm.s32 @p1 $0x1;
	p0 =	seq.s32 s7, s2  }
0x1e: {  	s7 =	smul.u32 @!p0 $0xF7A, s2;
	p2 =	seq.s32 @!p0 s5, $0x0  }
0x1f: {  	s9 =	smul.u32 $0xF7A, s1;
	s8 =	simm.s32 @!p0 $0x1BF5;
	p2 =	por !p2, p0  }
0x20: {  	[sflag:s8] =	ssyncset.s32 @!p0 $0xFFFFF086;
	s6 =	sadd.s32 @!p0 s3, s7;
	s7 =	simm.s32 @!p0 $0x108  }
0x21: {  	s3 =	sadd.s32 s3, s9;
	s6 =	sadd.s32 @!p0 $0x88, s6;
	s7 =	simm.s32 @p2 $0x1082  }
0x22: {  	[simem:s7], [sflag:s8] =	dma.local @!p0 [hbm:s6], $0xF7A  }
0x23: {  	s9 =	sor.u32 $0xD0000000, s2;
	s6 =	simm.s32 $0x108;
	_ =	swait.ge @!p0 [sflag:s8], $0x0  }
0x24: {  	s3 =	sadd.s32 $0x88, s3;
	s6 =	simm.s32 @!p1 $0x1082;
	[sflag:s4] =	ssyncset.s32 $0xFFFFF086  }
0x25: {  	[simem:s6], [sflag:s4] =	dma.local [hbm:s3], $0xF7A  }
0x26: {  	[smem:$0x3F95] =	sst s1;
	(tag) =	ssettag s2;
	_ =	strace s9  }
0x27: {  	s1 =	sld [smem:$0x3FA5]  }
0x28: {  	s2 =	sld [smem:$0x3FA6]  }
0x29: {  	s4 =	sld [smem:$0x3FA8]  }
0x2a: {  	p0 =	seq.s32 s5, $0x0;
	s5 =	sld [smem:$0x3FA9]  }
0x2b: {  	s6 =	sld [smem:$0x3FAA]  }
0x2c: {  	s7 =	sld [smem:$0x3FAB]  }
0x2d: {  	s3 =	simm.s32 $0x108;
	s8 =	sld [smem:$0x3FAC]  }
0x2e: {  	s3 =	simm.s32 @!p0 $0x1082;
	s9 =	sld [smem:$0x3FAD]  }
0x2f: {  	lr =	sadd.s32 s0, s3;
	s0 =	sld [smem:$0x3FA4]  }
0x30: {  	s3 =	sld [smem:$0x3FA7]  }
0x31: {  	[smem:$0x3FB0] =	sst s10  }
0x32: {  	s10 =	sld [smem:$0x3FAE];
	_ =	sdelay $0x3  }
0x33: {  	p0 =	seq.s32 s10, $0x1;
	s10 =	sld [smem:$0x3FB0];
	_ =	sdelay $0x3  }
0x34: {  	[smem:$0x3FB0] =	sst s10  }
0x35: {  	s10 =	sld [smem:$0x3FAF];
	_ =	sdelay $0x3  }
0x36: {  	p1 =	seq.s32 s10, $0x1;
	s10 =	sld [smem:$0x3FB0];
	_ =	sdelay $0x3  }
0x37: {  	[smem:$0x3FB0] =	sst s10  }
0x38: {  	s10 =	sld [smem:$0x3FB1]  }
0x39: {  	_ = 	snop;
	(pc) =	sbr.ind lr, $3  }
0x3a: {  	_ = 	snop  }
0x3b: {  	_ = 	snop  }
0x3c: {  	p2 =	seq.s32 s10, $0x1;
	s10 =	sld [smem:$0x3FB0]  }
0x3d: {  	_ =	shalt  }
0x3e: {  	_ =	shalt  }
0x3f: {  	_ =	shalt  }
0x40: {  	_ =	shalt  }
0x41: {  	_ =	shalt  }
0x42: {  	_ =	shalt  }
0x43: {  	_ =	shalt  }
0x44: {  	_ =	shalt  }
0x45: {  	_ =	shalt  }
0x46: {  	_ =	shalt  }
0x47: {  	_ =	shalt  }
0x48: {  	_ =	shalt  }
0x49: {  	_ =	shalt  }
0x4a: {  	_ =	shalt  }
0x4b: {  	_ =	shalt  }
0x4c: {  	_ =	shalt  }
0x4d: {  	_ =	shalt  }
0x4e: {  	_ =	shalt  }
0x4f: {  	_ =	shalt  }
0x50: {  	_ =	shalt  }
0x51: {  	_ =	shalt  }
0x52: {  	_ =	shalt  }
0x53: {  	_ =	shalt  }
0x54: {  	_ =	shalt  }
0x55: {  	_ =	shalt  }
0x56: {  	_ =	shalt  }
0x57: {  	_ =	shalt  }
0x58: {  	_ =	shalt  }
0x59: {  	_ =	shalt  }
0x5a: {  	_ =	shalt  }
0x5b: {  	_ =	shalt  }
0x5c: {  	_ =	shalt  }
0x5d: {  	_ =	shalt  }
0x5e: {  	_ =	shalt  }
0x5f: {  	_ =	shalt  }
0x60: {  	_ =	shalt  }
0x61: {  	_ =	shalt  }
0x62: {  	_ =	shalt  }
0x63: {  	_ =	shalt  }
0x64: {  	_ =	shalt  }
0x65: {  	_ =	shalt  }
0x66: {  	_ =	shalt  }
0x67: {  	_ =	shalt  }
0x68: {  	_ =	shalt  }
0x69: {  	_ =	shalt  }
0x6a: {  	_ =	shalt  }
0x6b: {  	_ =	shalt  }
0x6c: {  	_ =	shalt  }
0x6d: {  	_ =	shalt  }
0x6e: {  	_ =	shalt  }
0x6f: {  	_ =	shalt  }
0x70: {  	_ =	shalt  }
0x71: {  	_ =	shalt  }
0x72: {  	_ =	shalt  }
0x73: {  	_ =	shalt  }
0x74: {  	_ =	shalt  }
0x75: {  	_ =	shalt  }
0x76: {  	_ =	shalt  }
0x77: {  	_ =	shalt  }
0x78: {  	_ =	shalt  }
0x79: {  	_ =	shalt  }
0x7a: {  	_ =	shalt  }
0x7b: {  	_ =	shalt  }
0x7c: {  	_ =	shalt  }
0x7d: {  	_ =	shalt  }
0x7e: {  	_ =	shalt  }
0x7f: {  	_ =	shalt  }
0x80: {  	_ =	shalt  }
0x81: {  	_ =	shalt  }
0x82: {  	_ =	shalt  }
0x83: {  	_ =	shalt  }
0x84: {  	_ =	shalt  }
0x85: {  	_ =	shalt  }
0x86: {  	_ =	shalt  }
0x87: {  	_ =	shalt  }
.Lfunc_end0:
.L_simem_size_0:
called_computation.1_lowered:
.L_overlay_start_0:
0x88: {  	s2 =	sld [smem:$0x3FD9]  }
0x89: {  	s3 =	sld [smem:$0x3FFE];
	_ =	sdelay $0x1  }
0x8a: {  	s1 =	srdreg.scid  }
0x8b: {  	s0 =	sand.u32 $0x1, s1  }
0x8c: {  	s17 =	sshll.u32 s0, $0xA;
	s2 =	sadd.s32 s3, s2  }
0x8d: {  	s2 =	sadd.s32 s2, s17  }
0x8e: {  	[smem:$0x3FBC] =	sst s2  }
0x8f: {  	_ = 	snop  }
0x90: {  	s2 =	sld [smem:$0x3FC9]  }
0x91: {  	s18 =	sld [smem:$0x3FC8];
	(tm) =	ssettm $0x1  }
0x92: {  	s4 =	sld [smem:$0x3FFB];
	_ =	sdelay $0x3  }
0x93: {  	_ =	strace s4  }
0x94: {  	s4 =	sld [smem:$0x3FFC];
	_ =	sdelay $0x3  }
0x95: {  	_ =	strace s4  }
0x96: {  	s4 =	sld [smem:$0x3FFD];
	_ =	sdelay $0x3  }
0x97: {  	_ =	strace s4  }
0x98: {  	_ =	strace $0x8FFFFFFF  }
0x99: {  	s19 =	sld [smem:$0x3FDB];
	_ =	sdelay $0x1  }
0x9a: {  	s5 =	simm.s32 $_scs_section_size  }
0x9b: {  	s6 =	simm.s32 $_size__tile_overlayer_lowered;
	s7 =	simm.s32 $_tile_overlayer_lowered  }
0x9c: {  	s22 =	simm.s32 $0x1BFF;
	s21 =	sshll.u32 s7, $0x1;
	s4 =	sadd.s32 s5, s19  }
0x9d: {  	s8 =	simm.s32 $0x0;
	s20 =	sshll.u32 s6, $0x1;
	s6 =	sadd.s32 s21, s4  }
0x9e: {  	[timem:s8], [sflag:s22] =	dma.local [hbm:s6], s20  }
0x9f: {  	_ =	swait.ge [sflag:s22], s20  }
0xa0: {  	s5 =	ssub.s32 $0x0, s20;
	[sflag:s22] =	ssyncset.done $0x0  }
0xa1: {  	[sflag:s22] =	ssyncadd.s32 s5;
	_ =	sdelay $0x1  }
0xa2: {  	s23 =	simm.s32 $0x1B8B  }
0xa3: {  	_ =	swait.ge [sflag:s23], $0x1  }
0xa4: {  	[sflag:s23] =	ssyncset.done $0x0  }
0xa5: {  	s25 =	simm.s32 $0x1B8E;
	s24 =	sld [smem:$0x3FFE];
	[sflag:s23] =	ssyncadd.s32 $0xFFFFFFFF  }
0xa6: {  	s26 =	simm.s32 $execute0_lowered;
	[smem:$0x3FD2] =	sst s25  }
0xa7: {  	s6 =	sshll.u32 s26, $0x1;
	_ =	strace $0x80000049;
	[dreg:$0x1] =	wrdreg $0xFFFFFFFF  }
0xa8: {  	s28 =	simm.s32 $_size_execute0_lowered;
	s4 =	sadd.s32 s4, s6;
	[dreg:$0x0] =	wrdreg $0x0  }
0xa9: {  	s6 =	sshll.u32 s28, $0x1;
	[dreg:$0x2] =	wrdreg s4  }
0xaa: {  	[dreg:$0x3] =	wrdreg s6  }
0xab: {  	[dreg:$0x4] =	wrdreg $0xC0  }
0xac: {  	_ =	task [dreg:s8], $0x5FFFF  }
0xad: {  	[dreg:$0x1] =	wrdreg $0xFFFFFFFF  }
0xae: {  	[dreg:$0x0] =	wrdreg $0x60  }
0xaf: {  	[dreg:$0x2] =	wrdreg s2  }
0xb0: {  	[dreg:$0x3] =	wrdreg s18  }
0xb1: {  	[dreg:$0x4] =	wrdreg s24  }
0xb2: {  	[dreg:$0x5] =	wrdreg $0x9  }
0xb3: {  	_ =	task.clear_ibuf [dreg:s8], $0x6FFFF;
	_ =	strace $0x90000049  }
0xb4: {  	s29 =	simm.s32 $0x9;
	_ =	strace $0x8000004B  }
0xb5: {  	_ =	swait.ge [sflag:s29], $0x1  }
0xb6: {  	[sflag:s29] =	ssyncadd.s32 $0xFFFFFFFF  }
0xb7: {  	_ =	strace $0x9000004B  }
0xb8: {  	_ =	sfence  }
0xb9: {  	s30 =	sld [smem:$0x0];
	_ =	sdelay $0x2  }
0xba: {  	s31 =	sshll.u32 s1, $0xD;
	s1 =	sshrl.u32 s1, $0x2  }
0xbb: {  	s3 =	sand.u32 $0x4000, s31;
	s1 =	sadd.s32 s1, s30  }
0xbc: {  	s0 =	sor.u32 s3, s0;
	s1 =	sshll.u32 s1, $0x11  }
0xbd: {  	s0 =	sor.u32 s1, s0  }
0xbe: {  	s0 =	sadd.s32 $0x8F2B, s0  }
0xbf: {  	[sflag:s0] =	ssyncadd.remote.s32 $0x1  }
0xc0: {  	_ =	sfence.sel $0xFFFF  }
0xc1: {  	[dreg:$0x0] =	wrdreg $0xFFFFFFFF;
	(pc) =	sbr.abs _section_cstart, $3  }
0xc2: {  	[dreg:$0x1] =	wrdreg $0xFFFFFFFF  }
0xc3: {  	_ =	task.clear_ibuf [dreg:s8], $0x2FFFF;
	_ =	strace $0x9FFFFFFF  }
0xc4: {  	(tm) =	ssettm $0x7FFFFFFF  }
0xc5: {  	_ =	shalt  }
tec
execute0_lowered:
.L_overlay_start_1:
0x0: {  	(tag) =	ssettag $0x1  }
0x1: {  	s3 =	rddreg [dreg:$0x0];
	s1 =	srdreg.scid  }
0x2: {  	s5 =	rddreg [dreg:$0x1];
	s0 =	stileid.u32;
	s14 =	sand.u32 $0x1, s1  }
0x3: {  	s15 =	rddreg [dreg:$0x2];
	s4 =	sshll.u32 s0, $0x6;
	s6 =	sshll.u32 s14, $0x5  }
0x4: {  	s2 =	simm.s32 $0x0;
	s1 =	rddreg [dreg:$0x3];
	s16 =	sor.u32 s6, s4  }
0x5: {  	[smem:$0x7FF] =	sst s2;
	s6 =	sshrl.u32 s16, $0x3  }
0x6: {  	_ =	strace $0x8000004A;
	s4 =	sadd.s32 s3, s6;
	s3 =	simm.s32 $0x3  }
0x7: {  	[tilespmem:s2], [sflag:$0x3] =	stream.linear.gather [hbm4b:s4+s2], $0x20, $0x38;
	[tilespmem:$0x2100] =	vst v63  }
0x8: {  	_ =	swait.ge [sflag:s3], $0x20  }
0x9: {  	[sflag:s3] =	ssyncset.done $0x0  }
0xa: {  	s5 =	sadd.s32 s5, s6;
	s6 =	simm.s32 $0x80;
	[sflag:s3] =	ssyncadd.s32 $0xFFFFFFE0  }
0xb: {  	[tilespmem:s6], [sflag:$0x3] =	stream.linear.gather [hbm4b:s5+s2], $0x20, $0x38;
	[tilespmem:$0x2100] =	vst v63  }
0xc: {  	_ =	swait.ge [sflag:s3], $0x20  }
0xd: {  	s8 =	simm.s32 $0x20;
	[sflag:s3] =	ssyncset.done $0x0  }
0xe: {  	s9 =	simm.s32 $0x100;
	s7 =	sadd.s32 $0x2800, s15;
	[sflag:s3] =	ssyncadd.s32 $0xFFFFFFE0  }
0xf: {  	[tilespmem:s9], [sflag:$0x1] =	stream.indirect.gather [hbm4b:s7+s8], $0x80, s2, s8, $0xb8;
	[tilespmem:$0x2100] =	vst v63  }
0x10: {  	s11 =	simm.s32 $0x1100;
	s12 =	simm.s32 $0x1;
	s10 =	sadd.s32 $0x29A00, s15  }
0x11: {  	[tilespmem:s11], [sflag:$0x2] =	stream.indirect.gather [hbm4b:s10+s8], $0x80, s6, s8, $0xb8;
	[tilespmem:$0x2100] =	vst v63  }
0x12: {  	_ =	swait.ge [sflag:s12], $0x1000  }
0x13: {  	[sflag:s12] =	ssyncset.done $0x0  }
0x14: {  	s13 =	simm.s32 $0x2;
	s31 =	ssub.s32 $0x2, s14;
	[sflag:s12] =	ssyncadd.s32 $0xFFFFF000  }
0x15: {  	s17 =	sshrl.u32 s31, $0x1;
	s16 =	sshll.u32 s16, $0x4;
	_ =	swait.ge [sflag:s13], $0x1000  }
0x16: {  	s15 =	sadd.s32 s16, s15;
	s16 =	ssub.s32 s31, s17;
	[sflag:s13] =	ssyncset.done $0x0  }
0x17: {  	s14 =	sadd.s32 $0x2A800, s15;
	s16 =	smax.u32 s16, $0x1;
	[sflag:s13] =	ssyncadd.s32 $0xFFFFF000  }
0x18: {  	[hbm4b:s14+s2] =	stream.linear.scatter [tilespmem:s9], [sflag:$0x3], $0x1000, $0x38;
	[tilespmem:$0x2100] =	vst v63  }
0x19: {  	p0 =	sne.s32 s16, $0x1;
	_ =	swait.ge [sflag:s3], $0x1000  }
.Ltmp0:
0x1a: {  	[sflag:s3] =	ssyncset.done $0x0;
	(pc) =	sbr.rel @!p0 .LBB2_2-.Ltmp0, $4  }
0x1b: {  	s15 =	sadd.s32 $0x2E800, s15;
	[sflag:s3] =	ssyncadd.s32 $0xFFFFF000  }
0x1c: {  	[hbm4b:s15+s2] =	stream.linear.scatter [tilespmem:s11], [sflag:$0x3], $0x1000, $0x38;
	[tilespmem:$0x2100] =	vst v63  }
0x1d: {  	_ =	swait.ge [sflag:s3], $0x1000  }
0x1e: {  	s16 =	sadd.s32 $0xFFFFFFFF, s16;
	[sflag:s3] =	ssyncset.done $0x0  }
.LBB2_1:
0x1f: {  	p0 =	sne.s32 s16, $0x1;
	s16 =	sadd.s32 $0xFFFFFFFF, s16;
	[sflag:s3] =	ssyncadd.s32 $0xFFFFF000  }
0x20: {  	[tilespmem:s2], [sflag:$0x3] =	stream.linear.gather [hbm4b:s4+s2], $0x20, $0x38;
	[tilespmem:$0x2100] =	vst v63  }
0x21: {  	_ =	swait.ge [sflag:s3], $0x20  }
0x22: {  	[sflag:s3] =	ssyncset.done $0x0  }
0x23: {  	[sflag:s3] =	ssyncadd.s32 $0xFFFFFFE0  }
0x24: {  	[tilespmem:s6], [sflag:$0x3] =	stream.linear.gather [hbm4b:s5+s2], $0x20, $0x38;
	[tilespmem:$0x2100] =	vst v63  }
0x25: {  	_ =	swait.ge [sflag:s3], $0x20  }
0x26: {  	[sflag:s3] =	ssyncset.done $0x0  }
0x27: {  	[sflag:s3] =	ssyncadd.s32 $0xFFFFFFE0  }
0x28: {  	[tilespmem:s9], [sflag:$0x1] =	stream.indirect.gather [hbm4b:s7+s8], $0x80, s2, s8, $0xb8;
	[tilespmem:$0x2100] =	vst v63  }
0x29: {  	_ = 	snop  }
0x2a: {  	[tilespmem:s11], [sflag:$0x2] =	stream.indirect.gather [hbm4b:s10+s8], $0x80, s6, s8, $0xb8;
	[tilespmem:$0x2100] =	vst v63  }
0x2b: {  	_ =	swait.ge [sflag:s12], $0x1000  }
0x2c: {  	[sflag:s12] =	ssyncset.done $0x0  }
0x2d: {  	[sflag:s12] =	ssyncadd.s32 $0xFFFFF000  }
0x2e: {  	_ =	swait.ge [sflag:s13], $0x1000  }
0x2f: {  	[sflag:s13] =	ssyncset.done $0x0  }
0x30: {  	[sflag:s13] =	ssyncadd.s32 $0xFFFFF000  }
0x31: {  	[hbm4b:s14+s2] =	stream.linear.scatter [tilespmem:s9], [sflag:$0x3], $0x1000, $0x38;
	[tilespmem:$0x2100] =	vst v63  }
0x32: {  	_ =	swait.ge [sflag:s3], $0x1000  }
.Ltmp1:
0x33: {  	[sflag:s3] =	ssyncset.done $0x0;
	(pc) =	sbr.rel @p0 .LBB2_1-.Ltmp1, $4  }
0x34: {  	[sflag:s3] =	ssyncadd.s32 $0xFFFFF000  }
0x35: {  	[hbm4b:s15+s2] =	stream.linear.scatter [tilespmem:s11], [sflag:$0x3], $0x1000, $0x38;
	[tilespmem:$0x2100] =	vst v63  }
0x36: {  	_ =	swait.ge [sflag:s3], $0x1000  }
0x37: {  	[sflag:s3] =	ssyncset.done $0x0  }
.LBB2_2:
0x38: {  	[sflag:s3] =	ssyncadd.s32 $0xFFFFF000  }
0x39: {  	_ =	sfence.sel $0x180000  }
0x3a: {  	[bflag:$0x0] =	sbarrier.arrive $0xFFFF  }
0x3b: {  	p0 =	sne.s32 s0, $0x0;
	_ =	strace $0x9000004A  }
0x3c: {  	s0 =	sadd.s32 @!p0 $0x100000, s1;
	[bflag:$0x2] =	sbarrier.arrive $0xFFFF  }
0x3d: {  	[sflag:s0] =	ssyncadd.tile.s32 @!p0 $0x1;
	_ =	shalt  }
.Lfunc_end2:
_tile_overlayer_lowered:
.L_overlay_start_2:
0x3e: {  	(tag) =	ssettag $0x2  }
0x3f: {  	s0 =	rddreg [dreg:$0x0];
	s2 =	stileid.u32  }
0x40: {  	s1 =	rddreg [dreg:$0x1];
	p0 =	sne.s32 s2, $0x0  }
0x41: {  	s3 =	rddreg [dreg:$0x2];
	[bflag:$0x3] =	sbarrier.arrive $0xFFFF;
	s2 =	simm.s32 @!p0 $0x1C03  }
0x42: {  	[timem:s3], [sflag:s2] =	dma.local @!p0 [hbm:s0], s1  }
0x43: {  	s0 =	simm.s32 @!p0 $0x3  }
0x44: {  	_ =	swait.ge @!p0 [sflag:s0], s1  }
0x45: {  	s1 =	ssub.s32 @!p0 $0x0, s1;
	[sflag:s0] =	ssyncset.done @!p0 $0x0  }
0x46: {  	[sflag:s0] =	ssyncadd.s32 @!p0 s1  }
0x47: {  	[bflag:$0x3] =	sbarrier.arrive $0xFFFF  }
0x48: {  	_ =	shalt  }

// kernel: kernel.7.cloned.1.call-start
scs
__scs_entry_jumppad:
0x0: {  	(pc) =	sbr.rel $0x88, $3  }
0x1: {  	(tag) =	ssettag $0x0;
	lr =	simm.s32 $0x1  }
0x2: {  	[smem:$0x3F95] =	sst lr;
	_ =	strace $0xD0000000  }
0x3: {  	_ = 	snop  }
0x4: {  	_ = 	snop  }
0x5: {  	_ = 	snop  }
0x6: {  	_ = 	snop  }
0x7: {  	_ = 	snop  }
__scs_overlays_trampoline_lowered:
0x8: {  	[smem:$0x3FA4] =	sst s0  }
0x9: {  	[smem:$0x3FA5] =	sst s1  }
0xa: {  	[smem:$0x3FA6] =	sst s2  }
0xb: {  	[smem:$0x3FA7] =	sst s3  }
0xc: {  	[smem:$0x3FA8] =	sst s4  }
0xd: {  	[smem:$0x3FA9] =	sst s5  }
0xe: {  	[smem:$0x3FAA] =	sst s6  }
0xf: {  	[smem:$0x3FAB] =	sst s7  }
0x10: {  	[smem:$0x3FAC] =	sst s8  }
0x11: {  	[smem:$0x3FAD] =	sst s9;
	s0 =	simm.s32 @!p0 $0x0  }
0x12: {  	s1 =	sld [smem:$0x3F93];
	s0 =	simm.s32 @p0 $0x1  }
0x13: {  	[smem:$0x3FAE] =	sst s0;
	s0 =	simm.s32 @!p1 $0x0  }
0x14: {  	s2 =	sld [smem:$0x3F92];
	s0 =	simm.s32 @p1 $0x1  }
0x15: {  	[smem:$0x3FAF] =	sst s0;
	s0 =	simm.s32 @!p2 $0x0  }
0x16: {  	s3 =	sld [smem:$0x3FDB];
	s0 =	simm.s32 @p2 $0x1  }
0x17: {  	s4 =	simm.s32 $0x1BF5;
	[smem:$0x3FB1] =	sst s0  }
0x18: {  	s0 =	sld [smem:$0x3F94];
	_ =	swait.ge [sflag:s4], $0x0  }
0x19: {  	s7 =	sld [smem:$0x3F95]  }
0x1a: {  	s8 =	sadd.s32 $0xFFFFE003, lr  }
0x1b: {  	s9 =	sadd.s32 $0xFFFFFEF7, lr;
	s5 =	simm.s32 $0xFFFFFFFF;
	p2 =	slt.u32 s8, $0xFFFFF086  }
0x1c: {  	p1 =	slt.u32 s9, $0xF7A;
	s5 =	simm.s32 @!p2 $0x0  }
0x1d: {  	s5 =	simm.s32 @p1 $0x1;
	p0 =	seq.s32 s7, s2  }
0x1e: {  	s7 =	smul.u32 @!p0 $0xF7A, s2;
	p2 =	seq.s32 @!p0 s5, $0x0  }
0x1f: {  	s9 =	smul.u32 $0xF7A, s1;
	s8 =	simm.s32 @!p0 $0x1BF5;
	p2 =	por !p2, p0  }
0x20: {  	[sflag:s8] =	ssyncset.s32 @!p0 $0xFFFFF086;
	s6 =	sadd.s32 @!p0 s3, s7;
	s7 =	simm.s32 @!p0 $0x108  }
0x21: {  	s3 =	sadd.s32 s3, s9;
	s6 =	sadd.s32 @!p0 $0x88, s6;
	s7 =	simm.s32 @p2 $0x1082  }
0x22: {  	[simem:s7], [sflag:s8] =	dma.local @!p0 [hbm:s6], $0xF7A  }
0x23: {  	s9 =	sor.u32 $0xD0000000, s2;
	s6 =	simm.s32 $0x108;
	_ =	swait.ge @!p0 [sflag:s8], $0x0  }
0x24: {  	s3 =	sadd.s32 $0x88, s3;
	s6 =	simm.s32 @!p1 $0x1082;
	[sflag:s4] =	ssyncset.s32 $0xFFFFF086  }
0x25: {  	[simem:s6], [sflag:s4] =	dma.local [hbm:s3], $0xF7A  }
0x26: {  	[smem:$0x3F95] =	sst s1;
	(tag) =	ssettag s2;
	_ =	strace s9  }
0x27: {  	s1 =	sld [smem:$0x3FA5]  }
0x28: {  	s2 =	sld [smem:$0x3FA6]  }
0x29: {  	s4 =	sld [smem:$0x3FA8]  }
0x2a: {  	p0 =	seq.s32 s5, $0x0;
	s5 =	sld [smem:$0x3FA9]  }
0x2b: {  	s6 =	sld [smem:$0x3FAA]  }
0x2c: {  	s7 =	sld [smem:$0x3FAB]  }
0x2d: {  	s3 =	simm.s32 $0x108;
	s8 =	sld [smem:$0x3FAC]  }
0x2e: {  	s3 =	simm.s32 @!p0 $0x1082;
	s9 =	sld [smem:$0x3FAD]  }
0x2f: {  	lr =	sadd.s32 s0, s3;
	s0 =	sld [smem:$0x3FA4]  }
0x30: {  	s3 =	sld [smem:$0x3FA7]  }
0x31: {  	[smem:$0x3FB0] =	sst s10  }
0x32: {  	s10 =	sld [smem:$0x3FAE];
	_ =	sdelay $0x3  }
0x33: {  	p0 =	seq.s32 s10, $0x1;
	s10 =	sld [smem:$0x3FB0];
	_ =	sdelay $0x3  }
0x34: {  	[smem:$0x3FB0] =	sst s10  }
0x35: {  	s10 =	sld [smem:$0x3FAF];
	_ =	sdelay $0x3  }
0x36: {  	p1 =	seq.s32 s10, $0x1;
	s10 =	sld [smem:$0x3FB0];
	_ =	sdelay $0x3  }
0x37: {  	[smem:$0x3FB0] =	sst s10  }
0x38: {  	s10 =	sld [smem:$0x3FB1]  }
0x39: {  	_ = 	snop;
	(pc) =	sbr.ind lr, $3  }
0x3a: {  	_ = 	snop  }
0x3b: {  	_ = 	snop  }
0x3c: {  	p2 =	seq.s32 s10, $0x1;
	s10 =	sld [smem:$0x3FB0]  }
0x3d: {  	_ =	shalt  }
0x3e: {  	_ =	shalt  }
0x3f: {  	_ =	shalt  }
0x40: {  	_ =	shalt  }
0x41: {  	_ =	shalt  }
0x42: {  	_ =	shalt  }
0x43: {  	_ =	shalt  }
0x44: {  	_ =	shalt  }
0x45: {  	_ =	shalt  }
0x46: {  	_ =	shalt  }
0x47: {  	_ =	shalt  }
0x48: {  	_ =	shalt  }
0x49: {  	_ =	shalt  }
0x4a: {  	_ =	shalt  }
0x4b: {  	_ =	shalt  }
0x4c: {  	_ =	shalt  }
0x4d: {  	_ =	shalt  }
0x4e: {  	_ =	shalt  }
0x4f: {  	_ =	shalt  }
0x50: {  	_ =	shalt  }
0x51: {  	_ =	shalt  }
0x52: {  	_ =	shalt  }
0x53: {  	_ =	shalt  }
0x54: {  	_ =	shalt  }
0x55: {  	_ =	shalt  }
0x56: {  	_ =	shalt  }
0x57: {  	_ =	shalt  }
0x58: {  	_ =	shalt  }
0x59: {  	_ =	shalt  }
0x5a: {  	_ =	shalt  }
0x5b: {  	_ =	shalt  }
0x5c: {  	_ =	shalt  }
0x5d: {  	_ =	shalt  }
0x5e: {  	_ =	shalt  }
0x5f: {  	_ =	shalt  }
0x60: {  	_ =	shalt  }
0x61: {  	_ =	shalt  }
0x62: {  	_ =	shalt  }
0x63: {  	_ =	shalt  }
0x64: {  	_ =	shalt  }
0x65: {  	_ =	shalt  }
0x66: {  	_ =	shalt  }
0x67: {  	_ =	shalt  }
0x68: {  	_ =	shalt  }
0x69: {  	_ =	shalt  }
0x6a: {  	_ =	shalt  }
0x6b: {  	_ =	shalt  }
0x6c: {  	_ =	shalt  }
0x6d: {  	_ =	shalt  }
0x6e: {  	_ =	shalt  }
0x6f: {  	_ =	shalt  }
0x70: {  	_ =	shalt  }
0x71: {  	_ =	shalt  }
0x72: {  	_ =	shalt  }
0x73: {  	_ =	shalt  }
0x74: {  	_ =	shalt  }
0x75: {  	_ =	shalt  }
0x76: {  	_ =	shalt  }
0x77: {  	_ =	shalt  }
0x78: {  	_ =	shalt  }
0x79: {  	_ =	shalt  }
0x7a: {  	_ =	shalt  }
0x7b: {  	_ =	shalt  }
0x7c: {  	_ =	shalt  }
0x7d: {  	_ =	shalt  }
0x7e: {  	_ =	shalt  }
0x7f: {  	_ =	shalt  }
0x80: {  	_ =	shalt  }
0x81: {  	_ =	shalt  }
0x82: {  	_ =	shalt  }
0x83: {  	_ =	shalt  }
0x84: {  	_ =	shalt  }
0x85: {  	_ =	shalt  }
0x86: {  	_ =	shalt  }
0x87: {  	_ =	shalt  }
.Lfunc_end0:
.L_simem_size_0:
called_computation_lowered:
.L_overlay_start_0:
0x88: {  	s2 =	sld [smem:$0x3FD9]  }
0x89: {  	s3 =	sld [smem:$0x3FFE];
	_ =	sdelay $0x1  }
0x8a: {  	s1 =	srdreg.scid  }
0x8b: {  	s0 =	sand.u32 $0x1, s1  }
0x8c: {  	s17 =	sshll.u32 s0, $0xA;
	s2 =	sadd.s32 s3, s2  }
0x8d: {  	s2 =	sadd.s32 s2, s17  }
0x8e: {  	[smem:$0x3FBC] =	sst s2  }
0x8f: {  	_ = 	snop  }
0x90: {  	s2 =	sld [smem:$0x3FC5]  }
0x91: {  	s18 =	sld [smem:$0x3FC4]  }
0x92: {  	s4 =	sld [smem:$0x3FD0];
	(tm) =	ssettm $0x1  }
0x93: {  	s5 =	sld [smem:$0x3FFB];
	_ =	sdelay $0x3  }
0x94: {  	_ =	strace s5  }
0x95: {  	s5 =	sld [smem:$0x3FFC];
	_ =	sdelay $0x3  }
0x96: {  	_ =	strace s5  }
0x97: {  	s5 =	sld [smem:$0x3FFD];
	_ =	sdelay $0x3  }
0x98: {  	_ =	strace s5  }
0x99: {  	_ =	strace $0x8FFFFFFF  }
0x9a: {  	s19 =	sld [smem:$0x3FDB];
	_ =	sdelay $0x1  }
0x9b: {  	s6 =	simm.s32 $_scs_section_size  }
0x9c: {  	s7 =	simm.s32 $_size__tile_overlayer_lowered;
	s8 =	simm.s32 $_tile_overlayer_lowered  }
0x9d: {  	s22 =	simm.s32 $0x1BFF;
	s21 =	sshll.u32 s8, $0x1;
	s5 =	sadd.s32 s6, s19  }
0x9e: {  	s9 =	simm.s32 $0x0;
	s20 =	sshll.u32 s7, $0x1;
	s7 =	sadd.s32 s21, s5  }
0x9f: {  	[timem:s9], [sflag:s22] =	dma.local [hbm:s7], s20  }
0xa0: {  	_ =	swait.ge [sflag:s22], s20  }
0xa1: {  	s6 =	ssub.s32 $0x0, s20;
	[sflag:s22] =	ssyncset.done $0x0  }
0xa2: {  	[sflag:s22] =	ssyncadd.s32 s6;
	_ =	sdelay $0x1  }
0xa3: {  	s23 =	simm.s32 $0x1B8B  }
0xa4: {  	_ =	swait.ge [sflag:s23], $0x1  }
0xa5: {  	[sflag:s23] =	ssyncset.done $0x0  }
0xa6: {  	s25 =	simm.s32 $0x1B8E;
	s24 =	sld [smem:$0x3FFE];
	[sflag:s23] =	ssyncadd.s32 $0xFFFFFFFF  }
0xa7: {  	s26 =	simm.s32 $execute0_lowered;
	[smem:$0x3FD2] =	sst s25  }
0xa8: {  	s7 =	sshll.u32 s26, $0x1;
	_ =	strace $0x80000046;
	[dreg:$0x1] =	wrdreg $0xFFFFFFFF  }
0xa9: {  	s28 =	simm.s32 $_size_execute0_lowered;
	s5 =	sadd.s32 s5, s7;
	[dreg:$0x0] =	wrdreg $0x0  }
0xaa: {  	s7 =	sshll.u32 s28, $0x1;
	[dreg:$0x2] =	wrdreg s5  }
0xab: {  	[dreg:$0x3] =	wrdreg s7  }
0xac: {  	[dreg:$0x4] =	wrdreg $0xC0  }
0xad: {  	_ =	task [dreg:s9], $0x5FFFF  }
0xae: {  	[dreg:$0x1] =	wrdreg $0xFFFFFFFF  }
0xaf: {  	[dreg:$0x0] =	wrdreg $0x60  }
0xb0: {  	[dreg:$0x2] =	wrdreg s4  }
0xb1: {  	[dreg:$0x3] =	wrdreg s2  }
0xb2: {  	[dreg:$0x4] =	wrdreg s18  }
0xb3: {  	[dreg:$0x5] =	wrdreg s24  }
0xb4: {  	[dreg:$0x6] =	wrdreg $0x86800  }
0xb5: {  	[dreg:$0x7] =	wrdreg $0x1C2800  }
0xb6: {  	[dreg:$0x8] =	wrdreg $0x9  }
0xb7: {  	_ =	task.clear_ibuf [dreg:s9], $0x9FFFF;
	_ =	strace $0x90000046  }
0xb8: {  	s29 =	simm.s32 $0x9;
	_ =	strace $0x80000048  }
0xb9: {  	_ =	swait.ge [sflag:s29], $0x1  }
0xba: {  	[sflag:s29] =	ssyncadd.s32 $0xFFFFFFFF  }
0xbb: {  	_ =	strace $0x90000048  }
0xbc: {  	_ =	sfence  }
0xbd: {  	s30 =	sld [smem:$0x0];
	_ =	sdelay $0x2  }
0xbe: {  	s31 =	sshll.u32 s1, $0xD;
	s1 =	sshrl.u32 s1, $0x2  }
0xbf: {  	s3 =	sand.u32 $0x4000, s31;
	s1 =	sadd.s32 s1, s30  }
0xc0: {  	s0 =	sor.u32 s3, s0;
	s1 =	sshll.u32 s1, $0x11  }
0xc1: {  	s0 =	sor.u32 s1, s0  }
0xc2: {  	s0 =	sadd.s32 $0x8F2B, s0  }
0xc3: {  	[sflag:s0] =	ssyncadd.remote.s32 $0x1  }
0xc4: {  	_ =	sfence.sel $0xFFFF  }
0xc5: {  	[dreg:$0x0] =	wrdreg $0xFFFFFFFF;
	(pc) =	sbr.abs _section_cstart, $3  }
0xc6: {  	[dreg:$0x1] =	wrdreg $0xFFFFFFFF  }
0xc7: {  	_ =	task.clear_ibuf [dreg:s9], $0x2FFFF;
	_ =	strace $0x9FFFFFFF  }
0xc8: {  	(tm) =	ssettm $0x7FFFFFFF  }
0xc9: {  	_ =	shalt  }
tec
execute0_lowered:
.L_overlay_start_1:
0x0: {  	(tag) =	ssettag $0x1  }
0x1: {  	s0 =	rddreg [dreg:$0x0]  }
0x2: {  	s1 =	rddreg [dreg:$0x1]  }
0x3: {  	s2 =	rddreg [dreg:$0x2]  }
0x4: {  	s3 =	rddreg [dreg:$0x3]  }
0x5: {  	s4 =	rddreg [dreg:$0x4]  }
0x6: {  	s5 =	rddreg [dreg:$0x5]  }
0x7: {  	s7 =	stileid.u32;
	s9 =	srdreg.scid  }
0x8: {  	s6 =	simm.s32 $0x0;
	s28 =	simm.s32 $0x600;
	s31 =	simm.s32 $0x400  }
0x9: {  	s29 =	simm.s32 $0x2;
	s8 =	smul.u32 $0x13C00, s7;
	s9 =	sand.u32 $0x1, s9  }
0xa: {  	[smem:$0x7FF] =	sst s6;
	s12 =	sadd.s32 $0x2800, s3;
	s15 =	sshll.u32 s7, $0x1  }
0xb: {  	s16 =	smul.u32 $0x4F000, s7;
	s14 =	sshll.u32 s7, $0x6;
	p0 =	sne.s32 s7, $0x0  }
0xc: {  	s7 =	simm.s32 $0x2600;
	s11 =	smul.u32 $0x13C000, s9;
	_ =	strace $0x80000047  }
0xd: {  	[dreg:$0x7] =	wrdreg s12;
	s13 =	sshll.u32 s9, $0x4;
	s10 =	sshrl.u32 s8, $0x3  }
0xe: {  	s12 =	sshrl.u32 s16, $0x2;
	s16 =	simm.s32 $0x500;
	s10 =	sadd.s32 s10, s3  }
0xf: {  	s8 =	sadd.s32 s8, s11;
	s11 =	sor.u32 s9, s15;
	s9 =	ssub.s32 $0x2, s9  }
0x10: {  	s12 =	sadd.s32 s12, s4;
	s11 =	smul.u32 $0x14400, s11;
	s10 =	sadd.s32 $0x2E00, s10  }
0x11: {  	s17 =	sshrl.u32 s9, $0x1;
	s30 =	sshrl.u32 s12, $0x3;
	[dreg:$0x9] =	wrdreg s10  }
0x12: {  	s9 =	ssub.s32 s9, s17;
	s17 =	sor.u32 $0x1C0C, s14;
	[dreg:$0x15] =	wrdreg s30  }
0x13: {  	s15 =	simm.s32 $0x8;
	s20 =	sadd.s32 $0x400, s11;
	[dreg:$0xa] =	wrdreg s17  }
0x14: {  	s8 =	sshrl.u32 s8, $0x3;
	s21 =	sadd.s32 $0x600, s11;
	[dreg:$0xc] =	wrdreg s20  }
0x15: {  	s12 =	simm.s32 $0x4;
	s22 =	sadd.s32 $0x800, s11;
	[dreg:$0xd] =	wrdreg s21  }
0x16: {  	s8 =	sadd.s32 s8, s3;
	s23 =	sadd.s32 $0xA00, s11;
	[dreg:$0xe] =	wrdreg s22  }
0x17: {  	s3 =	sadd.s32 s13, s3;
	s24 =	sadd.s32 $0xC00, s11;
	[dreg:$0xf] =	wrdreg s23  }
0x18: {  	s10 =	simm.s32 $0xC;
	s25 =	sadd.s32 $0xE00, s11;
	[dreg:$0x10] =	wrdreg s24  }
0x19: {  	s14 =	simm.s32 $0x6;
	s8 =	sadd.s32 $0x2B000, s8;
	[dreg:$0x11] =	wrdreg s25  }
0x1a: {  	s18 =	sshrl.u32 s11, $0x3;
	s3 =	sadd.s32 $0x2A600, s3;
	[dreg:$0x12] =	wrdreg s8  }
0x1b: {  	s26 =	smax.u32 s9, $0x1;
	s11 =	sshrl.u32 @!p0 s5, $0x3;
	[dreg:$0x13] =	wrdreg s3  }
0x1c: {  	s13 =	sadd.s32 s0, s18;
	[dreg:$0x14] =	wrdreg s26;
	s25 =	simm.s32 $0x200  }
0x1d: {  	s26 =	simm.s32 $0x40;
	s3 =	simm.s32 $0xA;
	s18 =	simm.s32 $0x1  }
0x1e: {  	s20 =	simm.s32 $0x100;
	s8 =	simm.s32 $0x8600;
	s21 =	simm.s32 $0x5  }
0x1f: {  	s23 =	simm.s32 $0x7;
	s22 =	simm.s32 $0xB;
	[dreg:$0x16] =	wrdreg s11  }
0x20: {  	s24 =	simm.s32 $0x0;
	[dreg:$0x8] =	wrdreg s13;
	s19 =	sadd.s32 $0x40, s13  }
0x21: {  	v0 =	vimm.f32 $1.000000000e+00;
	s13 =	simm.s32 $0x300;
	[dreg:$0xb] =	wrdreg s19;
	s19 =	simm.s32 $0x3  }
.LBB2_1:
0x22: {  	[dreg:$0x17] =	wrdreg s24  }
0x23: {  	s9 =	rddreg [dreg:$0x9]  }
0x24: {  	[spmem:s30], [sflag:s17] =	dma.local [hbm:s9], $0x2780  }
0x25: {  	_ =	swait.ge [sflag:s10], $0x2780  }
0x26: {  	[sflag:s10] =	ssyncset.done $0x0  }
0x27: {  	s9 =	rddreg [dreg:$0x7];
	[sflag:s10] =	ssyncadd.s32 $0xFFFFD880  }
0x28: {  	[spmem:s11], [sflag:s17] =	dma.local @!p0 [hbm:s9], $0x4F0  }
0x29: {  	s9 =	simm.s32 @!p0 $0xC  }
0x2a: {  	_ =	swait.ge @!p0 [sflag:s9], $0x4F0  }
0x2b: {  	[sflag:s9] =	ssyncset.done @!p0 $0x0  }
0x2c: {  	[sflag:s9] =	ssyncadd.s32 @!p0 $0xFFFFFB10  }
0x2d: {  	[tilespmem:$0x8600] =	vst v0  }
0x2e: {  	[tilespmem:$0x8610] =	vst v0  }
0x2f: {  	[tilespmem:$0x8620] =	vst v0  }
0x30: {  	[tilespmem:$0x8630] =	vst v0  }
0x31: {  	[bflag:$0x0] =	sbarrier.arrive $0xFFFF  }
0x32: {  	s10 =	rddreg [dreg:$0x8]  }
0x33: {  	[tilespmem:s6], [sflag:$0x9] =	stream.linear.gather [hbm4b:s10+s6], $0x180, $0x38;
	[tilespmem:$0x1C4F8] =	vst v63  }
0x34: {  	s17 =	simm.s32 $0x9;
	s11 =	rddreg [dreg:$0xb]  }
0x35: {  	[tilespmem:s25], [sflag:$0xA] =	stream.linear.gather [hbm4b:s11+s6], $0x180, $0x38;
	[tilespmem:$0x1C4F8] =	vst v63  }
0x36: {  	_ =	swait.ge [sflag:s17], $0x180  }
0x37: {  	[sflag:s17] =	ssyncset.done $0x0  }
0x38: {  	[sflag:s17] =	ssyncadd.s32 $0xFFFFFE80  }
0x39: {  	[tilespmem:s28], [sflag:$0x1] =	stream.indirect.gather [hbm4b:s1+s26], $0x80, s6, s26, $0xb8;
	[tilespmem:$0x1C4F8] =	vst v63  }
0x3a: {  	s24 =	simm.s32 $0x80;
	s30 =	simm.s32 $0x4600;
	s17 =	simm.s32 $0x0  }
0x3b: {  	[tilespmem:s30], [sflag:$0x3] =	stream.indirect.gather [hbm4b:s2+s26], $0x80, s24, s26, $0xb8;
	[tilespmem:$0x1C4F8] =	vst v63  }
.LBB2_2:
0x3c: {  	p1 =	seq.s32 s17, $0x0  }
0x3d: {  	s10 =	simm.s32 @!p1 $0x6  }
0x3e: {  	_ =	swait.ge @!p1 [sflag:s10], $0x2000  }
0x3f: {  	[sflag:s10] =	ssyncset.done @!p1 $0x0  }
0x40: {  	[sflag:s10] =	ssyncadd.s32 @!p1 $0xFFFFE000;
	s10 =	simm.s32 @!p1 $0x8  }
0x41: {  	s9 =	smul.u32 $0xC00, s17;
	_ =	swait.ge @!p1 [sflag:s10], $0x40  }
0x42: {  	s11 =	rddreg [dreg:$0xc]  }
0x43: {  	s11 =	sadd.s32 s9, s11  }
0x44: {  	[sflag:s10] =	ssyncset.done @!p1 $0x0;
	s11 =	sshrl.u32 s11, $0x3  }
0x45: {  	[sflag:s10] =	ssyncadd.s32 @!p1 $0xFFFFFFC0;
	s24 =	sadd.s32 s0, s11  }
0x46: {  	[tilespmem:s31], [sflag:$0xB] =	stream.linear.gather [hbm4b:s24+s6], $0x180, $0x38;
	[tilespmem:$0x1C4F8] =	vst v63  }
0x47: {  	_ =	swait.ge [sflag:s3], $0x180  }
0x48: {  	[sflag:s3] =	ssyncset.done $0x0  }
0x49: {  	[sflag:s3] =	ssyncadd.s32 $0xFFFFFE80  }
0x4a: {  	[tilespmem:s7], [sflag:$0x2] =	stream.indirect.gather [hbm4b:s1+s26], $0x80, s25, s26, $0xb8;
	[tilespmem:$0x1C4F8] =	vst v63  }
0x4b: {  	s11 =	simm.s32 $0x280;
	s24 =	simm.s32 $0x6600  }
0x4c: {  	[tilespmem:s24], [sflag:$0x4] =	stream.indirect.gather [hbm4b:s2+s26], $0x80, s11, s26, $0xb8;
	[tilespmem:$0x1C4F8] =	vst v63  }
0x4d: {  	_ =	swait.ge [sflag:s18], $0x2000  }
0x4e: {  	[sflag:s18] =	ssyncset.done $0x0  }
0x4f: {  	[sflag:s18] =	ssyncadd.s32 $0xFFFFE000  }
0x50: {  	_ =	swait.ge [sflag:s19], $0x2000  }
0x51: {  	[sflag:s19] =	ssyncset.done $0x0  }
0x52: {  	s10 =	simm.s32 $0x700;
	[sflag:s19] =	ssyncadd.s32 $0xFFFFE000  }
0x53: {  	s30 =	simm.s32 $0x4700;
	v1 =	vld [tilespmem:s10+$0xFFFFFF00]  }
0x54: {  	v2 =	vld [tilespmem:s30+$0xFFFFFF00];
	_ =	sdelay $0x4  }
0x55: {  	v1 =	vmul.f32 v2, v1;
	_ =	sdelay $0x1  }
0x56: {  	[tilespmem:s10+$0xFFFFFF00] =	vst v1;
	v1 =	vld [tilespmem:s10+$0xFFFFFF10]  }
0x57: {  	v2 =	vld [tilespmem:s30+$0xFFFFFF10];
	_ =	sdelay $0x4  }
0x58: {  	v1 =	vmul.f32 v2, v1;
	_ =	sdelay $0x1  }
0x59: {  	[tilespmem:s10+$0xFFFFFF10] =	vst v1;
	v1 =	vld [tilespmem:s10+$0xFFFFFF20]  }
0x5a: {  	v2 =	vld [tilespmem:s30+$0xFFFFFF20];
	_ =	sdelay $0x4  }
0x5b: {  	v1 =	vmul.f32 v2, v1;
	_ =	sdelay $0x1  }
0x5c: {  	[tilespmem:s10+$0xFFFFFF20] =	vst v1;
	v1 =	vld [tilespmem:s10+$0xFFFFFF30]  }
0x5d: {  	v2 =	vld [tilespmem:s30+$0xFFFFFF30];
	_ =	sdelay $0x4  }
0x5e: {  	v1 =	vmul.f32 v2, v1;
	_ =	sdelay $0x1  }
0x5f: {  	[tilespmem:s10+$0xFFFFFF30] =	vst v1;
	v1 =	vld [tilespmem:s10+$0xFFFFFF40]  }
0x60: {  	v2 =	vld [tilespmem:s30+$0xFFFFFF40];
	_ =	sdelay $0x4  }
0x61: {  	v1 =	vmul.f32 v2, v1;
	_ =	sdelay $0x1  }
0x62: {  	[tilespmem:s10+$0xFFFFFF40] =	vst v1;
	v1 =	vld [tilespmem:s10+$0xFFFFFF50]  }
0x63: {  	v2 =	vld [tilespmem:s30+$0xFFFFFF50];
	_ =	sdelay $0x4  }
0x64: {  	v1 =	vmul.f32 v2, v1;
	_ =	sdelay $0x1  }
0x65: {  	[tilespmem:s10+$0xFFFFFF50] =	vst v1;
	v1 =	vld [tilespmem:s10+$0xFFFFFF60]  }
0x66: {  	v2 =	vld [tilespmem:s30+$0xFFFFFF60];
	_ =	sdelay $0x4  }
0x67: {  	v1 =	vmul.f32 v2, v1;
	_ =	sdelay $0x1  }
0x68: {  	[tilespmem:s10+$0xFFFFFF60] =	vst v1;
	v1 =	vld [tilespmem:s10+$0xFFFFFF70]  }
0x69: {  	v2 =	vld [tilespmem:s30+$0xFFFFFF70];
	_ =	sdelay $0x4  }
0x6a: {  	v1 =	vmul.f32 v2, v1;
	_ =	sdelay $0x1  }
0x6b: {  	[tilespmem:s10+$0xFFFFFF70] =	vst v1;
	v1 =	vld [tilespmem:s10+$0xFFFFFF80]  }
0x6c: {  	v2 =	vld [tilespmem:s30+$0xFFFFFF80];
	_ =	sdelay $0x4  }
0x6d: {  	v1 =	vmul.f32 v2, v1;
	_ =	sdelay $0x1  }
0x6e: {  	[tilespmem:s10+$0xFFFFFF80] =	vst v1;
	v1 =	vld [tilespmem:s10+$0xFFFFFF90]  }
0x6f: {  	v2 =	vld [tilespmem:s30+$0xFFFFFF90];
	_ =	sdelay $0x4  }
0x70: {  	v1 =	vmul.f32 v2, v1;
	_ =	sdelay $0x1  }
0x71: {  	[tilespmem:s10+$0xFFFFFF90] =	vst v1;
	v1 =	vld [tilespmem:s10+$0xFFFFFFA0]  }
0x72: {  	v2 =	vld [tilespmem:s30+$0xFFFFFFA0];
	_ =	sdelay $0x4  }
0x73: {  	v1 =	vmul.f32 v2, v1;
	_ =	sdelay $0x1  }
0x74: {  	[tilespmem:s10+$0xFFFFFFA0] =	vst v1;
	v1 =	vld [tilespmem:s10+$0xFFFFFFB0]  }
0x75: {  	v2 =	vld [tilespmem:s30+$0xFFFFFFB0];
	_ =	sdelay $0x4  }
0x76: {  	v1 =	vmul.f32 v2, v1;
	_ =	sdelay $0x1  }
0x77: {  	[tilespmem:s10+$0xFFFFFFB0] =	vst v1;
	v1 =	vld [tilespmem:s10+$0xFFFFFFC0]  }
0x78: {  	v2 =	vld [tilespmem:s30+$0xFFFFFFC0];
	_ =	sdelay $0x4  }
0x79: {  	v1 =	vmul.f32 v2, v1;
	_ =	sdelay $0x1  }
0x7a: {  	[tilespmem:s10+$0xFFFFFFC0] =	vst v1;
	v1 =	vld [tilespmem:s10+$0xFFFFFFD0]  }
0x7b: {  	v2 =	vld [tilespmem:s30+$0xFFFFFFD0];
	_ =	sdelay $0x4  }
0x7c: {  	v1 =	vmul.f32 v2, v1;
	_ =	sdelay $0x1  }
0x7d: {  	[tilespmem:s10+$0xFFFFFFD0] =	vst v1;
	v1 =	vld [tilespmem:s10+$0xFFFFFFE0]  }
0x7e: {  	v2 =	vld [tilespmem:s30+$0xFFFFFFE0];
	_ =	sdelay $0x4  }
0x7f: {  	v1 =	vmul.f32 v2, v1;
	_ =	sdelay $0x1  }
0x80: {  	[tilespmem:s10+$0xFFFFFFE0] =	vst v1;
	v1 =	vld [tilespmem:s10+$0xFFFFFFF0]  }
0x81: {  	v2 =	vld [tilespmem:s30+$0xFFFFFFF0];
	_ =	sdelay $0x4  }
0x82: {  	v1 =	vmul.f32 v2, v1;
	_ =	sdelay $0x1  }
0x83: {  	[tilespmem:s10+$0xFFFFFFF0] =	vst v1;
	v1 =	vld [tilespmem:s10+$0x0]  }
0x84: {  	v2 =	vld [tilespmem:s30+$0x0];
	_ =	sdelay $0x4  }
0x85: {  	v1 =	vmul.f32 v2, v1;
	_ =	sdelay $0x1  }
0x86: {  	[tilespmem:s10+$0x0] =	vst v1;
	v1 =	vld [tilespmem:s10+$0x10]  }
0x87: {  	v2 =	vld [tilespmem:s30+$0x10];
	_ =	sdelay $0x4  }
0x88: {  	v1 =	vmul.f32 v2, v1;
	_ =	sdelay $0x1  }
0x89: {  	[tilespmem:s10+$0x10] =	vst v1;
	v1 =	vld [tilespmem:s10+$0x20]  }
0x8a: {  	v2 =	vld [tilespmem:s30+$0x20];
	_ =	sdelay $0x4  }
0x8b: {  	v1 =	vmul.f32 v2, v1;
	_ =	sdelay $0x1  }
0x8c: {  	[tilespmem:s10+$0x20] =	vst v1;
	v1 =	vld [tilespmem:s10+$0x30]  }
0x8d: {  	v2 =	vld [tilespmem:s30+$0x30];
	_ =	sdelay $0x4  }
0x8e: {  	v1 =	vmul.f32 v2, v1;
	_ =	sdelay $0x1  }
0x8f: {  	[tilespmem:s10+$0x30] =	vst v1;
	v1 =	vld [tilespmem:s10+$0x40]  }
0x90: {  	v2 =	vld [tilespmem:s30+$0x40];
	_ =	sdelay $0x4  }
0x91: {  	v1 =	vmul.f32 v2, v1;
	_ =	sdelay $0x1  }
0x92: {  	[tilespmem:s10+$0x40] =	vst v1;
	v1 =	vld [tilespmem:s10+$0x50]  }
0x93: {  	v2 =	vld [tilespmem:s30+$0x50];
	_ =	sdelay $0x4  }
0x94: {  	v1 =	vmul.f32 v2, v1;
	_ =	sdelay $0x1  }
0x95: {  	[tilespmem:s10+$0x50] =	vst v1;
	v1 =	vld [tilespmem:s10+$0x60]  }
0x96: {  	v2 =	vld [tilespmem:s30+$0x60];
	_ =	sdelay $0x4  }
0x97: {  	v1 =	vmul.f32 v2, v1;
	_ =	sdelay $0x1  }
0x98: {  	[tilespmem:s10+$0x60] =	vst v1;
	v1 =	vld [tilespmem:s10+$0x70]  }
0x99: {  	v2 =	vld [tilespmem:s30+$0x70];
	_ =	sdelay $0x4  }
0x9a: {  	v1 =	vmul.f32 v2, v1;
	_ =	sdelay $0x1  }
0x9b: {  	[tilespmem:s10+$0x70] =	vst v1;
	v1 =	vld [tilespmem:s10+$0x80]  }
0x9c: {  	v2 =	vld [tilespmem:s30+$0x80];
	_ =	sdelay $0x4  }
0x9d: {  	v1 =	vmul.f32 v2, v1;
	_ =	sdelay $0x1  }
0x9e: {  	[tilespmem:s10+$0x80] =	vst v1;
	v1 =	vld [tilespmem:s10+$0x90]  }
0x9f: {  	v2 =	vld [tilespmem:s30+$0x90];
	_ =	sdelay $0x4  }
0xa0: {  	v1 =	vmul.f32 v2, v1;
	_ =	sdelay $0x1  }
0xa1: {  	[tilespmem:s10+$0x90] =	vst v1;
	v1 =	vld [tilespmem:s10+$0xA0]  }
0xa2: {  	v2 =	vld [tilespmem:s30+$0xA0];
	_ =	sdelay $0x4  }
0xa3: {  	v1 =	vmul.f32 v2, v1;
	_ =	sdelay $0x1  }
0xa4: {  	[tilespmem:s10+$0xA0] =	vst v1;
	v1 =	vld [tilespmem:s10+$0xB0]  }
0xa5: {  	v2 =	vld [tilespmem:s30+$0xB0];
	_ =	sdelay $0x4  }
0xa6: {  	v1 =	vmul.f32 v2, v1;
	_ =	sdelay $0x1  }
0xa7: {  	[tilespmem:s10+$0xB0] =	vst v1;
	v1 =	vld [tilespmem:s10+$0xC0]  }
0xa8: {  	v2 =	vld [tilespmem:s30+$0xC0];
	_ =	sdelay $0x4  }
0xa9: {  	v1 =	vmul.f32 v2, v1;
	_ =	sdelay $0x1  }
0xaa: {  	[tilespmem:s10+$0xC0] =	vst v1;
	v1 =	vld [tilespmem:s10+$0xD0]  }
0xab: {  	v2 =	vld [tilespmem:s30+$0xD0];
	_ =	sdelay $0x4  }
0xac: {  	v1 =	vmul.f32 v2, v1;
	_ =	sdelay $0x1  }
0xad: {  	[tilespmem:s10+$0xD0] =	vst v1;
	v1 =	vld [tilespmem:s10+$0xE0]  }
0xae: {  	v2 =	vld [tilespmem:s30+$0xE0];
	_ =	sdelay $0x4  }
0xaf: {  	v1 =	vmul.f32 v2, v1;
	_ =	sdelay $0x1  }
0xb0: {  	[tilespmem:s10+$0xE0] =	vst v1;
	v1 =	vld [tilespmem:s10+$0xF0]  }
0xb1: {  	v2 =	vld [tilespmem:s30+$0xF0];
	_ =	sdelay $0x4  }
0xb2: {  	v1 =	vmul.f32 v2, v1  }
0xb3: {  	s11 =	simm.s32 $0x0;
	s24 =	simm.s32 $0x900  }
.LBB2_3:
0xb4: {  	v2 =	vld [tilespmem:s24+$0xFFFFFF00];
	[tilespmem:s10+$0xF0] =	vst v1;
	s30 =	sadd.s32 $0x200, s30;
	s10 =	smov.u32 s24  }
0xb5: {  	s11 =	sadd.s32 $0x4, s11;
	v1 =	vld [tilespmem:s30+$0xFFFFFF00]  }
0xb6: {  	p1 =	slt.u32 s11, $0x3C;
	_ =	sdelay $0x3  }
0xb7: {  	v1 =	vmul.f32 v1, v2;
	_ =	sdelay $0x1  }
0xb8: {  	[tilespmem:s24+$0xFFFFFF00] =	vst v1;
	v1 =	vld [tilespmem:s24+$0xFFFFFF10]  }
0xb9: {  	v2 =	vld [tilespmem:s30+$0xFFFFFF10];
	_ =	sdelay $0x4  }
0xba: {  	v1 =	vmul.f32 v2, v1;
	_ =	sdelay $0x1  }
0xbb: {  	[tilespmem:s24+$0xFFFFFF10] =	vst v1;
	v1 =	vld [tilespmem:s24+$0xFFFFFF20]  }
0xbc: {  	v2 =	vld [tilespmem:s30+$0xFFFFFF20];
	_ =	sdelay $0x4  }
0xbd: {  	v1 =	vmul.f32 v2, v1;
	_ =	sdelay $0x1  }
0xbe: {  	[tilespmem:s24+$0xFFFFFF20] =	vst v1;
	v1 =	vld [tilespmem:s24+$0xFFFFFF30]  }
0xbf: {  	v2 =	vld [tilespmem:s30+$0xFFFFFF30];
	_ =	sdelay $0x4  }
0xc0: {  	v1 =	vmul.f32 v2, v1;
	_ =	sdelay $0x1  }
0xc1: {  	[tilespmem:s24+$0xFFFFFF30] =	vst v1;
	v1 =	vld [tilespmem:s24+$0xFFFFFF40]  }
0xc2: {  	v2 =	vld [tilespmem:s30+$0xFFFFFF40];
	_ =	sdelay $0x4  }
0xc3: {  	v1 =	vmul.f32 v2, v1;
	_ =	sdelay $0x1  }
0xc4: {  	[tilespmem:s24+$0xFFFFFF40] =	vst v1;
	v1 =	vld [tilespmem:s24+$0xFFFFFF50]  }
0xc5: {  	v2 =	vld [tilespmem:s30+$0xFFFFFF50];
	_ =	sdelay $0x4  }
0xc6: {  	v1 =	vmul.f32 v2, v1;
	_ =	sdelay $0x1  }
0xc7: {  	[tilespmem:s24+$0xFFFFFF50] =	vst v1;
	v1 =	vld [tilespmem:s24+$0xFFFFFF60]  }
0xc8: {  	v2 =	vld [tilespmem:s30+$0xFFFFFF60];
	_ =	sdelay $0x4  }
0xc9: {  	v1 =	vmul.f32 v2, v1;
	_ =	sdelay $0x1  }
0xca: {  	[tilespmem:s24+$0xFFFFFF60] =	vst v1;
	v1 =	vld [tilespmem:s24+$0xFFFFFF70]  }
0xcb: {  	v2 =	vld [tilespmem:s30+$0xFFFFFF70];
	_ =	sdelay $0x4  }
0xcc: {  	v1 =	vmul.f32 v2, v1;
	_ =	sdelay $0x1  }
0xcd: {  	[tilespmem:s24+$0xFFFFFF70] =	vst v1;
	v1 =	vld [tilespmem:s24+$0xFFFFFF80]  }
0xce: {  	v2 =	vld [tilespmem:s30+$0xFFFFFF80];
	_ =	sdelay $0x4  }
0xcf: {  	v1 =	vmul.f32 v2, v1;
	_ =	sdelay $0x1  }
0xd0: {  	[tilespmem:s24+$0xFFFFFF80] =	vst v1;
	v1 =	vld [tilespmem:s24+$0xFFFFFF90]  }
0xd1: {  	v2 =	vld [tilespmem:s30+$0xFFFFFF90];
	_ =	sdelay $0x4  }
0xd2: {  	v1 =	vmul.f32 v2, v1;
	_ =	sdelay $0x1  }
0xd3: {  	[tilespmem:s24+$0xFFFFFF90] =	vst v1;
	v1 =	vld [tilespmem:s24+$0xFFFFFFA0]  }
0xd4: {  	v2 =	vld [tilespmem:s30+$0xFFFFFFA0];
	_ =	sdelay $0x4  }
0xd5: {  	v1 =	vmul.f32 v2, v1;
	_ =	sdelay $0x1  }
0xd6: {  	[tilespmem:s24+$0xFFFFFFA0] =	vst v1;
	v1 =	vld [tilespmem:s24+$0xFFFFFFB0]  }
0xd7: {  	v2 =	vld [tilespmem:s30+$0xFFFFFFB0];
	_ =	sdelay $0x4  }
0xd8: {  	v1 =	vmul.f32 v2, v1;
	_ =	sdelay $0x1  }
0xd9: {  	[tilespmem:s24+$0xFFFFFFB0] =	vst v1;
	v1 =	vld [tilespmem:s24+$0xFFFFFFC0]  }
0xda: {  	v2 =	vld [tilespmem:s30+$0xFFFFFFC0];
	_ =	sdelay $0x4  }
0xdb: {  	v1 =	vmul.f32 v2, v1;
	_ =	sdelay $0x1  }
0xdc: {  	[tilespmem:s24+$0xFFFFFFC0] =	vst v1;
	v1 =	vld [tilespmem:s24+$0xFFFFFFD0]  }
0xdd: {  	v2 =	vld [tilespmem:s30+$0xFFFFFFD0];
	_ =	sdelay $0x4  }
0xde: {  	v1 =	vmul.f32 v2, v1;
	_ =	sdelay $0x1  }
0xdf: {  	[tilespmem:s24+$0xFFFFFFD0] =	vst v1;
	v1 =	vld [tilespmem:s24+$0xFFFFFFE0]  }
0xe0: {  	v2 =	vld [tilespmem:s30+$0xFFFFFFE0];
	_ =	sdelay $0x4  }
0xe1: {  	v1 =	vmul.f32 v2, v1;
	_ =	sdelay $0x1  }
0xe2: {  	[tilespmem:s24+$0xFFFFFFE0] =	vst v1;
	v1 =	vld [tilespmem:s24+$0xFFFFFFF0]  }
0xe3: {  	v2 =	vld [tilespmem:s30+$0xFFFFFFF0];
	_ =	sdelay $0x4  }
0xe4: {  	v1 =	vmul.f32 v2, v1;
	_ =	sdelay $0x1  }
0xe5: {  	[tilespmem:s24+$0xFFFFFFF0] =	vst v1;
	v1 =	vld [tilespmem:s24+$0x0]  }
0xe6: {  	v2 =	vld [tilespmem:s30+$0x0];
	_ =	sdelay $0x4  }
0xe7: {  	v1 =	vmul.f32 v2, v1;
	_ =	sdelay $0x1  }
0xe8: {  	[tilespmem:s24+$0x0] =	vst v1;
	v1 =	vld [tilespmem:s24+$0x10]  }
0xe9: {  	v2 =	vld [tilespmem:s30+$0x10];
	_ =	sdelay $0x4  }
0xea: {  	v1 =	vmul.f32 v2, v1;
	_ =	sdelay $0x1  }
0xeb: {  	[tilespmem:s24+$0x10] =	vst v1;
	v1 =	vld [tilespmem:s24+$0x20]  }
0xec: {  	v2 =	vld [tilespmem:s30+$0x20];
	_ =	sdelay $0x4  }
0xed: {  	v1 =	vmul.f32 v2, v1;
	_ =	sdelay $0x1  }
0xee: {  	[tilespmem:s24+$0x20] =	vst v1;
	v1 =	vld [tilespmem:s24+$0x30]  }
0xef: {  	v2 =	vld [tilespmem:s30+$0x30];
	_ =	sdelay $0x4  }
0xf0: {  	v1 =	vmul.f32 v2, v1;
	_ =	sdelay $0x1  }
0xf1: {  	[tilespmem:s24+$0x30] =	vst v1;
	v1 =	vld [tilespmem:s24+$0x40]  }
0xf2: {  	v2 =	vld [tilespmem:s30+$0x40];
	_ =	sdelay $0x4  }
0xf3: {  	v1 =	vmul.f32 v2, v1;
	_ =	sdelay $0x1  }
0xf4: {  	[tilespmem:s24+$0x40] =	vst v1;
	v1 =	vld [tilespmem:s24+$0x50]  }
0xf5: {  	v2 =	vld [tilespmem:s30+$0x50];
	_ =	sdelay $0x4  }
0xf6: {  	v1 =	vmul.f32 v2, v1;
	_ =	sdelay $0x1  }
0xf7: {  	[tilespmem:s24+$0x50] =	vst v1;
	v1 =	vld [tilespmem:s24+$0x60]  }
0xf8: {  	v2 =	vld [tilespmem:s30+$0x60];
	_ =	sdelay $0x4  }
0xf9: {  	v1 =	vmul.f32 v2, v1;
	_ =	sdelay $0x1  }
0xfa: {  	[tilespmem:s24+$0x60] =	vst v1;
	v1 =	vld [tilespmem:s24+$0x70]  }
0xfb: {  	v2 =	vld [tilespmem:s30+$0x70];
	_ =	sdelay $0x4  }
0xfc: {  	v1 =	vmul.f32 v2, v1;
	_ =	sdelay $0x1  }
0xfd: {  	[tilespmem:s24+$0x70] =	vst v1;
	v1 =	vld [tilespmem:s24+$0x80]  }
0xfe: {  	v2 =	vld [tilespmem:s30+$0x80];
	_ =	sdelay $0x4  }
0xff: {  	v1 =	vmul.f32 v2, v1;
	_ =	sdelay $0x1  }
0x100: {  	[tilespmem:s24+$0x80] =	vst v1;
	v1 =	vld [tilespmem:s24+$0x90]  }
0x101: {  	v2 =	vld [tilespmem:s30+$0x90];
	_ =	sdelay $0x4  }
0x102: {  	v1 =	vmul.f32 v2, v1;
	_ =	sdelay $0x1  }
0x103: {  	[tilespmem:s24+$0x90] =	vst v1;
	v1 =	vld [tilespmem:s24+$0xA0]  }
0x104: {  	v2 =	vld [tilespmem:s30+$0xA0];
	_ =	sdelay $0x4  }
0x105: {  	v1 =	vmul.f32 v2, v1;
	_ =	sdelay $0x1  }
0x106: {  	[tilespmem:s24+$0xA0] =	vst v1;
	v1 =	vld [tilespmem:s24+$0xB0]  }
0x107: {  	v2 =	vld [tilespmem:s30+$0xB0];
	_ =	sdelay $0x4  }
0x108: {  	v1 =	vmul.f32 v2, v1;
	_ =	sdelay $0x1  }
0x109: {  	[tilespmem:s24+$0xB0] =	vst v1;
	v1 =	vld [tilespmem:s24+$0xC0]  }
0x10a: {  	v2 =	vld [tilespmem:s30+$0xC0];
	_ =	sdelay $0x4  }
0x10b: {  	v1 =	vmul.f32 v2, v1;
	_ =	sdelay $0x1  }
0x10c: {  	[tilespmem:s24+$0xC0] =	vst v1;
	v1 =	vld [tilespmem:s24+$0xD0]  }
0x10d: {  	v2 =	vld [tilespmem:s30+$0xD0];
	_ =	sdelay $0x4  }
0x10e: {  	v1 =	vmul.f32 v2, v1;
	_ =	sdelay $0x1  }
0x10f: {  	[tilespmem:s24+$0xD0] =	vst v1;
	v1 =	vld [tilespmem:s24+$0xE0]  }
0x110: {  	v2 =	vld [tilespmem:s30+$0xE0];
	_ =	sdelay $0x4  }
0x111: {  	v1 =	vmul.f32 v2, v1;
	_ =	sdelay $0x1  }
0x112: {  	[tilespmem:s24+$0xE0] =	vst v1;
	v1 =	vld [tilespmem:s24+$0xF0]  }
0x113: {  	v2 =	vld [tilespmem:s30+$0xF0];
	_ =	sdelay $0x1  }
.Ltmp0:
0x114: {  	(pc) =	sbr.rel @p1 .LBB2_3-.Ltmp0, $3  }
0x115: {  	_ =	sdelay $0x1  }
0x116: {  	v1 =	vmul.f32 v2, v1  }
0x117: {  	s24 =	sadd.s32 $0x200, s24  }
0x118: {  	[tilespmem:s10+$0xF0] =	vst v1  }
0x119: {  	[spmem:s4] =	stream.indirect.scatter.add.f32 [tilespmem:s28], [sflag:$0x5], $0x80, s20, s26, $0xb8;
	[tilespmem:$0x1C4F8] =	vst v63  }
0x11a: {  	_ = 	snop  }
0x11b: {  	[spmem:s5] =	stream.indirect.scatter.add.f32 [tilespmem:s8], [sflag:$0x7], $0x1, s20, s26, $0xb8;
	[tilespmem:$0x1C4F8] =	vst v63  }
0x11c: {  	_ =	swait.ge [sflag:s21], $0x2000  }
0x11d: {  	[sflag:s21] =	ssyncset.done $0x0  }
0x11e: {  	[sflag:s21] =	ssyncadd.s32 $0xFFFFE000  }
0x11f: {  	_ =	swait.ge [sflag:s23], $0x40  }
0x120: {  	s11 =	rddreg [dreg:$0xd]  }
0x121: {  	s10 =	sadd.s32 s9, s11  }
0x122: {  	[sflag:s23] =	ssyncset.done $0x0;
	s10 =	sshrl.u32 s10, $0x3  }
0x123: {  	[sflag:s23] =	ssyncadd.s32 $0xFFFFFFC0;
	s10 =	sadd.s32 s0, s10  }
0x124: {  	[tilespmem:s6], [sflag:$0x9] =	stream.linear.gather [hbm4b:s10+s6], $0x180, $0x38;
	[tilespmem:$0x1C4F8] =	vst v63  }
0x125: {  	_ =	swait.ge [sflag:s22], $0x180  }
0x126: {  	[sflag:s22] =	ssyncset.done $0x0  }
0x127: {  	[sflag:s22] =	ssyncadd.s32 $0xFFFFFE80  }
0x128: {  	[tilespmem:s28], [sflag:$0x1] =	stream.indirect.gather [hbm4b:s1+s26], $0x80, s31, s26, $0xb8;
	[tilespmem:$0x1C4F8] =	vst v63  }
0x129: {  	s24 =	simm.s32 $0x4600;
	s11 =	simm.s32 $0x480  }
0x12a: {  	[tilespmem:s24], [sflag:$0x3] =	stream.indirect.gather [hbm4b:s2+s26], $0x80, s11, s26, $0xb8;
	[tilespmem:$0x1C4F8] =	vst v63  }
0x12b: {  	_ =	swait.ge [sflag:s29], $0x2000  }
0x12c: {  	[sflag:s29] =	ssyncset.done $0x0  }
0x12d: {  	[sflag:s29] =	ssyncadd.s32 $0xFFFFE000  }
0x12e: {  	_ =	swait.ge [sflag:s12], $0x2000  }
0x12f: {  	[sflag:s12] =	ssyncset.done $0x0  }
0x130: {  	s10 =	simm.s32 $0x2700;
	[sflag:s12] =	ssyncadd.s32 $0xFFFFE000  }
0x131: {  	s30 =	simm.s32 $0x6700;
	v1 =	vld [tilespmem:s10+$0xFFFFFF00]  }
0x132: {  	v2 =	vld [tilespmem:s30+$0xFFFFFF00];
	_ =	sdelay $0x4  }
0x133: {  	v1 =	vmul.f32 v2, v1;
	_ =	sdelay $0x1  }
0x134: {  	[tilespmem:s10+$0xFFFFFF00] =	vst v1;
	v1 =	vld [tilespmem:s10+$0xFFFFFF10]  }
0x135: {  	v2 =	vld [tilespmem:s30+$0xFFFFFF10];
	_ =	sdelay $0x4  }
0x136: {  	v1 =	vmul.f32 v2, v1;
	_ =	sdelay $0x1  }
0x137: {  	[tilespmem:s10+$0xFFFFFF10] =	vst v1;
	v1 =	vld [tilespmem:s10+$0xFFFFFF20]  }
0x138: {  	v2 =	vld [tilespmem:s30+$0xFFFFFF20];
	_ =	sdelay $0x4  }
0x139: {  	v1 =	vmul.f32 v2, v1;
	_ =	sdelay $0x1  }
0x13a: {  	[tilespmem:s10+$0xFFFFFF20] =	vst v1;
	v1 =	vld [tilespmem:s10+$0xFFFFFF30]  }
0x13b: {  	v2 =	vld [tilespmem:s30+$0xFFFFFF30];
	_ =	sdelay $0x4  }
0x13c: {  	v1 =	vmul.f32 v2, v1;
	_ =	sdelay $0x1  }
0x13d: {  	[tilespmem:s10+$0xFFFFFF30] =	vst v1;
	v1 =	vld [tilespmem:s10+$0xFFFFFF40]  }
0x13e: {  	v2 =	vld [tilespmem:s30+$0xFFFFFF40];
	_ =	sdelay $0x4  }
0x13f: {  	v1 =	vmul.f32 v2, v1;
	_ =	sdelay $0x1  }
0x140: {  	[tilespmem:s10+$0xFFFFFF40] =	vst v1;
	v1 =	vld [tilespmem:s10+$0xFFFFFF50]  }
0x141: {  	v2 =	vld [tilespmem:s30+$0xFFFFFF50];
	_ =	sdelay $0x4  }
0x142: {  	v1 =	vmul.f32 v2, v1;
	_ =	sdelay $0x1  }
0x143: {  	[tilespmem:s10+$0xFFFFFF50] =	vst v1;
	v1 =	vld [tilespmem:s10+$0xFFFFFF60]  }
0x144: {  	v2 =	vld [tilespmem:s30+$0xFFFFFF60];
	_ =	sdelay $0x4  }
0x145: {  	v1 =	vmul.f32 v2, v1;
	_ =	sdelay $0x1  }
0x146: {  	[tilespmem:s10+$0xFFFFFF60] =	vst v1;
	v1 =	vld [tilespmem:s10+$0xFFFFFF70]  }
0x147: {  	v2 =	vld [tilespmem:s30+$0xFFFFFF70];
	_ =	sdelay $0x4  }
0x148: {  	v1 =	vmul.f32 v2, v1;
	_ =	sdelay $0x1  }
0x149: {  	[tilespmem:s10+$0xFFFFFF70] =	vst v1;
	v1 =	vld [tilespmem:s10+$0xFFFFFF80]  }
0x14a: {  	v2 =	vld [tilespmem:s30+$0xFFFFFF80];
	_ =	sdelay $0x4  }
0x14b: {  	v1 =	vmul.f32 v2, v1;
	_ =	sdelay $0x1  }
0x14c: {  	[tilespmem:s10+$0xFFFFFF80] =	vst v1;
	v1 =	vld [tilespmem:s10+$0xFFFFFF90]  }
0x14d: {  	v2 =	vld [tilespmem:s30+$0xFFFFFF90];
	_ =	sdelay $0x4  }
0x14e: {  	v1 =	vmul.f32 v2, v1;
	_ =	sdelay $0x1  }
0x14f: {  	[tilespmem:s10+$0xFFFFFF90] =	vst v1;
	v1 =	vld [tilespmem:s10+$0xFFFFFFA0]  }
0x150: {  	v2 =	vld [tilespmem:s30+$0xFFFFFFA0];
	_ =	sdelay $0x4  }
0x151: {  	v1 =	vmul.f32 v2, v1;
	_ =	sdelay $0x1  }
0x152: {  	[tilespmem:s10+$0xFFFFFFA0] =	vst v1;
	v1 =	vld [tilespmem:s10+$0xFFFFFFB0]  }
0x153: {  	v2 =	vld [tilespmem:s30+$0xFFFFFFB0];
	_ =	sdelay $0x4  }
0x154: {  	v1 =	vmul.f32 v2, v1;
	_ =	sdelay $0x1  }
0x155: {  	[tilespmem:s10+$0xFFFFFFB0] =	vst v1;
	v1 =	vld [tilespmem:s10+$0xFFFFFFC0]  }
0x156: {  	v2 =	vld [tilespmem:s30+$0xFFFFFFC0];
	_ =	sdelay $0x4  }
0x157: {  	v1 =	vmul.f32 v2, v1;
	_ =	sdelay $0x1  }
0x158: {  	[tilespmem:s10+$0xFFFFFFC0] =	vst v1;
	v1 =	vld [tilespmem:s10+$0xFFFFFFD0]  }
0x159: {  	v2 =	vld [tilespmem:s30+$0xFFFFFFD0];
	_ =	sdelay $0x4  }
0x15a: {  	v1 =	vmul.f32 v2, v1;
	_ =	sdelay $0x1  }
0x15b: {  	[tilespmem:s10+$0xFFFFFFD0] =	vst v1;
	v1 =	vld [tilespmem:s10+$0xFFFFFFE0]  }
0x15c: {  	v2 =	vld [tilespmem:s30+$0xFFFFFFE0];
	_ =	sdelay $0x4  }
0x15d: {  	v1 =	vmul.f32 v2, v1;
	_ =	sdelay $0x1  }
0x15e: {  	[tilespmem:s10+$0xFFFFFFE0] =	vst v1;
	v1 =	vld [tilespmem:s10+$0xFFFFFFF0]  }
0x15f: {  	v2 =	vld [tilespmem:s30+$0xFFFFFFF0];
	_ =	sdelay $0x4  }
0x160: {  	v1 =	vmul.f32 v2, v1;
	_ =	sdelay $0x1  }
0x161: {  	[tilespmem:s10+$0xFFFFFFF0] =	vst v1;
	v1 =	vld [tilespmem:s10+$0x0]  }
0x162: {  	v2 =	vld [tilespmem:s30+$0x0];
	_ =	sdelay $0x4  }
0x163: {  	v1 =	vmul.f32 v2, v1;
	_ =	sdelay $0x1  }
0x164: {  	[tilespmem:s10+$0x0] =	vst v1;
	v1 =	vld [tilespmem:s10+$0x10]  }
0x165: {  	v2 =	vld [tilespmem:s30+$0x10];
	_ =	sdelay $0x4  }
0x166: {  	v1 =	vmul.f32 v2, v1;
	_ =	sdelay $0x1  }
0x167: {  	[tilespmem:s10+$0x10] =	vst v1;
	v1 =	vld [tilespmem:s10+$0x20]  }
0x168: {  	v2 =	vld [tilespmem:s30+$0x20];
	_ =	sdelay $0x4  }
0x169: {  	v1 =	vmul.f32 v2, v1;
	_ =	sdelay $0x1  }
0x16a: {  	[tilespmem:s10+$0x20] =	vst v1;
	v1 =	vld [tilespmem:s10+$0x30]  }
0x16b: {  	v2 =	vld [tilespmem:s30+$0x30];
	_ =	sdelay $0x4  }
0x16c: {  	v1 =	vmul.f32 v2, v1;
	_ =	sdelay $0x1  }
0x16d: {  	[tilespmem:s10+$0x30] =	vst v1;
	v1 =	vld [tilespmem:s10+$0x40]  }
0x16e: {  	v2 =	vld [tilespmem:s30+$0x40];
	_ =	sdelay $0x4  }
0x16f: {  	v1 =	vmul.f32 v2, v1;
	_ =	sdelay $0x1  }
0x170: {  	[tilespmem:s10+$0x40] =	vst v1;
	v1 =	vld [tilespmem:s10+$0x50]  }
0x171: {  	v2 =	vld [tilespmem:s30+$0x50];
	_ =	sdelay $0x4  }
0x172: {  	v1 =	vmul.f32 v2, v1;
	_ =	sdelay $0x1  }
0x173: {  	[tilespmem:s10+$0x50] =	vst v1;
	v1 =	vld [tilespmem:s10+$0x60]  }
0x174: {  	v2 =	vld [tilespmem:s30+$0x60];
	_ =	sdelay $0x4  }
0x175: {  	v1 =	vmul.f32 v2, v1;
	_ =	sdelay $0x1  }
0x176: {  	[tilespmem:s10+$0x60] =	vst v1;
	v1 =	vld [tilespmem:s10+$0x70]  }
0x177: {  	v2 =	vld [tilespmem:s30+$0x70];
	_ =	sdelay $0x4  }
0x178: {  	v1 =	vmul.f32 v2, v1;
	_ =	sdelay $0x1  }
0x179: {  	[tilespmem:s10+$0x70] =	vst v1;
	v1 =	vld [tilespmem:s10+$0x80]  }
0x17a: {  	v2 =	vld [tilespmem:s30+$0x80];
	_ =	sdelay $0x4  }
0x17b: {  	v1 =	vmul.f32 v2, v1;
	_ =	sdelay $0x1  }
0x17c: {  	[tilespmem:s10+$0x80] =	vst v1;
	v1 =	vld [tilespmem:s10+$0x90]  }
0x17d: {  	v2 =	vld [tilespmem:s30+$0x90];
	_ =	sdelay $0x4  }
0x17e: {  	v1 =	vmul.f32 v2, v1;
	_ =	sdelay $0x1  }
0x17f: {  	[tilespmem:s10+$0x90] =	vst v1;
	v1 =	vld [tilespmem:s10+$0xA0]  }
0x180: {  	v2 =	vld [tilespmem:s30+$0xA0];
	_ =	sdelay $0x4  }
0x181: {  	v1 =	vmul.f32 v2, v1;
	_ =	sdelay $0x1  }
0x182: {  	[tilespmem:s10+$0xA0] =	vst v1;
	v1 =	vld [tilespmem:s10+$0xB0]  }
0x183: {  	v2 =	vld [tilespmem:s30+$0xB0];
	_ =	sdelay $0x4  }
0x184: {  	v1 =	vmul.f32 v2, v1;
	_ =	sdelay $0x1  }
0x185: {  	[tilespmem:s10+$0xB0] =	vst v1;
	v1 =	vld [tilespmem:s10+$0xC0]  }
0x186: {  	v2 =	vld [tilespmem:s30+$0xC0];
	_ =	sdelay $0x4  }
0x187: {  	v1 =	vmul.f32 v2, v1;
	_ =	sdelay $0x1  }
0x188: {  	[tilespmem:s10+$0xC0] =	vst v1;
	v1 =	vld [tilespmem:s10+$0xD0]  }
0x189: {  	v2 =	vld [tilespmem:s30+$0xD0];
	_ =	sdelay $0x4  }
0x18a: {  	v1 =	vmul.f32 v2, v1;
	_ =	sdelay $0x1  }
0x18b: {  	[tilespmem:s10+$0xD0] =	vst v1;
	v1 =	vld [tilespmem:s10+$0xE0]  }
0x18c: {  	v2 =	vld [tilespmem:s30+$0xE0];
	_ =	sdelay $0x4  }
0x18d: {  	v1 =	vmul.f32 v2, v1;
	_ =	sdelay $0x1  }
0x18e: {  	[tilespmem:s10+$0xE0] =	vst v1;
	v1 =	vld [tilespmem:s10+$0xF0]  }
0x18f: {  	v2 =	vld [tilespmem:s30+$0xF0];
	_ =	sdelay $0x4  }
0x190: {  	v1 =	vmul.f32 v2, v1  }
0x191: {  	s11 =	simm.s32 $0x0;
	s24 =	simm.s32 $0x2900  }
.LBB2_5:
0x192: {  	v2 =	vld [tilespmem:s24+$0xFFFFFF00];
	[tilespmem:s10+$0xF0] =	vst v1;
	s30 =	sadd.s32 $0x200, s30;
	s10 =	smov.u32 s24  }
0x193: {  	s11 =	sadd.s32 $0x4, s11;
	v1 =	vld [tilespmem:s30+$0xFFFFFF00]  }
0x194: {  	p1 =	slt.u32 s11, $0x3C;
	_ =	sdelay $0x3  }
0x195: {  	v1 =	vmul.f32 v1, v2;
	_ =	sdelay $0x1  }
0x196: {  	[tilespmem:s24+$0xFFFFFF00] =	vst v1;
	v1 =	vld [tilespmem:s24+$0xFFFFFF10]  }
0x197: {  	v2 =	vld [tilespmem:s30+$0xFFFFFF10];
	_ =	sdelay $0x4  }
0x198: {  	v1 =	vmul.f32 v2, v1;
	_ =	sdelay $0x1  }
0x199: {  	[tilespmem:s24+$0xFFFFFF10] =	vst v1;
	v1 =	vld [tilespmem:s24+$0xFFFFFF20]  }
0x19a: {  	v2 =	vld [tilespmem:s30+$0xFFFFFF20];
	_ =	sdelay $0x4  }
0x19b: {  	v1 =	vmul.f32 v2, v1;
	_ =	sdelay $0x1  }
0x19c: {  	[tilespmem:s24+$0xFFFFFF20] =	vst v1;
	v1 =	vld [tilespmem:s24+$0xFFFFFF30]  }
0x19d: {  	v2 =	vld [tilespmem:s30+$0xFFFFFF30];
	_ =	sdelay $0x4  }
0x19e: {  	v1 =	vmul.f32 v2, v1;
	_ =	sdelay $0x1  }
0x19f: {  	[tilespmem:s24+$0xFFFFFF30] =	vst v1;
	v1 =	vld [tilespmem:s24+$0xFFFFFF40]  }
0x1a0: {  	v2 =	vld [tilespmem:s30+$0xFFFFFF40];
	_ =	sdelay $0x4  }
0x1a1: {  	v1 =	vmul.f32 v2, v1;
	_ =	sdelay $0x1  }
0x1a2: {  	[tilespmem:s24+$0xFFFFFF40] =	vst v1;
	v1 =	vld [tilespmem:s24+$0xFFFFFF50]  }
0x1a3: {  	v2 =	vld [tilespmem:s30+$0xFFFFFF50];
	_ =	sdelay $0x4  }
0x1a4: {  	v1 =	vmul.f32 v2, v1;
	_ =	sdelay $0x1  }
0x1a5: {  	[tilespmem:s24+$0xFFFFFF50] =	vst v1;
	v1 =	vld [tilespmem:s24+$0xFFFFFF60]  }
0x1a6: {  	v2 =	vld [tilespmem:s30+$0xFFFFFF60];
	_ =	sdelay $0x4  }
0x1a7: {  	v1 =	vmul.f32 v2, v1;
	_ =	sdelay $0x1  }
0x1a8: {  	[tilespmem:s24+$0xFFFFFF60] =	vst v1;
	v1 =	vld [tilespmem:s24+$0xFFFFFF70]  }
0x1a9: {  	v2 =	vld [tilespmem:s30+$0xFFFFFF70];
	_ =	sdelay $0x4  }
0x1aa: {  	v1 =	vmul.f32 v2, v1;
	_ =	sdelay $0x1  }
0x1ab: {  	[tilespmem:s24+$0xFFFFFF70] =	vst v1;
	v1 =	vld [tilespmem:s24+$0xFFFFFF80]  }
0x1ac: {  	v2 =	vld [tilespmem:s30+$0xFFFFFF80];
	_ =	sdelay $0x4  }
0x1ad: {  	v1 =	vmul.f32 v2, v1;
	_ =	sdelay $0x1  }
0x1ae: {  	[tilespmem:s24+$0xFFFFFF80] =	vst v1;
	v1 =	vld [tilespmem:s24+$0xFFFFFF90]  }
0x1af: {  	v2 =	vld [tilespmem:s30+$0xFFFFFF90];
	_ =	sdelay $0x4  }
0x1b0: {  	v1 =	vmul.f32 v2, v1;
	_ =	sdelay $0x1  }
0x1b1: {  	[tilespmem:s24+$0xFFFFFF90] =	vst v1;
	v1 =	vld [tilespmem:s24+$0xFFFFFFA0]  }
0x1b2: {  	v2 =	vld [tilespmem:s30+$0xFFFFFFA0];
	_ =	sdelay $0x4  }
0x1b3: {  	v1 =	vmul.f32 v2, v1;
	_ =	sdelay $0x1  }
0x1b4: {  	[tilespmem:s24+$0xFFFFFFA0] =	vst v1;
	v1 =	vld [tilespmem:s24+$0xFFFFFFB0]  }
0x1b5: {  	v2 =	vld [tilespmem:s30+$0xFFFFFFB0];
	_ =	sdelay $0x4  }
0x1b6: {  	v1 =	vmul.f32 v2, v1;
	_ =	sdelay $0x1  }
0x1b7: {  	[tilespmem:s24+$0xFFFFFFB0] =	vst v1;
	v1 =	vld [tilespmem:s24+$0xFFFFFFC0]  }
0x1b8: {  	v2 =	vld [tilespmem:s30+$0xFFFFFFC0];
	_ =	sdelay $0x4  }
0x1b9: {  	v1 =	vmul.f32 v2, v1;
	_ =	sdelay $0x1  }
0x1ba: {  	[tilespmem:s24+$0xFFFFFFC0] =	vst v1;
	v1 =	vld [tilespmem:s24+$0xFFFFFFD0]  }
0x1bb: {  	v2 =	vld [tilespmem:s30+$0xFFFFFFD0];
	_ =	sdelay $0x4  }
0x1bc: {  	v1 =	vmul.f32 v2, v1;
	_ =	sdelay $0x1  }
0x1bd: {  	[tilespmem:s24+$0xFFFFFFD0] =	vst v1;
	v1 =	vld [tilespmem:s24+$0xFFFFFFE0]  }
0x1be: {  	v2 =	vld [tilespmem:s30+$0xFFFFFFE0];
	_ =	sdelay $0x4  }
0x1bf: {  	v1 =	vmul.f32 v2, v1;
	_ =	sdelay $0x1  }
0x1c0: {  	[tilespmem:s24+$0xFFFFFFE0] =	vst v1;
	v1 =	vld [tilespmem:s24+$0xFFFFFFF0]  }
0x1c1: {  	v2 =	vld [tilespmem:s30+$0xFFFFFFF0];
	_ =	sdelay $0x4  }
0x1c2: {  	v1 =	vmul.f32 v2, v1;
	_ =	sdelay $0x1  }
0x1c3: {  	[tilespmem:s24+$0xFFFFFFF0] =	vst v1;
	v1 =	vld [tilespmem:s24+$0x0]  }
0x1c4: {  	v2 =	vld [tilespmem:s30+$0x0];
	_ =	sdelay $0x4  }
0x1c5: {  	v1 =	vmul.f32 v2, v1;
	_ =	sdelay $0x1  }
0x1c6: {  	[tilespmem:s24+$0x0] =	vst v1;
	v1 =	vld [tilespmem:s24+$0x10]  }
0x1c7: {  	v2 =	vld [tilespmem:s30+$0x10];
	_ =	sdelay $0x4  }
0x1c8: {  	v1 =	vmul.f32 v2, v1;
	_ =	sdelay $0x1  }
0x1c9: {  	[tilespmem:s24+$0x10] =	vst v1;
	v1 =	vld [tilespmem:s24+$0x20]  }
0x1ca: {  	v2 =	vld [tilespmem:s30+$0x20];
	_ =	sdelay $0x4  }
0x1cb: {  	v1 =	vmul.f32 v2, v1;
	_ =	sdelay $0x1  }
0x1cc: {  	[tilespmem:s24+$0x20] =	vst v1;
	v1 =	vld [tilespmem:s24+$0x30]  }
0x1cd: {  	v2 =	vld [tilespmem:s30+$0x30];
	_ =	sdelay $0x4  }
0x1ce: {  	v1 =	vmul.f32 v2, v1;
	_ =	sdelay $0x1  }
0x1cf: {  	[tilespmem:s24+$0x30] =	vst v1;
	v1 =	vld [tilespmem:s24+$0x40]  }
0x1d0: {  	v2 =	vld [tilespmem:s30+$0x40];
	_ =	sdelay $0x4  }
0x1d1: {  	v1 =	vmul.f32 v2, v1;
	_ =	sdelay $0x1  }
0x1d2: {  	[tilespmem:s24+$0x40] =	vst v1;
	v1 =	vld [tilespmem:s24+$0x50]  }
0x1d3: {  	v2 =	vld [tilespmem:s30+$0x50];
	_ =	sdelay $0x4  }
0x1d4: {  	v1 =	vmul.f32 v2, v1;
	_ =	sdelay $0x1  }
0x1d5: {  	[tilespmem:s24+$0x50] =	vst v1;
	v1 =	vld [tilespmem:s24+$0x60]  }
0x1d6: {  	v2 =	vld [tilespmem:s30+$0x60];
	_ =	sdelay $0x4  }
0x1d7: {  	v1 =	vmul.f32 v2, v1;
	_ =	sdelay $0x1  }
0x1d8: {  	[tilespmem:s24+$0x60] =	vst v1;
	v1 =	vld [tilespmem:s24+$0x70]  }
0x1d9: {  	v2 =	vld [tilespmem:s30+$0x70];
	_ =	sdelay $0x4  }
0x1da: {  	v1 =	vmul.f32 v2, v1;
	_ =	sdelay $0x1  }
0x1db: {  	[tilespmem:s24+$0x70] =	vst v1;
	v1 =	vld [tilespmem:s24+$0x80]  }
0x1dc: {  	v2 =	vld [tilespmem:s30+$0x80];
	_ =	sdelay $0x4  }
0x1dd: {  	v1 =	vmul.f32 v2, v1;
	_ =	sdelay $0x1  }
0x1de: {  	[tilespmem:s24+$0x80] =	vst v1;
	v1 =	vld [tilespmem:s24+$0x90]  }
0x1df: {  	v2 =	vld [tilespmem:s30+$0x90];
	_ =	sdelay $0x4  }
0x1e0: {  	v1 =	vmul.f32 v2, v1;
	_ =	sdelay $0x1  }
0x1e1: {  	[tilespmem:s24+$0x90] =	vst v1;
	v1 =	vld [tilespmem:s24+$0xA0]  }
0x1e2: {  	v2 =	vld [tilespmem:s30+$0xA0];
	_ =	sdelay $0x4  }
0x1e3: {  	v1 =	vmul.f32 v2, v1;
	_ =	sdelay $0x1  }
0x1e4: {  	[tilespmem:s24+$0xA0] =	vst v1;
	v1 =	vld [tilespmem:s24+$0xB0]  }
0x1e5: {  	v2 =	vld [tilespmem:s30+$0xB0];
	_ =	sdelay $0x4  }
0x1e6: {  	v1 =	vmul.f32 v2, v1;
	_ =	sdelay $0x1  }
0x1e7: {  	[tilespmem:s24+$0xB0] =	vst v1;
	v1 =	vld [tilespmem:s24+$0xC0]  }
0x1e8: {  	v2 =	vld [tilespmem:s30+$0xC0];
	_ =	sdelay $0x4  }
0x1e9: {  	v1 =	vmul.f32 v2, v1;
	_ =	sdelay $0x1  }
0x1ea: {  	[tilespmem:s24+$0xC0] =	vst v1;
	v1 =	vld [tilespmem:s24+$0xD0]  }
0x1eb: {  	v2 =	vld [tilespmem:s30+$0xD0];
	_ =	sdelay $0x4  }
0x1ec: {  	v1 =	vmul.f32 v2, v1;
	_ =	sdelay $0x1  }
0x1ed: {  	[tilespmem:s24+$0xD0] =	vst v1;
	v1 =	vld [tilespmem:s24+$0xE0]  }
0x1ee: {  	v2 =	vld [tilespmem:s30+$0xE0];
	_ =	sdelay $0x4  }
0x1ef: {  	v1 =	vmul.f32 v2, v1;
	_ =	sdelay $0x1  }
0x1f0: {  	[tilespmem:s24+$0xE0] =	vst v1;
	v1 =	vld [tilespmem:s24+$0xF0]  }
0x1f1: {  	v2 =	vld [tilespmem:s30+$0xF0];
	_ =	sdelay $0x1  }
.Ltmp1:
0x1f2: {  	(pc) =	sbr.rel @p1 .LBB2_5-.Ltmp1, $3  }
0x1f3: {  	_ =	sdelay $0x1  }
0x1f4: {  	v1 =	vmul.f32 v2, v1  }
0x1f5: {  	s24 =	sadd.s32 $0x200, s24  }
0x1f6: {  	[tilespmem:s10+$0xF0] =	vst v1  }
0x1f7: {  	[spmem:s4] =	stream.indirect.scatter.add.f32 [tilespmem:s7], [sflag:$0x6], $0x80, s13, s26, $0xb8;
	[tilespmem:$0x1C4F8] =	vst v63  }
0x1f8: {  	_ = 	snop  }
0x1f9: {  	[spmem:s5] =	stream.indirect.scatter.add.f32 [tilespmem:s8], [sflag:$0x8], $0x1, s13, s26, $0xb8;
	[tilespmem:$0x1C4F8] =	vst v63  }
0x1fa: {  	_ =	swait.ge [sflag:s14], $0x2000  }
0x1fb: {  	[sflag:s14] =	ssyncset.done $0x0  }
0x1fc: {  	[sflag:s14] =	ssyncadd.s32 $0xFFFFE000  }
0x1fd: {  	_ =	swait.ge [sflag:s15], $0x40  }
0x1fe: {  	s24 =	rddreg [dreg:$0xe]  }
0x1ff: {  	s10 =	sadd.s32 s9, s24  }
0x200: {  	[sflag:s15] =	ssyncset.done $0x0;
	s10 =	sshrl.u32 s10, $0x3  }
0x201: {  	s11 =	simm.s32 $0x9;
	[sflag:s15] =	ssyncadd.s32 $0xFFFFFFC0;
	s10 =	sadd.s32 s0, s10  }
0x202: {  	[tilespmem:s25], [sflag:$0xA] =	stream.linear.gather [hbm4b:s10+s6], $0x180, $0x38;
	[tilespmem:$0x1C4F8] =	vst v63  }
0x203: {  	_ =	swait.ge [sflag:s11], $0x180  }
0x204: {  	[sflag:s11] =	ssyncset.done $0x0  }
0x205: {  	[sflag:s11] =	ssyncadd.s32 $0xFFFFFE80  }
0x206: {  	[tilespmem:s7], [sflag:$0x2] =	stream.indirect.gather [hbm4b:s1+s26], $0x80, s6, s26, $0xb8;
	[tilespmem:$0x1C4F8] =	vst v63  }
0x207: {  	s24 =	simm.s32 $0x80;
	s11 =	simm.s32 $0x6600  }
0x208: {  	[tilespmem:s11], [sflag:$0x4] =	stream.indirect.gather [hbm4b:s2+s26], $0x80, s24, s26, $0xb8;
	[tilespmem:$0x1C4F8] =	vst v63  }
0x209: {  	_ =	swait.ge [sflag:s18], $0x2000  }
0x20a: {  	[sflag:s18] =	ssyncset.done $0x0  }
0x20b: {  	[sflag:s18] =	ssyncadd.s32 $0xFFFFE000  }
0x20c: {  	_ =	swait.ge [sflag:s19], $0x2000  }
0x20d: {  	[sflag:s19] =	ssyncset.done $0x0  }
0x20e: {  	s10 =	simm.s32 $0x700;
	[sflag:s19] =	ssyncadd.s32 $0xFFFFE000  }
0x20f: {  	s30 =	simm.s32 $0x4700;
	v1 =	vld [tilespmem:s10+$0xFFFFFF00]  }
0x210: {  	v2 =	vld [tilespmem:s30+$0xFFFFFF00];
	_ =	sdelay $0x4  }
0x211: {  	v1 =	vmul.f32 v2, v1;
	_ =	sdelay $0x1  }
0x212: {  	[tilespmem:s10+$0xFFFFFF00] =	vst v1;
	v1 =	vld [tilespmem:s10+$0xFFFFFF10]  }
0x213: {  	v2 =	vld [tilespmem:s30+$0xFFFFFF10];
	_ =	sdelay $0x4  }
0x214: {  	v1 =	vmul.f32 v2, v1;
	_ =	sdelay $0x1  }
0x215: {  	[tilespmem:s10+$0xFFFFFF10] =	vst v1;
	v1 =	vld [tilespmem:s10+$0xFFFFFF20]  }
0x216: {  	v2 =	vld [tilespmem:s30+$0xFFFFFF20];
	_ =	sdelay $0x4  }
0x217: {  	v1 =	vmul.f32 v2, v1;
	_ =	sdelay $0x1  }
0x218: {  	[tilespmem:s10+$0xFFFFFF20] =	vst v1;
	v1 =	vld [tilespmem:s10+$0xFFFFFF30]  }
0x219: {  	v2 =	vld [tilespmem:s30+$0xFFFFFF30];
	_ =	sdelay $0x4  }
0x21a: {  	v1 =	vmul.f32 v2, v1;
	_ =	sdelay $0x1  }
0x21b: {  	[tilespmem:s10+$0xFFFFFF30] =	vst v1;
	v1 =	vld [tilespmem:s10+$0xFFFFFF40]  }
0x21c: {  	v2 =	vld [tilespmem:s30+$0xFFFFFF40];
	_ =	sdelay $0x4  }
0x21d: {  	v1 =	vmul.f32 v2, v1;
	_ =	sdelay $0x1  }
0x21e: {  	[tilespmem:s10+$0xFFFFFF40] =	vst v1;
	v1 =	vld [tilespmem:s10+$0xFFFFFF50]  }
0x21f: {  	v2 =	vld [tilespmem:s30+$0xFFFFFF50];
	_ =	sdelay $0x4  }
0x220: {  	v1 =	vmul.f32 v2, v1;
	_ =	sdelay $0x1  }
0x221: {  	[tilespmem:s10+$0xFFFFFF50] =	vst v1;
	v1 =	vld [tilespmem:s10+$0xFFFFFF60]  }
0x222: {  	v2 =	vld [tilespmem:s30+$0xFFFFFF60];
	_ =	sdelay $0x4  }
0x223: {  	v1 =	vmul.f32 v2, v1;
	_ =	sdelay $0x1  }
0x224: {  	[tilespmem:s10+$0xFFFFFF60] =	vst v1;
	v1 =	vld [tilespmem:s10+$0xFFFFFF70]  }
0x225: {  	v2 =	vld [tilespmem:s30+$0xFFFFFF70];
	_ =	sdelay $0x4  }
0x226: {  	v1 =	vmul.f32 v2, v1;
	_ =	sdelay $0x1  }
0x227: {  	[tilespmem:s10+$0xFFFFFF70] =	vst v1;
	v1 =	vld [tilespmem:s10+$0xFFFFFF80]  }
0x228: {  	v2 =	vld [tilespmem:s30+$0xFFFFFF80];
	_ =	sdelay $0x4  }
0x229: {  	v1 =	vmul.f32 v2, v1;
	_ =	sdelay $0x1  }
0x22a: {  	[tilespmem:s10+$0xFFFFFF80] =	vst v1;
	v1 =	vld [tilespmem:s10+$0xFFFFFF90]  }
0x22b: {  	v2 =	vld [tilespmem:s30+$0xFFFFFF90];
	_ =	sdelay $0x4  }
0x22c: {  	v1 =	vmul.f32 v2, v1;
	_ =	sdelay $0x1  }
0x22d: {  	[tilespmem:s10+$0xFFFFFF90] =	vst v1;
	v1 =	vld [tilespmem:s10+$0xFFFFFFA0]  }
0x22e: {  	v2 =	vld [tilespmem:s30+$0xFFFFFFA0];
	_ =	sdelay $0x4  }
0x22f: {  	v1 =	vmul.f32 v2, v1;
	_ =	sdelay $0x1  }
0x230: {  	[tilespmem:s10+$0xFFFFFFA0] =	vst v1;
	v1 =	vld [tilespmem:s10+$0xFFFFFFB0]  }
0x231: {  	v2 =	vld [tilespmem:s30+$0xFFFFFFB0];
	_ =	sdelay $0x4  }
0x232: {  	v1 =	vmul.f32 v2, v1;
	_ =	sdelay $0x1  }
0x233: {  	[tilespmem:s10+$0xFFFFFFB0] =	vst v1;
	v1 =	vld [tilespmem:s10+$0xFFFFFFC0]  }
0x234: {  	v2 =	vld [tilespmem:s30+$0xFFFFFFC0];
	_ =	sdelay $0x4  }
0x235: {  	v1 =	vmul.f32 v2, v1;
	_ =	sdelay $0x1  }
0x236: {  	[tilespmem:s10+$0xFFFFFFC0] =	vst v1;
	v1 =	vld [tilespmem:s10+$0xFFFFFFD0]  }
0x237: {  	v2 =	vld [tilespmem:s30+$0xFFFFFFD0];
	_ =	sdelay $0x4  }
0x238: {  	v1 =	vmul.f32 v2, v1;
	_ =	sdelay $0x1  }
0x239: {  	[tilespmem:s10+$0xFFFFFFD0] =	vst v1;
	v1 =	vld [tilespmem:s10+$0xFFFFFFE0]  }
0x23a: {  	v2 =	vld [tilespmem:s30+$0xFFFFFFE0];
	_ =	sdelay $0x4  }
0x23b: {  	v1 =	vmul.f32 v2, v1;
	_ =	sdelay $0x1  }
0x23c: {  	[tilespmem:s10+$0xFFFFFFE0] =	vst v1;
	v1 =	vld [tilespmem:s10+$0xFFFFFFF0]  }
0x23d: {  	v2 =	vld [tilespmem:s30+$0xFFFFFFF0];
	_ =	sdelay $0x4  }
0x23e: {  	v1 =	vmul.f32 v2, v1;
	_ =	sdelay $0x1  }
0x23f: {  	[tilespmem:s10+$0xFFFFFFF0] =	vst v1;
	v1 =	vld [tilespmem:s10+$0x0]  }
0x240: {  	v2 =	vld [tilespmem:s30+$0x0];
	_ =	sdelay $0x4  }
0x241: {  	v1 =	vmul.f32 v2, v1;
	_ =	sdelay $0x1  }
0x242: {  	[tilespmem:s10+$0x0] =	vst v1;
	v1 =	vld [tilespmem:s10+$0x10]  }
0x243: {  	v2 =	vld [tilespmem:s30+$0x10];
	_ =	sdelay $0x4  }
0x244: {  	v1 =	vmul.f32 v2, v1;
	_ =	sdelay $0x1  }
0x245: {  	[tilespmem:s10+$0x10] =	vst v1;
	v1 =	vld [tilespmem:s10+$0x20]  }
0x246: {  	v2 =	vld [tilespmem:s30+$0x20];
	_ =	sdelay $0x4  }
0x247: {  	v1 =	vmul.f32 v2, v1;
	_ =	sdelay $0x1  }
0x248: {  	[tilespmem:s10+$0x20] =	vst v1;
	v1 =	vld [tilespmem:s10+$0x30]  }
0x249: {  	v2 =	vld [tilespmem:s30+$0x30];
	_ =	sdelay $0x4  }
0x24a: {  	v1 =	vmul.f32 v2, v1;
	_ =	sdelay $0x1  }
0x24b: {  	[tilespmem:s10+$0x30] =	vst v1;
	v1 =	vld [tilespmem:s10+$0x40]  }
0x24c: {  	v2 =	vld [tilespmem:s30+$0x40];
	_ =	sdelay $0x4  }
0x24d: {  	v1 =	vmul.f32 v2, v1;
	_ =	sdelay $0x1  }
0x24e: {  	[tilespmem:s10+$0x40] =	vst v1;
	v1 =	vld [tilespmem:s10+$0x50]  }
0x24f: {  	v2 =	vld [tilespmem:s30+$0x50];
	_ =	sdelay $0x4  }
0x250: {  	v1 =	vmul.f32 v2, v1;
	_ =	sdelay $0x1  }
0x251: {  	[tilespmem:s10+$0x50] =	vst v1;
	v1 =	vld [tilespmem:s10+$0x60]  }
0x252: {  	v2 =	vld [tilespmem:s30+$0x60];
	_ =	sdelay $0x4  }
0x253: {  	v1 =	vmul.f32 v2, v1;
	_ =	sdelay $0x1  }
0x254: {  	[tilespmem:s10+$0x60] =	vst v1;
	v1 =	vld [tilespmem:s10+$0x70]  }
0x255: {  	v2 =	vld [tilespmem:s30+$0x70];
	_ =	sdelay $0x4  }
0x256: {  	v1 =	vmul.f32 v2, v1;
	_ =	sdelay $0x1  }
0x257: {  	[tilespmem:s10+$0x70] =	vst v1;
	v1 =	vld [tilespmem:s10+$0x80]  }
0x258: {  	v2 =	vld [tilespmem:s30+$0x80];
	_ =	sdelay $0x4  }
0x259: {  	v1 =	vmul.f32 v2, v1;
	_ =	sdelay $0x1  }
0x25a: {  	[tilespmem:s10+$0x80] =	vst v1;
	v1 =	vld [tilespmem:s10+$0x90]  }
0x25b: {  	v2 =	vld [tilespmem:s30+$0x90];
	_ =	sdelay $0x4  }
0x25c: {  	v1 =	vmul.f32 v2, v1;
	_ =	sdelay $0x1  }
0x25d: {  	[tilespmem:s10+$0x90] =	vst v1;
	v1 =	vld [tilespmem:s10+$0xA0]  }
0x25e: {  	v2 =	vld [tilespmem:s30+$0xA0];
	_ =	sdelay $0x4  }
0x25f: {  	v1 =	vmul.f32 v2, v1;
	_ =	sdelay $0x1  }
0x260: {  	[tilespmem:s10+$0xA0] =	vst v1;
	v1 =	vld [tilespmem:s10+$0xB0]  }
0x261: {  	v2 =	vld [tilespmem:s30+$0xB0];
	_ =	sdelay $0x4  }
0x262: {  	v1 =	vmul.f32 v2, v1;
	_ =	sdelay $0x1  }
0x263: {  	[tilespmem:s10+$0xB0] =	vst v1;
	v1 =	vld [tilespmem:s10+$0xC0]  }
0x264: {  	v2 =	vld [tilespmem:s30+$0xC0];
	_ =	sdelay $0x4  }
0x265: {  	v1 =	vmul.f32 v2, v1;
	_ =	sdelay $0x1  }
0x266: {  	[tilespmem:s10+$0xC0] =	vst v1;
	v1 =	vld [tilespmem:s10+$0xD0]  }
0x267: {  	v2 =	vld [tilespmem:s30+$0xD0];
	_ =	sdelay $0x4  }
0x268: {  	v1 =	vmul.f32 v2, v1;
	_ =	sdelay $0x1  }
0x269: {  	[tilespmem:s10+$0xD0] =	vst v1;
	v1 =	vld [tilespmem:s10+$0xE0]  }
0x26a: {  	v2 =	vld [tilespmem:s30+$0xE0];
	_ =	sdelay $0x4  }
0x26b: {  	v1 =	vmul.f32 v2, v1;
	_ =	sdelay $0x1  }
0x26c: {  	[tilespmem:s10+$0xE0] =	vst v1;
	v1 =	vld [tilespmem:s10+$0xF0]  }
0x26d: {  	v2 =	vld [tilespmem:s30+$0xF0];
	_ =	sdelay $0x4  }
0x26e: {  	v1 =	vmul.f32 v2, v1  }
0x26f: {  	s11 =	simm.s32 $0x0;
	s24 =	simm.s32 $0x900  }
.LBB2_7:
0x270: {  	v2 =	vld [tilespmem:s24+$0xFFFFFF00];
	[tilespmem:s10+$0xF0] =	vst v1;
	s30 =	sadd.s32 $0x200, s30;
	s10 =	smov.u32 s24  }
0x271: {  	s11 =	sadd.s32 $0x4, s11;
	v1 =	vld [tilespmem:s30+$0xFFFFFF00]  }
0x272: {  	p1 =	slt.u32 s11, $0x3C;
	_ =	sdelay $0x3  }
0x273: {  	v1 =	vmul.f32 v1, v2;
	_ =	sdelay $0x1  }
0x274: {  	[tilespmem:s24+$0xFFFFFF00] =	vst v1;
	v1 =	vld [tilespmem:s24+$0xFFFFFF10]  }
0x275: {  	v2 =	vld [tilespmem:s30+$0xFFFFFF10];
	_ =	sdelay $0x4  }
0x276: {  	v1 =	vmul.f32 v2, v1;
	_ =	sdelay $0x1  }
0x277: {  	[tilespmem:s24+$0xFFFFFF10] =	vst v1;
	v1 =	vld [tilespmem:s24+$0xFFFFFF20]  }
0x278: {  	v2 =	vld [tilespmem:s30+$0xFFFFFF20];
	_ =	sdelay $0x4  }
0x279: {  	v1 =	vmul.f32 v2, v1;
	_ =	sdelay $0x1  }
0x27a: {  	[tilespmem:s24+$0xFFFFFF20] =	vst v1;
	v1 =	vld [tilespmem:s24+$0xFFFFFF30]  }
0x27b: {  	v2 =	vld [tilespmem:s30+$0xFFFFFF30];
	_ =	sdelay $0x4  }
0x27c: {  	v1 =	vmul.f32 v2, v1;
	_ =	sdelay $0x1  }
0x27d: {  	[tilespmem:s24+$0xFFFFFF30] =	vst v1;
	v1 =	vld [tilespmem:s24+$0xFFFFFF40]  }
0x27e: {  	v2 =	vld [tilespmem:s30+$0xFFFFFF40];
	_ =	sdelay $0x4  }
0x27f: {  	v1 =	vmul.f32 v2, v1;
	_ =	sdelay $0x1  }
0x280: {  	[tilespmem:s24+$0xFFFFFF40] =	vst v1;
	v1 =	vld [tilespmem:s24+$0xFFFFFF50]  }
0x281: {  	v2 =	vld [tilespmem:s30+$0xFFFFFF50];
	_ =	sdelay $0x4  }
0x282: {  	v1 =	vmul.f32 v2, v1;
	_ =	sdelay $0x1  }
0x283: {  	[tilespmem:s24+$0xFFFFFF50] =	vst v1;
	v1 =	vld [tilespmem:s24+$0xFFFFFF60]  }
0x284: {  	v2 =	vld [tilespmem:s30+$0xFFFFFF60];
	_ =	sdelay $0x4  }
0x285: {  	v1 =	vmul.f32 v2, v1;
	_ =	sdelay $0x1  }
0x286: {  	[tilespmem:s24+$0xFFFFFF60] =	vst v1;
	v1 =	vld [tilespmem:s24+$0xFFFFFF70]  }
0x287: {  	v2 =	vld [tilespmem:s30+$0xFFFFFF70];
	_ =	sdelay $0x4  }
0x288: {  	v1 =	vmul.f32 v2, v1;
	_ =	sdelay $0x1  }
0x289: {  	[tilespmem:s24+$0xFFFFFF70] =	vst v1;
	v1 =	vld [tilespmem:s24+$0xFFFFFF80]  }
0x28a: {  	v2 =	vld [tilespmem:s30+$0xFFFFFF80];
	_ =	sdelay $0x4  }
0x28b: {  	v1 =	vmul.f32 v2, v1;
	_ =	sdelay $0x1  }
0x28c: {  	[tilespmem:s24+$0xFFFFFF80] =	vst v1;
	v1 =	vld [tilespmem:s24+$0xFFFFFF90]  }
0x28d: {  	v2 =	vld [tilespmem:s30+$0xFFFFFF90];
	_ =	sdelay $0x4  }
0x28e: {  	v1 =	vmul.f32 v2, v1;
	_ =	sdelay $0x1  }
0x28f: {  	[tilespmem:s24+$0xFFFFFF90] =	vst v1;
	v1 =	vld [tilespmem:s24+$0xFFFFFFA0]  }
0x290: {  	v2 =	vld [tilespmem:s30+$0xFFFFFFA0];
	_ =	sdelay $0x4  }
0x291: {  	v1 =	vmul.f32 v2, v1;
	_ =	sdelay $0x1  }
0x292: {  	[tilespmem:s24+$0xFFFFFFA0] =	vst v1;
	v1 =	vld [tilespmem:s24+$0xFFFFFFB0]  }
0x293: {  	v2 =	vld [tilespmem:s30+$0xFFFFFFB0];
	_ =	sdelay $0x4  }
0x294: {  	v1 =	vmul.f32 v2, v1;
	_ =	sdelay $0x1  }
0x295: {  	[tilespmem:s24+$0xFFFFFFB0] =	vst v1;
	v1 =	vld [tilespmem:s24+$0xFFFFFFC0]  }
0x296: {  	v2 =	vld [tilespmem:s30+$0xFFFFFFC0];
	_ =	sdelay $0x4  }
0x297: {  	v1 =	vmul.f32 v2, v1;
	_ =	sdelay $0x1  }
0x298: {  	[tilespmem:s24+$0xFFFFFFC0] =	vst v1;
	v1 =	vld [tilespmem:s24+$0xFFFFFFD0]  }
0x299: {  	v2 =	vld [tilespmem:s30+$0xFFFFFFD0];
	_ =	sdelay $0x4  }
0x29a: {  	v1 =	vmul.f32 v2, v1;
	_ =	sdelay $0x1  }
0x29b: {  	[tilespmem:s24+$0xFFFFFFD0] =	vst v1;
	v1 =	vld [tilespmem:s24+$0xFFFFFFE0]  }
0x29c: {  	v2 =	vld [tilespmem:s30+$0xFFFFFFE0];
	_ =	sdelay $0x4  }
0x29d: {  	v1 =	vmul.f32 v2, v1;
	_ =	sdelay $0x1  }
0x29e: {  	[tilespmem:s24+$0xFFFFFFE0] =	vst v1;
	v1 =	vld [tilespmem:s24+$0xFFFFFFF0]  }
0x29f: {  	v2 =	vld [tilespmem:s30+$0xFFFFFFF0];
	_ =	sdelay $0x4  }
0x2a0: {  	v1 =	vmul.f32 v2, v1;
	_ =	sdelay $0x1  }
0x2a1: {  	[tilespmem:s24+$0xFFFFFFF0] =	vst v1;
	v1 =	vld [tilespmem:s24+$0x0]  }
0x2a2: {  	v2 =	vld [tilespmem:s30+$0x0];
	_ =	sdelay $0x4  }
0x2a3: {  	v1 =	vmul.f32 v2, v1;
	_ =	sdelay $0x1  }
0x2a4: {  	[tilespmem:s24+$0x0] =	vst v1;
	v1 =	vld [tilespmem:s24+$0x10]  }
0x2a5: {  	v2 =	vld [tilespmem:s30+$0x10];
	_ =	sdelay $0x4  }
0x2a6: {  	v1 =	vmul.f32 v2, v1;
	_ =	sdelay $0x1  }
0x2a7: {  	[tilespmem:s24+$0x10] =	vst v1;
	v1 =	vld [tilespmem:s24+$0x20]  }
0x2a8: {  	v2 =	vld [tilespmem:s30+$0x20];
	_ =	sdelay $0x4  }
0x2a9: {  	v1 =	vmul.f32 v2, v1;
	_ =	sdelay $0x1  }
0x2aa: {  	[tilespmem:s24+$0x20] =	vst v1;
	v1 =	vld [tilespmem:s24+$0x30]  }
0x2ab: {  	v2 =	vld [tilespmem:s30+$0x30];
	_ =	sdelay $0x4  }
0x2ac: {  	v1 =	vmul.f32 v2, v1;
	_ =	sdelay $0x1  }
0x2ad: {  	[tilespmem:s24+$0x30] =	vst v1;
	v1 =	vld [tilespmem:s24+$0x40]  }
0x2ae: {  	v2 =	vld [tilespmem:s30+$0x40];
	_ =	sdelay $0x4  }
0x2af: {  	v1 =	vmul.f32 v2, v1;
	_ =	sdelay $0x1  }
0x2b0: {  	[tilespmem:s24+$0x40] =	vst v1;
	v1 =	vld [tilespmem:s24+$0x50]  }
0x2b1: {  	v2 =	vld [tilespmem:s30+$0x50];
	_ =	sdelay $0x4  }
0x2b2: {  	v1 =	vmul.f32 v2, v1;
	_ =	sdelay $0x1  }
0x2b3: {  	[tilespmem:s24+$0x50] =	vst v1;
	v1 =	vld [tilespmem:s24+$0x60]  }
0x2b4: {  	v2 =	vld [tilespmem:s30+$0x60];
	_ =	sdelay $0x4  }
0x2b5: {  	v1 =	vmul.f32 v2, v1;
	_ =	sdelay $0x1  }
0x2b6: {  	[tilespmem:s24+$0x60] =	vst v1;
	v1 =	vld [tilespmem:s24+$0x70]  }
0x2b7: {  	v2 =	vld [tilespmem:s30+$0x70];
	_ =	sdelay $0x4  }
0x2b8: {  	v1 =	vmul.f32 v2, v1;
	_ =	sdelay $0x1  }
0x2b9: {  	[tilespmem:s24+$0x70] =	vst v1;
	v1 =	vld [tilespmem:s24+$0x80]  }
0x2ba: {  	v2 =	vld [tilespmem:s30+$0x80];
	_ =	sdelay $0x4  }
0x2bb: {  	v1 =	vmul.f32 v2, v1;
	_ =	sdelay $0x1  }
0x2bc: {  	[tilespmem:s24+$0x80] =	vst v1;
	v1 =	vld [tilespmem:s24+$0x90]  }
0x2bd: {  	v2 =	vld [tilespmem:s30+$0x90];
	_ =	sdelay $0x4  }
0x2be: {  	v1 =	vmul.f32 v2, v1;
	_ =	sdelay $0x1  }
0x2bf: {  	[tilespmem:s24+$0x90] =	vst v1;
	v1 =	vld [tilespmem:s24+$0xA0]  }
0x2c0: {  	v2 =	vld [tilespmem:s30+$0xA0];
	_ =	sdelay $0x4  }
0x2c1: {  	v1 =	vmul.f32 v2, v1;
	_ =	sdelay $0x1  }
0x2c2: {  	[tilespmem:s24+$0xA0] =	vst v1;
	v1 =	vld [tilespmem:s24+$0xB0]  }
0x2c3: {  	v2 =	vld [tilespmem:s30+$0xB0];
	_ =	sdelay $0x4  }
0x2c4: {  	v1 =	vmul.f32 v2, v1;
	_ =	sdelay $0x1  }
0x2c5: {  	[tilespmem:s24+$0xB0] =	vst v1;
	v1 =	vld [tilespmem:s24+$0xC0]  }
0x2c6: {  	v2 =	vld [tilespmem:s30+$0xC0];
	_ =	sdelay $0x4  }
0x2c7: {  	v1 =	vmul.f32 v2, v1;
	_ =	sdelay $0x1  }
0x2c8: {  	[tilespmem:s24+$0xC0] =	vst v1;
	v1 =	vld [tilespmem:s24+$0xD0]  }
0x2c9: {  	v2 =	vld [tilespmem:s30+$0xD0];
	_ =	sdelay $0x4  }
0x2ca: {  	v1 =	vmul.f32 v2, v1;
	_ =	sdelay $0x1  }
0x2cb: {  	[tilespmem:s24+$0xD0] =	vst v1;
	v1 =	vld [tilespmem:s24+$0xE0]  }
0x2cc: {  	v2 =	vld [tilespmem:s30+$0xE0];
	_ =	sdelay $0x4  }
0x2cd: {  	v1 =	vmul.f32 v2, v1;
	_ =	sdelay $0x1  }
0x2ce: {  	[tilespmem:s24+$0xE0] =	vst v1;
	v1 =	vld [tilespmem:s24+$0xF0]  }
0x2cf: {  	v2 =	vld [tilespmem:s30+$0xF0];
	_ =	sdelay $0x1  }
.Ltmp2:
0x2d0: {  	(pc) =	sbr.rel @p1 .LBB2_7-.Ltmp2, $3  }
0x2d1: {  	_ =	sdelay $0x1  }
0x2d2: {  	v1 =	vmul.f32 v2, v1  }
0x2d3: {  	s24 =	sadd.s32 $0x200, s24  }
0x2d4: {  	[tilespmem:s10+$0xF0] =	vst v1  }
0x2d5: {  	[spmem:s4] =	stream.indirect.scatter.add.f32 [tilespmem:s28], [sflag:$0x5], $0x80, s16, s26, $0xb8;
	[tilespmem:$0x1C4F8] =	vst v63  }
0x2d6: {  	_ = 	snop  }
0x2d7: {  	[spmem:s5] =	stream.indirect.scatter.add.f32 [tilespmem:s8], [sflag:$0x7], $0x1, s16, s26, $0xb8;
	[tilespmem:$0x1C4F8] =	vst v63  }
0x2d8: {  	_ =	swait.ge [sflag:s21], $0x2000  }
0x2d9: {  	[sflag:s21] =	ssyncset.done $0x0  }
0x2da: {  	[sflag:s21] =	ssyncadd.s32 $0xFFFFE000  }
0x2db: {  	_ =	swait.ge [sflag:s23], $0x40  }
0x2dc: {  	s11 =	rddreg [dreg:$0xf]  }
0x2dd: {  	s10 =	sadd.s32 s9, s11  }
0x2de: {  	[sflag:s23] =	ssyncset.done $0x0;
	s10 =	sshrl.u32 s10, $0x3  }
0x2df: {  	[sflag:s23] =	ssyncadd.s32 $0xFFFFFFC0;
	s10 =	sadd.s32 s0, s10  }
0x2e0: {  	[tilespmem:s31], [sflag:$0xB] =	stream.linear.gather [hbm4b:s10+s6], $0x180, $0x38;
	[tilespmem:$0x1C4F8] =	vst v63  }
0x2e1: {  	_ =	swait.ge [sflag:s3], $0x180  }
0x2e2: {  	[sflag:s3] =	ssyncset.done $0x0  }
0x2e3: {  	[sflag:s3] =	ssyncadd.s32 $0xFFFFFE80  }
0x2e4: {  	[tilespmem:s28], [sflag:$0x1] =	stream.indirect.gather [hbm4b:s1+s26], $0x80, s25, s26, $0xb8;
	[tilespmem:$0x1C4F8] =	vst v63  }
0x2e5: {  	s24 =	simm.s32 $0x4600;
	s11 =	simm.s32 $0x280  }
0x2e6: {  	[tilespmem:s24], [sflag:$0x3] =	stream.indirect.gather [hbm4b:s2+s26], $0x80, s11, s26, $0xb8;
	[tilespmem:$0x1C4F8] =	vst v63  }
0x2e7: {  	_ =	swait.ge [sflag:s29], $0x2000  }
0x2e8: {  	[sflag:s29] =	ssyncset.done $0x0  }
0x2e9: {  	[sflag:s29] =	ssyncadd.s32 $0xFFFFE000  }
0x2ea: {  	_ =	swait.ge [sflag:s12], $0x2000  }
0x2eb: {  	[sflag:s12] =	ssyncset.done $0x0  }
0x2ec: {  	s10 =	simm.s32 $0x2700;
	[sflag:s12] =	ssyncadd.s32 $0xFFFFE000  }
0x2ed: {  	s30 =	simm.s32 $0x6700;
	v1 =	vld [tilespmem:s10+$0xFFFFFF00]  }
0x2ee: {  	v2 =	vld [tilespmem:s30+$0xFFFFFF00];
	_ =	sdelay $0x4  }
0x2ef: {  	v1 =	vmul.f32 v2, v1;
	_ =	sdelay $0x1  }
0x2f0: {  	[tilespmem:s10+$0xFFFFFF00] =	vst v1;
	v1 =	vld [tilespmem:s10+$0xFFFFFF10]  }
0x2f1: {  	v2 =	vld [tilespmem:s30+$0xFFFFFF10];
	_ =	sdelay $0x4  }
0x2f2: {  	v1 =	vmul.f32 v2, v1;
	_ =	sdelay $0x1  }
0x2f3: {  	[tilespmem:s10+$0xFFFFFF10] =	vst v1;
	v1 =	vld [tilespmem:s10+$0xFFFFFF20]  }
0x2f4: {  	v2 =	vld [tilespmem:s30+$0xFFFFFF20];
	_ =	sdelay $0x4  }
0x2f5: {  	v1 =	vmul.f32 v2, v1;
	_ =	sdelay $0x1  }
0x2f6: {  	[tilespmem:s10+$0xFFFFFF20] =	vst v1;
	v1 =	vld [tilespmem:s10+$0xFFFFFF30]  }
0x2f7: {  	v2 =	vld [tilespmem:s30+$0xFFFFFF30];
	_ =	sdelay $0x4  }
0x2f8: {  	v1 =	vmul.f32 v2, v1;
	_ =	sdelay $0x1  }
0x2f9: {  	[tilespmem:s10+$0xFFFFFF30] =	vst v1;
	v1 =	vld [tilespmem:s10+$0xFFFFFF40]  }
0x2fa: {  	v2 =	vld [tilespmem:s30+$0xFFFFFF40];
	_ =	sdelay $0x4  }
0x2fb: {  	v1 =	vmul.f32 v2, v1;
	_ =	sdelay $0x1  }
0x2fc: {  	[tilespmem:s10+$0xFFFFFF40] =	vst v1;
	v1 =	vld [tilespmem:s10+$0xFFFFFF50]  }
0x2fd: {  	v2 =	vld [tilespmem:s30+$0xFFFFFF50];
	_ =	sdelay $0x4  }
0x2fe: {  	v1 =	vmul.f32 v2, v1;
	_ =	sdelay $0x1  }
0x2ff: {  	[tilespmem:s10+$0xFFFFFF50] =	vst v1;
	v1 =	vld [tilespmem:s10+$0xFFFFFF60]  }
0x300: {  	v2 =	vld [tilespmem:s30+$0xFFFFFF60];
	_ =	sdelay $0x4  }
0x301: {  	v1 =	vmul.f32 v2, v1;
	_ =	sdelay $0x1  }
0x302: {  	[tilespmem:s10+$0xFFFFFF60] =	vst v1;
	v1 =	vld [tilespmem:s10+$0xFFFFFF70]  }
0x303: {  	v2 =	vld [tilespmem:s30+$0xFFFFFF70];
	_ =	sdelay $0x4  }
0x304: {  	v1 =	vmul.f32 v2, v1;
	_ =	sdelay $0x1  }
0x305: {  	[tilespmem:s10+$0xFFFFFF70] =	vst v1;
	v1 =	vld [tilespmem:s10+$0xFFFFFF80]  }
0x306: {  	v2 =	vld [tilespmem:s30+$0xFFFFFF80];
	_ =	sdelay $0x4  }
0x307: {  	v1 =	vmul.f32 v2, v1;
	_ =	sdelay $0x1  }
0x308: {  	[tilespmem:s10+$0xFFFFFF80] =	vst v1;
	v1 =	vld [tilespmem:s10+$0xFFFFFF90]  }
0x309: {  	v2 =	vld [tilespmem:s30+$0xFFFFFF90];
	_ =	sdelay $0x4  }
0x30a: {  	v1 =	vmul.f32 v2, v1;
	_ =	sdelay $0x1  }
0x30b: {  	[tilespmem:s10+$0xFFFFFF90] =	vst v1;
	v1 =	vld [tilespmem:s10+$0xFFFFFFA0]  }
0x30c: {  	v2 =	vld [tilespmem:s30+$0xFFFFFFA0];
	_ =	sdelay $0x4  }
0x30d: {  	v1 =	vmul.f32 v2, v1;
	_ =	sdelay $0x1  }
0x30e: {  	[tilespmem:s10+$0xFFFFFFA0] =	vst v1;
	v1 =	vld [tilespmem:s10+$0xFFFFFFB0]  }
0x30f: {  	v2 =	vld [tilespmem:s30+$0xFFFFFFB0];
	_ =	sdelay $0x4  }
0x310: {  	v1 =	vmul.f32 v2, v1;
	_ =	sdelay $0x1  }
0x311: {  	[tilespmem:s10+$0xFFFFFFB0] =	vst v1;
	v1 =	vld [tilespmem:s10+$0xFFFFFFC0]  }
0x312: {  	v2 =	vld [tilespmem:s30+$0xFFFFFFC0];
	_ =	sdelay $0x4  }
0x313: {  	v1 =	vmul.f32 v2, v1;
	_ =	sdelay $0x1  }
0x314: {  	[tilespmem:s10+$0xFFFFFFC0] =	vst v1;
	v1 =	vld [tilespmem:s10+$0xFFFFFFD0]  }
0x315: {  	v2 =	vld [tilespmem:s30+$0xFFFFFFD0];
	_ =	sdelay $0x4  }
0x316: {  	v1 =	vmul.f32 v2, v1;
	_ =	sdelay $0x1  }
0x317: {  	[tilespmem:s10+$0xFFFFFFD0] =	vst v1;
	v1 =	vld [tilespmem:s10+$0xFFFFFFE0]  }
0x318: {  	v2 =	vld [tilespmem:s30+$0xFFFFFFE0];
	_ =	sdelay $0x4  }
0x319: {  	v1 =	vmul.f32 v2, v1;
	_ =	sdelay $0x1  }
0x31a: {  	[tilespmem:s10+$0xFFFFFFE0] =	vst v1;
	v1 =	vld [tilespmem:s10+$0xFFFFFFF0]  }
0x31b: {  	v2 =	vld [tilespmem:s30+$0xFFFFFFF0];
	_ =	sdelay $0x4  }
0x31c: {  	v1 =	vmul.f32 v2, v1;
	_ =	sdelay $0x1  }
0x31d: {  	[tilespmem:s10+$0xFFFFFFF0] =	vst v1;
	v1 =	vld [tilespmem:s10+$0x0]  }
0x31e: {  	v2 =	vld [tilespmem:s30+$0x0];
	_ =	sdelay $0x4  }
0x31f: {  	v1 =	vmul.f32 v2, v1;
	_ =	sdelay $0x1  }
0x320: {  	[tilespmem:s10+$0x0] =	vst v1;
	v1 =	vld [tilespmem:s10+$0x10]  }
0x321: {  	v2 =	vld [tilespmem:s30+$0x10];
	_ =	sdelay $0x4  }
0x322: {  	v1 =	vmul.f32 v2, v1;
	_ =	sdelay $0x1  }
0x323: {  	[tilespmem:s10+$0x10] =	vst v1;
	v1 =	vld [tilespmem:s10+$0x20]  }
0x324: {  	v2 =	vld [tilespmem:s30+$0x20];
	_ =	sdelay $0x4  }
0x325: {  	v1 =	vmul.f32 v2, v1;
	_ =	sdelay $0x1  }
0x326: {  	[tilespmem:s10+$0x20] =	vst v1;
	v1 =	vld [tilespmem:s10+$0x30]  }
0x327: {  	v2 =	vld [tilespmem:s30+$0x30];
	_ =	sdelay $0x4  }
0x328: {  	v1 =	vmul.f32 v2, v1;
	_ =	sdelay $0x1  }
0x329: {  	[tilespmem:s10+$0x30] =	vst v1;
	v1 =	vld [tilespmem:s10+$0x40]  }
0x32a: {  	v2 =	vld [tilespmem:s30+$0x40];
	_ =	sdelay $0x4  }
0x32b: {  	v1 =	vmul.f32 v2, v1;
	_ =	sdelay $0x1  }
0x32c: {  	[tilespmem:s10+$0x40] =	vst v1;
	v1 =	vld [tilespmem:s10+$0x50]  }
0x32d: {  	v2 =	vld [tilespmem:s30+$0x50];
	_ =	sdelay $0x4  }
0x32e: {  	v1 =	vmul.f32 v2, v1;
	_ =	sdelay $0x1  }
0x32f: {  	[tilespmem:s10+$0x50] =	vst v1;
	v1 =	vld [tilespmem:s10+$0x60]  }
0x330: {  	v2 =	vld [tilespmem:s30+$0x60];
	_ =	sdelay $0x4  }
0x331: {  	v1 =	vmul.f32 v2, v1;
	_ =	sdelay $0x1  }
0x332: {  	[tilespmem:s10+$0x60] =	vst v1;
	v1 =	vld [tilespmem:s10+$0x70]  }
0x333: {  	v2 =	vld [tilespmem:s30+$0x70];
	_ =	sdelay $0x4  }
0x334: {  	v1 =	vmul.f32 v2, v1;
	_ =	sdelay $0x1  }
0x335: {  	[tilespmem:s10+$0x70] =	vst v1;
	v1 =	vld [tilespmem:s10+$0x80]  }
0x336: {  	v2 =	vld [tilespmem:s30+$0x80];
	_ =	sdelay $0x4  }
0x337: {  	v1 =	vmul.f32 v2, v1;
	_ =	sdelay $0x1  }
0x338: {  	[tilespmem:s10+$0x80] =	vst v1;
	v1 =	vld [tilespmem:s10+$0x90]  }
0x339: {  	v2 =	vld [tilespmem:s30+$0x90];
	_ =	sdelay $0x4  }
0x33a: {  	v1 =	vmul.f32 v2, v1;
	_ =	sdelay $0x1  }
0x33b: {  	[tilespmem:s10+$0x90] =	vst v1;
	v1 =	vld [tilespmem:s10+$0xA0]  }
0x33c: {  	v2 =	vld [tilespmem:s30+$0xA0];
	_ =	sdelay $0x4  }
0x33d: {  	v1 =	vmul.f32 v2, v1;
	_ =	sdelay $0x1  }
0x33e: {  	[tilespmem:s10+$0xA0] =	vst v1;
	v1 =	vld [tilespmem:s10+$0xB0]  }
0x33f: {  	v2 =	vld [tilespmem:s30+$0xB0];
	_ =	sdelay $0x4  }
0x340: {  	v1 =	vmul.f32 v2, v1;
	_ =	sdelay $0x1  }
0x341: {  	[tilespmem:s10+$0xB0] =	vst v1;
	v1 =	vld [tilespmem:s10+$0xC0]  }
0x342: {  	v2 =	vld [tilespmem:s30+$0xC0];
	_ =	sdelay $0x4  }
0x343: {  	v1 =	vmul.f32 v2, v1;
	_ =	sdelay $0x1  }
0x344: {  	[tilespmem:s10+$0xC0] =	vst v1;
	v1 =	vld [tilespmem:s10+$0xD0]  }
0x345: {  	v2 =	vld [tilespmem:s30+$0xD0];
	_ =	sdelay $0x4  }
0x346: {  	v1 =	vmul.f32 v2, v1;
	_ =	sdelay $0x1  }
0x347: {  	[tilespmem:s10+$0xD0] =	vst v1;
	v1 =	vld [tilespmem:s10+$0xE0]  }
0x348: {  	v2 =	vld [tilespmem:s30+$0xE0];
	_ =	sdelay $0x4  }
0x349: {  	v1 =	vmul.f32 v2, v1;
	_ =	sdelay $0x1  }
0x34a: {  	[tilespmem:s10+$0xE0] =	vst v1;
	v1 =	vld [tilespmem:s10+$0xF0]  }
0x34b: {  	v2 =	vld [tilespmem:s30+$0xF0];
	_ =	sdelay $0x4  }
0x34c: {  	v1 =	vmul.f32 v2, v1  }
0x34d: {  	s11 =	simm.s32 $0x0;
	s24 =	simm.s32 $0x2900  }
.LBB2_9:
0x34e: {  	v2 =	vld [tilespmem:s24+$0xFFFFFF00];
	[tilespmem:s10+$0xF0] =	vst v1;
	s30 =	sadd.s32 $0x200, s30;
	s10 =	smov.u32 s24  }
0x34f: {  	s11 =	sadd.s32 $0x4, s11;
	v1 =	vld [tilespmem:s30+$0xFFFFFF00]  }
0x350: {  	p1 =	slt.u32 s11, $0x3C;
	_ =	sdelay $0x3  }
0x351: {  	v1 =	vmul.f32 v1, v2;
	_ =	sdelay $0x1  }
0x352: {  	[tilespmem:s24+$0xFFFFFF00] =	vst v1;
	v1 =	vld [tilespmem:s24+$0xFFFFFF10]  }
0x353: {  	v2 =	vld [tilespmem:s30+$0xFFFFFF10];
	_ =	sdelay $0x4  }
0x354: {  	v1 =	vmul.f32 v2, v1;
	_ =	sdelay $0x1  }
0x355: {  	[tilespmem:s24+$0xFFFFFF10] =	vst v1;
	v1 =	vld [tilespmem:s24+$0xFFFFFF20]  }
0x356: {  	v2 =	vld [tilespmem:s30+$0xFFFFFF20];
	_ =	sdelay $0x4  }
0x357: {  	v1 =	vmul.f32 v2, v1;
	_ =	sdelay $0x1  }
0x358: {  	[tilespmem:s24+$0xFFFFFF20] =	vst v1;
	v1 =	vld [tilespmem:s24+$0xFFFFFF30]  }
0x359: {  	v2 =	vld [tilespmem:s30+$0xFFFFFF30];
	_ =	sdelay $0x4  }
0x35a: {  	v1 =	vmul.f32 v2, v1;
	_ =	sdelay $0x1  }
0x35b: {  	[tilespmem:s24+$0xFFFFFF30] =	vst v1;
	v1 =	vld [tilespmem:s24+$0xFFFFFF40]  }
0x35c: {  	v2 =	vld [tilespmem:s30+$0xFFFFFF40];
	_ =	sdelay $0x4  }
0x35d: {  	v1 =	vmul.f32 v2, v1;
	_ =	sdelay $0x1  }
0x35e: {  	[tilespmem:s24+$0xFFFFFF40] =	vst v1;
	v1 =	vld [tilespmem:s24+$0xFFFFFF50]  }
0x35f: {  	v2 =	vld [tilespmem:s30+$0xFFFFFF50];
	_ =	sdelay $0x4  }
0x360: {  	v1 =	vmul.f32 v2, v1;
	_ =	sdelay $0x1  }
0x361: {  	[tilespmem:s24+$0xFFFFFF50] =	vst v1;
	v1 =	vld [tilespmem:s24+$0xFFFFFF60]  }
0x362: {  	v2 =	vld [tilespmem:s30+$0xFFFFFF60];
	_ =	sdelay $0x4  }
0x363: {  	v1 =	vmul.f32 v2, v1;
	_ =	sdelay $0x1  }
0x364: {  	[tilespmem:s24+$0xFFFFFF60] =	vst v1;
	v1 =	vld [tilespmem:s24+$0xFFFFFF70]  }
0x365: {  	v2 =	vld [tilespmem:s30+$0xFFFFFF70];
	_ =	sdelay $0x4  }
0x366: {  	v1 =	vmul.f32 v2, v1;
	_ =	sdelay $0x1  }
0x367: {  	[tilespmem:s24+$0xFFFFFF70] =	vst v1;
	v1 =	vld [tilespmem:s24+$0xFFFFFF80]  }
0x368: {  	v2 =	vld [tilespmem:s30+$0xFFFFFF80];
	_ =	sdelay $0x4  }
0x369: {  	v1 =	vmul.f32 v2, v1;
	_ =	sdelay $0x1  }
0x36a: {  	[tilespmem:s24+$0xFFFFFF80] =	vst v1;
	v1 =	vld [tilespmem:s24+$0xFFFFFF90]  }
0x36b: {  	v2 =	vld [tilespmem:s30+$0xFFFFFF90];
	_ =	sdelay $0x4  }
0x36c: {  	v1 =	vmul.f32 v2, v1;
	_ =	sdelay $0x1  }
0x36d: {  	[tilespmem:s24+$0xFFFFFF90] =	vst v1;
	v1 =	vld [tilespmem:s24+$0xFFFFFFA0]  }
0x36e: {  	v2 =	vld [tilespmem:s30+$0xFFFFFFA0];
	_ =	sdelay $0x4  }
0x36f: {  	v1 =	vmul.f32 v2, v1;
	_ =	sdelay $0x1  }
0x370: {  	[tilespmem:s24+$0xFFFFFFA0] =	vst v1;
	v1 =	vld [tilespmem:s24+$0xFFFFFFB0]  }
0x371: {  	v2 =	vld [tilespmem:s30+$0xFFFFFFB0];
	_ =	sdelay $0x4  }
0x372: {  	v1 =	vmul.f32 v2, v1;
	_ =	sdelay $0x1  }
0x373: {  	[tilespmem:s24+$0xFFFFFFB0] =	vst v1;
	v1 =	vld [tilespmem:s24+$0xFFFFFFC0]  }
0x374: {  	v2 =	vld [tilespmem:s30+$0xFFFFFFC0];
	_ =	sdelay $0x4  }
0x375: {  	v1 =	vmul.f32 v2, v1;
	_ =	sdelay $0x1  }
0x376: {  	[tilespmem:s24+$0xFFFFFFC0] =	vst v1;
	v1 =	vld [tilespmem:s24+$0xFFFFFFD0]  }
0x377: {  	v2 =	vld [tilespmem:s30+$0xFFFFFFD0];
	_ =	sdelay $0x4  }
0x378: {  	v1 =	vmul.f32 v2, v1;
	_ =	sdelay $0x1  }
0x379: {  	[tilespmem:s24+$0xFFFFFFD0] =	vst v1;
	v1 =	vld [tilespmem:s24+$0xFFFFFFE0]  }
0x37a: {  	v2 =	vld [tilespmem:s30+$0xFFFFFFE0];
	_ =	sdelay $0x4  }
0x37b: {  	v1 =	vmul.f32 v2, v1;
	_ =	sdelay $0x1  }
0x37c: {  	[tilespmem:s24+$0xFFFFFFE0] =	vst v1;
	v1 =	vld [tilespmem:s24+$0xFFFFFFF0]  }
0x37d: {  	v2 =	vld [tilespmem:s30+$0xFFFFFFF0];
	_ =	sdelay $0x4  }
0x37e: {  	v1 =	vmul.f32 v2, v1;
	_ =	sdelay $0x1  }
0x37f: {  	[tilespmem:s24+$0xFFFFFFF0] =	vst v1;
	v1 =	vld [tilespmem:s24+$0x0]  }
0x380: {  	v2 =	vld [tilespmem:s30+$0x0];
	_ =	sdelay $0x4  }
0x381: {  	v1 =	vmul.f32 v2, v1;
	_ =	sdelay $0x1  }
0x382: {  	[tilespmem:s24+$0x0] =	vst v1;
	v1 =	vld [tilespmem:s24+$0x10]  }
0x383: {  	v2 =	vld [tilespmem:s30+$0x10];
	_ =	sdelay $0x4  }
0x384: {  	v1 =	vmul.f32 v2, v1;
	_ =	sdelay $0x1  }
0x385: {  	[tilespmem:s24+$0x10] =	vst v1;
	v1 =	vld [tilespmem:s24+$0x20]  }
0x386: {  	v2 =	vld [tilespmem:s30+$0x20];
	_ =	sdelay $0x4  }
0x387: {  	v1 =	vmul.f32 v2, v1;
	_ =	sdelay $0x1  }
0x388: {  	[tilespmem:s24+$0x20] =	vst v1;
	v1 =	vld [tilespmem:s24+$0x30]  }
0x389: {  	v2 =	vld [tilespmem:s30+$0x30];
	_ =	sdelay $0x4  }
0x38a: {  	v1 =	vmul.f32 v2, v1;
	_ =	sdelay $0x1  }
0x38b: {  	[tilespmem:s24+$0x30] =	vst v1;
	v1 =	vld [tilespmem:s24+$0x40]  }
0x38c: {  	v2 =	vld [tilespmem:s30+$0x40];
	_ =	sdelay $0x4  }
0x38d: {  	v1 =	vmul.f32 v2, v1;
	_ =	sdelay $0x1  }
0x38e: {  	[tilespmem:s24+$0x40] =	vst v1;
	v1 =	vld [tilespmem:s24+$0x50]  }
0x38f: {  	v2 =	vld [tilespmem:s30+$0x50];
	_ =	sdelay $0x4  }
0x390: {  	v1 =	vmul.f32 v2, v1;
	_ =	sdelay $0x1  }
0x391: {  	[tilespmem:s24+$0x50] =	vst v1;
	v1 =	vld [tilespmem:s24+$0x60]  }
0x392: {  	v2 =	vld [tilespmem:s30+$0x60];
	_ =	sdelay $0x4  }
0x393: {  	v1 =	vmul.f32 v2, v1;
	_ =	sdelay $0x1  }
0x394: {  	[tilespmem:s24+$0x60] =	vst v1;
	v1 =	vld [tilespmem:s24+$0x70]  }
0x395: {  	v2 =	vld [tilespmem:s30+$0x70];
	_ =	sdelay $0x4  }
0x396: {  	v1 =	vmul.f32 v2, v1;
	_ =	sdelay $0x1  }
0x397: {  	[tilespmem:s24+$0x70] =	vst v1;
	v1 =	vld [tilespmem:s24+$0x80]  }
0x398: {  	v2 =	vld [tilespmem:s30+$0x80];
	_ =	sdelay $0x4  }
0x399: {  	v1 =	vmul.f32 v2, v1;
	_ =	sdelay $0x1  }
0x39a: {  	[tilespmem:s24+$0x80] =	vst v1;
	v1 =	vld [tilespmem:s24+$0x90]  }
0x39b: {  	v2 =	vld [tilespmem:s30+$0x90];
	_ =	sdelay $0x4  }
0x39c: {  	v1 =	vmul.f32 v2, v1;
	_ =	sdelay $0x1  }
0x39d: {  	[tilespmem:s24+$0x90] =	vst v1;
	v1 =	vld [tilespmem:s24+$0xA0]  }
0x39e: {  	v2 =	vld [tilespmem:s30+$0xA0];
	_ =	sdelay $0x4  }
0x39f: {  	v1 =	vmul.f32 v2, v1;
	_ =	sdelay $0x1  }
0x3a0: {  	[tilespmem:s24+$0xA0] =	vst v1;
	v1 =	vld [tilespmem:s24+$0xB0]  }
0x3a1: {  	v2 =	vld [tilespmem:s30+$0xB0];
	_ =	sdelay $0x4  }
0x3a2: {  	v1 =	vmul.f32 v2, v1;
	_ =	sdelay $0x1  }
0x3a3: {  	[tilespmem:s24+$0xB0] =	vst v1;
	v1 =	vld [tilespmem:s24+$0xC0]  }
0x3a4: {  	v2 =	vld [tilespmem:s30+$0xC0];
	_ =	sdelay $0x4  }
0x3a5: {  	v1 =	vmul.f32 v2, v1;
	_ =	sdelay $0x1  }
0x3a6: {  	[tilespmem:s24+$0xC0] =	vst v1;
	v1 =	vld [tilespmem:s24+$0xD0]  }
0x3a7: {  	v2 =	vld [tilespmem:s30+$0xD0];
	_ =	sdelay $0x4  }
0x3a8: {  	v1 =	vmul.f32 v2, v1;
	_ =	sdelay $0x1  }
0x3a9: {  	[tilespmem:s24+$0xD0] =	vst v1;
	v1 =	vld [tilespmem:s24+$0xE0]  }
0x3aa: {  	v2 =	vld [tilespmem:s30+$0xE0];
	_ =	sdelay $0x4  }
0x3ab: {  	v1 =	vmul.f32 v2, v1;
	_ =	sdelay $0x1  }
0x3ac: {  	[tilespmem:s24+$0xE0] =	vst v1;
	v1 =	vld [tilespmem:s24+$0xF0]  }
0x3ad: {  	v2 =	vld [tilespmem:s30+$0xF0];
	_ =	sdelay $0x1  }
.Ltmp3:
0x3ae: {  	(pc) =	sbr.rel @p1 .LBB2_9-.Ltmp3, $3  }
0x3af: {  	_ =	sdelay $0x1  }
0x3b0: {  	v1 =	vmul.f32 v2, v1  }
0x3b1: {  	s24 =	sadd.s32 $0x200, s24  }
0x3b2: {  	[tilespmem:s10+$0xF0] =	vst v1  }
0x3b3: {  	[spmem:s4] =	stream.indirect.scatter.add.f32 [tilespmem:s7], [sflag:$0x6], $0x80, s20, s26, $0xb8;
	[tilespmem:$0x1C4F8] =	vst v63  }
0x3b4: {  	_ = 	snop  }
0x3b5: {  	[spmem:s5] =	stream.indirect.scatter.add.f32 [tilespmem:s8], [sflag:$0x8], $0x1, s20, s26, $0xb8;
	[tilespmem:$0x1C4F8] =	vst v63  }
0x3b6: {  	_ =	swait.ge [sflag:s14], $0x2000  }
0x3b7: {  	[sflag:s14] =	ssyncset.done $0x0  }
0x3b8: {  	[sflag:s14] =	ssyncadd.s32 $0xFFFFE000  }
0x3b9: {  	_ =	swait.ge [sflag:s15], $0x40  }
0x3ba: {  	p1 =	seq.s32 s17, $0x1A;
	s10 =	rddreg [dreg:$0x10]  }
0x3bb: {  	s10 =	sadd.s32 @!p1 s9, s10  }
0x3bc: {  	[sflag:s15] =	ssyncset.done $0x0;
	s10 =	sshrl.u32 @!p1 s10, $0x3  }
0x3bd: {  	s11 =	simm.s32 @!p1 $0x0;
	[sflag:s15] =	ssyncadd.s32 $0xFFFFFFC0;
	s10 =	sadd.s32 @!p1 s0, s10  }
0x3be: {  	[tilespmem:s11], [sflag:$0x9] =	stream.linear.gather @!p1 [hbm4b:s10+s11], $0x180, $0x38;
	[tilespmem:$0x1C4F8] =	vst v63  }
0x3bf: {  	_ =	swait.ge [sflag:s22], $0x180  }
0x3c0: {  	[sflag:s22] =	ssyncset.done $0x0  }
0x3c1: {  	[sflag:s22] =	ssyncadd.s32 $0xFFFFFE80  }
0x3c2: {  	[tilespmem:s7], [sflag:$0x2] =	stream.indirect.gather [hbm4b:s1+s26], $0x80, s31, s26, $0xb8;
	[tilespmem:$0x1C4F8] =	vst v63  }
0x3c3: {  	s24 =	simm.s32 $0x480;
	s11 =	simm.s32 $0x6600  }
0x3c4: {  	[tilespmem:s11], [sflag:$0x4] =	stream.indirect.gather [hbm4b:s2+s26], $0x80, s24, s26, $0xb8;
	[tilespmem:$0x1C4F8] =	vst v63  }
0x3c5: {  	_ =	swait.ge [sflag:s18], $0x2000  }
0x3c6: {  	[sflag:s18] =	ssyncset.done $0x0  }
0x3c7: {  	[sflag:s18] =	ssyncadd.s32 $0xFFFFE000  }
0x3c8: {  	_ =	swait.ge [sflag:s19], $0x2000  }
0x3c9: {  	[sflag:s19] =	ssyncset.done $0x0  }
0x3ca: {  	s10 =	simm.s32 $0x700;
	[sflag:s19] =	ssyncadd.s32 $0xFFFFE000  }
0x3cb: {  	s30 =	simm.s32 $0x4700;
	v1 =	vld [tilespmem:s10+$0xFFFFFF00]  }
0x3cc: {  	v2 =	vld [tilespmem:s30+$0xFFFFFF00];
	_ =	sdelay $0x4  }
0x3cd: {  	v1 =	vmul.f32 v2, v1;
	_ =	sdelay $0x1  }
0x3ce: {  	[tilespmem:s10+$0xFFFFFF00] =	vst v1;
	v1 =	vld [tilespmem:s10+$0xFFFFFF10]  }
0x3cf: {  	v2 =	vld [tilespmem:s30+$0xFFFFFF10];
	_ =	sdelay $0x4  }
0x3d0: {  	v1 =	vmul.f32 v2, v1;
	_ =	sdelay $0x1  }
0x3d1: {  	[tilespmem:s10+$0xFFFFFF10] =	vst v1;
	v1 =	vld [tilespmem:s10+$0xFFFFFF20]  }
0x3d2: {  	v2 =	vld [tilespmem:s30+$0xFFFFFF20];
	_ =	sdelay $0x4  }
0x3d3: {  	v1 =	vmul.f32 v2, v1;
	_ =	sdelay $0x1  }
0x3d4: {  	[tilespmem:s10+$0xFFFFFF20] =	vst v1;
	v1 =	vld [tilespmem:s10+$0xFFFFFF30]  }
0x3d5: {  	v2 =	vld [tilespmem:s30+$0xFFFFFF30];
	_ =	sdelay $0x4  }
0x3d6: {  	v1 =	vmul.f32 v2, v1;
	_ =	sdelay $0x1  }
0x3d7: {  	[tilespmem:s10+$0xFFFFFF30] =	vst v1;
	v1 =	vld [tilespmem:s10+$0xFFFFFF40]  }
0x3d8: {  	v2 =	vld [tilespmem:s30+$0xFFFFFF40];
	_ =	sdelay $0x4  }
0x3d9: {  	v1 =	vmul.f32 v2, v1;
	_ =	sdelay $0x1  }
0x3da: {  	[tilespmem:s10+$0xFFFFFF40] =	vst v1;
	v1 =	vld [tilespmem:s10+$0xFFFFFF50]  }
0x3db: {  	v2 =	vld [tilespmem:s30+$0xFFFFFF50];
	_ =	sdelay $0x4  }
0x3dc: {  	v1 =	vmul.f32 v2, v1;
	_ =	sdelay $0x1  }
0x3dd: {  	[tilespmem:s10+$0xFFFFFF50] =	vst v1;
	v1 =	vld [tilespmem:s10+$0xFFFFFF60]  }
0x3de: {  	v2 =	vld [tilespmem:s30+$0xFFFFFF60];
	_ =	sdelay $0x4  }
0x3df: {  	v1 =	vmul.f32 v2, v1;
	_ =	sdelay $0x1  }
0x3e0: {  	[tilespmem:s10+$0xFFFFFF60] =	vst v1;
	v1 =	vld [tilespmem:s10+$0xFFFFFF70]  }
0x3e1: {  	v2 =	vld [tilespmem:s30+$0xFFFFFF70];
	_ =	sdelay $0x4  }
0x3e2: {  	v1 =	vmul.f32 v2, v1;
	_ =	sdelay $0x1  }
0x3e3: {  	[tilespmem:s10+$0xFFFFFF70] =	vst v1;
	v1 =	vld [tilespmem:s10+$0xFFFFFF80]  }
0x3e4: {  	v2 =	vld [tilespmem:s30+$0xFFFFFF80];
	_ =	sdelay $0x4  }
0x3e5: {  	v1 =	vmul.f32 v2, v1;
	_ =	sdelay $0x1  }
0x3e6: {  	[tilespmem:s10+$0xFFFFFF80] =	vst v1;
	v1 =	vld [tilespmem:s10+$0xFFFFFF90]  }
0x3e7: {  	v2 =	vld [tilespmem:s30+$0xFFFFFF90];
	_ =	sdelay $0x4  }
0x3e8: {  	v1 =	vmul.f32 v2, v1;
	_ =	sdelay $0x1  }
0x3e9: {  	[tilespmem:s10+$0xFFFFFF90] =	vst v1;
	v1 =	vld [tilespmem:s10+$0xFFFFFFA0]  }
0x3ea: {  	v2 =	vld [tilespmem:s30+$0xFFFFFFA0];
	_ =	sdelay $0x4  }
0x3eb: {  	v1 =	vmul.f32 v2, v1;
	_ =	sdelay $0x1  }
0x3ec: {  	[tilespmem:s10+$0xFFFFFFA0] =	vst v1;
	v1 =	vld [tilespmem:s10+$0xFFFFFFB0]  }
0x3ed: {  	v2 =	vld [tilespmem:s30+$0xFFFFFFB0];
	_ =	sdelay $0x4  }
0x3ee: {  	v1 =	vmul.f32 v2, v1;
	_ =	sdelay $0x1  }
0x3ef: {  	[tilespmem:s10+$0xFFFFFFB0] =	vst v1;
	v1 =	vld [tilespmem:s10+$0xFFFFFFC0]  }
0x3f0: {  	v2 =	vld [tilespmem:s30+$0xFFFFFFC0];
	_ =	sdelay $0x4  }
0x3f1: {  	v1 =	vmul.f32 v2, v1;
	_ =	sdelay $0x1  }
0x3f2: {  	[tilespmem:s10+$0xFFFFFFC0] =	vst v1;
	v1 =	vld [tilespmem:s10+$0xFFFFFFD0]  }
0x3f3: {  	v2 =	vld [tilespmem:s30+$0xFFFFFFD0];
	_ =	sdelay $0x4  }
0x3f4: {  	v1 =	vmul.f32 v2, v1;
	_ =	sdelay $0x1  }
0x3f5: {  	[tilespmem:s10+$0xFFFFFFD0] =	vst v1;
	v1 =	vld [tilespmem:s10+$0xFFFFFFE0]  }
0x3f6: {  	v2 =	vld [tilespmem:s30+$0xFFFFFFE0];
	_ =	sdelay $0x4  }
0x3f7: {  	v1 =	vmul.f32 v2, v1;
	_ =	sdelay $0x1  }
0x3f8: {  	[tilespmem:s10+$0xFFFFFFE0] =	vst v1;
	v1 =	vld [tilespmem:s10+$0xFFFFFFF0]  }
0x3f9: {  	v2 =	vld [tilespmem:s30+$0xFFFFFFF0];
	_ =	sdelay $0x4  }
0x3fa: {  	v1 =	vmul.f32 v2, v1;
	_ =	sdelay $0x1  }
0x3fb: {  	[tilespmem:s10+$0xFFFFFFF0] =	vst v1;
	v1 =	vld [tilespmem:s10+$0x0]  }
0x3fc: {  	v2 =	vld [tilespmem:s30+$0x0];
	_ =	sdelay $0x4  }
0x3fd: {  	v1 =	vmul.f32 v2, v1;
	_ =	sdelay $0x1  }
0x3fe: {  	[tilespmem:s10+$0x0] =	vst v1;
	v1 =	vld [tilespmem:s10+$0x10]  }
0x3ff: {  	v2 =	vld [tilespmem:s30+$0x10];
	_ =	sdelay $0x4  }
0x400: {  	v1 =	vmul.f32 v2, v1;
	_ =	sdelay $0x1  }
0x401: {  	[tilespmem:s10+$0x10] =	vst v1;
	v1 =	vld [tilespmem:s10+$0x20]  }
0x402: {  	v2 =	vld [tilespmem:s30+$0x20];
	_ =	sdelay $0x4  }
0x403: {  	v1 =	vmul.f32 v2, v1;
	_ =	sdelay $0x1  }
0x404: {  	[tilespmem:s10+$0x20] =	vst v1;
	v1 =	vld [tilespmem:s10+$0x30]  }
0x405: {  	v2 =	vld [tilespmem:s30+$0x30];
	_ =	sdelay $0x4  }
0x406: {  	v1 =	vmul.f32 v2, v1;
	_ =	sdelay $0x1  }
0x407: {  	[tilespmem:s10+$0x30] =	vst v1;
	v1 =	vld [tilespmem:s10+$0x40]  }
0x408: {  	v2 =	vld [tilespmem:s30+$0x40];
	_ =	sdelay $0x4  }
0x409: {  	v1 =	vmul.f32 v2, v1;
	_ =	sdelay $0x1  }
0x40a: {  	[tilespmem:s10+$0x40] =	vst v1;
	v1 =	vld [tilespmem:s10+$0x50]  }
0x40b: {  	v2 =	vld [tilespmem:s30+$0x50];
	_ =	sdelay $0x4  }
0x40c: {  	v1 =	vmul.f32 v2, v1;
	_ =	sdelay $0x1  }
0x40d: {  	[tilespmem:s10+$0x50] =	vst v1;
	v1 =	vld [tilespmem:s10+$0x60]  }
0x40e: {  	v2 =	vld [tilespmem:s30+$0x60];
	_ =	sdelay $0x4  }
0x40f: {  	v1 =	vmul.f32 v2, v1;
	_ =	sdelay $0x1  }
0x410: {  	[tilespmem:s10+$0x60] =	vst v1;
	v1 =	vld [tilespmem:s10+$0x70]  }
0x411: {  	v2 =	vld [tilespmem:s30+$0x70];
	_ =	sdelay $0x4  }
0x412: {  	v1 =	vmul.f32 v2, v1;
	_ =	sdelay $0x1  }
0x413: {  	[tilespmem:s10+$0x70] =	vst v1;
	v1 =	vld [tilespmem:s10+$0x80]  }
0x414: {  	v2 =	vld [tilespmem:s30+$0x80];
	_ =	sdelay $0x4  }
0x415: {  	v1 =	vmul.f32 v2, v1;
	_ =	sdelay $0x1  }
0x416: {  	[tilespmem:s10+$0x80] =	vst v1;
	v1 =	vld [tilespmem:s10+$0x90]  }
0x417: {  	v2 =	vld [tilespmem:s30+$0x90];
	_ =	sdelay $0x4  }
0x418: {  	v1 =	vmul.f32 v2, v1;
	_ =	sdelay $0x1  }
0x419: {  	[tilespmem:s10+$0x90] =	vst v1;
	v1 =	vld [tilespmem:s10+$0xA0]  }
0x41a: {  	v2 =	vld [tilespmem:s30+$0xA0];
	_ =	sdelay $0x4  }
0x41b: {  	v1 =	vmul.f32 v2, v1;
	_ =	sdelay $0x1  }
0x41c: {  	[tilespmem:s10+$0xA0] =	vst v1;
	v1 =	vld [tilespmem:s10+$0xB0]  }
0x41d: {  	v2 =	vld [tilespmem:s30+$0xB0];
	_ =	sdelay $0x4  }
0x41e: {  	v1 =	vmul.f32 v2, v1;
	_ =	sdelay $0x1  }
0x41f: {  	[tilespmem:s10+$0xB0] =	vst v1;
	v1 =	vld [tilespmem:s10+$0xC0]  }
0x420: {  	v2 =	vld [tilespmem:s30+$0xC0];
	_ =	sdelay $0x4  }
0x421: {  	v1 =	vmul.f32 v2, v1;
	_ =	sdelay $0x1  }
0x422: {  	[tilespmem:s10+$0xC0] =	vst v1;
	v1 =	vld [tilespmem:s10+$0xD0]  }
0x423: {  	v2 =	vld [tilespmem:s30+$0xD0];
	_ =	sdelay $0x4  }
0x424: {  	v1 =	vmul.f32 v2, v1;
	_ =	sdelay $0x1  }
0x425: {  	[tilespmem:s10+$0xD0] =	vst v1;
	v1 =	vld [tilespmem:s10+$0xE0]  }
0x426: {  	v2 =	vld [tilespmem:s30+$0xE0];
	_ =	sdelay $0x4  }
0x427: {  	v1 =	vmul.f32 v2, v1;
	_ =	sdelay $0x1  }
0x428: {  	[tilespmem:s10+$0xE0] =	vst v1;
	v1 =	vld [tilespmem:s10+$0xF0]  }
0x429: {  	v2 =	vld [tilespmem:s30+$0xF0];
	_ =	sdelay $0x4  }
0x42a: {  	v1 =	vmul.f32 v2, v1  }
0x42b: {  	s11 =	simm.s32 $0x0;
	s24 =	simm.s32 $0x900  }
.LBB2_11:
0x42c: {  	v2 =	vld [tilespmem:s24+$0xFFFFFF00];
	[tilespmem:s10+$0xF0] =	vst v1;
	s30 =	sadd.s32 $0x200, s30;
	s10 =	smov.u32 s24  }
0x42d: {  	s11 =	sadd.s32 $0x4, s11;
	v1 =	vld [tilespmem:s30+$0xFFFFFF00]  }
0x42e: {  	p2 =	slt.u32 s11, $0x3C;
	_ =	sdelay $0x3  }
0x42f: {  	v1 =	vmul.f32 v1, v2;
	_ =	sdelay $0x1  }
0x430: {  	[tilespmem:s24+$0xFFFFFF00] =	vst v1;
	v1 =	vld [tilespmem:s24+$0xFFFFFF10]  }
0x431: {  	v2 =	vld [tilespmem:s30+$0xFFFFFF10];
	_ =	sdelay $0x4  }
0x432: {  	v1 =	vmul.f32 v2, v1;
	_ =	sdelay $0x1  }
0x433: {  	[tilespmem:s24+$0xFFFFFF10] =	vst v1;
	v1 =	vld [tilespmem:s24+$0xFFFFFF20]  }
0x434: {  	v2 =	vld [tilespmem:s30+$0xFFFFFF20];
	_ =	sdelay $0x4  }
0x435: {  	v1 =	vmul.f32 v2, v1;
	_ =	sdelay $0x1  }
0x436: {  	[tilespmem:s24+$0xFFFFFF20] =	vst v1;
	v1 =	vld [tilespmem:s24+$0xFFFFFF30]  }
0x437: {  	v2 =	vld [tilespmem:s30+$0xFFFFFF30];
	_ =	sdelay $0x4  }
0x438: {  	v1 =	vmul.f32 v2, v1;
	_ =	sdelay $0x1  }
0x439: {  	[tilespmem:s24+$0xFFFFFF30] =	vst v1;
	v1 =	vld [tilespmem:s24+$0xFFFFFF40]  }
0x43a: {  	v2 =	vld [tilespmem:s30+$0xFFFFFF40];
	_ =	sdelay $0x4  }
0x43b: {  	v1 =	vmul.f32 v2, v1;
	_ =	sdelay $0x1  }
0x43c: {  	[tilespmem:s24+$0xFFFFFF40] =	vst v1;
	v1 =	vld [tilespmem:s24+$0xFFFFFF50]  }
0x43d: {  	v2 =	vld [tilespmem:s30+$0xFFFFFF50];
	_ =	sdelay $0x4  }
0x43e: {  	v1 =	vmul.f32 v2, v1;
	_ =	sdelay $0x1  }
0x43f: {  	[tilespmem:s24+$0xFFFFFF50] =	vst v1;
	v1 =	vld [tilespmem:s24+$0xFFFFFF60]  }
0x440: {  	v2 =	vld [tilespmem:s30+$0xFFFFFF60];
	_ =	sdelay $0x4  }
0x441: {  	v1 =	vmul.f32 v2, v1;
	_ =	sdelay $0x1  }
0x442: {  	[tilespmem:s24+$0xFFFFFF60] =	vst v1;
	v1 =	vld [tilespmem:s24+$0xFFFFFF70]  }
0x443: {  	v2 =	vld [tilespmem:s30+$0xFFFFFF70];
	_ =	sdelay $0x4  }
0x444: {  	v1 =	vmul.f32 v2, v1;
	_ =	sdelay $0x1  }
0x445: {  	[tilespmem:s24+$0xFFFFFF70] =	vst v1;
	v1 =	vld [tilespmem:s24+$0xFFFFFF80]  }
0x446: {  	v2 =	vld [tilespmem:s30+$0xFFFFFF80];
	_ =	sdelay $0x4  }
0x447: {  	v1 =	vmul.f32 v2, v1;
	_ =	sdelay $0x1  }
0x448: {  	[tilespmem:s24+$0xFFFFFF80] =	vst v1;
	v1 =	vld [tilespmem:s24+$0xFFFFFF90]  }
0x449: {  	v2 =	vld [tilespmem:s30+$0xFFFFFF90];
	_ =	sdelay $0x4  }
0x44a: {  	v1 =	vmul.f32 v2, v1;
	_ =	sdelay $0x1  }
0x44b: {  	[tilespmem:s24+$0xFFFFFF90] =	vst v1;
	v1 =	vld [tilespmem:s24+$0xFFFFFFA0]  }
0x44c: {  	v2 =	vld [tilespmem:s30+$0xFFFFFFA0];
	_ =	sdelay $0x4  }
0x44d: {  	v1 =	vmul.f32 v2, v1;
	_ =	sdelay $0x1  }
0x44e: {  	[tilespmem:s24+$0xFFFFFFA0] =	vst v1;
	v1 =	vld [tilespmem:s24+$0xFFFFFFB0]  }
0x44f: {  	v2 =	vld [tilespmem:s30+$0xFFFFFFB0];
	_ =	sdelay $0x4  }
0x450: {  	v1 =	vmul.f32 v2, v1;
	_ =	sdelay $0x1  }
0x451: {  	[tilespmem:s24+$0xFFFFFFB0] =	vst v1;
	v1 =	vld [tilespmem:s24+$0xFFFFFFC0]  }
0x452: {  	v2 =	vld [tilespmem:s30+$0xFFFFFFC0];
	_ =	sdelay $0x4  }
0x453: {  	v1 =	vmul.f32 v2, v1;
	_ =	sdelay $0x1  }
0x454: {  	[tilespmem:s24+$0xFFFFFFC0] =	vst v1;
	v1 =	vld [tilespmem:s24+$0xFFFFFFD0]  }
0x455: {  	v2 =	vld [tilespmem:s30+$0xFFFFFFD0];
	_ =	sdelay $0x4  }
0x456: {  	v1 =	vmul.f32 v2, v1;
	_ =	sdelay $0x1  }
0x457: {  	[tilespmem:s24+$0xFFFFFFD0] =	vst v1;
	v1 =	vld [tilespmem:s24+$0xFFFFFFE0]  }
0x458: {  	v2 =	vld [tilespmem:s30+$0xFFFFFFE0];
	_ =	sdelay $0x4  }
0x459: {  	v1 =	vmul.f32 v2, v1;
	_ =	sdelay $0x1  }
0x45a: {  	[tilespmem:s24+$0xFFFFFFE0] =	vst v1;
	v1 =	vld [tilespmem:s24+$0xFFFFFFF0]  }
0x45b: {  	v2 =	vld [tilespmem:s30+$0xFFFFFFF0];
	_ =	sdelay $0x4  }
0x45c: {  	v1 =	vmul.f32 v2, v1;
	_ =	sdelay $0x1  }
0x45d: {  	[tilespmem:s24+$0xFFFFFFF0] =	vst v1;
	v1 =	vld [tilespmem:s24+$0x0]  }
0x45e: {  	v2 =	vld [tilespmem:s30+$0x0];
	_ =	sdelay $0x4  }
0x45f: {  	v1 =	vmul.f32 v2, v1;
	_ =	sdelay $0x1  }
0x460: {  	[tilespmem:s24+$0x0] =	vst v1;
	v1 =	vld [tilespmem:s24+$0x10]  }
0x461: {  	v2 =	vld [tilespmem:s30+$0x10];
	_ =	sdelay $0x4  }
0x462: {  	v1 =	vmul.f32 v2, v1;
	_ =	sdelay $0x1  }
0x463: {  	[tilespmem:s24+$0x10] =	vst v1;
	v1 =	vld [tilespmem:s24+$0x20]  }
0x464: {  	v2 =	vld [tilespmem:s30+$0x20];
	_ =	sdelay $0x4  }
0x465: {  	v1 =	vmul.f32 v2, v1;
	_ =	sdelay $0x1  }
0x466: {  	[tilespmem:s24+$0x20] =	vst v1;
	v1 =	vld [tilespmem:s24+$0x30]  }
0x467: {  	v2 =	vld [tilespmem:s30+$0x30];
	_ =	sdelay $0x4  }
0x468: {  	v1 =	vmul.f32 v2, v1;
	_ =	sdelay $0x1  }
0x469: {  	[tilespmem:s24+$0x30] =	vst v1;
	v1 =	vld [tilespmem:s24+$0x40]  }
0x46a: {  	v2 =	vld [tilespmem:s30+$0x40];
	_ =	sdelay $0x4  }
0x46b: {  	v1 =	vmul.f32 v2, v1;
	_ =	sdelay $0x1  }
0x46c: {  	[tilespmem:s24+$0x40] =	vst v1;
	v1 =	vld [tilespmem:s24+$0x50]  }
0x46d: {  	v2 =	vld [tilespmem:s30+$0x50];
	_ =	sdelay $0x4  }
0x46e: {  	v1 =	vmul.f32 v2, v1;
	_ =	sdelay $0x1  }
0x46f: {  	[tilespmem:s24+$0x50] =	vst v1;
	v1 =	vld [tilespmem:s24+$0x60]  }
0x470: {  	v2 =	vld [tilespmem:s30+$0x60];
	_ =	sdelay $0x4  }
0x471: {  	v1 =	vmul.f32 v2, v1;
	_ =	sdelay $0x1  }
0x472: {  	[tilespmem:s24+$0x60] =	vst v1;
	v1 =	vld [tilespmem:s24+$0x70]  }
0x473: {  	v2 =	vld [tilespmem:s30+$0x70];
	_ =	sdelay $0x4  }
0x474: {  	v1 =	vmul.f32 v2, v1;
	_ =	sdelay $0x1  }
0x475: {  	[tilespmem:s24+$0x70] =	vst v1;
	v1 =	vld [tilespmem:s24+$0x80]  }
0x476: {  	v2 =	vld [tilespmem:s30+$0x80];
	_ =	sdelay $0x4  }
0x477: {  	v1 =	vmul.f32 v2, v1;
	_ =	sdelay $0x1  }
0x478: {  	[tilespmem:s24+$0x80] =	vst v1;
	v1 =	vld [tilespmem:s24+$0x90]  }
0x479: {  	v2 =	vld [tilespmem:s30+$0x90];
	_ =	sdelay $0x4  }
0x47a: {  	v1 =	vmul.f32 v2, v1;
	_ =	sdelay $0x1  }
0x47b: {  	[tilespmem:s24+$0x90] =	vst v1;
	v1 =	vld [tilespmem:s24+$0xA0]  }
0x47c: {  	v2 =	vld [tilespmem:s30+$0xA0];
	_ =	sdelay $0x4  }
0x47d: {  	v1 =	vmul.f32 v2, v1;
	_ =	sdelay $0x1  }
0x47e: {  	[tilespmem:s24+$0xA0] =	vst v1;
	v1 =	vld [tilespmem:s24+$0xB0]  }
0x47f: {  	v2 =	vld [tilespmem:s30+$0xB0];
	_ =	sdelay $0x4  }
0x480: {  	v1 =	vmul.f32 v2, v1;
	_ =	sdelay $0x1  }
0x481: {  	[tilespmem:s24+$0xB0] =	vst v1;
	v1 =	vld [tilespmem:s24+$0xC0]  }
0x482: {  	v2 =	vld [tilespmem:s30+$0xC0];
	_ =	sdelay $0x4  }
0x483: {  	v1 =	vmul.f32 v2, v1;
	_ =	sdelay $0x1  }
0x484: {  	[tilespmem:s24+$0xC0] =	vst v1;
	v1 =	vld [tilespmem:s24+$0xD0]  }
0x485: {  	v2 =	vld [tilespmem:s30+$0xD0];
	_ =	sdelay $0x4  }
0x486: {  	v1 =	vmul.f32 v2, v1;
	_ =	sdelay $0x1  }
0x487: {  	[tilespmem:s24+$0xD0] =	vst v1;
	v1 =	vld [tilespmem:s24+$0xE0]  }
0x488: {  	v2 =	vld [tilespmem:s30+$0xE0];
	_ =	sdelay $0x4  }
0x489: {  	v1 =	vmul.f32 v2, v1;
	_ =	sdelay $0x1  }
0x48a: {  	[tilespmem:s24+$0xE0] =	vst v1;
	v1 =	vld [tilespmem:s24+$0xF0]  }
0x48b: {  	v2 =	vld [tilespmem:s30+$0xF0];
	_ =	sdelay $0x1  }
.Ltmp4:
0x48c: {  	(pc) =	sbr.rel @p2 .LBB2_11-.Ltmp4, $3  }
0x48d: {  	_ =	sdelay $0x1  }
0x48e: {  	v1 =	vmul.f32 v2, v1  }
0x48f: {  	s24 =	sadd.s32 $0x200, s24  }
0x490: {  	[tilespmem:s10+$0xF0] =	vst v1  }
0x491: {  	[spmem:s4] =	stream.indirect.scatter.add.f32 [tilespmem:s28], [sflag:$0x5], $0x80, s13, s26, $0xb8;
	[tilespmem:$0x1C4F8] =	vst v63  }
0x492: {  	_ = 	snop  }
0x493: {  	[spmem:s5] =	stream.indirect.scatter.add.f32 [tilespmem:s8], [sflag:$0x7], $0x1, s13, s26, $0xb8;
	[tilespmem:$0x1C4F8] =	vst v63  }
0x494: {  	_ =	swait.ge [sflag:s21], $0x2000  }
0x495: {  	[sflag:s21] =	ssyncset.done $0x0  }
0x496: {  	[sflag:s21] =	ssyncadd.s32 $0xFFFFE000  }
0x497: {  	_ =	swait.ge [sflag:s23], $0x40  }
0x498: {  	s10 =	rddreg [dreg:$0x11]  }
0x499: {  	s9 =	sadd.s32 @!p1 s9, s10  }
0x49a: {  	s11 =	simm.s32 @!p1 $0x200;
	[sflag:s23] =	ssyncset.done $0x0;
	s9 =	sshrl.u32 @!p1 s9, $0x3  }
0x49b: {  	[sflag:s23] =	ssyncadd.s32 $0xFFFFFFC0;
	s10 =	simm.s32 @!p1 $0x0;
	s9 =	sadd.s32 @!p1 s0, s9  }
0x49c: {  	[tilespmem:s11], [sflag:$0xA] =	stream.linear.gather @!p1 [hbm4b:s9+s10], $0x180, $0x38;
	[tilespmem:$0x1C4F8] =	vst v63  }
0x49d: {  	s9 =	simm.s32 @!p1 $0x9  }
0x49e: {  	_ =	swait.ge @!p1 [sflag:s9], $0x180  }
0x49f: {  	[sflag:s9] =	ssyncset.done @!p1 $0x0  }
0x4a0: {  	s11 =	simm.s32 @!p1 $0x600;
	[sflag:s9] =	ssyncadd.s32 @!p1 $0xFFFFFE80;
	s9 =	simm.s32 @!p1 $0x40  }
0x4a1: {  	[tilespmem:s11], [sflag:$0x1] =	stream.indirect.gather @!p1 [hbm4b:s1+s9], $0x80, s10, s9, $0xb8;
	[tilespmem:$0x1C4F8] =	vst v63  }
0x4a2: {  	s10 =	simm.s32 @!p1 $0x80;
	s11 =	simm.s32 @!p1 $0x4600  }
0x4a3: {  	[tilespmem:s11], [sflag:$0x3] =	stream.indirect.gather @!p1 [hbm4b:s2+s9], $0x80, s10, s9, $0xb8;
	[tilespmem:$0x1C4F8] =	vst v63  }
0x4a4: {  	_ =	swait.ge [sflag:s29], $0x2000  }
0x4a5: {  	[sflag:s29] =	ssyncset.done $0x0  }
0x4a6: {  	[sflag:s29] =	ssyncadd.s32 $0xFFFFE000  }
0x4a7: {  	_ =	swait.ge [sflag:s12], $0x2000  }
0x4a8: {  	[sflag:s12] =	ssyncset.done $0x0  }
0x4a9: {  	s9 =	simm.s32 $0x2700;
	[sflag:s12] =	ssyncadd.s32 $0xFFFFE000  }
0x4aa: {  	s10 =	simm.s32 $0x6700;
	v1 =	vld [tilespmem:s9+$0xFFFFFF00]  }
0x4ab: {  	v2 =	vld [tilespmem:s10+$0xFFFFFF00];
	_ =	sdelay $0x4  }
0x4ac: {  	v1 =	vmul.f32 v2, v1;
	_ =	sdelay $0x1  }
0x4ad: {  	[tilespmem:s9+$0xFFFFFF00] =	vst v1;
	v1 =	vld [tilespmem:s9+$0xFFFFFF10]  }
0x4ae: {  	v2 =	vld [tilespmem:s10+$0xFFFFFF10];
	_ =	sdelay $0x4  }
0x4af: {  	v1 =	vmul.f32 v2, v1;
	_ =	sdelay $0x1  }
0x4b0: {  	[tilespmem:s9+$0xFFFFFF10] =	vst v1;
	v1 =	vld [tilespmem:s9+$0xFFFFFF20]  }
0x4b1: {  	v2 =	vld [tilespmem:s10+$0xFFFFFF20];
	_ =	sdelay $0x4  }
0x4b2: {  	v1 =	vmul.f32 v2, v1;
	_ =	sdelay $0x1  }
0x4b3: {  	[tilespmem:s9+$0xFFFFFF20] =	vst v1;
	v1 =	vld [tilespmem:s9+$0xFFFFFF30]  }
0x4b4: {  	v2 =	vld [tilespmem:s10+$0xFFFFFF30];
	_ =	sdelay $0x4  }
0x4b5: {  	v1 =	vmul.f32 v2, v1;
	_ =	sdelay $0x1  }
0x4b6: {  	[tilespmem:s9+$0xFFFFFF30] =	vst v1;
	v1 =	vld [tilespmem:s9+$0xFFFFFF40]  }
0x4b7: {  	v2 =	vld [tilespmem:s10+$0xFFFFFF40];
	_ =	sdelay $0x4  }
0x4b8: {  	v1 =	vmul.f32 v2, v1;
	_ =	sdelay $0x1  }
0x4b9: {  	[tilespmem:s9+$0xFFFFFF40] =	vst v1;
	v1 =	vld [tilespmem:s9+$0xFFFFFF50]  }
0x4ba: {  	v2 =	vld [tilespmem:s10+$0xFFFFFF50];
	_ =	sdelay $0x4  }
0x4bb: {  	v1 =	vmul.f32 v2, v1;
	_ =	sdelay $0x1  }
0x4bc: {  	[tilespmem:s9+$0xFFFFFF50] =	vst v1;
	v1 =	vld [tilespmem:s9+$0xFFFFFF60]  }
0x4bd: {  	v2 =	vld [tilespmem:s10+$0xFFFFFF60];
	_ =	sdelay $0x4  }
0x4be: {  	v1 =	vmul.f32 v2, v1;
	_ =	sdelay $0x1  }
0x4bf: {  	[tilespmem:s9+$0xFFFFFF60] =	vst v1;
	v1 =	vld [tilespmem:s9+$0xFFFFFF70]  }
0x4c0: {  	v2 =	vld [tilespmem:s10+$0xFFFFFF70];
	_ =	sdelay $0x4  }
0x4c1: {  	v1 =	vmul.f32 v2, v1;
	_ =	sdelay $0x1  }
0x4c2: {  	[tilespmem:s9+$0xFFFFFF70] =	vst v1;
	v1 =	vld [tilespmem:s9+$0xFFFFFF80]  }
0x4c3: {  	v2 =	vld [tilespmem:s10+$0xFFFFFF80];
	_ =	sdelay $0x4  }
0x4c4: {  	v1 =	vmul.f32 v2, v1;
	_ =	sdelay $0x1  }
0x4c5: {  	[tilespmem:s9+$0xFFFFFF80] =	vst v1;
	v1 =	vld [tilespmem:s9+$0xFFFFFF90]  }
0x4c6: {  	v2 =	vld [tilespmem:s10+$0xFFFFFF90];
	_ =	sdelay $0x4  }
0x4c7: {  	v1 =	vmul.f32 v2, v1;
	_ =	sdelay $0x1  }
0x4c8: {  	[tilespmem:s9+$0xFFFFFF90] =	vst v1;
	v1 =	vld [tilespmem:s9+$0xFFFFFFA0]  }
0x4c9: {  	v2 =	vld [tilespmem:s10+$0xFFFFFFA0];
	_ =	sdelay $0x4  }
0x4ca: {  	v1 =	vmul.f32 v2, v1;
	_ =	sdelay $0x1  }
0x4cb: {  	[tilespmem:s9+$0xFFFFFFA0] =	vst v1;
	v1 =	vld [tilespmem:s9+$0xFFFFFFB0]  }
0x4cc: {  	v2 =	vld [tilespmem:s10+$0xFFFFFFB0];
	_ =	sdelay $0x4  }
0x4cd: {  	v1 =	vmul.f32 v2, v1;
	_ =	sdelay $0x1  }
0x4ce: {  	[tilespmem:s9+$0xFFFFFFB0] =	vst v1;
	v1 =	vld [tilespmem:s9+$0xFFFFFFC0]  }
0x4cf: {  	v2 =	vld [tilespmem:s10+$0xFFFFFFC0];
	_ =	sdelay $0x4  }
0x4d0: {  	v1 =	vmul.f32 v2, v1;
	_ =	sdelay $0x1  }
0x4d1: {  	[tilespmem:s9+$0xFFFFFFC0] =	vst v1;
	v1 =	vld [tilespmem:s9+$0xFFFFFFD0]  }
0x4d2: {  	v2 =	vld [tilespmem:s10+$0xFFFFFFD0];
	_ =	sdelay $0x4  }
0x4d3: {  	v1 =	vmul.f32 v2, v1;
	_ =	sdelay $0x1  }
0x4d4: {  	[tilespmem:s9+$0xFFFFFFD0] =	vst v1;
	v1 =	vld [tilespmem:s9+$0xFFFFFFE0]  }
0x4d5: {  	v2 =	vld [tilespmem:s10+$0xFFFFFFE0];
	_ =	sdelay $0x4  }
0x4d6: {  	v1 =	vmul.f32 v2, v1;
	_ =	sdelay $0x1  }
0x4d7: {  	[tilespmem:s9+$0xFFFFFFE0] =	vst v1;
	v1 =	vld [tilespmem:s9+$0xFFFFFFF0]  }
0x4d8: {  	v2 =	vld [tilespmem:s10+$0xFFFFFFF0];
	_ =	sdelay $0x4  }
0x4d9: {  	v1 =	vmul.f32 v2, v1;
	_ =	sdelay $0x1  }
0x4da: {  	[tilespmem:s9+$0xFFFFFFF0] =	vst v1;
	v1 =	vld [tilespmem:s9+$0x0]  }
0x4db: {  	v2 =	vld [tilespmem:s10+$0x0];
	_ =	sdelay $0x4  }
0x4dc: {  	v1 =	vmul.f32 v2, v1;
	_ =	sdelay $0x1  }
0x4dd: {  	[tilespmem:s9+$0x0] =	vst v1;
	v1 =	vld [tilespmem:s9+$0x10]  }
0x4de: {  	v2 =	vld [tilespmem:s10+$0x10];
	_ =	sdelay $0x4  }
0x4df: {  	v1 =	vmul.f32 v2, v1;
	_ =	sdelay $0x1  }
0x4e0: {  	[tilespmem:s9+$0x10] =	vst v1;
	v1 =	vld [tilespmem:s9+$0x20]  }
0x4e1: {  	v2 =	vld [tilespmem:s10+$0x20];
	_ =	sdelay $0x4  }
0x4e2: {  	v1 =	vmul.f32 v2, v1;
	_ =	sdelay $0x1  }
0x4e3: {  	[tilespmem:s9+$0x20] =	vst v1;
	v1 =	vld [tilespmem:s9+$0x30]  }
0x4e4: {  	v2 =	vld [tilespmem:s10+$0x30];
	_ =	sdelay $0x4  }
0x4e5: {  	v1 =	vmul.f32 v2, v1;
	_ =	sdelay $0x1  }
0x4e6: {  	[tilespmem:s9+$0x30] =	vst v1;
	v1 =	vld [tilespmem:s9+$0x40]  }
0x4e7: {  	v2 =	vld [tilespmem:s10+$0x40];
	_ =	sdelay $0x4  }
0x4e8: {  	v1 =	vmul.f32 v2, v1;
	_ =	sdelay $0x1  }
0x4e9: {  	[tilespmem:s9+$0x40] =	vst v1;
	v1 =	vld [tilespmem:s9+$0x50]  }
0x4ea: {  	v2 =	vld [tilespmem:s10+$0x50];
	_ =	sdelay $0x4  }
0x4eb: {  	v1 =	vmul.f32 v2, v1;
	_ =	sdelay $0x1  }
0x4ec: {  	[tilespmem:s9+$0x50] =	vst v1;
	v1 =	vld [tilespmem:s9+$0x60]  }
0x4ed: {  	v2 =	vld [tilespmem:s10+$0x60];
	_ =	sdelay $0x4  }
0x4ee: {  	v1 =	vmul.f32 v2, v1;
	_ =	sdelay $0x1  }
0x4ef: {  	[tilespmem:s9+$0x60] =	vst v1;
	v1 =	vld [tilespmem:s9+$0x70]  }
0x4f0: {  	v2 =	vld [tilespmem:s10+$0x70];
	_ =	sdelay $0x4  }
0x4f1: {  	v1 =	vmul.f32 v2, v1;
	_ =	sdelay $0x1  }
0x4f2: {  	[tilespmem:s9+$0x70] =	vst v1;
	v1 =	vld [tilespmem:s9+$0x80]  }
0x4f3: {  	v2 =	vld [tilespmem:s10+$0x80];
	_ =	sdelay $0x4  }
0x4f4: {  	v1 =	vmul.f32 v2, v1;
	_ =	sdelay $0x1  }
0x4f5: {  	[tilespmem:s9+$0x80] =	vst v1;
	v1 =	vld [tilespmem:s9+$0x90]  }
0x4f6: {  	v2 =	vld [tilespmem:s10+$0x90];
	_ =	sdelay $0x4  }
0x4f7: {  	v1 =	vmul.f32 v2, v1;
	_ =	sdelay $0x1  }
0x4f8: {  	[tilespmem:s9+$0x90] =	vst v1;
	v1 =	vld [tilespmem:s9+$0xA0]  }
0x4f9: {  	v2 =	vld [tilespmem:s10+$0xA0];
	_ =	sdelay $0x4  }
0x4fa: {  	v1 =	vmul.f32 v2, v1;
	_ =	sdelay $0x1  }
0x4fb: {  	[tilespmem:s9+$0xA0] =	vst v1;
	v1 =	vld [tilespmem:s9+$0xB0]  }
0x4fc: {  	v2 =	vld [tilespmem:s10+$0xB0];
	_ =	sdelay $0x4  }
0x4fd: {  	v1 =	vmul.f32 v2, v1;
	_ =	sdelay $0x1  }
0x4fe: {  	[tilespmem:s9+$0xB0] =	vst v1;
	v1 =	vld [tilespmem:s9+$0xC0]  }
0x4ff: {  	v2 =	vld [tilespmem:s10+$0xC0];
	_ =	sdelay $0x4  }
0x500: {  	v1 =	vmul.f32 v2, v1;
	_ =	sdelay $0x1  }
0x501: {  	[tilespmem:s9+$0xC0] =	vst v1;
	v1 =	vld [tilespmem:s9+$0xD0]  }
0x502: {  	v2 =	vld [tilespmem:s10+$0xD0];
	_ =	sdelay $0x4  }
0x503: {  	v1 =	vmul.f32 v2, v1;
	_ =	sdelay $0x1  }
0x504: {  	[tilespmem:s9+$0xD0] =	vst v1;
	v1 =	vld [tilespmem:s9+$0xE0]  }
0x505: {  	v2 =	vld [tilespmem:s10+$0xE0];
	_ =	sdelay $0x4  }
0x506: {  	v1 =	vmul.f32 v2, v1;
	_ =	sdelay $0x1  }
0x507: {  	[tilespmem:s9+$0xE0] =	vst v1;
	v1 =	vld [tilespmem:s9+$0xF0]  }
0x508: {  	v2 =	vld [tilespmem:s10+$0xF0];
	_ =	sdelay $0x4  }
0x509: {  	v1 =	vmul.f32 v2, v1  }
0x50a: {  	s24 =	simm.s32 $0x2900;
	s11 =	simm.s32 $0x0  }
.LBB2_13:
0x50b: {  	v2 =	vld [tilespmem:s24+$0xFFFFFF00];
	[tilespmem:s9+$0xF0] =	vst v1;
	s10 =	sadd.s32 $0x200, s10;
	s9 =	smov.u32 s24  }
0x50c: {  	s11 =	sadd.s32 $0x4, s11;
	v1 =	vld [tilespmem:s10+$0xFFFFFF00]  }
0x50d: {  	p1 =	slt.u32 s11, $0x3C;
	_ =	sdelay $0x3  }
0x50e: {  	v1 =	vmul.f32 v1, v2;
	_ =	sdelay $0x1  }
0x50f: {  	[tilespmem:s24+$0xFFFFFF00] =	vst v1;
	v1 =	vld [tilespmem:s24+$0xFFFFFF10]  }
0x510: {  	v2 =	vld [tilespmem:s10+$0xFFFFFF10];
	_ =	sdelay $0x4  }
0x511: {  	v1 =	vmul.f32 v2, v1;
	_ =	sdelay $0x1  }
0x512: {  	[tilespmem:s24+$0xFFFFFF10] =	vst v1;
	v1 =	vld [tilespmem:s24+$0xFFFFFF20]  }
0x513: {  	v2 =	vld [tilespmem:s10+$0xFFFFFF20];
	_ =	sdelay $0x4  }
0x514: {  	v1 =	vmul.f32 v2, v1;
	_ =	sdelay $0x1  }
0x515: {  	[tilespmem:s24+$0xFFFFFF20] =	vst v1;
	v1 =	vld [tilespmem:s24+$0xFFFFFF30]  }
0x516: {  	v2 =	vld [tilespmem:s10+$0xFFFFFF30];
	_ =	sdelay $0x4  }
0x517: {  	v1 =	vmul.f32 v2, v1;
	_ =	sdelay $0x1  }
0x518: {  	[tilespmem:s24+$0xFFFFFF30] =	vst v1;
	v1 =	vld [tilespmem:s24+$0xFFFFFF40]  }
0x519: {  	v2 =	vld [tilespmem:s10+$0xFFFFFF40];
	_ =	sdelay $0x4  }
0x51a: {  	v1 =	vmul.f32 v2, v1;
	_ =	sdelay $0x1  }
0x51b: {  	[tilespmem:s24+$0xFFFFFF40] =	vst v1;
	v1 =	vld [tilespmem:s24+$0xFFFFFF50]  }
0x51c: {  	v2 =	vld [tilespmem:s10+$0xFFFFFF50];
	_ =	sdelay $0x4  }
0x51d: {  	v1 =	vmul.f32 v2, v1;
	_ =	sdelay $0x1  }
0x51e: {  	[tilespmem:s24+$0xFFFFFF50] =	vst v1;
	v1 =	vld [tilespmem:s24+$0xFFFFFF60]  }
0x51f: {  	v2 =	vld [tilespmem:s10+$0xFFFFFF60];
	_ =	sdelay $0x4  }
0x520: {  	v1 =	vmul.f32 v2, v1;
	_ =	sdelay $0x1  }
0x521: {  	[tilespmem:s24+$0xFFFFFF60] =	vst v1;
	v1 =	vld [tilespmem:s24+$0xFFFFFF70]  }
0x522: {  	v2 =	vld [tilespmem:s10+$0xFFFFFF70];
	_ =	sdelay $0x4  }
0x523: {  	v1 =	vmul.f32 v2, v1;
	_ =	sdelay $0x1  }
0x524: {  	[tilespmem:s24+$0xFFFFFF70] =	vst v1;
	v1 =	vld [tilespmem:s24+$0xFFFFFF80]  }
0x525: {  	v2 =	vld [tilespmem:s10+$0xFFFFFF80];
	_ =	sdelay $0x4  }
0x526: {  	v1 =	vmul.f32 v2, v1;
	_ =	sdelay $0x1  }
0x527: {  	[tilespmem:s24+$0xFFFFFF80] =	vst v1;
	v1 =	vld [tilespmem:s24+$0xFFFFFF90]  }
0x528: {  	v2 =	vld [tilespmem:s10+$0xFFFFFF90];
	_ =	sdelay $0x4  }
0x529: {  	v1 =	vmul.f32 v2, v1;
	_ =	sdelay $0x1  }
0x52a: {  	[tilespmem:s24+$0xFFFFFF90] =	vst v1;
	v1 =	vld [tilespmem:s24+$0xFFFFFFA0]  }
0x52b: {  	v2 =	vld [tilespmem:s10+$0xFFFFFFA0];
	_ =	sdelay $0x4  }
0x52c: {  	v1 =	vmul.f32 v2, v1;
	_ =	sdelay $0x1  }
0x52d: {  	[tilespmem:s24+$0xFFFFFFA0] =	vst v1;
	v1 =	vld [tilespmem:s24+$0xFFFFFFB0]  }
0x52e: {  	v2 =	vld [tilespmem:s10+$0xFFFFFFB0];
	_ =	sdelay $0x4  }
0x52f: {  	v1 =	vmul.f32 v2, v1;
	_ =	sdelay $0x1  }
0x530: {  	[tilespmem:s24+$0xFFFFFFB0] =	vst v1;
	v1 =	vld [tilespmem:s24+$0xFFFFFFC0]  }
0x531: {  	v2 =	vld [tilespmem:s10+$0xFFFFFFC0];
	_ =	sdelay $0x4  }
0x532: {  	v1 =	vmul.f32 v2, v1;
	_ =	sdelay $0x1  }
0x533: {  	[tilespmem:s24+$0xFFFFFFC0] =	vst v1;
	v1 =	vld [tilespmem:s24+$0xFFFFFFD0]  }
0x534: {  	v2 =	vld [tilespmem:s10+$0xFFFFFFD0];
	_ =	sdelay $0x4  }
0x535: {  	v1 =	vmul.f32 v2, v1;
	_ =	sdelay $0x1  }
0x536: {  	[tilespmem:s24+$0xFFFFFFD0] =	vst v1;
	v1 =	vld [tilespmem:s24+$0xFFFFFFE0]  }
0x537: {  	v2 =	vld [tilespmem:s10+$0xFFFFFFE0];
	_ =	sdelay $0x4  }
0x538: {  	v1 =	vmul.f32 v2, v1;
	_ =	sdelay $0x1  }
0x539: {  	[tilespmem:s24+$0xFFFFFFE0] =	vst v1;
	v1 =	vld [tilespmem:s24+$0xFFFFFFF0]  }
0x53a: {  	v2 =	vld [tilespmem:s10+$0xFFFFFFF0];
	_ =	sdelay $0x4  }
0x53b: {  	v1 =	vmul.f32 v2, v1;
	_ =	sdelay $0x1  }
0x53c: {  	[tilespmem:s24+$0xFFFFFFF0] =	vst v1;
	v1 =	vld [tilespmem:s24+$0x0]  }
0x53d: {  	v2 =	vld [tilespmem:s10+$0x0];
	_ =	sdelay $0x4  }
0x53e: {  	v1 =	vmul.f32 v2, v1;
	_ =	sdelay $0x1  }
0x53f: {  	[tilespmem:s24+$0x0] =	vst v1;
	v1 =	vld [tilespmem:s24+$0x10]  }
0x540: {  	v2 =	vld [tilespmem:s10+$0x10];
	_ =	sdelay $0x4  }
0x541: {  	v1 =	vmul.f32 v2, v1;
	_ =	sdelay $0x1  }
0x542: {  	[tilespmem:s24+$0x10] =	vst v1;
	v1 =	vld [tilespmem:s24+$0x20]  }
0x543: {  	v2 =	vld [tilespmem:s10+$0x20];
	_ =	sdelay $0x4  }
0x544: {  	v1 =	vmul.f32 v2, v1;
	_ =	sdelay $0x1  }
0x545: {  	[tilespmem:s24+$0x20] =	vst v1;
	v1 =	vld [tilespmem:s24+$0x30]  }
0x546: {  	v2 =	vld [tilespmem:s10+$0x30];
	_ =	sdelay $0x4  }
0x547: {  	v1 =	vmul.f32 v2, v1;
	_ =	sdelay $0x1  }
0x548: {  	[tilespmem:s24+$0x30] =	vst v1;
	v1 =	vld [tilespmem:s24+$0x40]  }
0x549: {  	v2 =	vld [tilespmem:s10+$0x40];
	_ =	sdelay $0x4  }
0x54a: {  	v1 =	vmul.f32 v2, v1;
	_ =	sdelay $0x1  }
0x54b: {  	[tilespmem:s24+$0x40] =	vst v1;
	v1 =	vld [tilespmem:s24+$0x50]  }
0x54c: {  	v2 =	vld [tilespmem:s10+$0x50];
	_ =	sdelay $0x4  }
0x54d: {  	v1 =	vmul.f32 v2, v1;
	_ =	sdelay $0x1  }
0x54e: {  	[tilespmem:s24+$0x50] =	vst v1;
	v1 =	vld [tilespmem:s24+$0x60]  }
0x54f: {  	v2 =	vld [tilespmem:s10+$0x60];
	_ =	sdelay $0x4  }
0x550: {  	v1 =	vmul.f32 v2, v1;
	_ =	sdelay $0x1  }
0x551: {  	[tilespmem:s24+$0x60] =	vst v1;
	v1 =	vld [tilespmem:s24+$0x70]  }
0x552: {  	v2 =	vld [tilespmem:s10+$0x70];
	_ =	sdelay $0x4  }
0x553: {  	v1 =	vmul.f32 v2, v1;
	_ =	sdelay $0x1  }
0x554: {  	[tilespmem:s24+$0x70] =	vst v1;
	v1 =	vld [tilespmem:s24+$0x80]  }
0x555: {  	v2 =	vld [tilespmem:s10+$0x80];
	_ =	sdelay $0x4  }
0x556: {  	v1 =	vmul.f32 v2, v1;
	_ =	sdelay $0x1  }
0x557: {  	[tilespmem:s24+$0x80] =	vst v1;
	v1 =	vld [tilespmem:s24+$0x90]  }
0x558: {  	v2 =	vld [tilespmem:s10+$0x90];
	_ =	sdelay $0x4  }
0x559: {  	v1 =	vmul.f32 v2, v1;
	_ =	sdelay $0x1  }
0x55a: {  	[tilespmem:s24+$0x90] =	vst v1;
	v1 =	vld [tilespmem:s24+$0xA0]  }
0x55b: {  	v2 =	vld [tilespmem:s10+$0xA0];
	_ =	sdelay $0x4  }
0x55c: {  	v1 =	vmul.f32 v2, v1;
	_ =	sdelay $0x1  }
0x55d: {  	[tilespmem:s24+$0xA0] =	vst v1;
	v1 =	vld [tilespmem:s24+$0xB0]  }
0x55e: {  	v2 =	vld [tilespmem:s10+$0xB0];
	_ =	sdelay $0x4  }
0x55f: {  	v1 =	vmul.f32 v2, v1;
	_ =	sdelay $0x1  }
0x560: {  	[tilespmem:s24+$0xB0] =	vst v1;
	v1 =	vld [tilespmem:s24+$0xC0]  }
0x561: {  	v2 =	vld [tilespmem:s10+$0xC0];
	_ =	sdelay $0x4  }
0x562: {  	v1 =	vmul.f32 v2, v1;
	_ =	sdelay $0x1  }
0x563: {  	[tilespmem:s24+$0xC0] =	vst v1;
	v1 =	vld [tilespmem:s24+$0xD0]  }
0x564: {  	v2 =	vld [tilespmem:s10+$0xD0];
	_ =	sdelay $0x4  }
0x565: {  	v1 =	vmul.f32 v2, v1;
	_ =	sdelay $0x1  }
0x566: {  	[tilespmem:s24+$0xD0] =	vst v1;
	v1 =	vld [tilespmem:s24+$0xE0]  }
0x567: {  	v2 =	vld [tilespmem:s10+$0xE0];
	_ =	sdelay $0x4  }
0x568: {  	v1 =	vmul.f32 v2, v1;
	_ =	sdelay $0x1  }
0x569: {  	[tilespmem:s24+$0xE0] =	vst v1;
	v1 =	vld [tilespmem:s24+$0xF0]  }
0x56a: {  	v2 =	vld [tilespmem:s10+$0xF0];
	_ =	sdelay $0x1  }
.Ltmp5:
0x56b: {  	(pc) =	sbr.rel @p1 .LBB2_13-.Ltmp5, $3  }
0x56c: {  	_ =	sdelay $0x1  }
0x56d: {  	v1 =	vmul.f32 v2, v1  }
0x56e: {  	s24 =	sadd.s32 $0x200, s24  }
0x56f: {  	s17 =	sadd.s32 $0x1, s17  }
0x570: {  	p1 =	sne.s32 s17, $0x1B  }
.Ltmp6:
0x571: {  	_ = 	snop;
	(pc) =	sbr.rel @p1 .LBB2_2-.Ltmp6, $4  }
0x572: {  	[tilespmem:s9+$0xF0] =	vst v1  }
0x573: {  	[spmem:s4] =	stream.indirect.scatter.add.f32 [tilespmem:s7], [sflag:$0x6], $0x80, s16, s26, $0xb8;
	[tilespmem:$0x1C4F8] =	vst v63  }
0x574: {  	_ = 	snop  }
0x575: {  	[spmem:s5] =	stream.indirect.scatter.add.f32 [tilespmem:s8], [sflag:$0x8], $0x1, s16, s26, $0xb8;
	[tilespmem:$0x1C4F8] =	vst v63  }
0x576: {  	_ =	swait.ge [sflag:s14], $0x2000  }
0x577: {  	[sflag:s14] =	ssyncset.done $0x0  }
0x578: {  	[sflag:s14] =	ssyncadd.s32 $0xFFFFE000  }
0x579: {  	_ =	swait.ge [sflag:s15], $0x40  }
0x57a: {  	[sflag:s15] =	ssyncset.done $0x0  }
0x57b: {  	[sflag:s15] =	ssyncadd.s32 $0xFFFFFFC0  }
0x57c: {  	[bflag:$0x0] =	sbarrier.arrive $0xFFFF  }
0x57d: {  	s17 =	rddreg [dreg:$0xa]  }
0x57e: {  	s9 =	rddreg [dreg:$0x12]  }
0x57f: {  	s25 =	simm.s32 $0xC;
	s30 =	rddreg [dreg:$0x15]  }
0x580: {  	[hbm:s9], [sflag:s17] =	dma.local [spmem:s30], $0x2780  }
0x581: {  	s10 =	simm.s32 @!p0 $0x20;
	_ =	swait.ge [sflag:s25], $0x2780  }
0x582: {  	s11 =	simm.s32 @!p0 $0x10;
	[sflag:s25] =	ssyncset.done $0x0;
	s24 =	rddreg [dreg:$0x13]  }
0x583: {  	s9 =	simm.s32 @!p0 $0x1;
	[sflag:s25] =	ssyncadd.s32 $0xFFFFD880;
	s25 =	rddreg [dreg:$0x16]  }
0x584: {  	[hbm:s24@s10], [sflag:s17] =	dma.strided @!p0 [spmem:s25@s11], $0x4F0, s9, $0x10   }
0x585: {  	s9 =	simm.s32 @!p0 $0xC  }
0x586: {  	_ =	swait.ge @!p0 [sflag:s9], $0x4F0  }
0x587: {  	s10 =	rddreg [dreg:$0x17]  }
0x588: {  	s24 =	sadd.s32 $0x1, s10;
	s10 =	rddreg [dreg:$0x14]  }
0x589: {  	p1 =	sne.s32 s24, s10  }
.Ltmp7:
0x58a: {  	_ = 	snop;
	(pc) =	sbr.rel @p1 .LBB2_1-.Ltmp7, $3  }
0x58b: {  	_ =	sdelay $0x1  }
0x58c: {  	s11 =	smov.u32 s25;
	[sflag:s9] =	ssyncset.done @!p0 $0x0  }
0x58d: {  	s25 =	simm.s32 $0x200;
	[sflag:s9] =	ssyncadd.s32 @!p0 $0xFFFFFB10;
	s10 =	simm.s32 $0xC  }
0x58e: {  	_ =	sfence.sel $0x180000  }
0x58f: {  	[bflag:$0x0] =	sbarrier.arrive $0xFFFF  }
0x590: {  	_ =	strace $0x90000047  }
0x591: {  	[bflag:$0x2] =	sbarrier.arrive $0xFFFF  }
0x592: {  	s0 =	rddreg [dreg:$0x6]  }
0x593: {  	s0 =	sadd.s32 @!p0 $0x100000, s0  }
0x594: {  	[sflag:s0] =	ssyncadd.tile.s32 @!p0 $0x1;
	_ =	shalt  }
.Lfunc_end2:
_tile_overlayer_lowered:
.L_overlay_start_2:
0x595: {  	(tag) =	ssettag $0x2  }
0x596: {  	s0 =	rddreg [dreg:$0x0];
	s2 =	stileid.u32  }
0x597: {  	s1 =	rddreg [dreg:$0x1];
	p0 =	sne.s32 s2, $0x0  }
0x598: {  	s3 =	rddreg [dreg:$0x2];
	[bflag:$0x3] =	sbarrier.arrive $0xFFFF;
	s2 =	simm.s32 @!p0 $0x1C0C  }
0x599: {  	[timem:s3], [sflag:s2] =	dma.local @!p0 [hbm:s0], s1  }
0x59a: {  	s0 =	simm.s32 @!p0 $0xC  }
0x59b: {  	_ =	swait.ge @!p0 [sflag:s0], s1  }
0x59c: {  	s1 =	ssub.s32 @!p0 $0x0, s1;
	[sflag:s0] =	ssyncset.done @!p0 $0x0  }
0x59d: {  	[sflag:s0] =	ssyncadd.s32 @!p0 s1  }
0x59e: {  	[bflag:$0x3] =	sbarrier.arrive $0xFFFF  }
0x59f: {  	_ =	shalt  }

</sc_bundles>
